<compile_context>
chip_gen: v7x
topology: tpu7x:2x2x1
jax: 0.10.2.dev20260603
libtpu: 0.0.44.dev20260713+nightly
codegen_flags: <defaults>
</compile_context>

<pallas_src>
import functools

import jax
import jax.numpy as jnp
from jax import lax
from jax.experimental import pallas as pl
from jax.experimental.pallas import tpu as pltpu
from jax.experimental.pallas import tpu_sc as plsc

_NC = 2
_NS = 16
_CHUNK = 128
_G = 16


def _make_agg(N_table, N_pad, D, E_pad):
  NW = _NC * _NS
  EPW = E_pad // NW
  n_chunks = EPW // _CHUNK
  n_groups = n_chunks // _G
  rows_per_tile = N_pad // _NS
  zchunks = rows_per_tile // _CHUNK
  mesh = plsc.VectorSubcoreMesh(core_axis_name="c", subcore_axis_name="s")
  out_sds = jax.ShapeDtypeStruct((N_pad, D), jnp.float32)

  @functools.partial(
      pl.kernel,
      mesh=mesh,
      out_type=(out_sds, out_sds),
      scratch_types=[
          pltpu.VMEM((2, _G, _CHUNK), jnp.int32),
          pltpu.VMEM((2, _G, _CHUNK), jnp.int32),
          pltpu.VMEM((2, _CHUNK, D), jnp.float32),
          pltpu.VMEM_SHARED((N_pad, D), jnp.float32),
          pltpu.SemaphoreType.DMA,
          pltpu.SemaphoreType.DMA,
          pltpu.SemaphoreType.DMA,
          pltpu.SemaphoreType.DMA,
          pltpu.SemaphoreType.DMA,
      ],
  )
  def agg(table_hbm, src_hbm, dst_hbm, zeros_hbm, out0_hbm, out1_hbm,
          src_v, dst_v, rows_v, acc_sh, g0, g1, s0, s1, si):
    sem_g = (g0, g1)
    sem_s = (s0, s1)
    cid = lax.axis_index("c")
    sid = lax.axis_index("s")
    wid = sid * _NC + cid
    row0 = sid * rows_per_tile
    chunk0 = wid * n_chunks

    pltpu.sync_copy(src_hbm.at[pl.ds(chunk0, _G)], src_v.at[0])
    pltpu.async_copy(table_hbm.at[src_v.at[0, 0]], rows_v.at[0], sem_g[0])

    pltpu.sync_copy(zeros_hbm, rows_v.at[1])
    for z in range(zchunks):
      pltpu.async_copy(rows_v.at[1],
                       acc_sh.at[pl.ds(row0 + z * _CHUNK, _CHUNK)], s0)
    pltpu.sync_copy(dst_hbm.at[pl.ds(chunk0, _G)], dst_v.at[0])
    for z in range(zchunks):
      pltpu.make_async_copy(
          rows_v.at[1], acc_sh.at[pl.ds(row0 + z * _CHUNK, _CHUNK)],
          s0).wait()
    plsc.subcore_barrier()

    def group_body(g, carry):
      gslot = lax.rem(g, 2)
      nslot = 1 - gslot
      for k in range(_G):
        b = k % 2
        if k == 0:
          @pl.when(g >= 1)
          def _():
            pltpu.make_async_copy(
                rows_v.at[1], acc_sh.at[dst_v.at[nslot, _G - 1]],
                sem_s[1]).wait()
          @pl.when(g + 1 < n_groups)
          def _():
            nxt = chunk0 + (g + 1) * _G
            pltpu.async_copy(src_hbm.at[pl.ds(nxt, _G)], src_v.at[nslot], si)
            pltpu.async_copy(dst_hbm.at[pl.ds(nxt, _G)], dst_v.at[nslot], si)
        else:
          pltpu.make_async_copy(
              rows_v.at[1 - b], acc_sh.at[dst_v.at[gslot, k - 1]],
              sem_s[1 - b]).wait()
        if k < _G - 1:
          pltpu.async_copy(
              table_hbm.at[src_v.at[gslot, k + 1]], rows_v.at[1 - b],
              sem_g[1 - b])
        else:
          @pl.when(g + 1 < n_groups)
          def _():
            nxt = chunk0 + (g + 1) * _G
            pltpu.make_async_copy(
                src_hbm.at[pl.ds(nxt, _G)], src_v.at[nslot], si).wait()
            pltpu.make_async_copy(
                dst_hbm.at[pl.ds(nxt, _G)], dst_v.at[nslot], si).wait()
            pltpu.async_copy(
                table_hbm.at[src_v.at[nslot, 0]], rows_v.at[1 - b],
                sem_g[1 - b])
        pltpu.make_async_copy(
            table_hbm.at[src_v.at[gslot, k]], rows_v.at[b], sem_g[b]).wait()
        pltpu.async_copy(
            rows_v.at[b], acc_sh.at[dst_v.at[gslot, k]], sem_s[b], add=True)
      return carry

    lax.fori_loop(0, n_groups, group_body, 0)

    last = lax.rem(n_groups - 1, 2)
    pltpu.make_async_copy(
        rows_v.at[1], acc_sh.at[dst_v.at[last, _G - 1]], sem_s[1]).wait()
    plsc.subcore_barrier()

    def wb_in(z, b):
      pltpu.async_copy(acc_sh.at[pl.ds(row0 + z * _CHUNK, _CHUNK)],
                       rows_v.at[b], sem_g[b])

    def wb_out(z, b):
      r = row0 + z * _CHUNK

      @pl.when(cid == 0)
      def _():
        pltpu.async_copy(rows_v.at[b], out0_hbm.at[pl.ds(r, _CHUNK)],
                         sem_s[b])

      @pl.when(cid != 0)
      def _():
        pltpu.async_copy(rows_v.at[b], out1_hbm.at[pl.ds(r, _CHUNK)],
                         sem_s[b])

    def wb_wait_in(z, b):
      pltpu.make_async_copy(acc_sh.at[pl.ds(row0 + z * _CHUNK, _CHUNK)],
                            rows_v.at[b], sem_g[b]).wait()

    def wb_wait_out(z, b):
      r = row0 + z * _CHUNK

      @pl.when(cid == 0)
      def _():
        pltpu.make_async_copy(rows_v.at[b], out0_hbm.at[pl.ds(r, _CHUNK)],
                              sem_s[b]).wait()

      @pl.when(cid != 0)
      def _():
        pltpu.make_async_copy(rows_v.at[b], out1_hbm.at[pl.ds(r, _CHUNK)],
                              sem_s[b]).wait()

    wb_in(0, 0)
    for z in range(zchunks):
      b = z % 2
      wb_wait_in(z, b)
      wb_out(z, b)
      if z + 1 < zchunks:
        if z >= 1:
          wb_wait_out(z - 1, 1 - b)
        wb_in(z + 1, 1 - b)
    for z in (zchunks - 2, zchunks - 1):
      wb_wait_out(z, z % 2)

  return agg


def _dense(base, p0, p1, w_t, b, n_out):
  D = base.shape[1]
  H = w_t.shape[1]
  BM = 2000
  grid = n_out // BM

  def body(base_ref, p0_ref, p1_ref, w_ref, b_ref, o_ref):
    h = base_ref[...] + p0_ref[...] + p1_ref[...]
    acc = jnp.dot(h, w_ref[...], preferred_element_type=jnp.float32)
    acc = acc + b_ref[...]
    o_ref[...] = jnp.where(acc > 0, acc, jnp.exp(acc) - 1.0)

  return pl.pallas_call(
      body,
      grid=(grid,),
      in_specs=[
          pl.BlockSpec((BM, D), lambda i: (i, 0)),
          pl.BlockSpec((BM, D), lambda i: (i, 0)),
          pl.BlockSpec((BM, D), lambda i: (i, 0)),
          pl.BlockSpec((D, H), lambda i: (0, 0)),
          pl.BlockSpec((1, H), lambda i: (0, 0)),
      ],
      out_specs=pl.BlockSpec((BM, H), lambda i: (i, 0)),
      out_shape=jax.ShapeDtypeStruct((n_out, H), jnp.float32),
  )(base, p0, p1, w_t, b.reshape(1, H))


def kernel(features, edge_index, W1, b1, W2, b2):
  N, D = features.shape
  E = edge_index.shape[1]
  H = W1.shape[0]
  NW = _NC * _NS

  N_pad = ((N + 8 + 255) // 256) * 256
  step = NW * _CHUNK * _G
  E_pad = ((E + step - 1) // step) * step

  src, dst = edge_index[0], edge_index[1]
  pad_e = E_pad - E
  if E % NW == 0 and pad_e % NW == 0:
    ppt = pad_e // NW
    cyc = jnp.arange(ppt, dtype=jnp.int32) % (N_pad - N)
    pad_blk = jnp.broadcast_to(cyc, (NW, ppt))
    src_p = jnp.concatenate(
        [src.reshape(NW, E // NW), pad_blk], axis=1).reshape(-1, _CHUNK)
    dst_p = jnp.concatenate(
        [dst.reshape(NW, E // NW), N + pad_blk], axis=1).reshape(-1, _CHUNK)
  else:
    cyc = jnp.arange(pad_e, dtype=jnp.int32) % (N_pad - N)
    src_p = jnp.concatenate([src, cyc]).reshape(-1, _CHUNK)
    dst_p = jnp.concatenate([dst, N + cyc]).reshape(-1, _CHUNK)
  zeros_rows = jnp.zeros((_CHUNK, D), jnp.float32)

  agg1 = _make_agg(N, N_pad, D, E_pad)
  p0, p1 = agg1(features, src_p, dst_p, zeros_rows)
  x = _dense(features, p0, p1, W1.T, b1, N)

  agg2 = _make_agg(N, N_pad, H, E_pad)
  q0, q1 = agg2(x, src_p, dst_p, zeros_rows)
  return _dense(x, q0, q1, W2.T, b2, N)

# --- scband reference (transcript-rebuilt; emitter-appended) ---
"""Pipeline reference for scband-dgl-gin-73529840107896 (READ-ONLY COPY).

The authoritative reference and input builder live on the scoring server;
editing this copy changes nothing except your own understanding.
"""

import jax, jax.numpy as jnp
import numpy as np

N = 10000
E = 320000
D = 128
H = 128
C = 64


def setup_inputs(seed: int = 0) -> dict:
    key = jax.random.key(seed)
    k1, k2, k3, k4 = jax.random.split(key, 4)
    features = jax.random.normal(k1, (N, D), dtype=jnp.float32)
    edge_index = jax.random.randint(k2, (2, E), 0, N, dtype=jnp.int32)
    # Linear layer params (xavier-normal-ish scale)
    W1 = jax.random.normal(k3, (H, D), dtype=jnp.float32) * (2.0 / (D + H)) ** 0.5
    b1 = jnp.zeros((H,), dtype=jnp.float32)
    W2 = jax.random.normal(k4, (C, H), dtype=jnp.float32) * (2.0 / (H + C)) ** 0.5
    b2 = jnp.zeros((C,), dtype=jnp.float32)
    return {"features": features, "edge_index": edge_index, "W1": W1, "b1": b1, "W2": W2, "b2": b2}


def reference(features, edge_index, W1, b1, W2, b2):
    # Single-graph path of dgl_gin.forward (len(g_list) == 1).
    # DGL GINConv with aggregator_type='sum', eps=0 (default, not learned):
    #   rst = (1 + eps) * feat + sum_{u in N(v)} feat_u, then apply_func (Linear).
    src = edge_index[0]
    dst = edge_index[1]
    # layer1
    agg1 = jax.ops.segment_sum(jnp.take(features, src, axis=0), dst, num_segments=N)
    h1 = features + agg1  # (1 + eps) * feat + agg, eps = 0
    x = h1 @ W1.T + b1
    x = jax.nn.elu(x)
    # layer2
    agg2 = jax.ops.segment_sum(jnp.take(x, src, axis=0), dst, num_segments=N)
    h2 = x + agg2
    out = h2 @ W2.T + b2
    out = jax.nn.elu(out)
    return out

if __name__ == "__main__":
    import jax
    _d = setup_inputs()
    print(jax.jit(kernel)(*tuple(_d.values())))

</pallas_src>

<mosaic_0001>
#map = affine_map<(d0, d1) -> (0, 0)>
module attributes {stable_mosaic.version = 14 : i64} {
  func.func @agg(%arg0: i32, %arg1: i32, %arg2: memref<10000x128xf32, #tpu.memory_space<hbm>>, %arg3: memref<2560x128xi32, #tpu.memory_space<hbm>>, %arg4: memref<2560x128xi32, #tpu.memory_space<hbm>>, %arg5: memref<128x128xf32, #tpu.memory_space<hbm>>, %arg6: memref<10240x128xf32, #tpu.memory_space<hbm>>, %arg7: memref<10240x128xf32, #tpu.memory_space<hbm>>, %arg8: memref<2x16x128xi32, #tpu.memory_space<vmem>>, %arg9: memref<2x16x128xi32, #tpu.memory_space<vmem>>, %arg10: memref<2x128x128xf32, #tpu.memory_space<vmem>>, %arg11: memref<10240x128xf32, #tpu.memory_space<vmem_shared>>, %arg12: memref<!tpu.dma_semaphore, #tpu.memory_space<semaphore_mem>>, %arg13: memref<!tpu.dma_semaphore, #tpu.memory_space<semaphore_mem>>, %arg14: memref<!tpu.dma_semaphore, #tpu.memory_space<semaphore_mem>>, %arg15: memref<!tpu.dma_semaphore, #tpu.memory_space<semaphore_mem>>, %arg16: memref<!tpu.dma_semaphore, #tpu.memory_space<semaphore_mem>>) attributes {dimension_semantics = [#tpu.dimension_semantics<core_parallel>, #tpu.dimension_semantics<subcore_parallel>], iteration_bounds = array<i64: 2, 16>, scalar_prefetch = 0 : i64, scratch_operands = 9 : i64, tpu.core_type = #tpu.core_type<sc_vector_subcore>, window_params = [{transform_indices = #map}, {transform_indices = #map}, {transform_indices = #map}, {transform_indices = #map}, {transform_indices = #map}, {transform_indices = #map}]} {
    %mul3A = arith.constant 2 : i32
    %mul3A_0 = arith.muli %arg1, %mul3A : i32
    %add3A = arith.addi %mul3A_0, %arg0 : i32
    %mul3A_1 = arith.constant 640 : i32
    %mul3A_2 = arith.muli %arg1, %mul3A_1 : i32
    %mul3A_3 = arith.constant 80 : i32
    %mul3A_4 = arith.muli %add3A, %mul3A_3 : i32
    %run_scoped3A = arith.constant 0 : i32
    "tpu.region"() ({
      %run_scoped3A_454 = tpu.sem_alloc : memref<!tpu.dma_semaphore, #tpu.memory_space<semaphore_mem>>
      %dma_start3A_455 = arith.constant 0 : i32
      %dma_start3A_456 = arith.constant 0 : i32
      %dma_start3A_457 = tpu.memref_slice %arg8[%run_scoped3A, %dma_start3A_455, %dma_start3A_456] : memref<2x16x128xi32, #tpu.memory_space<vmem>> -> memref<1x16x128xi32, #tpu.memory_space<vmem>>
      %dma_start3A_458 = tpu.memref_squeeze %dma_start3A_457 : memref<1x16x128xi32, #tpu.memory_space<vmem>> -> memref<16x128xi32, #tpu.memory_space<vmem>>
      %dma_start3A_459 = arith.constant 0 : i32
      %dma_start3A_460 = tpu.memref_slice %arg3[%mul3A_4, %dma_start3A_459] : memref<2560x128xi32, #tpu.memory_space<hbm>> -> memref<16x128xi32, #tpu.memory_space<hbm>>
      %dma_start3A_461 = arith.constant 0 : i32
      %dma_start3A_462 = arith.constant 0 : i32
      %dma_start3A_463 = tpu.memref_slice %arg8[%run_scoped3A, %dma_start3A_461, %dma_start3A_462] : memref<2x16x128xi32, #tpu.memory_space<vmem>> -> memref<1x16x128xi32, #tpu.memory_space<vmem>>
      %dma_start3A_464 = tpu.memref_squeeze %dma_start3A_463 : memref<1x16x128xi32, #tpu.memory_space<vmem>> -> memref<16x128xi32, #tpu.memory_space<vmem>>
      %dma_start3A_465 = arith.constant 0 : i32
      %dma_start3A_466 = tpu.memref_slice %arg3[%mul3A_4, %dma_start3A_465] : memref<2560x128xi32, #tpu.memory_space<hbm>> -> memref<16x128xi32, #tpu.memory_space<hbm>>
      tpu.enqueue_dma source(%dma_start3A_466 : memref<16x128xi32, #tpu.memory_space<hbm>>) target(%dma_start3A_464 : memref<16x128xi32, #tpu.memory_space<vmem>>) target_semaphore(%run_scoped3A_454 : memref<!tpu.dma_semaphore, #tpu.memory_space<semaphore_mem>>)
      %dma_wait3A_467 = arith.constant 0 : i32
      %dma_wait3A_468 = arith.constant 0 : i32
      %dma_wait3A_469 = tpu.memref_slice %arg8[%run_scoped3A, %dma_wait3A_467, %dma_wait3A_468] : memref<2x16x128xi32, #tpu.memory_space<vmem>> -> memref<1x16x128xi32, #tpu.memory_space<vmem>>
      %dma_wait3A_470 = tpu.memref_squeeze %dma_wait3A_469 : memref<1x16x128xi32, #tpu.memory_space<vmem>> -> memref<16x128xi32, #tpu.memory_space<vmem>>
      %dma_wait3A_471 = arith.constant 0 : i32
      %dma_wait3A_472 = tpu.memref_slice %arg3[%mul3A_4, %dma_wait3A_471] : memref<2560x128xi32, #tpu.memory_space<hbm>> -> memref<16x128xi32, #tpu.memory_space<hbm>>
      %dma_wait3A_473 = arith.constant 0 : i32
      %dma_wait3A_474 = arith.constant 0 : i32
      %dma_wait3A_475 = tpu.memref_slice %arg8[%run_scoped3A, %dma_wait3A_473, %dma_wait3A_474] : memref<2x16x128xi32, #tpu.memory_space<vmem>> -> memref<1x16x128xi32, #tpu.memory_space<vmem>>
      %dma_wait3A_476 = tpu.memref_squeeze %dma_wait3A_475 : memref<1x16x128xi32, #tpu.memory_space<vmem>> -> memref<16x128xi32, #tpu.memory_space<vmem>>
      %dma_wait3A_477 = arith.constant 0 : i32
      %dma_wait3A_478 = tpu.memref_slice %arg3[%mul3A_4, %dma_wait3A_477] : memref<2560x128xi32, #tpu.memory_space<hbm>> -> memref<16x128xi32, #tpu.memory_space<hbm>>
      tpu.wait_dma2 semaphore(%run_scoped3A_454 : memref<!tpu.dma_semaphore, #tpu.memory_space<semaphore_mem>>) src(%dma_wait3A_478 : memref<16x128xi32, #tpu.memory_space<hbm>>) dst(%dma_wait3A_476 : memref<16x128xi32, #tpu.memory_space<vmem>>)
      tpu.yield
    }) : () -> ()
    %dma_start3A = arith.constant 0 : i32
    %dma_start3A_5 = arith.constant 0 : i32
    %dma_start3A_6 = arith.constant 0 : i32
    %dma_start3A_7 = arith.constant 0 : i32
    %dma_start3A_8 = arith.constant 0 : i32
    %dma_start3A_9 = tpu.memref_slice %arg10[%dma_start3A_6, %dma_start3A_7, %dma_start3A_8] : memref<2x128x128xf32, #tpu.memory_space<vmem>> -> memref<1x128x128xf32, #tpu.memory_space<vmem>>
    %dma_start3A_10 = tpu.memref_squeeze %dma_start3A_9 : memref<1x128x128xf32, #tpu.memory_space<vmem>> -> memref<128x128xf32, #tpu.memory_space<vmem>>
    %dma_start3A_11 = arith.constant 0 : i32
    %dma_start3A_12 = tpu.memref_slice %arg8[%dma_start3A, %dma_start3A_5, %dma_start3A_11] : memref<2x16x128xi32, #tpu.memory_space<vmem>> -> memref<1x1x128xi32, #tpu.memory_space<vmem>>
    %dma_start3A_13 = tpu.memref_squeeze %dma_start3A_12 : memref<1x1x128xi32, #tpu.memory_space<vmem>> -> memref<128xi32, #tpu.memory_space<vmem>>
    %dma_start3A_14 = arith.constant 0 : i32
    %dma_start3A_15 = arith.constant 0 : i32
    %dma_start3A_16 = tpu.memref_slice %arg2[%dma_start3A_14, %dma_start3A_15] : memref<10000x128xf32, #tpu.memory_space<hbm>> -> memref<10000x128xf32, #tpu.memory_space<hbm>>
    tpu.enqueue_indirect_dma source(%dma_start3A_16 : memref<10000x128xf32, #tpu.memory_space<hbm>>) target(%dma_start3A_10 : memref<128x128xf32, #tpu.memory_space<vmem>>) offsets(%dma_start3A_13 : memref<128xi32, #tpu.memory_space<vmem>>) semaphore(%arg12 : memref<!tpu.dma_semaphore, #tpu.memory_space<semaphore_mem>>)
    %run_scoped3A_17 = arith.constant 1 : i32
    "tpu.region"() ({
      %run_scoped3A_454 = tpu.sem_alloc : memref<!tpu.dma_semaphore, #tpu.memory_space<semaphore_mem>>
      %dma_start3A_455 = arith.constant 0 : i32
      %dma_start3A_456 = arith.constant 0 : i32
      %dma_start3A_457 = tpu.memref_slice %arg10[%run_scoped3A_17, %dma_start3A_455, %dma_start3A_456] : memref<2x128x128xf32, #tpu.memory_space<vmem>> -> memref<1x128x128xf32, #tpu.memory_space<vmem>>
      %dma_start3A_458 = tpu.memref_squeeze %dma_start3A_457 : memref<1x128x128xf32, #tpu.memory_space<vmem>> -> memref<128x128xf32, #tpu.memory_space<vmem>>
      %dma_start3A_459 = arith.constant 0 : i32
      %dma_start3A_460 = arith.constant 0 : i32
      %dma_start3A_461 = tpu.memref_slice %arg10[%run_scoped3A_17, %dma_start3A_459, %dma_start3A_460] : memref<2x128x128xf32, #tpu.memory_space<vmem>> -> memref<1x128x128xf32, #tpu.memory_space<vmem>>
      %dma_start3A_462 = tpu.memref_squeeze %dma_start3A_461 : memref<1x128x128xf32, #tpu.memory_space<vmem>> -> memref<128x128xf32, #tpu.memory_space<vmem>>
      tpu.enqueue_dma source(%arg5 : memref<128x128xf32, #tpu.memory_space<hbm>>) target(%dma_start3A_462 : memref<128x128xf32, #tpu.memory_space<vmem>>) target_semaphore(%run_scoped3A_454 : memref<!tpu.dma_semaphore, #tpu.memory_space<semaphore_mem>>)
      %dma_wait3A_463 = arith.constant 0 : i32
      %dma_wait3A_464 = arith.constant 0 : i32
      %dma_wait3A_465 = tpu.memref_slice %arg10[%run_scoped3A_17, %dma_wait3A_463, %dma_wait3A_464] : memref<2x128x128xf32, #tpu.memory_space<vmem>> -> memref<1x128x128xf32, #tpu.memory_space<vmem>>
      %dma_wait3A_466 = tpu.memref_squeeze %dma_wait3A_465 : memref<1x128x128xf32, #tpu.memory_space<vmem>> -> memref<128x128xf32, #tpu.memory_space<vmem>>
      %dma_wait3A_467 = arith.constant 0 : i32
      %dma_wait3A_468 = arith.constant 0 : i32
      %dma_wait3A_469 = tpu.memref_slice %arg10[%run_scoped3A_17, %dma_wait3A_467, %dma_wait3A_468] : memref<2x128x128xf32, #tpu.memory_space<vmem>> -> memref<1x128x128xf32, #tpu.memory_space<vmem>>
      %dma_wait3A_470 = tpu.memref_squeeze %dma_wait3A_469 : memref<1x128x128xf32, #tpu.memory_space<vmem>> -> memref<128x128xf32, #tpu.memory_space<vmem>>
      tpu.wait_dma2 semaphore(%run_scoped3A_454 : memref<!tpu.dma_semaphore, #tpu.memory_space<semaphore_mem>>) src(%arg5 : memref<128x128xf32, #tpu.memory_space<hbm>>) dst(%dma_wait3A_470 : memref<128x128xf32, #tpu.memory_space<vmem>>)
      tpu.yield
    }) : () -> ()
    %add3A_18 = arith.constant 0 : i32
    %add3A_19 = arith.addi %mul3A_2, %add3A_18 : i32
    %dma_start3A_20 = arith.constant 1 : i32
    %dma_start3A_21 = arith.constant 0 : i32
    %dma_start3A_22 = arith.constant 0 : i32
    %dma_start3A_23 = tpu.memref_slice %arg10[%dma_start3A_20, %dma_start3A_21, %dma_start3A_22] : memref<2x128x128xf32, #tpu.memory_space<vmem>> -> memref<1x128x128xf32, #tpu.memory_space<vmem>>
    %dma_start3A_24 = tpu.memref_squeeze %dma_start3A_23 : memref<1x128x128xf32, #tpu.memory_space<vmem>> -> memref<128x128xf32, #tpu.memory_space<vmem>>
    %dma_start3A_25 = arith.constant 0 : i32
    %dma_start3A_26 = tpu.memref_slice %arg11[%add3A_19, %dma_start3A_25] : memref<10240x128xf32, #tpu.memory_space<vmem_shared>> -> memref<128x128xf32, #tpu.memory_space<vmem_shared>>
    %dma_start3A_27 = arith.constant 0 : i32
    %dma_start3A_28 = tpu.memref_slice %arg11[%add3A_19, %dma_start3A_27] : memref<10240x128xf32, #tpu.memory_space<vmem_shared>> -> memref<128x128xf32, #tpu.memory_space<vmem_shared>>
    %dma_start3A_29 = arith.constant 0 : i32
    %dma_start3A_30 = arith.constant 0 : i32
    %dma_start3A_31 = tpu.memref_slice %arg10[%dma_start3A_20, %dma_start3A_29, %dma_start3A_30] : memref<2x128x128xf32, #tpu.memory_space<vmem>> -> memref<1x128x128xf32, #tpu.memory_space<vmem>>
    %dma_start3A_32 = tpu.memref_squeeze %dma_start3A_31 : memref<1x128x128xf32, #tpu.memory_space<vmem>> -> memref<128x128xf32, #tpu.memory_space<vmem>>
    tpu.enqueue_dma source(%dma_start3A_32 : memref<128x128xf32, #tpu.memory_space<vmem>>) target(%dma_start3A_28 : memref<128x128xf32, #tpu.memory_space<vmem_shared>>) target_semaphore(%arg14 : memref<!tpu.dma_semaphore, #tpu.memory_space<semaphore_mem>>)
    %add3A_33 = arith.constant 128 : i32
    %add3A_34 = arith.addi %mul3A_2, %add3A_33 : i32
    %dma_start3A_35 = arith.constant 1 : i32
    %dma_start3A_36 = arith.constant 0 : i32
    %dma_start3A_37 = arith.constant 0 : i32
    %dma_start3A_38 = tpu.memref_slice %arg10[%dma_start3A_35, %dma_start3A_36, %dma_start3A_37] : memref<2x128x128xf32, #tpu.memory_space<vmem>> -> memref<1x128x128xf32, #tpu.memory_space<vmem>>
    %dma_start3A_39 = tpu.memref_squeeze %dma_start3A_38 : memref<1x128x128xf32, #tpu.memory_space<vmem>> -> memref<128x128xf32, #tpu.memory_space<vmem>>
    %dma_start3A_40 = arith.constant 0 : i32
    %dma_start3A_41 = tpu.memref_slice %arg11[%add3A_34, %dma_start3A_40] : memref<10240x128xf32, #tpu.memory_space<vmem_shared>> -> memref<128x128xf32, #tpu.memory_space<vmem_shared>>
    %dma_start3A_42 = arith.constant 0 : i32
    %dma_start3A_43 = tpu.memref_slice %arg11[%add3A_34, %dma_start3A_42] : memref<10240x128xf32, #tpu.memory_space<vmem_shared>> -> memref<128x128xf32, #tpu.memory_space<vmem_shared>>
    %dma_start3A_44 = arith.constant 0 : i32
    %dma_start3A_45 = arith.constant 0 : i32
    %dma_start3A_46 = tpu.memref_slice %arg10[%dma_start3A_35, %dma_start3A_44, %dma_start3A_45] : memref<2x128x128xf32, #tpu.memory_space<vmem>> -> memref<1x128x128xf32, #tpu.memory_space<vmem>>
    %dma_start3A_47 = tpu.memref_squeeze %dma_start3A_46 : memref<1x128x128xf32, #tpu.memory_space<vmem>> -> memref<128x128xf32, #tpu.memory_space<vmem>>
    tpu.enqueue_dma source(%dma_start3A_47 : memref<128x128xf32, #tpu.memory_space<vmem>>) target(%dma_start3A_43 : memref<128x128xf32, #tpu.memory_space<vmem_shared>>) target_semaphore(%arg14 : memref<!tpu.dma_semaphore, #tpu.memory_space<semaphore_mem>>)
    %add3A_48 = arith.constant 256 : i32
    %add3A_49 = arith.addi %mul3A_2, %add3A_48 : i32
    %dma_start3A_50 = arith.constant 1 : i32
    %dma_start3A_51 = arith.constant 0 : i32
    %dma_start3A_52 = arith.constant 0 : i32
    %dma_start3A_53 = tpu.memref_slice %arg10[%dma_start3A_50, %dma_start3A_51, %dma_start3A_52] : memref<2x128x128xf32, #tpu.memory_space<vmem>> -> memref<1x128x128xf32, #tpu.memory_space<vmem>>
    %dma_start3A_54 = tpu.memref_squeeze %dma_start3A_53 : memref<1x128x128xf32, #tpu.memory_space<vmem>> -> memref<128x128xf32, #tpu.memory_space<vmem>>
    %dma_start3A_55 = arith.constant 0 : i32
    %dma_start3A_56 = tpu.memref_slice %arg11[%add3A_49, %dma_start3A_55] : memref<10240x128xf32, #tpu.memory_space<vmem_shared>> -> memref<128x128xf32, #tpu.memory_space<vmem_shared>>
    %dma_start3A_57 = arith.constant 0 : i32
    %dma_start3A_58 = tpu.memref_slice %arg11[%add3A_49, %dma_start3A_57] : memref<10240x128xf32, #tpu.memory_space<vmem_shared>> -> memref<128x128xf32, #tpu.memory_space<vmem_shared>>
    %dma_start3A_59 = arith.constant 0 : i32
    %dma_start3A_60 = arith.constant 0 : i32
    %dma_start3A_61 = tpu.memref_slice %arg10[%dma_start3A_50, %dma_start3A_59, %dma_start3A_60] : memref<2x128x128xf32, #tpu.memory_space<vmem>> -> memref<1x128x128xf32, #tpu.memory_space<vmem>>
    %dma_start3A_62 = tpu.memref_squeeze %dma_start3A_61 : memref<1x128x128xf32, #tpu.memory_space<vmem>> -> memref<128x128xf32, #tpu.memory_space<vmem>>
    tpu.enqueue_dma source(%dma_start3A_62 : memref<128x128xf32, #tpu.memory_space<vmem>>) target(%dma_start3A_58 : memref<128x128xf32, #tpu.memory_space<vmem_shared>>) target_semaphore(%arg14 : memref<!tpu.dma_semaphore, #tpu.memory_space<semaphore_mem>>)
    %add3A_63 = arith.constant 384 : i32
    %add3A_64 = arith.addi %mul3A_2, %add3A_63 : i32
    %dma_start3A_65 = arith.constant 1 : i32
    %dma_start3A_66 = arith.constant 0 : i32
    %dma_start3A_67 = arith.constant 0 : i32
    %dma_start3A_68 = tpu.memref_slice %arg10[%dma_start3A_65, %dma_start3A_66, %dma_start3A_67] : memref<2x128x128xf32, #tpu.memory_space<vmem>> -> memref<1x128x128xf32, #tpu.memory_space<vmem>>
    %dma_start3A_69 = tpu.memref_squeeze %dma_start3A_68 : memref<1x128x128xf32, #tpu.memory_space<vmem>> -> memref<128x128xf32, #tpu.memory_space<vmem>>
    %dma_start3A_70 = arith.constant 0 : i32
    %dma_start3A_71 = tpu.memref_slice %arg11[%add3A_64, %dma_start3A_70] : memref<10240x128xf32, #tpu.memory_space<vmem_shared>> -> memref<128x128xf32, #tpu.memory_space<vmem_shared>>
    %dma_start3A_72 = arith.constant 0 : i32
    %dma_start3A_73 = tpu.memref_slice %arg11[%add3A_64, %dma_start3A_72] : memref<10240x128xf32, #tpu.memory_space<vmem_shared>> -> memref<128x128xf32, #tpu.memory_space<vmem_shared>>
    %dma_start3A_74 = arith.constant 0 : i32
    %dma_start3A_75 = arith.constant 0 : i32
    %dma_start3A_76 = tpu.memref_slice %arg10[%dma_start3A_65, %dma_start3A_74, %dma_start3A_75] : memref<2x128x128xf32, #tpu.memory_space<vmem>> -> memref<1x128x128xf32, #tpu.memory_space<vmem>>
    %dma_start3A_77 = tpu.memref_squeeze %dma_start3A_76 : memref<1x128x128xf32, #tpu.memory_space<vmem>> -> memref<128x128xf32, #tpu.memory_space<vmem>>
    tpu.enqueue_dma source(%dma_start3A_77 : memref<128x128xf32, #tpu.memory_space<vmem>>) target(%dma_start3A_73 : memref<128x128xf32, #tpu.memory_space<vmem_shared>>) target_semaphore(%arg14 : memref<!tpu.dma_semaphore, #tpu.memory_space<semaphore_mem>>)
    %add3A_78 = arith.constant 512 : i32
    %add3A_79 = arith.addi %mul3A_2, %add3A_78 : i32
    %dma_start3A_80 = arith.constant 1 : i32
    %dma_start3A_81 = arith.constant 0 : i32
    %dma_start3A_82 = arith.constant 0 : i32
    %dma_start3A_83 = tpu.memref_slice %arg10[%dma_start3A_80, %dma_start3A_81, %dma_start3A_82] : memref<2x128x128xf32, #tpu.memory_space<vmem>> -> memref<1x128x128xf32, #tpu.memory_space<vmem>>
    %dma_start3A_84 = tpu.memref_squeeze %dma_start3A_83 : memref<1x128x128xf32, #tpu.memory_space<vmem>> -> memref<128x128xf32, #tpu.memory_space<vmem>>
    %dma_start3A_85 = arith.constant 0 : i32
    %dma_start3A_86 = tpu.memref_slice %arg11[%add3A_79, %dma_start3A_85] : memref<10240x128xf32, #tpu.memory_space<vmem_shared>> -> memref<128x128xf32, #tpu.memory_space<vmem_shared>>
    %dma_start3A_87 = arith.constant 0 : i32
    %dma_start3A_88 = tpu.memref_slice %arg11[%add3A_79, %dma_start3A_87] : memref<10240x128xf32, #tpu.memory_space<vmem_shared>> -> memref<128x128xf32, #tpu.memory_space<vmem_shared>>
    %dma_start3A_89 = arith.constant 0 : i32
    %dma_start3A_90 = arith.constant 0 : i32
    %dma_start3A_91 = tpu.memref_slice %arg10[%dma_start3A_80, %dma_start3A_89, %dma_start3A_90] : memref<2x128x128xf32, #tpu.memory_space<vmem>> -> memref<1x128x128xf32, #tpu.memory_space<vmem>>
    %dma_start3A_92 = tpu.memref_squeeze %dma_start3A_91 : memref<1x128x128xf32, #tpu.memory_space<vmem>> -> memref<128x128xf32, #tpu.memory_space<vmem>>
    tpu.enqueue_dma source(%dma_start3A_92 : memref<128x128xf32, #tpu.memory_space<vmem>>) target(%dma_start3A_88 : memref<128x128xf32, #tpu.memory_space<vmem_shared>>) target_semaphore(%arg14 : memref<!tpu.dma_semaphore, #tpu.memory_space<semaphore_mem>>)
    %run_scoped3A_93 = arith.constant 0 : i32
    "tpu.region"() ({
      %run_scoped3A_454 = tpu.sem_alloc : memref<!tpu.dma_semaphore, #tpu.memory_space<semaphore_mem>>
      %dma_start3A_455 = arith.constant 0 : i32
      %dma_start3A_456 = arith.constant 0 : i32
      %dma_start3A_457 = tpu.memref_slice %arg9[%run_scoped3A_93, %dma_start3A_455, %dma_start3A_456] : memref<2x16x128xi32, #tpu.memory_space<vmem>> -> memref<1x16x128xi32, #tpu.memory_space<vmem>>
      %dma_start3A_458 = tpu.memref_squeeze %dma_start3A_457 : memref<1x16x128xi32, #tpu.memory_space<vmem>> -> memref<16x128xi32, #tpu.memory_space<vmem>>
      %dma_start3A_459 = arith.constant 0 : i32
      %dma_start3A_460 = tpu.memref_slice %arg4[%mul3A_4, %dma_start3A_459] : memref<2560x128xi32, #tpu.memory_space<hbm>> -> memref<16x128xi32, #tpu.memory_space<hbm>>
      %dma_start3A_461 = arith.constant 0 : i32
      %dma_start3A_462 = arith.constant 0 : i32
      %dma_start3A_463 = tpu.memref_slice %arg9[%run_scoped3A_93, %dma_start3A_461, %dma_start3A_462] : memref<2x16x128xi32, #tpu.memory_space<vmem>> -> memref<1x16x128xi32, #tpu.memory_space<vmem>>
      %dma_start3A_464 = tpu.memref_squeeze %dma_start3A_463 : memref<1x16x128xi32, #tpu.memory_space<vmem>> -> memref<16x128xi32, #tpu.memory_space<vmem>>
      %dma_start3A_465 = arith.constant 0 : i32
      %dma_start3A_466 = tpu.memref_slice %arg4[%mul3A_4, %dma_start3A_465] : memref<2560x128xi32, #tpu.memory_space<hbm>> -> memref<16x128xi32, #tpu.memory_space<hbm>>
      tpu.enqueue_dma source(%dma_start3A_466 : memref<16x128xi32, #tpu.memory_space<hbm>>) target(%dma_start3A_464 : memref<16x128xi32, #tpu.memory_space<vmem>>) target_semaphore(%run_scoped3A_454 : memref<!tpu.dma_semaphore, #tpu.memory_space<semaphore_mem>>)
      %dma_wait3A_467 = arith.constant 0 : i32
      %dma_wait3A_468 = arith.constant 0 : i32
      %dma_wait3A_469 = tpu.memref_slice %arg9[%run_scoped3A_93, %dma_wait3A_467, %dma_wait3A_468] : memref<2x16x128xi32, #tpu.memory_space<vmem>> -> memref<1x16x128xi32, #tpu.memory_space<vmem>>
      %dma_wait3A_470 = tpu.memref_squeeze %dma_wait3A_469 : memref<1x16x128xi32, #tpu.memory_space<vmem>> -> memref<16x128xi32, #tpu.memory_space<vmem>>
      %dma_wait3A_471 = arith.constant 0 : i32
      %dma_wait3A_472 = tpu.memref_slice %arg4[%mul3A_4, %dma_wait3A_471] : memref<2560x128xi32, #tpu.memory_space<hbm>> -> memref<16x128xi32, #tpu.memory_space<hbm>>
      %dma_wait3A_473 = arith.constant 0 : i32
      %dma_wait3A_474 = arith.constant 0 : i32
      %dma_wait3A_475 = tpu.memref_slice %arg9[%run_scoped3A_93, %dma_wait3A_473, %dma_wait3A_474] : memref<2x16x128xi32, #tpu.memory_space<vmem>> -> memref<1x16x128xi32, #tpu.memory_space<vmem>>
      %dma_wait3A_476 = tpu.memref_squeeze %dma_wait3A_475 : memref<1x16x128xi32, #tpu.memory_space<vmem>> -> memref<16x128xi32, #tpu.memory_space<vmem>>
      %dma_wait3A_477 = arith.constant 0 : i32
      %dma_wait3A_478 = tpu.memref_slice %arg4[%mul3A_4, %dma_wait3A_477] : memref<2560x128xi32, #tpu.memory_space<hbm>> -> memref<16x128xi32, #tpu.memory_space<hbm>>
      tpu.wait_dma2 semaphore(%run_scoped3A_454 : memref<!tpu.dma_semaphore, #tpu.memory_space<semaphore_mem>>) src(%dma_wait3A_478 : memref<16x128xi32, #tpu.memory_space<hbm>>) dst(%dma_wait3A_476 : memref<16x128xi32, #tpu.memory_space<vmem>>)
      tpu.yield
    }) : () -> ()
    %add3A_94 = arith.constant 0 : i32
    %add3A_95 = arith.addi %mul3A_2, %add3A_94 : i32
    %dma_wait3A = arith.constant 1 : i32
    %dma_wait3A_96 = arith.constant 0 : i32
    %dma_wait3A_97 = arith.constant 0 : i32
    %dma_wait3A_98 = tpu.memref_slice %arg10[%dma_wait3A, %dma_wait3A_96, %dma_wait3A_97] : memref<2x128x128xf32, #tpu.memory_space<vmem>> -> memref<1x128x128xf32, #tpu.memory_space<vmem>>
    %dma_wait3A_99 = tpu.memref_squeeze %dma_wait3A_98 : memref<1x128x128xf32, #tpu.memory_space<vmem>> -> memref<128x128xf32, #tpu.memory_space<vmem>>
    %dma_wait3A_100 = arith.constant 0 : i32
    %dma_wait3A_101 = tpu.memref_slice %arg11[%add3A_95, %dma_wait3A_100] : memref<10240x128xf32, #tpu.memory_space<vmem_shared>> -> memref<128x128xf32, #tpu.memory_space<vmem_shared>>
    %dma_wait3A_102 = arith.constant 0 : i32
    %dma_wait3A_103 = tpu.memref_slice %arg11[%add3A_95, %dma_wait3A_102] : memref<10240x128xf32, #tpu.memory_space<vmem_shared>> -> memref<128x128xf32, #tpu.memory_space<vmem_shared>>
    %dma_wait3A_104 = arith.constant 0 : i32
    %dma_wait3A_105 = arith.constant 0 : i32
    %dma_wait3A_106 = tpu.memref_slice %arg10[%dma_wait3A, %dma_wait3A_104, %dma_wait3A_105] : memref<2x128x128xf32, #tpu.memory_space<vmem>> -> memref<1x128x128xf32, #tpu.memory_space<vmem>>
    %dma_wait3A_107 = tpu.memref_squeeze %dma_wait3A_106 : memref<1x128x128xf32, #tpu.memory_space<vmem>> -> memref<128x128xf32, #tpu.memory_space<vmem>>
    tpu.wait_dma2 semaphore(%arg14 : memref<!tpu.dma_semaphore, #tpu.memory_space<semaphore_mem>>) src(%dma_wait3A_107 : memref<128x128xf32, #tpu.memory_space<vmem>>) dst(%dma_wait3A_103 : memref<128x128xf32, #tpu.memory_space<vmem_shared>>)
    %add3A_108 = arith.constant 128 : i32
    %add3A_109 = arith.addi %mul3A_2, %add3A_108 : i32
    %dma_wait3A_110 = arith.constant 1 : i32
    %dma_wait3A_111 = arith.constant 0 : i32
    %dma_wait3A_112 = arith.constant 0 : i32
    %dma_wait3A_113 = tpu.memref_slice %arg10[%dma_wait3A_110, %dma_wait3A_111, %dma_wait3A_112] : memref<2x128x128xf32, #tpu.memory_space<vmem>> -> memref<1x128x128xf32, #tpu.memory_space<vmem>>
    %dma_wait3A_114 = tpu.memref_squeeze %dma_wait3A_113 : memref<1x128x128xf32, #tpu.memory_space<vmem>> -> memref<128x128xf32, #tpu.memory_space<vmem>>
    %dma_wait3A_115 = arith.constant 0 : i32
    %dma_wait3A_116 = tpu.memref_slice %arg11[%add3A_109, %dma_wait3A_115] : memref<10240x128xf32, #tpu.memory_space<vmem_shared>> -> memref<128x128xf32, #tpu.memory_space<vmem_shared>>
    %dma_wait3A_117 = arith.constant 0 : i32
    %dma_wait3A_118 = tpu.memref_slice %arg11[%add3A_109, %dma_wait3A_117] : memref<10240x128xf32, #tpu.memory_space<vmem_shared>> -> memref<128x128xf32, #tpu.memory_space<vmem_shared>>
    %dma_wait3A_119 = arith.constant 0 : i32
    %dma_wait3A_120 = arith.constant 0 : i32
    %dma_wait3A_121 = tpu.memref_slice %arg10[%dma_wait3A_110, %dma_wait3A_119, %dma_wait3A_120] : memref<2x128x128xf32, #tpu.memory_space<vmem>> -> memref<1x128x128xf32, #tpu.memory_space<vmem>>
    %dma_wait3A_122 = tpu.memref_squeeze %dma_wait3A_121 : memref<1x128x128xf32, #tpu.memory_space<vmem>> -> memref<128x128xf32, #tpu.memory_space<vmem>>
    tpu.wait_dma2 semaphore(%arg14 : memref<!tpu.dma_semaphore, #tpu.memory_space<semaphore_mem>>) src(%dma_wait3A_122 : memref<128x128xf32, #tpu.memory_space<vmem>>) dst(%dma_wait3A_118 : memref<128x128xf32, #tpu.memory_space<vmem_shared>>)
    %add3A_123 = arith.constant 256 : i32
    %add3A_124 = arith.addi %mul3A_2, %add3A_123 : i32
    %dma_wait3A_125 = arith.constant 1 : i32
    %dma_wait3A_126 = arith.constant 0 : i32
    %dma_wait3A_127 = arith.constant 0 : i32
    %dma_wait3A_128 = tpu.memref_slice %arg10[%dma_wait3A_125, %dma_wait3A_126, %dma_wait3A_127] : memref<2x128x128xf32, #tpu.memory_space<vmem>> -> memref<1x128x128xf32, #tpu.memory_space<vmem>>
    %dma_wait3A_129 = tpu.memref_squeeze %dma_wait3A_128 : memref<1x128x128xf32, #tpu.memory_space<vmem>> -> memref<128x128xf32, #tpu.memory_space<vmem>>
    %dma_wait3A_130 = arith.constant 0 : i32
    %dma_wait3A_131 = tpu.memref_slice %arg11[%add3A_124, %dma_wait3A_130] : memref<10240x128xf32, #tpu.memory_space<vmem_shared>> -> memref<128x128xf32, #tpu.memory_space<vmem_shared>>
    %dma_wait3A_132 = arith.constant 0 : i32
    %dma_wait3A_133 = tpu.memref_slice %arg11[%add3A_124, %dma_wait3A_132] : memref<10240x128xf32, #tpu.memory_space<vmem_shared>> -> memref<128x128xf32, #tpu.memory_space<vmem_shared>>
    %dma_wait3A_134 = arith.constant 0 : i32
    %dma_wait3A_135 = arith.constant 0 : i32
    %dma_wait3A_136 = tpu.memref_slice %arg10[%dma_wait3A_125, %dma_wait3A_134, %dma_wait3A_135] : memref<2x128x128xf32, #tpu.memory_space<vmem>> -> memref<1x128x128xf32, #tpu.memory_space<vmem>>
    %dma_wait3A_137 = tpu.memref_squeeze %dma_wait3A_136 : memref<1x128x128xf32, #tpu.memory_space<vmem>> -> memref<128x128xf32, #tpu.memory_space<vmem>>
    tpu.wait_dma2 semaphore(%arg14 : memref<!tpu.dma_semaphore, #tpu.memory_space<semaphore_mem>>) src(%dma_wait3A_137 : memref<128x128xf32, #tpu.memory_space<vmem>>) dst(%dma_wait3A_133 : memref<128x128xf32, #tpu.memory_space<vmem_shared>>)
    %add3A_138 = arith.constant 384 : i32
    %add3A_139 = arith.addi %mul3A_2, %add3A_138 : i32
    %dma_wait3A_140 = arith.constant 1 : i32
    %dma_wait3A_141 = arith.constant 0 : i32
    %dma_wait3A_142 = arith.constant 0 : i32
    %dma_wait3A_143 = tpu.memref_slice %arg10[%dma_wait3A_140, %dma_wait3A_141, %dma_wait3A_142] : memref<2x128x128xf32, #tpu.memory_space<vmem>> -> memref<1x128x128xf32, #tpu.memory_space<vmem>>
    %dma_wait3A_144 = tpu.memref_squeeze %dma_wait3A_143 : memref<1x128x128xf32, #tpu.memory_space<vmem>> -> memref<128x128xf32, #tpu.memory_space<vmem>>
    %dma_wait3A_145 = arith.constant 0 : i32
    %dma_wait3A_146 = tpu.memref_slice %arg11[%add3A_139, %dma_wait3A_145] : memref<10240x128xf32, #tpu.memory_space<vmem_shared>> -> memref<128x128xf32, #tpu.memory_space<vmem_shared>>
    %dma_wait3A_147 = arith.constant 0 : i32
    %dma_wait3A_148 = tpu.memref_slice %arg11[%add3A_139, %dma_wait3A_147] : memref<10240x128xf32, #tpu.memory_space<vmem_shared>> -> memref<128x128xf32, #tpu.memory_space<vmem_shared>>
    %dma_wait3A_149 = arith.constant 0 : i32
    %dma_wait3A_150 = arith.constant 0 : i32
    %dma_wait3A_151 = tpu.memref_slice %arg10[%dma_wait3A_140, %dma_wait3A_149, %dma_wait3A_150] : memref<2x128x128xf32, #tpu.memory_space<vmem>> -> memref<1x128x128xf32, #tpu.memory_space<vmem>>
    %dma_wait3A_152 = tpu.memref_squeeze %dma_wait3A_151 : memref<1x128x128xf32, #tpu.memory_space<vmem>> -> memref<128x128xf32, #tpu.memory_space<vmem>>
    tpu.wait_dma2 semaphore(%arg14 : memref<!tpu.dma_semaphore, #tpu.memory_space<semaphore_mem>>) src(%dma_wait3A_152 : memref<128x128xf32, #tpu.memory_space<vmem>>) dst(%dma_wait3A_148 : memref<128x128xf32, #tpu.memory_space<vmem_shared>>)
    %add3A_153 = arith.constant 512 : i32
    %add3A_154 = arith.addi %mul3A_2, %add3A_153 : i32
    %dma_wait3A_155 = arith.constant 1 : i32
    %dma_wait3A_156 = arith.constant 0 : i32
    %dma_wait3A_157 = arith.constant 0 : i32
    %dma_wait3A_158 = tpu.memref_slice %arg10[%dma_wait3A_155, %dma_wait3A_156, %dma_wait3A_157] : memref<2x128x128xf32, #tpu.memory_space<vmem>> -> memref<1x128x128xf32, #tpu.memory_space<vmem>>
    %dma_wait3A_159 = tpu.memref_squeeze %dma_wait3A_158 : memref<1x128x128xf32, #tpu.memory_space<vmem>> -> memref<128x128xf32, #tpu.memory_space<vmem>>
    %dma_wait3A_160 = arith.constant 0 : i32
    %dma_wait3A_161 = tpu.memref_slice %arg11[%add3A_154, %dma_wait3A_160] : memref<10240x128xf32, #tpu.memory_space<vmem_shared>> -> memref<128x128xf32, #tpu.memory_space<vmem_shared>>
    %dma_wait3A_162 = arith.constant 0 : i32
    %dma_wait3A_163 = tpu.memref_slice %arg11[%add3A_154, %dma_wait3A_162] : memref<10240x128xf32, #tpu.memory_space<vmem_shared>> -> memref<128x128xf32, #tpu.memory_space<vmem_shared>>
    %dma_wait3A_164 = arith.constant 0 : i32
    %dma_wait3A_165 = arith.constant 0 : i32
    %dma_wait3A_166 = tpu.memref_slice %arg10[%dma_wait3A_155, %dma_wait3A_164, %dma_wait3A_165] : memref<2x128x128xf32, #tpu.memory_space<vmem>> -> memref<1x128x128xf32, #tpu.memory_space<vmem>>
    %dma_wait3A_167 = tpu.memref_squeeze %dma_wait3A_166 : memref<1x128x128xf32, #tpu.memory_space<vmem>> -> memref<128x128xf32, #tpu.memory_space<vmem>>
    tpu.wait_dma2 semaphore(%arg14 : memref<!tpu.dma_semaphore, #tpu.memory_space<semaphore_mem>>) src(%dma_wait3A_167 : memref<128x128xf32, #tpu.memory_space<vmem>>) dst(%dma_wait3A_163 : memref<128x128xf32, #tpu.memory_space<vmem_shared>>)
    %barrier3A = arith.constant 0 : index
    tpu.barrier barrier_id(%barrier3A)
    %scan3A = arith.constant 0 : i32
    %scan3A_168 = arith.constant 0 : i32
    %scan3A_169 = arith.constant 5 : i32
    %scan3A_170 = arith.addi %scan3A_168, %scan3A_169 : i32
    %scan3A_171 = arith.constant 1 : i32
    scf.for %scan3A_454 = %scan3A_168 to %scan3A_170 step %scan3A_171  : i32 {
      %rem3A_455 = arith.constant 2 : i32
      %rem3A_456 = arith.remsi %scan3A_454, %rem3A_455 : i32
      %sub3A = arith.constant 1 : i32
      %sub3A_457 = arith.subi %sub3A, %rem3A_456 : i32
      %ge3A = arith.constant 1 : i32
      %ge3A_458 = arith.cmpi sge, %scan3A_454, %ge3A : i32
      %convert_element_type3A_459 = arith.extui %ge3A_458 : i1 to i32
      %cond3A_460 = arith.constant 0 : i32
      %cond3A_461 = arith.cmpi ne, %convert_element_type3A_459, %cond3A_460 : i32
      scf.if %cond3A_461 {
        %dma_wait3A_1219 = arith.constant 1 : i32
        %dma_wait3A_1220 = arith.constant 15 : i32
        %dma_wait3A_1221 = arith.constant 0 : i32
        %dma_wait3A_1222 = arith.constant 0 : i32
        %dma_wait3A_1223 = tpu.memref_slice %arg10[%dma_wait3A_1219, %dma_wait3A_1221, %dma_wait3A_1222] : memref<2x128x128xf32, #tpu.memory_space<vmem>> -> memref<1x128x128xf32, #tpu.memory_space<vmem>>
        %dma_wait3A_1224 = tpu.memref_squeeze %dma_wait3A_1223 : memref<1x128x128xf32, #tpu.memory_space<vmem>> -> memref<128x128xf32, #tpu.memory_space<vmem>>
        %dma_wait3A_1225 = arith.constant 0 : i32
        %dma_wait3A_1226 = tpu.memref_slice %arg9[%sub3A_457, %dma_wait3A_1220, %dma_wait3A_1225] : memref<2x16x128xi32, #tpu.memory_space<vmem>> -> memref<1x1x128xi32, #tpu.memory_space<vmem>>
        %dma_wait3A_1227 = tpu.memref_squeeze %dma_wait3A_1226 : memref<1x1x128xi32, #tpu.memory_space<vmem>> -> memref<128xi32, #tpu.memory_space<vmem>>
        %dma_wait3A_1228 = arith.constant 0 : i32
        %dma_wait3A_1229 = arith.constant 0 : i32
        %dma_wait3A_1230 = tpu.memref_slice %arg11[%dma_wait3A_1228, %dma_wait3A_1229] : memref<10240x128xf32, #tpu.memory_space<vmem_shared>> -> memref<10240x128xf32, #tpu.memory_space<vmem_shared>>
        tpu.wait_indirect_dma semaphore(%arg15 : memref<!tpu.dma_semaphore, #tpu.memory_space<semaphore_mem>>) src(%dma_wait3A_1224 : memref<128x128xf32, #tpu.memory_space<vmem>>) dst(%dma_wait3A_1230 : memref<10240x128xf32, #tpu.memory_space<vmem_shared>>)
      } else {
      }
      %add3A_462 = arith.constant 1 : i32
      %add3A_463 = arith.addi %scan3A_454, %add3A_462 : i32
      %lt3A = arith.constant 5 : i32
      %lt3A_464 = arith.cmpi slt, %add3A_463, %lt3A : i32
      %convert_element_type3A_465 = arith.extui %lt3A_464 : i1 to i32
      %cond3A_466 = arith.constant 0 : i32
      %cond3A_467 = arith.cmpi ne, %convert_element_type3A_465, %cond3A_466 : i32
      scf.if %cond3A_467 {
        %add3A_1219 = arith.constant 1 : i32
        %add3A_1220 = arith.addi %scan3A_454, %add3A_1219 : i32
        %mul3A_1221 = arith.constant 16 : i32
        %mul3A_1222 = arith.muli %add3A_1220, %mul3A_1221 : i32
        %add3A_1223 = arith.addi %mul3A_4, %mul3A_1222 : i32
        %dma_start3A_1224 = arith.constant 0 : i32
        %dma_start3A_1225 = arith.constant 0 : i32
        %dma_start3A_1226 = tpu.memref_slice %arg8[%sub3A_457, %dma_start3A_1224, %dma_start3A_1225] : memref<2x16x128xi32, #tpu.memory_space<vmem>> -> memref<1x16x128xi32, #tpu.memory_space<vmem>>
        %dma_start3A_1227 = tpu.memref_squeeze %dma_start3A_1226 : memref<1x16x128xi32, #tpu.memory_space<vmem>> -> memref<16x128xi32, #tpu.memory_space<vmem>>
        %dma_start3A_1228 = arith.constant 0 : i32
        %dma_start3A_1229 = tpu.memref_slice %arg3[%add3A_1223, %dma_start3A_1228] : memref<2560x128xi32, #tpu.memory_space<hbm>> -> memref<16x128xi32, #tpu.memory_space<hbm>>
        %dma_start3A_1230 = arith.constant 0 : i32
        %dma_start3A_1231 = arith.constant 0 : i32
        %dma_start3A_1232 = tpu.memref_slice %arg8[%sub3A_457, %dma_start3A_1230, %dma_start3A_1231] : memref<2x16x128xi32, #tpu.memory_space<vmem>> -> memref<1x16x128xi32, #tpu.memory_space<vmem>>
        %dma_start3A_1233 = tpu.memref_squeeze %dma_start3A_1232 : memref<1x16x128xi32, #tpu.memory_space<vmem>> -> memref<16x128xi32, #tpu.memory_space<vmem>>
        %dma_start3A_1234 = arith.constant 0 : i32
        %dma_start3A_1235 = tpu.memref_slice %arg3[%add3A_1223, %dma_start3A_1234] : memref<2560x128xi32, #tpu.memory_space<hbm>> -> memref<16x128xi32, #tpu.memory_space<hbm>>
        tpu.enqueue_dma source(%dma_start3A_1235 : memref<16x128xi32, #tpu.memory_space<hbm>>) target(%dma_start3A_1233 : memref<16x128xi32, #tpu.memory_space<vmem>>) target_semaphore(%arg16 : memref<!tpu.dma_semaphore, #tpu.memory_space<semaphore_mem>>)
        %dma_start3A_1236 = arith.constant 0 : i32
        %dma_start3A_1237 = arith.constant 0 : i32
        %dma_start3A_1238 = tpu.memref_slice %arg9[%sub3A_457, %dma_start3A_1236, %dma_start3A_1237] : memref<2x16x128xi32, #tpu.memory_space<vmem>> -> memref<1x16x128xi32, #tpu.memory_space<vmem>>
        %dma_start3A_1239 = tpu.memref_squeeze %dma_start3A_1238 : memref<1x16x128xi32, #tpu.memory_space<vmem>> -> memref<16x128xi32, #tpu.memory_space<vmem>>
        %dma_start3A_1240 = arith.constant 0 : i32
        %dma_start3A_1241 = tpu.memref_slice %arg4[%add3A_1223, %dma_start3A_1240] : memref<2560x128xi32, #tpu.memory_space<hbm>> -> memref<16x128xi32, #tpu.memory_space<hbm>>
        %dma_start3A_1242 = arith.constant 0 : i32
        %dma_start3A_1243 = arith.constant 0 : i32
        %dma_start3A_1244 = tpu.memref_slice %arg9[%sub3A_457, %dma_start3A_1242, %dma_start3A_1243] : memref<2x16x128xi32, #tpu.memory_space<vmem>> -> memref<1x16x128xi32, #tpu.memory_space<vmem>>
        %dma_start3A_1245 = tpu.memref_squeeze %dma_start3A_1244 : memref<1x16x128xi32, #tpu.memory_space<vmem>> -> memref<16x128xi32, #tpu.memory_space<vmem>>
        %dma_start3A_1246 = arith.constant 0 : i32
        %dma_start3A_1247 = tpu.memref_slice %arg4[%add3A_1223, %dma_start3A_1246] : memref<2560x128xi32, #tpu.memory_space<hbm>> -> memref<16x128xi32, #tpu.memory_space<hbm>>
        tpu.enqueue_dma source(%dma_start3A_1247 : memref<16x128xi32, #tpu.memory_space<hbm>>) target(%dma_start3A_1245 : memref<16x128xi32, #tpu.memory_space<vmem>>) target_semaphore(%arg16 : memref<!tpu.dma_semaphore, #tpu.memory_space<semaphore_mem>>)
      } else {
      }
      %dma_start3A_468 = arith.constant 1 : i32
      %dma_start3A_469 = arith.constant 1 : i32
      %dma_start3A_470 = arith.constant 0 : i32
      %dma_start3A_471 = arith.constant 0 : i32
      %dma_start3A_472 = tpu.memref_slice %arg10[%dma_start3A_469, %dma_start3A_470, %dma_start3A_471] : memref<2x128x128xf32, #tpu.memory_space<vmem>> -> memref<1x128x128xf32, #tpu.memory_space<vmem>>
      %dma_start3A_473 = tpu.memref_squeeze %dma_start3A_472 : memref<1x128x128xf32, #tpu.memory_space<vmem>> -> memref<128x128xf32, #tpu.memory_space<vmem>>
      %dma_start3A_474 = arith.constant 0 : i32
      %dma_start3A_475 = tpu.memref_slice %arg8[%rem3A_456, %dma_start3A_468, %dma_start3A_474] : memref<2x16x128xi32, #tpu.memory_space<vmem>> -> memref<1x1x128xi32, #tpu.memory_space<vmem>>
      %dma_start3A_476 = tpu.memref_squeeze %dma_start3A_475 : memref<1x1x128xi32, #tpu.memory_space<vmem>> -> memref<128xi32, #tpu.memory_space<vmem>>
      %dma_start3A_477 = arith.constant 0 : i32
      %dma_start3A_478 = arith.constant 0 : i32
      %dma_start3A_479 = tpu.memref_slice %arg2[%dma_start3A_477, %dma_start3A_478] : memref<10000x128xf32, #tpu.memory_space<hbm>> -> memref<10000x128xf32, #tpu.memory_space<hbm>>
      tpu.enqueue_indirect_dma source(%dma_start3A_479 : memref<10000x128xf32, #tpu.memory_space<hbm>>) target(%dma_start3A_473 : memref<128x128xf32, #tpu.memory_space<vmem>>) offsets(%dma_start3A_476 : memref<128xi32, #tpu.memory_space<vmem>>) semaphore(%arg13 : memref<!tpu.dma_semaphore, #tpu.memory_space<semaphore_mem>>)
      %dma_wait3A_480 = arith.constant 0 : i32
      %dma_wait3A_481 = arith.constant 0 : i32
      %dma_wait3A_482 = arith.constant 0 : i32
      %dma_wait3A_483 = arith.constant 0 : i32
      %dma_wait3A_484 = tpu.memref_slice %arg10[%dma_wait3A_481, %dma_wait3A_482, %dma_wait3A_483] : memref<2x128x128xf32, #tpu.memory_space<vmem>> -> memref<1x128x128xf32, #tpu.memory_space<vmem>>
      %dma_wait3A_485 = tpu.memref_squeeze %dma_wait3A_484 : memref<1x128x128xf32, #tpu.memory_space<vmem>> -> memref<128x128xf32, #tpu.memory_space<vmem>>
      %dma_wait3A_486 = arith.constant 0 : i32
      %dma_wait3A_487 = tpu.memref_slice %arg8[%rem3A_456, %dma_wait3A_480, %dma_wait3A_486] : memref<2x16x128xi32, #tpu.memory_space<vmem>> -> memref<1x1x128xi32, #tpu.memory_space<vmem>>
      %dma_wait3A_488 = tpu.memref_squeeze %dma_wait3A_487 : memref<1x1x128xi32, #tpu.memory_space<vmem>> -> memref<128xi32, #tpu.memory_space<vmem>>
      %dma_wait3A_489 = arith.constant 0 : i32
      %dma_wait3A_490 = arith.constant 0 : i32
      %dma_wait3A_491 = tpu.memref_slice %arg2[%dma_wait3A_489, %dma_wait3A_490] : memref<10000x128xf32, #tpu.memory_space<hbm>> -> memref<10000x128xf32, #tpu.memory_space<hbm>>
      tpu.wait_indirect_dma semaphore(%arg12 : memref<!tpu.dma_semaphore, #tpu.memory_space<semaphore_mem>>) src(%dma_wait3A_491 : memref<10000x128xf32, #tpu.memory_space<hbm>>) dst(%dma_wait3A_485 : memref<128x128xf32, #tpu.memory_space<vmem>>)
      %dma_start3A_492 = arith.constant 0 : i32
      %dma_start3A_493 = arith.constant 0 : i32
      %dma_start3A_494 = arith.constant 0 : i32
      %dma_start3A_495 = arith.constant 0 : i32
      %dma_start3A_496 = tpu.memref_slice %arg10[%dma_start3A_492, %dma_start3A_494, %dma_start3A_495] : memref<2x128x128xf32, #tpu.memory_space<vmem>> -> memref<1x128x128xf32, #tpu.memory_space<vmem>>
      %dma_start3A_497 = tpu.memref_squeeze %dma_start3A_496 : memref<1x128x128xf32, #tpu.memory_space<vmem>> -> memref<128x128xf32, #tpu.memory_space<vmem>>
      %dma_start3A_498 = arith.constant 0 : i32
      %dma_start3A_499 = tpu.memref_slice %arg9[%rem3A_456, %dma_start3A_493, %dma_start3A_498] : memref<2x16x128xi32, #tpu.memory_space<vmem>> -> memref<1x1x128xi32, #tpu.memory_space<vmem>>
      %dma_start3A_500 = tpu.memref_squeeze %dma_start3A_499 : memref<1x1x128xi32, #tpu.memory_space<vmem>> -> memref<128xi32, #tpu.memory_space<vmem>>
      %dma_start3A_501 = arith.constant 0 : i32
      %dma_start3A_502 = arith.constant 0 : i32
      %dma_start3A_503 = tpu.memref_slice %arg11[%dma_start3A_501, %dma_start3A_502] : memref<10240x128xf32, #tpu.memory_space<vmem_shared>> -> memref<10240x128xf32, #tpu.memory_space<vmem_shared>>
      tpu.enqueue_indirect_dma source(%dma_start3A_497 : memref<128x128xf32, #tpu.memory_space<vmem>>) target(%dma_start3A_503 : memref<10240x128xf32, #tpu.memory_space<vmem_shared>>) offsets(%dma_start3A_500 : memref<128xi32, #tpu.memory_space<vmem>>) semaphore(%arg14 : memref<!tpu.dma_semaphore, #tpu.memory_space<semaphore_mem>>) {add = true}
      %dma_wait3A_504 = arith.constant 0 : i32
      %dma_wait3A_505 = arith.constant 0 : i32
      %dma_wait3A_506 = arith.constant 0 : i32
      %dma_wait3A_507 = arith.constant 0 : i32
      %dma_wait3A_508 = tpu.memref_slice %arg10[%dma_wait3A_504, %dma_wait3A_506, %dma_wait3A_507] : memref<2x128x128xf32, #tpu.memory_space<vmem>> -> memref<1x128x128xf32, #tpu.memory_space<vmem>>
      %dma_wait3A_509 = tpu.memref_squeeze %dma_wait3A_508 : memref<1x128x128xf32, #tpu.memory_space<vmem>> -> memref<128x128xf32, #tpu.memory_space<vmem>>
      %dma_wait3A_510 = arith.constant 0 : i32
      %dma_wait3A_511 = tpu.memref_slice %arg9[%rem3A_456, %dma_wait3A_505, %dma_wait3A_510] : memref<2x16x128xi32, #tpu.memory_space<vmem>> -> memref<1x1x128xi32, #tpu.memory_space<vmem>>
      %dma_wait3A_512 = tpu.memref_squeeze %dma_wait3A_511 : memref<1x1x128xi32, #tpu.memory_space<vmem>> -> memref<128xi32, #tpu.memory_space<vmem>>
      %dma_wait3A_513 = arith.constant 0 : i32
      %dma_wait3A_514 = arith.constant 0 : i32
      %dma_wait3A_515 = tpu.memref_slice %arg11[%dma_wait3A_513, %dma_wait3A_514] : memref<10240x128xf32, #tpu.memory_space<vmem_shared>> -> memref<10240x128xf32, #tpu.memory_space<vmem_shared>>
      tpu.wait_indirect_dma semaphore(%arg14 : memref<!tpu.dma_semaphore, #tpu.memory_space<semaphore_mem>>) src(%dma_wait3A_509 : memref<128x128xf32, #tpu.memory_space<vmem>>) dst(%dma_wait3A_515 : memref<10240x128xf32, #tpu.memory_space<vmem_shared>>)
      %dma_start3A_516 = arith.constant 2 : i32
      %dma_start3A_517 = arith.constant 0 : i32
      %dma_start3A_518 = arith.constant 0 : i32
      %dma_start3A_519 = arith.constant 0 : i32
      %dma_start3A_520 = tpu.memref_slice %arg10[%dma_start3A_517, %dma_start3A_518, %dma_start3A_519] : memref<2x128x128xf32, #tpu.memory_space<vmem>> -> memref<1x128x128xf32, #tpu.memory_space<vmem>>
      %dma_start3A_521 = tpu.memref_squeeze %dma_start3A_520 : memref<1x128x128xf32, #tpu.memory_space<vmem>> -> memref<128x128xf32, #tpu.memory_space<vmem>>
      %dma_start3A_522 = arith.constant 0 : i32
      %dma_start3A_523 = tpu.memref_slice %arg8[%rem3A_456, %dma_start3A_516, %dma_start3A_522] : memref<2x16x128xi32, #tpu.memory_space<vmem>> -> memref<1x1x128xi32, #tpu.memory_space<vmem>>
      %dma_start3A_524 = tpu.memref_squeeze %dma_start3A_523 : memref<1x1x128xi32, #tpu.memory_space<vmem>> -> memref<128xi32, #tpu.memory_space<vmem>>
      %dma_start3A_525 = arith.constant 0 : i32
      %dma_start3A_526 = arith.constant 0 : i32
      %dma_start3A_527 = tpu.memref_slice %arg2[%dma_start3A_525, %dma_start3A_526] : memref<10000x128xf32, #tpu.memory_space<hbm>> -> memref<10000x128xf32, #tpu.memory_space<hbm>>
      tpu.enqueue_indirect_dma source(%dma_start3A_527 : memref<10000x128xf32, #tpu.memory_space<hbm>>) target(%dma_start3A_521 : memref<128x128xf32, #tpu.memory_space<vmem>>) offsets(%dma_start3A_524 : memref<128xi32, #tpu.memory_space<vmem>>) semaphore(%arg12 : memref<!tpu.dma_semaphore, #tpu.memory_space<semaphore_mem>>)
      %dma_wait3A_528 = arith.constant 1 : i32
      %dma_wait3A_529 = arith.constant 1 : i32
      %dma_wait3A_530 = arith.constant 0 : i32
      %dma_wait3A_531 = arith.constant 0 : i32
      %dma_wait3A_532 = tpu.memref_slice %arg10[%dma_wait3A_529, %dma_wait3A_530, %dma_wait3A_531] : memref<2x128x128xf32, #tpu.memory_space<vmem>> -> memref<1x128x128xf32, #tpu.memory_space<vmem>>
      %dma_wait3A_533 = tpu.memref_squeeze %dma_wait3A_532 : memref<1x128x128xf32, #tpu.memory_space<vmem>> -> memref<128x128xf32, #tpu.memory_space<vmem>>
      %dma_wait3A_534 = arith.constant 0 : i32
      %dma_wait3A_535 = tpu.memref_slice %arg8[%rem3A_456, %dma_wait3A_528, %dma_wait3A_534] : memref<2x16x128xi32, #tpu.memory_space<vmem>> -> memref<1x1x128xi32, #tpu.memory_space<vmem>>
      %dma_wait3A_536 = tpu.memref_squeeze %dma_wait3A_535 : memref<1x1x128xi32, #tpu.memory_space<vmem>> -> memref<128xi32, #tpu.memory_space<vmem>>
      %dma_wait3A_537 = arith.constant 0 : i32
      %dma_wait3A_538 = arith.constant 0 : i32
      %dma_wait3A_539 = tpu.memref_slice %arg2[%dma_wait3A_537, %dma_wait3A_538] : memref<10000x128xf32, #tpu.memory_space<hbm>> -> memref<10000x128xf32, #tpu.memory_space<hbm>>
      tpu.wait_indirect_dma semaphore(%arg13 : memref<!tpu.dma_semaphore, #tpu.memory_space<semaphore_mem>>) src(%dma_wait3A_539 : memref<10000x128xf32, #tpu.memory_space<hbm>>) dst(%dma_wait3A_533 : memref<128x128xf32, #tpu.memory_space<vmem>>)
      %dma_start3A_540 = arith.constant 1 : i32
      %dma_start3A_541 = arith.constant 1 : i32
      %dma_start3A_542 = arith.constant 0 : i32
      %dma_start3A_543 = arith.constant 0 : i32
      %dma_start3A_544 = tpu.memref_slice %arg10[%dma_start3A_540, %dma_start3A_542, %dma_start3A_543] : memref<2x128x128xf32, #tpu.memory_space<vmem>> -> memref<1x128x128xf32, #tpu.memory_space<vmem>>
      %dma_start3A_545 = tpu.memref_squeeze %dma_start3A_544 : memref<1x128x128xf32, #tpu.memory_space<vmem>> -> memref<128x128xf32, #tpu.memory_space<vmem>>
      %dma_start3A_546 = arith.constant 0 : i32
      %dma_start3A_547 = tpu.memref_slice %arg9[%rem3A_456, %dma_start3A_541, %dma_start3A_546] : memref<2x16x128xi32, #tpu.memory_space<vmem>> -> memref<1x1x128xi32, #tpu.memory_space<vmem>>
      %dma_start3A_548 = tpu.memref_squeeze %dma_start3A_547 : memref<1x1x128xi32, #tpu.memory_space<vmem>> -> memref<128xi32, #tpu.memory_space<vmem>>
      %dma_start3A_549 = arith.constant 0 : i32
      %dma_start3A_550 = arith.constant 0 : i32
      %dma_start3A_551 = tpu.memref_slice %arg11[%dma_start3A_549, %dma_start3A_550] : memref<10240x128xf32, #tpu.memory_space<vmem_shared>> -> memref<10240x128xf32, #tpu.memory_space<vmem_shared>>
      tpu.enqueue_indirect_dma source(%dma_start3A_545 : memref<128x128xf32, #tpu.memory_space<vmem>>) target(%dma_start3A_551 : memref<10240x128xf32, #tpu.memory_space<vmem_shared>>) offsets(%dma_start3A_548 : memref<128xi32, #tpu.memory_space<vmem>>) semaphore(%arg15 : memref<!tpu.dma_semaphore, #tpu.memory_space<semaphore_mem>>) {add = true}
      %dma_wait3A_552 = arith.constant 1 : i32
      %dma_wait3A_553 = arith.constant 1 : i32
      %dma_wait3A_554 = arith.constant 0 : i32
      %dma_wait3A_555 = arith.constant 0 : i32
      %dma_wait3A_556 = tpu.memref_slice %arg10[%dma_wait3A_552, %dma_wait3A_554, %dma_wait3A_555] : memref<2x128x128xf32, #tpu.memory_space<vmem>> -> memref<1x128x128xf32, #tpu.memory_space<vmem>>
      %dma_wait3A_557 = tpu.memref_squeeze %dma_wait3A_556 : memref<1x128x128xf32, #tpu.memory_space<vmem>> -> memref<128x128xf32, #tpu.memory_space<vmem>>
      %dma_wait3A_558 = arith.constant 0 : i32
      %dma_wait3A_559 = tpu.memref_slice %arg9[%rem3A_456, %dma_wait3A_553, %dma_wait3A_558] : memref<2x16x128xi32, #tpu.memory_space<vmem>> -> memref<1x1x128xi32, #tpu.memory_space<vmem>>
      %dma_wait3A_560 = tpu.memref_squeeze %dma_wait3A_559 : memref<1x1x128xi32, #tpu.memory_space<vmem>> -> memref<128xi32, #tpu.memory_space<vmem>>
      %dma_wait3A_561 = arith.constant 0 : i32
      %dma_wait3A_562 = arith.constant 0 : i32
      %dma_wait3A_563 = tpu.memref_slice %arg11[%dma_wait3A_561, %dma_wait3A_562] : memref<10240x128xf32, #tpu.memory_space<vmem_shared>> -> memref<10240x128xf32, #tpu.memory_space<vmem_shared>>
      tpu.wait_indirect_dma semaphore(%arg15 : memref<!tpu.dma_semaphore, #tpu.memory_space<semaphore_mem>>) src(%dma_wait3A_557 : memref<128x128xf32, #tpu.memory_space<vmem>>) dst(%dma_wait3A_563 : memref<10240x128xf32, #tpu.memory_space<vmem_shared>>)
      %dma_start3A_564 = arith.constant 3 : i32
      %dma_start3A_565 = arith.constant 1 : i32
      %dma_start3A_566 = arith.constant 0 : i32
      %dma_start3A_567 = arith.constant 0 : i32
      %dma_start3A_568 = tpu.memref_slice %arg10[%dma_start3A_565, %dma_start3A_566, %dma_start3A_567] : memref<2x128x128xf32, #tpu.memory_space<vmem>> -> memref<1x128x128xf32, #tpu.memory_space<vmem>>
      %dma_start3A_569 = tpu.memref_squeeze %dma_start3A_568 : memref<1x128x128xf32, #tpu.memory_space<vmem>> -> memref<128x128xf32, #tpu.memory_space<vmem>>
      %dma_start3A_570 = arith.constant 0 : i32
      %dma_start3A_571 = tpu.memref_slice %arg8[%rem3A_456, %dma_start3A_564, %dma_start3A_570] : memref<2x16x128xi32, #tpu.memory_space<vmem>> -> memref<1x1x128xi32, #tpu.memory_space<vmem>>
      %dma_start3A_572 = tpu.memref_squeeze %dma_start3A_571 : memref<1x1x128xi32, #tpu.memory_space<vmem>> -> memref<128xi32, #tpu.memory_space<vmem>>
      %dma_start3A_573 = arith.constant 0 : i32
      %dma_start3A_574 = arith.constant 0 : i32
      %dma_start3A_575 = tpu.memref_slice %arg2[%dma_start3A_573, %dma_start3A_574] : memref<10000x128xf32, #tpu.memory_space<hbm>> -> memref<10000x128xf32, #tpu.memory_space<hbm>>
      tpu.enqueue_indirect_dma source(%dma_start3A_575 : memref<10000x128xf32, #tpu.memory_space<hbm>>) target(%dma_start3A_569 : memref<128x128xf32, #tpu.memory_space<vmem>>) offsets(%dma_start3A_572 : memref<128xi32, #tpu.memory_space<vmem>>) semaphore(%arg13 : memref<!tpu.dma_semaphore, #tpu.memory_space<semaphore_mem>>)
      %dma_wait3A_576 = arith.constant 2 : i32
      %dma_wait3A_577 = arith.constant 0 : i32
      %dma_wait3A_578 = arith.constant 0 : i32
      %dma_wait3A_579 = arith.constant 0 : i32
      %dma_wait3A_580 = tpu.memref_slice %arg10[%dma_wait3A_577, %dma_wait3A_578, %dma_wait3A_579] : memref<2x128x128xf32, #tpu.memory_space<vmem>> -> memref<1x128x128xf32, #tpu.memory_space<vmem>>
      %dma_wait3A_581 = tpu.memref_squeeze %dma_wait3A_580 : memref<1x128x128xf32, #tpu.memory_space<vmem>> -> memref<128x128xf32, #tpu.memory_space<vmem>>
      %dma_wait3A_582 = arith.constant 0 : i32
      %dma_wait3A_583 = tpu.memref_slice %arg8[%rem3A_456, %dma_wait3A_576, %dma_wait3A_582] : memref<2x16x128xi32, #tpu.memory_space<vmem>> -> memref<1x1x128xi32, #tpu.memory_space<vmem>>
      %dma_wait3A_584 = tpu.memref_squeeze %dma_wait3A_583 : memref<1x1x128xi32, #tpu.memory_space<vmem>> -> memref<128xi32, #tpu.memory_space<vmem>>
      %dma_wait3A_585 = arith.constant 0 : i32
      %dma_wait3A_586 = arith.constant 0 : i32
      %dma_wait3A_587 = tpu.memref_slice %arg2[%dma_wait3A_585, %dma_wait3A_586] : memref<10000x128xf32, #tpu.memory_space<hbm>> -> memref<10000x128xf32, #tpu.memory_space<hbm>>
      tpu.wait_indirect_dma semaphore(%arg12 : memref<!tpu.dma_semaphore, #tpu.memory_space<semaphore_mem>>) src(%dma_wait3A_587 : memref<10000x128xf32, #tpu.memory_space<hbm>>) dst(%dma_wait3A_581 : memref<128x128xf32, #tpu.memory_space<vmem>>)
      %dma_start3A_588 = arith.constant 0 : i32
      %dma_start3A_589 = arith.constant 2 : i32
      %dma_start3A_590 = arith.constant 0 : i32
      %dma_start3A_591 = arith.constant 0 : i32
      %dma_start3A_592 = tpu.memref_slice %arg10[%dma_start3A_588, %dma_start3A_590, %dma_start3A_591] : memref<2x128x128xf32, #tpu.memory_space<vmem>> -> memref<1x128x128xf32, #tpu.memory_space<vmem>>
      %dma_start3A_593 = tpu.memref_squeeze %dma_start3A_592 : memref<1x128x128xf32, #tpu.memory_space<vmem>> -> memref<128x128xf32, #tpu.memory_space<vmem>>
      %dma_start3A_594 = arith.constant 0 : i32
      %dma_start3A_595 = tpu.memref_slice %arg9[%rem3A_456, %dma_start3A_589, %dma_start3A_594] : memref<2x16x128xi32, #tpu.memory_space<vmem>> -> memref<1x1x128xi32, #tpu.memory_space<vmem>>
      %dma_start3A_596 = tpu.memref_squeeze %dma_start3A_595 : memref<1x1x128xi32, #tpu.memory_space<vmem>> -> memref<128xi32, #tpu.memory_space<vmem>>
      %dma_start3A_597 = arith.constant 0 : i32
      %dma_start3A_598 = arith.constant 0 : i32
      %dma_start3A_599 = tpu.memref_slice %arg11[%dma_start3A_597, %dma_start3A_598] : memref<10240x128xf32, #tpu.memory_space<vmem_shared>> -> memref<10240x128xf32, #tpu.memory_space<vmem_shared>>
      tpu.enqueue_indirect_dma source(%dma_start3A_593 : memref<128x128xf32, #tpu.memory_space<vmem>>) target(%dma_start3A_599 : memref<10240x128xf32, #tpu.memory_space<vmem_shared>>) offsets(%dma_start3A_596 : memref<128xi32, #tpu.memory_space<vmem>>) semaphore(%arg14 : memref<!tpu.dma_semaphore, #tpu.memory_space<semaphore_mem>>) {add = true}
      %dma_wait3A_600 = arith.constant 0 : i32
      %dma_wait3A_601 = arith.constant 2 : i32
      %dma_wait3A_602 = arith.constant 0 : i32
      %dma_wait3A_603 = arith.constant 0 : i32
      %dma_wait3A_604 = tpu.memref_slice %arg10[%dma_wait3A_600, %dma_wait3A_602, %dma_wait3A_603] : memref<2x128x128xf32, #tpu.memory_space<vmem>> -> memref<1x128x128xf32, #tpu.memory_space<vmem>>
      %dma_wait3A_605 = tpu.memref_squeeze %dma_wait3A_604 : memref<1x128x128xf32, #tpu.memory_space<vmem>> -> memref<128x128xf32, #tpu.memory_space<vmem>>
      %dma_wait3A_606 = arith.constant 0 : i32
      %dma_wait3A_607 = tpu.memref_slice %arg9[%rem3A_456, %dma_wait3A_601, %dma_wait3A_606] : memref<2x16x128xi32, #tpu.memory_space<vmem>> -> memref<1x1x128xi32, #tpu.memory_space<vmem>>
      %dma_wait3A_608 = tpu.memref_squeeze %dma_wait3A_607 : memref<1x1x128xi32, #tpu.memory_space<vmem>> -> memref<128xi32, #tpu.memory_space<vmem>>
      %dma_wait3A_609 = arith.constant 0 : i32
      %dma_wait3A_610 = arith.constant 0 : i32
      %dma_wait3A_611 = tpu.memref_slice %arg11[%dma_wait3A_609, %dma_wait3A_610] : memref<10240x128xf32, #tpu.memory_space<vmem_shared>> -> memref<10240x128xf32, #tpu.memory_space<vmem_shared>>
      tpu.wait_indirect_dma semaphore(%arg14 : memref<!tpu.dma_semaphore, #tpu.memory_space<semaphore_mem>>) src(%dma_wait3A_605 : memref<128x128xf32, #tpu.memory_space<vmem>>) dst(%dma_wait3A_611 : memref<10240x128xf32, #tpu.memory_space<vmem_shared>>)
      %dma_start3A_612 = arith.constant 4 : i32
      %dma_start3A_613 = arith.constant 0 : i32
      %dma_start3A_614 = arith.constant 0 : i32
      %dma_start3A_615 = arith.constant 0 : i32
      %dma_start3A_616 = tpu.memref_slice %arg10[%dma_start3A_613, %dma_start3A_614, %dma_start3A_615] : memref<2x128x128xf32, #tpu.memory_space<vmem>> -> memref<1x128x128xf32, #tpu.memory_space<vmem>>
      %dma_start3A_617 = tpu.memref_squeeze %dma_start3A_616 : memref<1x128x128xf32, #tpu.memory_space<vmem>> -> memref<128x128xf32, #tpu.memory_space<vmem>>
      %dma_start3A_618 = arith.constant 0 : i32
      %dma_start3A_619 = tpu.memref_slice %arg8[%rem3A_456, %dma_start3A_612, %dma_start3A_618] : memref<2x16x128xi32, #tpu.memory_space<vmem>> -> memref<1x1x128xi32, #tpu.memory_space<vmem>>
      %dma_start3A_620 = tpu.memref_squeeze %dma_start3A_619 : memref<1x1x128xi32, #tpu.memory_space<vmem>> -> memref<128xi32, #tpu.memory_space<vmem>>
      %dma_start3A_621 = arith.constant 0 : i32
      %dma_start3A_622 = arith.constant 0 : i32
      %dma_start3A_623 = tpu.memref_slice %arg2[%dma_start3A_621, %dma_start3A_622] : memref<10000x128xf32, #tpu.memory_space<hbm>> -> memref<10000x128xf32, #tpu.memory_space<hbm>>
      tpu.enqueue_indirect_dma source(%dma_start3A_623 : memref<10000x128xf32, #tpu.memory_space<hbm>>) target(%dma_start3A_617 : memref<128x128xf32, #tpu.memory_space<vmem>>) offsets(%dma_start3A_620 : memref<128xi32, #tpu.memory_space<vmem>>) semaphore(%arg12 : memref<!tpu.dma_semaphore, #tpu.memory_space<semaphore_mem>>)
      %dma_wait3A_624 = arith.constant 3 : i32
      %dma_wait3A_625 = arith.constant 1 : i32
      %dma_wait3A_626 = arith.constant 0 : i32
      %dma_wait3A_627 = arith.constant 0 : i32
      %dma_wait3A_628 = tpu.memref_slice %arg10[%dma_wait3A_625, %dma_wait3A_626, %dma_wait3A_627] : memref<2x128x128xf32, #tpu.memory_space<vmem>> -> memref<1x128x128xf32, #tpu.memory_space<vmem>>
      %dma_wait3A_629 = tpu.memref_squeeze %dma_wait3A_628 : memref<1x128x128xf32, #tpu.memory_space<vmem>> -> memref<128x128xf32, #tpu.memory_space<vmem>>
      %dma_wait3A_630 = arith.constant 0 : i32
      %dma_wait3A_631 = tpu.memref_slice %arg8[%rem3A_456, %dma_wait3A_624, %dma_wait3A_630] : memref<2x16x128xi32, #tpu.memory_space<vmem>> -> memref<1x1x128xi32, #tpu.memory_space<vmem>>
      %dma_wait3A_632 = tpu.memref_squeeze %dma_wait3A_631 : memref<1x1x128xi32, #tpu.memory_space<vmem>> -> memref<128xi32, #tpu.memory_space<vmem>>
      %dma_wait3A_633 = arith.constant 0 : i32
      %dma_wait3A_634 = arith.constant 0 : i32
      %dma_wait3A_635 = tpu.memref_slice %arg2[%dma_wait3A_633, %dma_wait3A_634] : memref<10000x128xf32, #tpu.memory_space<hbm>> -> memref<10000x128xf32, #tpu.memory_space<hbm>>
      tpu.wait_indirect_dma semaphore(%arg13 : memref<!tpu.dma_semaphore, #tpu.memory_space<semaphore_mem>>) src(%dma_wait3A_635 : memref<10000x128xf32, #tpu.memory_space<hbm>>) dst(%dma_wait3A_629 : memref<128x128xf32, #tpu.memory_space<vmem>>)
      %dma_start3A_636 = arith.constant 1 : i32
      %dma_start3A_637 = arith.constant 3 : i32
      %dma_start3A_638 = arith.constant 0 : i32
      %dma_start3A_639 = arith.constant 0 : i32
      %dma_start3A_640 = tpu.memref_slice %arg10[%dma_start3A_636, %dma_start3A_638, %dma_start3A_639] : memref<2x128x128xf32, #tpu.memory_space<vmem>> -> memref<1x128x128xf32, #tpu.memory_space<vmem>>
      %dma_start3A_641 = tpu.memref_squeeze %dma_start3A_640 : memref<1x128x128xf32, #tpu.memory_space<vmem>> -> memref<128x128xf32, #tpu.memory_space<vmem>>
      %dma_start3A_642 = arith.constant 0 : i32
      %dma_start3A_643 = tpu.memref_slice %arg9[%rem3A_456, %dma_start3A_637, %dma_start3A_642] : memref<2x16x128xi32, #tpu.memory_space<vmem>> -> memref<1x1x128xi32, #tpu.memory_space<vmem>>
      %dma_start3A_644 = tpu.memref_squeeze %dma_start3A_643 : memref<1x1x128xi32, #tpu.memory_space<vmem>> -> memref<128xi32, #tpu.memory_space<vmem>>
      %dma_start3A_645 = arith.constant 0 : i32
      %dma_start3A_646 = arith.constant 0 : i32
      %dma_start3A_647 = tpu.memref_slice %arg11[%dma_start3A_645, %dma_start3A_646] : memref<10240x128xf32, #tpu.memory_space<vmem_shared>> -> memref<10240x128xf32, #tpu.memory_space<vmem_shared>>
      tpu.enqueue_indirect_dma source(%dma_start3A_641 : memref<128x128xf32, #tpu.memory_space<vmem>>) target(%dma_start3A_647 : memref<10240x128xf32, #tpu.memory_space<vmem_shared>>) offsets(%dma_start3A_644 : memref<128xi32, #tpu.memory_space<vmem>>) semaphore(%arg15 : memref<!tpu.dma_semaphore, #tpu.memory_space<semaphore_mem>>) {add = true}
      %dma_wait3A_648 = arith.constant 1 : i32
      %dma_wait3A_649 = arith.constant 3 : i32
      %dma_wait3A_650 = arith.constant 0 : i32
      %dma_wait3A_651 = arith.constant 0 : i32
      %dma_wait3A_652 = tpu.memref_slice %arg10[%dma_wait3A_648, %dma_wait3A_650, %dma_wait3A_651] : memref<2x128x128xf32, #tpu.memory_space<vmem>> -> memref<1x128x128xf32, #tpu.memory_space<vmem>>
      %dma_wait3A_653 = tpu.memref_squeeze %dma_wait3A_652 : memref<1x128x128xf32, #tpu.memory_space<vmem>> -> memref<128x128xf32, #tpu.memory_space<vmem>>
      %dma_wait3A_654 = arith.constant 0 : i32
      %dma_wait3A_655 = tpu.memref_slice %arg9[%rem3A_456, %dma_wait3A_649, %dma_wait3A_654] : memref<2x16x128xi32, #tpu.memory_space<vmem>> -> memref<1x1x128xi32, #tpu.memory_space<vmem>>
      %dma_wait3A_656 = tpu.memref_squeeze %dma_wait3A_655 : memref<1x1x128xi32, #tpu.memory_space<vmem>> -> memref<128xi32, #tpu.memory_space<vmem>>
      %dma_wait3A_657 = arith.constant 0 : i32
      %dma_wait3A_658 = arith.constant 0 : i32
      %dma_wait3A_659 = tpu.memref_slice %arg11[%dma_wait3A_657, %dma_wait3A_658] : memref<10240x128xf32, #tpu.memory_space<vmem_shared>> -> memref<10240x128xf32, #tpu.memory_space<vmem_shared>>
      tpu.wait_indirect_dma semaphore(%arg15 : memref<!tpu.dma_semaphore, #tpu.memory_space<semaphore_mem>>) src(%dma_wait3A_653 : memref<128x128xf32, #tpu.memory_space<vmem>>) dst(%dma_wait3A_659 : memref<10240x128xf32, #tpu.memory_space<vmem_shared>>)
      %dma_start3A_660 = arith.constant 5 : i32
      %dma_start3A_661 = arith.constant 1 : i32
      %dma_start3A_662 = arith.constant 0 : i32
      %dma_start3A_663 = arith.constant 0 : i32
      %dma_start3A_664 = tpu.memref_slice %arg10[%dma_start3A_661, %dma_start3A_662, %dma_start3A_663] : memref<2x128x128xf32, #tpu.memory_space<vmem>> -> memref<1x128x128xf32, #tpu.memory_space<vmem>>
      %dma_start3A_665 = tpu.memref_squeeze %dma_start3A_664 : memref<1x128x128xf32, #tpu.memory_space<vmem>> -> memref<128x128xf32, #tpu.memory_space<vmem>>
      %dma_start3A_666 = arith.constant 0 : i32
      %dma_start3A_667 = tpu.memref_slice %arg8[%rem3A_456, %dma_start3A_660, %dma_start3A_666] : memref<2x16x128xi32, #tpu.memory_space<vmem>> -> memref<1x1x128xi32, #tpu.memory_space<vmem>>
      %dma_start3A_668 = tpu.memref_squeeze %dma_start3A_667 : memref<1x1x128xi32, #tpu.memory_space<vmem>> -> memref<128xi32, #tpu.memory_space<vmem>>
      %dma_start3A_669 = arith.constant 0 : i32
      %dma_start3A_670 = arith.constant 0 : i32
      %dma_start3A_671 = tpu.memref_slice %arg2[%dma_start3A_669, %dma_start3A_670] : memref<10000x128xf32, #tpu.memory_space<hbm>> -> memref<10000x128xf32, #tpu.memory_space<hbm>>
      tpu.enqueue_indirect_dma source(%dma_start3A_671 : memref<10000x128xf32, #tpu.memory_space<hbm>>) target(%dma_start3A_665 : memref<128x128xf32, #tpu.memory_space<vmem>>) offsets(%dma_start3A_668 : memref<128xi32, #tpu.memory_space<vmem>>) semaphore(%arg13 : memref<!tpu.dma_semaphore, #tpu.memory_space<semaphore_mem>>)
      %dma_wait3A_672 = arith.constant 4 : i32
      %dma_wait3A_673 = arith.constant 0 : i32
      %dma_wait3A_674 = arith.constant 0 : i32
      %dma_wait3A_675 = arith.constant 0 : i32
      %dma_wait3A_676 = tpu.memref_slice %arg10[%dma_wait3A_673, %dma_wait3A_674, %dma_wait3A_675] : memref<2x128x128xf32, #tpu.memory_space<vmem>> -> memref<1x128x128xf32, #tpu.memory_space<vmem>>
      %dma_wait3A_677 = tpu.memref_squeeze %dma_wait3A_676 : memref<1x128x128xf32, #tpu.memory_space<vmem>> -> memref<128x128xf32, #tpu.memory_space<vmem>>
      %dma_wait3A_678 = arith.constant 0 : i32
      %dma_wait3A_679 = tpu.memref_slice %arg8[%rem3A_456, %dma_wait3A_672, %dma_wait3A_678] : memref<2x16x128xi32, #tpu.memory_space<vmem>> -> memref<1x1x128xi32, #tpu.memory_space<vmem>>
      %dma_wait3A_680 = tpu.memref_squeeze %dma_wait3A_679 : memref<1x1x128xi32, #tpu.memory_space<vmem>> -> memref<128xi32, #tpu.memory_space<vmem>>
      %dma_wait3A_681 = arith.constant 0 : i32
      %dma_wait3A_682 = arith.constant 0 : i32
      %dma_wait3A_683 = tpu.memref_slice %arg2[%dma_wait3A_681, %dma_wait3A_682] : memref<10000x128xf32, #tpu.memory_space<hbm>> -> memref<10000x128xf32, #tpu.memory_space<hbm>>
      tpu.wait_indirect_dma semaphore(%arg12 : memref<!tpu.dma_semaphore, #tpu.memory_space<semaphore_mem>>) src(%dma_wait3A_683 : memref<10000x128xf32, #tpu.memory_space<hbm>>) dst(%dma_wait3A_677 : memref<128x128xf32, #tpu.memory_space<vmem>>)
      %dma_start3A_684 = arith.constant 0 : i32
      %dma_start3A_685 = arith.constant 4 : i32
      %dma_start3A_686 = arith.constant 0 : i32
      %dma_start3A_687 = arith.constant 0 : i32
      %dma_start3A_688 = tpu.memref_slice %arg10[%dma_start3A_684, %dma_start3A_686, %dma_start3A_687] : memref<2x128x128xf32, #tpu.memory_space<vmem>> -> memref<1x128x128xf32, #tpu.memory_space<vmem>>
      %dma_start3A_689 = tpu.memref_squeeze %dma_start3A_688 : memref<1x128x128xf32, #tpu.memory_space<vmem>> -> memref<128x128xf32, #tpu.memory_space<vmem>>
      %dma_start3A_690 = arith.constant 0 : i32
      %dma_start3A_691 = tpu.memref_slice %arg9[%rem3A_456, %dma_start3A_685, %dma_start3A_690] : memref<2x16x128xi32, #tpu.memory_space<vmem>> -> memref<1x1x128xi32, #tpu.memory_space<vmem>>
      %dma_start3A_692 = tpu.memref_squeeze %dma_start3A_691 : memref<1x1x128xi32, #tpu.memory_space<vmem>> -> memref<128xi32, #tpu.memory_space<vmem>>
      %dma_start3A_693 = arith.constant 0 : i32
      %dma_start3A_694 = arith.constant 0 : i32
      %dma_start3A_695 = tpu.memref_slice %arg11[%dma_start3A_693, %dma_start3A_694] : memref<10240x128xf32, #tpu.memory_space<vmem_shared>> -> memref<10240x128xf32, #tpu.memory_space<vmem_shared>>
      tpu.enqueue_indirect_dma source(%dma_start3A_689 : memref<128x128xf32, #tpu.memory_space<vmem>>) target(%dma_start3A_695 : memref<10240x128xf32, #tpu.memory_space<vmem_shared>>) offsets(%dma_start3A_692 : memref<128xi32, #tpu.memory_space<vmem>>) semaphore(%arg14 : memref<!tpu.dma_semaphore, #tpu.memory_space<semaphore_mem>>) {add = true}
      %dma_wait3A_696 = arith.constant 0 : i32
      %dma_wait3A_697 = arith.constant 4 : i32
      %dma_wait3A_698 = arith.constant 0 : i32
      %dma_wait3A_699 = arith.constant 0 : i32
      %dma_wait3A_700 = tpu.memref_slice %arg10[%dma_wait3A_696, %dma_wait3A_698, %dma_wait3A_699] : memref<2x128x128xf32, #tpu.memory_space<vmem>> -> memref<1x128x128xf32, #tpu.memory_space<vmem>>
      %dma_wait3A_701 = tpu.memref_squeeze %dma_wait3A_700 : memref<1x128x128xf32, #tpu.memory_space<vmem>> -> memref<128x128xf32, #tpu.memory_space<vmem>>
      %dma_wait3A_702 = arith.constant 0 : i32
      %dma_wait3A_703 = tpu.memref_slice %arg9[%rem3A_456, %dma_wait3A_697, %dma_wait3A_702] : memref<2x16x128xi32, #tpu.memory_space<vmem>> -> memref<1x1x128xi32, #tpu.memory_space<vmem>>
      %dma_wait3A_704 = tpu.memref_squeeze %dma_wait3A_703 : memref<1x1x128xi32, #tpu.memory_space<vmem>> -> memref<128xi32, #tpu.memory_space<vmem>>
      %dma_wait3A_705 = arith.constant 0 : i32
      %dma_wait3A_706 = arith.constant 0 : i32
      %dma_wait3A_707 = tpu.memref_slice %arg11[%dma_wait3A_705, %dma_wait3A_706] : memref<10240x128xf32, #tpu.memory_space<vmem_shared>> -> memref<10240x128xf32, #tpu.memory_space<vmem_shared>>
      tpu.wait_indirect_dma semaphore(%arg14 : memref<!tpu.dma_semaphore, #tpu.memory_space<semaphore_mem>>) src(%dma_wait3A_701 : memref<128x128xf32, #tpu.memory_space<vmem>>) dst(%dma_wait3A_707 : memref<10240x128xf32, #tpu.memory_space<vmem_shared>>)
      %dma_start3A_708 = arith.constant 6 : i32
      %dma_start3A_709 = arith.constant 0 : i32
      %dma_start3A_710 = arith.constant 0 : i32
      %dma_start3A_711 = arith.constant 0 : i32
      %dma_start3A_712 = tpu.memref_slice %arg10[%dma_start3A_709, %dma_start3A_710, %dma_start3A_711] : memref<2x128x128xf32, #tpu.memory_space<vmem>> -> memref<1x128x128xf32, #tpu.memory_space<vmem>>
      %dma_start3A_713 = tpu.memref_squeeze %dma_start3A_712 : memref<1x128x128xf32, #tpu.memory_space<vmem>> -> memref<128x128xf32, #tpu.memory_space<vmem>>
      %dma_start3A_714 = arith.constant 0 : i32
      %dma_start3A_715 = tpu.memref_slice %arg8[%rem3A_456, %dma_start3A_708, %dma_start3A_714] : memref<2x16x128xi32, #tpu.memory_space<vmem>> -> memref<1x1x128xi32, #tpu.memory_space<vmem>>
      %dma_start3A_716 = tpu.memref_squeeze %dma_start3A_715 : memref<1x1x128xi32, #tpu.memory_space<vmem>> -> memref<128xi32, #tpu.memory_space<vmem>>
      %dma_start3A_717 = arith.constant 0 : i32
      %dma_start3A_718 = arith.constant 0 : i32
      %dma_start3A_719 = tpu.memref_slice %arg2[%dma_start3A_717, %dma_start3A_718] : memref<10000x128xf32, #tpu.memory_space<hbm>> -> memref<10000x128xf32, #tpu.memory_space<hbm>>
      tpu.enqueue_indirect_dma source(%dma_start3A_719 : memref<10000x128xf32, #tpu.memory_space<hbm>>) target(%dma_start3A_713 : memref<128x128xf32, #tpu.memory_space<vmem>>) offsets(%dma_start3A_716 : memref<128xi32, #tpu.memory_space<vmem>>) semaphore(%arg12 : memref<!tpu.dma_semaphore, #tpu.memory_space<semaphore_mem>>)
      %dma_wait3A_720 = arith.constant 5 : i32
      %dma_wait3A_721 = arith.constant 1 : i32
      %dma_wait3A_722 = arith.constant 0 : i32
      %dma_wait3A_723 = arith.constant 0 : i32
      %dma_wait3A_724 = tpu.memref_slice %arg10[%dma_wait3A_721, %dma_wait3A_722, %dma_wait3A_723] : memref<2x128x128xf32, #tpu.memory_space<vmem>> -> memref<1x128x128xf32, #tpu.memory_space<vmem>>
      %dma_wait3A_725 = tpu.memref_squeeze %dma_wait3A_724 : memref<1x128x128xf32, #tpu.memory_space<vmem>> -> memref<128x128xf32, #tpu.memory_space<vmem>>
      %dma_wait3A_726 = arith.constant 0 : i32
      %dma_wait3A_727 = tpu.memref_slice %arg8[%rem3A_456, %dma_wait3A_720, %dma_wait3A_726] : memref<2x16x128xi32, #tpu.memory_space<vmem>> -> memref<1x1x128xi32, #tpu.memory_space<vmem>>
      %dma_wait3A_728 = tpu.memref_squeeze %dma_wait3A_727 : memref<1x1x128xi32, #tpu.memory_space<vmem>> -> memref<128xi32, #tpu.memory_space<vmem>>
      %dma_wait3A_729 = arith.constant 0 : i32
      %dma_wait3A_730 = arith.constant 0 : i32
      %dma_wait3A_731 = tpu.memref_slice %arg2[%dma_wait3A_729, %dma_wait3A_730] : memref<10000x128xf32, #tpu.memory_space<hbm>> -> memref<10000x128xf32, #tpu.memory_space<hbm>>
      tpu.wait_indirect_dma semaphore(%arg13 : memref<!tpu.dma_semaphore, #tpu.memory_space<semaphore_mem>>) src(%dma_wait3A_731 : memref<10000x128xf32, #tpu.memory_space<hbm>>) dst(%dma_wait3A_725 : memref<128x128xf32, #tpu.memory_space<vmem>>)
      %dma_start3A_732 = arith.constant 1 : i32
      %dma_start3A_733 = arith.constant 5 : i32
      %dma_start3A_734 = arith.constant 0 : i32
      %dma_start3A_735 = arith.constant 0 : i32
      %dma_start3A_736 = tpu.memref_slice %arg10[%dma_start3A_732, %dma_start3A_734, %dma_start3A_735] : memref<2x128x128xf32, #tpu.memory_space<vmem>> -> memref<1x128x128xf32, #tpu.memory_space<vmem>>
      %dma_start3A_737 = tpu.memref_squeeze %dma_start3A_736 : memref<1x128x128xf32, #tpu.memory_space<vmem>> -> memref<128x128xf32, #tpu.memory_space<vmem>>
      %dma_start3A_738 = arith.constant 0 : i32
      %dma_start3A_739 = tpu.memref_slice %arg9[%rem3A_456, %dma_start3A_733, %dma_start3A_738] : memref<2x16x128xi32, #tpu.memory_space<vmem>> -> memref<1x1x128xi32, #tpu.memory_space<vmem>>
      %dma_start3A_740 = tpu.memref_squeeze %dma_start3A_739 : memref<1x1x128xi32, #tpu.memory_space<vmem>> -> memref<128xi32, #tpu.memory_space<vmem>>
      %dma_start3A_741 = arith.constant 0 : i32
      %dma_start3A_742 = arith.constant 0 : i32
      %dma_start3A_743 = tpu.memref_slice %arg11[%dma_start3A_741, %dma_start3A_742] : memref<10240x128xf32, #tpu.memory_space<vmem_shared>> -> memref<10240x128xf32, #tpu.memory_space<vmem_shared>>
      tpu.enqueue_indirect_dma source(%dma_start3A_737 : memref<128x128xf32, #tpu.memory_space<vmem>>) target(%dma_start3A_743 : memref<10240x128xf32, #tpu.memory_space<vmem_shared>>) offsets(%dma_start3A_740 : memref<128xi32, #tpu.memory_space<vmem>>) semaphore(%arg15 : memref<!tpu.dma_semaphore, #tpu.memory_space<semaphore_mem>>) {add = true}
      %dma_wait3A_744 = arith.constant 1 : i32
      %dma_wait3A_745 = arith.constant 5 : i32
      %dma_wait3A_746 = arith.constant 0 : i32
      %dma_wait3A_747 = arith.constant 0 : i32
      %dma_wait3A_748 = tpu.memref_slice %arg10[%dma_wait3A_744, %dma_wait3A_746, %dma_wait3A_747] : memref<2x128x128xf32, #tpu.memory_space<vmem>> -> memref<1x128x128xf32, #tpu.memory_space<vmem>>
      %dma_wait3A_749 = tpu.memref_squeeze %dma_wait3A_748 : memref<1x128x128xf32, #tpu.memory_space<vmem>> -> memref<128x128xf32, #tpu.memory_space<vmem>>
      %dma_wait3A_750 = arith.constant 0 : i32
      %dma_wait3A_751 = tpu.memref_slice %arg9[%rem3A_456, %dma_wait3A_745, %dma_wait3A_750] : memref<2x16x128xi32, #tpu.memory_space<vmem>> -> memref<1x1x128xi32, #tpu.memory_space<vmem>>
      %dma_wait3A_752 = tpu.memref_squeeze %dma_wait3A_751 : memref<1x1x128xi32, #tpu.memory_space<vmem>> -> memref<128xi32, #tpu.memory_space<vmem>>
      %dma_wait3A_753 = arith.constant 0 : i32
      %dma_wait3A_754 = arith.constant 0 : i32
      %dma_wait3A_755 = tpu.memref_slice %arg11[%dma_wait3A_753, %dma_wait3A_754] : memref<10240x128xf32, #tpu.memory_space<vmem_shared>> -> memref<10240x128xf32, #tpu.memory_space<vmem_shared>>
      tpu.wait_indirect_dma semaphore(%arg15 : memref<!tpu.dma_semaphore, #tpu.memory_space<semaphore_mem>>) src(%dma_wait3A_749 : memref<128x128xf32, #tpu.memory_space<vmem>>) dst(%dma_wait3A_755 : memref<10240x128xf32, #tpu.memory_space<vmem_shared>>)
      %dma_start3A_756 = arith.constant 7 : i32
      %dma_start3A_757 = arith.constant 1 : i32
      %dma_start3A_758 = arith.constant 0 : i32
      %dma_start3A_759 = arith.constant 0 : i32
      %dma_start3A_760 = tpu.memref_slice %arg10[%dma_start3A_757, %dma_start3A_758, %dma_start3A_759] : memref<2x128x128xf32, #tpu.memory_space<vmem>> -> memref<1x128x128xf32, #tpu.memory_space<vmem>>
      %dma_start3A_761 = tpu.memref_squeeze %dma_start3A_760 : memref<1x128x128xf32, #tpu.memory_space<vmem>> -> memref<128x128xf32, #tpu.memory_space<vmem>>
      %dma_start3A_762 = arith.constant 0 : i32
      %dma_start3A_763 = tpu.memref_slice %arg8[%rem3A_456, %dma_start3A_756, %dma_start3A_762] : memref<2x16x128xi32, #tpu.memory_space<vmem>> -> memref<1x1x128xi32, #tpu.memory_space<vmem>>
      %dma_start3A_764 = tpu.memref_squeeze %dma_start3A_763 : memref<1x1x128xi32, #tpu.memory_space<vmem>> -> memref<128xi32, #tpu.memory_space<vmem>>
      %dma_start3A_765 = arith.constant 0 : i32
      %dma_start3A_766 = arith.constant 0 : i32
      %dma_start3A_767 = tpu.memref_slice %arg2[%dma_start3A_765, %dma_start3A_766] : memref<10000x128xf32, #tpu.memory_space<hbm>> -> memref<10000x128xf32, #tpu.memory_space<hbm>>
      tpu.enqueue_indirect_dma source(%dma_start3A_767 : memref<10000x128xf32, #tpu.memory_space<hbm>>) target(%dma_start3A_761 : memref<128x128xf32, #tpu.memory_space<vmem>>) offsets(%dma_start3A_764 : memref<128xi32, #tpu.memory_space<vmem>>) semaphore(%arg13 : memref<!tpu.dma_semaphore, #tpu.memory_space<semaphore_mem>>)
      %dma_wait3A_768 = arith.constant 6 : i32
      %dma_wait3A_769 = arith.constant 0 : i32
      %dma_wait3A_770 = arith.constant 0 : i32
      %dma_wait3A_771 = arith.constant 0 : i32
      %dma_wait3A_772 = tpu.memref_slice %arg10[%dma_wait3A_769, %dma_wait3A_770, %dma_wait3A_771] : memref<2x128x128xf32, #tpu.memory_space<vmem>> -> memref<1x128x128xf32, #tpu.memory_space<vmem>>
      %dma_wait3A_773 = tpu.memref_squeeze %dma_wait3A_772 : memref<1x128x128xf32, #tpu.memory_space<vmem>> -> memref<128x128xf32, #tpu.memory_space<vmem>>
      %dma_wait3A_774 = arith.constant 0 : i32
      %dma_wait3A_775 = tpu.memref_slice %arg8[%rem3A_456, %dma_wait3A_768, %dma_wait3A_774] : memref<2x16x128xi32, #tpu.memory_space<vmem>> -> memref<1x1x128xi32, #tpu.memory_space<vmem>>
      %dma_wait3A_776 = tpu.memref_squeeze %dma_wait3A_775 : memref<1x1x128xi32, #tpu.memory_space<vmem>> -> memref<128xi32, #tpu.memory_space<vmem>>
      %dma_wait3A_777 = arith.constant 0 : i32
      %dma_wait3A_778 = arith.constant 0 : i32
      %dma_wait3A_779 = tpu.memref_slice %arg2[%dma_wait3A_777, %dma_wait3A_778] : memref<10000x128xf32, #tpu.memory_space<hbm>> -> memref<10000x128xf32, #tpu.memory_space<hbm>>
      tpu.wait_indirect_dma semaphore(%arg12 : memref<!tpu.dma_semaphore, #tpu.memory_space<semaphore_mem>>) src(%dma_wait3A_779 : memref<10000x128xf32, #tpu.memory_space<hbm>>) dst(%dma_wait3A_773 : memref<128x128xf32, #tpu.memory_space<vmem>>)
      %dma_start3A_780 = arith.constant 0 : i32
      %dma_start3A_781 = arith.constant 6 : i32
      %dma_start3A_782 = arith.constant 0 : i32
      %dma_start3A_783 = arith.constant 0 : i32
      %dma_start3A_784 = tpu.memref_slice %arg10[%dma_start3A_780, %dma_start3A_782, %dma_start3A_783] : memref<2x128x128xf32, #tpu.memory_space<vmem>> -> memref<1x128x128xf32, #tpu.memory_space<vmem>>
      %dma_start3A_785 = tpu.memref_squeeze %dma_start3A_784 : memref<1x128x128xf32, #tpu.memory_space<vmem>> -> memref<128x128xf32, #tpu.memory_space<vmem>>
      %dma_start3A_786 = arith.constant 0 : i32
      %dma_start3A_787 = tpu.memref_slice %arg9[%rem3A_456, %dma_start3A_781, %dma_start3A_786] : memref<2x16x128xi32, #tpu.memory_space<vmem>> -> memref<1x1x128xi32, #tpu.memory_space<vmem>>
      %dma_start3A_788 = tpu.memref_squeeze %dma_start3A_787 : memref<1x1x128xi32, #tpu.memory_space<vmem>> -> memref<128xi32, #tpu.memory_space<vmem>>
      %dma_start3A_789 = arith.constant 0 : i32
      %dma_start3A_790 = arith.constant 0 : i32
      %dma_start3A_791 = tpu.memref_slice %arg11[%dma_start3A_789, %dma_start3A_790] : memref<10240x128xf32, #tpu.memory_space<vmem_shared>> -> memref<10240x128xf32, #tpu.memory_space<vmem_shared>>
      tpu.enqueue_indirect_dma source(%dma_start3A_785 : memref<128x128xf32, #tpu.memory_space<vmem>>) target(%dma_start3A_791 : memref<10240x128xf32, #tpu.memory_space<vmem_shared>>) offsets(%dma_start3A_788 : memref<128xi32, #tpu.memory_space<vmem>>) semaphore(%arg14 : memref<!tpu.dma_semaphore, #tpu.memory_space<semaphore_mem>>) {add = true}
      %dma_wait3A_792 = arith.constant 0 : i32
      %dma_wait3A_793 = arith.constant 6 : i32
      %dma_wait3A_794 = arith.constant 0 : i32
      %dma_wait3A_795 = arith.constant 0 : i32
      %dma_wait3A_796 = tpu.memref_slice %arg10[%dma_wait3A_792, %dma_wait3A_794, %dma_wait3A_795] : memref<2x128x128xf32, #tpu.memory_space<vmem>> -> memref<1x128x128xf32, #tpu.memory_space<vmem>>
      %dma_wait3A_797 = tpu.memref_squeeze %dma_wait3A_796 : memref<1x128x128xf32, #tpu.memory_space<vmem>> -> memref<128x128xf32, #tpu.memory_space<vmem>>
      %dma_wait3A_798 = arith.constant 0 : i32
      %dma_wait3A_799 = tpu.memref_slice %arg9[%rem3A_456, %dma_wait3A_793, %dma_wait3A_798] : memref<2x16x128xi32, #tpu.memory_space<vmem>> -> memref<1x1x128xi32, #tpu.memory_space<vmem>>
      %dma_wait3A_800 = tpu.memref_squeeze %dma_wait3A_799 : memref<1x1x128xi32, #tpu.memory_space<vmem>> -> memref<128xi32, #tpu.memory_space<vmem>>
      %dma_wait3A_801 = arith.constant 0 : i32
      %dma_wait3A_802 = arith.constant 0 : i32
      %dma_wait3A_803 = tpu.memref_slice %arg11[%dma_wait3A_801, %dma_wait3A_802] : memref<10240x128xf32, #tpu.memory_space<vmem_shared>> -> memref<10240x128xf32, #tpu.memory_space<vmem_shared>>
      tpu.wait_indirect_dma semaphore(%arg14 : memref<!tpu.dma_semaphore, #tpu.memory_space<semaphore_mem>>) src(%dma_wait3A_797 : memref<128x128xf32, #tpu.memory_space<vmem>>) dst(%dma_wait3A_803 : memref<10240x128xf32, #tpu.memory_space<vmem_shared>>)
      %dma_start3A_804 = arith.constant 8 : i32
      %dma_start3A_805 = arith.constant 0 : i32
      %dma_start3A_806 = arith.constant 0 : i32
      %dma_start3A_807 = arith.constant 0 : i32
      %dma_start3A_808 = tpu.memref_slice %arg10[%dma_start3A_805, %dma_start3A_806, %dma_start3A_807] : memref<2x128x128xf32, #tpu.memory_space<vmem>> -> memref<1x128x128xf32, #tpu.memory_space<vmem>>
      %dma_start3A_809 = tpu.memref_squeeze %dma_start3A_808 : memref<1x128x128xf32, #tpu.memory_space<vmem>> -> memref<128x128xf32, #tpu.memory_space<vmem>>
      %dma_start3A_810 = arith.constant 0 : i32
      %dma_start3A_811 = tpu.memref_slice %arg8[%rem3A_456, %dma_start3A_804, %dma_start3A_810] : memref<2x16x128xi32, #tpu.memory_space<vmem>> -> memref<1x1x128xi32, #tpu.memory_space<vmem>>
      %dma_start3A_812 = tpu.memref_squeeze %dma_start3A_811 : memref<1x1x128xi32, #tpu.memory_space<vmem>> -> memref<128xi32, #tpu.memory_space<vmem>>
      %dma_start3A_813 = arith.constant 0 : i32
      %dma_start3A_814 = arith.constant 0 : i32
      %dma_start3A_815 = tpu.memref_slice %arg2[%dma_start3A_813, %dma_start3A_814] : memref<10000x128xf32, #tpu.memory_space<hbm>> -> memref<10000x128xf32, #tpu.memory_space<hbm>>
      tpu.enqueue_indirect_dma source(%dma_start3A_815 : memref<10000x128xf32, #tpu.memory_space<hbm>>) target(%dma_start3A_809 : memref<128x128xf32, #tpu.memory_space<vmem>>) offsets(%dma_start3A_812 : memref<128xi32, #tpu.memory_space<vmem>>) semaphore(%arg12 : memref<!tpu.dma_semaphore, #tpu.memory_space<semaphore_mem>>)
      %dma_wait3A_816 = arith.constant 7 : i32
      %dma_wait3A_817 = arith.constant 1 : i32
      %dma_wait3A_818 = arith.constant 0 : i32
      %dma_wait3A_819 = arith.constant 0 : i32
      %dma_wait3A_820 = tpu.memref_slice %arg10[%dma_wait3A_817, %dma_wait3A_818, %dma_wait3A_819] : memref<2x128x128xf32, #tpu.memory_space<vmem>> -> memref<1x128x128xf32, #tpu.memory_space<vmem>>
      %dma_wait3A_821 = tpu.memref_squeeze %dma_wait3A_820 : memref<1x128x128xf32, #tpu.memory_space<vmem>> -> memref<128x128xf32, #tpu.memory_space<vmem>>
      %dma_wait3A_822 = arith.constant 0 : i32
      %dma_wait3A_823 = tpu.memref_slice %arg8[%rem3A_456, %dma_wait3A_816, %dma_wait3A_822] : memref<2x16x128xi32, #tpu.memory_space<vmem>> -> memref<1x1x128xi32, #tpu.memory_space<vmem>>
      %dma_wait3A_824 = tpu.memref_squeeze %dma_wait3A_823 : memref<1x1x128xi32, #tpu.memory_space<vmem>> -> memref<128xi32, #tpu.memory_space<vmem>>
      %dma_wait3A_825 = arith.constant 0 : i32
      %dma_wait3A_826 = arith.constant 0 : i32
      %dma_wait3A_827 = tpu.memref_slice %arg2[%dma_wait3A_825, %dma_wait3A_826] : memref<10000x128xf32, #tpu.memory_space<hbm>> -> memref<10000x128xf32, #tpu.memory_space<hbm>>
      tpu.wait_indirect_dma semaphore(%arg13 : memref<!tpu.dma_semaphore, #tpu.memory_space<semaphore_mem>>) src(%dma_wait3A_827 : memref<10000x128xf32, #tpu.memory_space<hbm>>) dst(%dma_wait3A_821 : memref<128x128xf32, #tpu.memory_space<vmem>>)
      %dma_start3A_828 = arith.constant 1 : i32
      %dma_start3A_829 = arith.constant 7 : i32
      %dma_start3A_830 = arith.constant 0 : i32
      %dma_start3A_831 = arith.constant 0 : i32
      %dma_start3A_832 = tpu.memref_slice %arg10[%dma_start3A_828, %dma_start3A_830, %dma_start3A_831] : memref<2x128x128xf32, #tpu.memory_space<vmem>> -> memref<1x128x128xf32, #tpu.memory_space<vmem>>
      %dma_start3A_833 = tpu.memref_squeeze %dma_start3A_832 : memref<1x128x128xf32, #tpu.memory_space<vmem>> -> memref<128x128xf32, #tpu.memory_space<vmem>>
      %dma_start3A_834 = arith.constant 0 : i32
      %dma_start3A_835 = tpu.memref_slice %arg9[%rem3A_456, %dma_start3A_829, %dma_start3A_834] : memref<2x16x128xi32, #tpu.memory_space<vmem>> -> memref<1x1x128xi32, #tpu.memory_space<vmem>>
      %dma_start3A_836 = tpu.memref_squeeze %dma_start3A_835 : memref<1x1x128xi32, #tpu.memory_space<vmem>> -> memref<128xi32, #tpu.memory_space<vmem>>
      %dma_start3A_837 = arith.constant 0 : i32
      %dma_start3A_838 = arith.constant 0 : i32
      %dma_start3A_839 = tpu.memref_slice %arg11[%dma_start3A_837, %dma_start3A_838] : memref<10240x128xf32, #tpu.memory_space<vmem_shared>> -> memref<10240x128xf32, #tpu.memory_space<vmem_shared>>
      tpu.enqueue_indirect_dma source(%dma_start3A_833 : memref<128x128xf32, #tpu.memory_space<vmem>>) target(%dma_start3A_839 : memref<10240x128xf32, #tpu.memory_space<vmem_shared>>) offsets(%dma_start3A_836 : memref<128xi32, #tpu.memory_space<vmem>>) semaphore(%arg15 : memref<!tpu.dma_semaphore, #tpu.memory_space<semaphore_mem>>) {add = true}
      %dma_wait3A_840 = arith.constant 1 : i32
      %dma_wait3A_841 = arith.constant 7 : i32
      %dma_wait3A_842 = arith.constant 0 : i32
      %dma_wait3A_843 = arith.constant 0 : i32
      %dma_wait3A_844 = tpu.memref_slice %arg10[%dma_wait3A_840, %dma_wait3A_842, %dma_wait3A_843] : memref<2x128x128xf32, #tpu.memory_space<vmem>> -> memref<1x128x128xf32, #tpu.memory_space<vmem>>
      %dma_wait3A_845 = tpu.memref_squeeze %dma_wait3A_844 : memref<1x128x128xf32, #tpu.memory_space<vmem>> -> memref<128x128xf32, #tpu.memory_space<vmem>>
      %dma_wait3A_846 = arith.constant 0 : i32
      %dma_wait3A_847 = tpu.memref_slice %arg9[%rem3A_456, %dma_wait3A_841, %dma_wait3A_846] : memref<2x16x128xi32, #tpu.memory_space<vmem>> -> memref<1x1x128xi32, #tpu.memory_space<vmem>>
      %dma_wait3A_848 = tpu.memref_squeeze %dma_wait3A_847 : memref<1x1x128xi32, #tpu.memory_space<vmem>> -> memref<128xi32, #tpu.memory_space<vmem>>
      %dma_wait3A_849 = arith.constant 0 : i32
      %dma_wait3A_850 = arith.constant 0 : i32
      %dma_wait3A_851 = tpu.memref_slice %arg11[%dma_wait3A_849, %dma_wait3A_850] : memref<10240x128xf32, #tpu.memory_space<vmem_shared>> -> memref<10240x128xf32, #tpu.memory_space<vmem_shared>>
      tpu.wait_indirect_dma semaphore(%arg15 : memref<!tpu.dma_semaphore, #tpu.memory_space<semaphore_mem>>) src(%dma_wait3A_845 : memref<128x128xf32, #tpu.memory_space<vmem>>) dst(%dma_wait3A_851 : memref<10240x128xf32, #tpu.memory_space<vmem_shared>>)
      %dma_start3A_852 = arith.constant 9 : i32
      %dma_start3A_853 = arith.constant 1 : i32
      %dma_start3A_854 = arith.constant 0 : i32
      %dma_start3A_855 = arith.constant 0 : i32
      %dma_start3A_856 = tpu.memref_slice %arg10[%dma_start3A_853, %dma_start3A_854, %dma_start3A_855] : memref<2x128x128xf32, #tpu.memory_space<vmem>> -> memref<1x128x128xf32, #tpu.memory_space<vmem>>
      %dma_start3A_857 = tpu.memref_squeeze %dma_start3A_856 : memref<1x128x128xf32, #tpu.memory_space<vmem>> -> memref<128x128xf32, #tpu.memory_space<vmem>>
      %dma_start3A_858 = arith.constant 0 : i32
      %dma_start3A_859 = tpu.memref_slice %arg8[%rem3A_456, %dma_start3A_852, %dma_start3A_858] : memref<2x16x128xi32, #tpu.memory_space<vmem>> -> memref<1x1x128xi32, #tpu.memory_space<vmem>>
      %dma_start3A_860 = tpu.memref_squeeze %dma_start3A_859 : memref<1x1x128xi32, #tpu.memory_space<vmem>> -> memref<128xi32, #tpu.memory_space<vmem>>
      %dma_start3A_861 = arith.constant 0 : i32
      %dma_start3A_862 = arith.constant 0 : i32
      %dma_start3A_863 = tpu.memref_slice %arg2[%dma_start3A_861, %dma_start3A_862] : memref<10000x128xf32, #tpu.memory_space<hbm>> -> memref<10000x128xf32, #tpu.memory_space<hbm>>
      tpu.enqueue_indirect_dma source(%dma_start3A_863 : memref<10000x128xf32, #tpu.memory_space<hbm>>) target(%dma_start3A_857 : memref<128x128xf32, #tpu.memory_space<vmem>>) offsets(%dma_start3A_860 : memref<128xi32, #tpu.memory_space<vmem>>) semaphore(%arg13 : memref<!tpu.dma_semaphore, #tpu.memory_space<semaphore_mem>>)
      %dma_wait3A_864 = arith.constant 8 : i32
      %dma_wait3A_865 = arith.constant 0 : i32
      %dma_wait3A_866 = arith.constant 0 : i32
      %dma_wait3A_867 = arith.constant 0 : i32
      %dma_wait3A_868 = tpu.memref_slice %arg10[%dma_wait3A_865, %dma_wait3A_866, %dma_wait3A_867] : memref<2x128x128xf32, #tpu.memory_space<vmem>> -> memref<1x128x128xf32, #tpu.memory_space<vmem>>
      %dma_wait3A_869 = tpu.memref_squeeze %dma_wait3A_868 : memref<1x128x128xf32, #tpu.memory_space<vmem>> -> memref<128x128xf32, #tpu.memory_space<vmem>>
      %dma_wait3A_870 = arith.constant 0 : i32
      %dma_wait3A_871 = tpu.memref_slice %arg8[%rem3A_456, %dma_wait3A_864, %dma_wait3A_870] : memref<2x16x128xi32, #tpu.memory_space<vmem>> -> memref<1x1x128xi32, #tpu.memory_space<vmem>>
      %dma_wait3A_872 = tpu.memref_squeeze %dma_wait3A_871 : memref<1x1x128xi32, #tpu.memory_space<vmem>> -> memref<128xi32, #tpu.memory_space<vmem>>
      %dma_wait3A_873 = arith.constant 0 : i32
      %dma_wait3A_874 = arith.constant 0 : i32
      %dma_wait3A_875 = tpu.memref_slice %arg2[%dma_wait3A_873, %dma_wait3A_874] : memref<10000x128xf32, #tpu.memory_space<hbm>> -> memref<10000x128xf32, #tpu.memory_space<hbm>>
      tpu.wait_indirect_dma semaphore(%arg12 : memref<!tpu.dma_semaphore, #tpu.memory_space<semaphore_mem>>) src(%dma_wait3A_875 : memref<10000x128xf32, #tpu.memory_space<hbm>>) dst(%dma_wait3A_869 : memref<128x128xf32, #tpu.memory_space<vmem>>)
      %dma_start3A_876 = arith.constant 0 : i32
      %dma_start3A_877 = arith.constant 8 : i32
      %dma_start3A_878 = arith.constant 0 : i32
      %dma_start3A_879 = arith.constant 0 : i32
      %dma_start3A_880 = tpu.memref_slice %arg10[%dma_start3A_876, %dma_start3A_878, %dma_start3A_879] : memref<2x128x128xf32, #tpu.memory_space<vmem>> -> memref<1x128x128xf32, #tpu.memory_space<vmem>>
      %dma_start3A_881 = tpu.memref_squeeze %dma_start3A_880 : memref<1x128x128xf32, #tpu.memory_space<vmem>> -> memref<128x128xf32, #tpu.memory_space<vmem>>
      %dma_start3A_882 = arith.constant 0 : i32
      %dma_start3A_883 = tpu.memref_slice %arg9[%rem3A_456, %dma_start3A_877, %dma_start3A_882] : memref<2x16x128xi32, #tpu.memory_space<vmem>> -> memref<1x1x128xi32, #tpu.memory_space<vmem>>
      %dma_start3A_884 = tpu.memref_squeeze %dma_start3A_883 : memref<1x1x128xi32, #tpu.memory_space<vmem>> -> memref<128xi32, #tpu.memory_space<vmem>>
      %dma_start3A_885 = arith.constant 0 : i32
      %dma_start3A_886 = arith.constant 0 : i32
      %dma_start3A_887 = tpu.memref_slice %arg11[%dma_start3A_885, %dma_start3A_886] : memref<10240x128xf32, #tpu.memory_space<vmem_shared>> -> memref<10240x128xf32, #tpu.memory_space<vmem_shared>>
      tpu.enqueue_indirect_dma source(%dma_start3A_881 : memref<128x128xf32, #tpu.memory_space<vmem>>) target(%dma_start3A_887 : memref<10240x128xf32, #tpu.memory_space<vmem_shared>>) offsets(%dma_start3A_884 : memref<128xi32, #tpu.memory_space<vmem>>) semaphore(%arg14 : memref<!tpu.dma_semaphore, #tpu.memory_space<semaphore_mem>>) {add = true}
      %dma_wait3A_888 = arith.constant 0 : i32
      %dma_wait3A_889 = arith.constant 8 : i32
      %dma_wait3A_890 = arith.constant 0 : i32
      %dma_wait3A_891 = arith.constant 0 : i32
      %dma_wait3A_892 = tpu.memref_slice %arg10[%dma_wait3A_888, %dma_wait3A_890, %dma_wait3A_891] : memref<2x128x128xf32, #tpu.memory_space<vmem>> -> memref<1x128x128xf32, #tpu.memory_space<vmem>>
      %dma_wait3A_893 = tpu.memref_squeeze %dma_wait3A_892 : memref<1x128x128xf32, #tpu.memory_space<vmem>> -> memref<128x128xf32, #tpu.memory_space<vmem>>
      %dma_wait3A_894 = arith.constant 0 : i32
      %dma_wait3A_895 = tpu.memref_slice %arg9[%rem3A_456, %dma_wait3A_889, %dma_wait3A_894] : memref<2x16x128xi32, #tpu.memory_space<vmem>> -> memref<1x1x128xi32, #tpu.memory_space<vmem>>
      %dma_wait3A_896 = tpu.memref_squeeze %dma_wait3A_895 : memref<1x1x128xi32, #tpu.memory_space<vmem>> -> memref<128xi32, #tpu.memory_space<vmem>>
      %dma_wait3A_897 = arith.constant 0 : i32
      %dma_wait3A_898 = arith.constant 0 : i32
      %dma_wait3A_899 = tpu.memref_slice %arg11[%dma_wait3A_897, %dma_wait3A_898] : memref<10240x128xf32, #tpu.memory_space<vmem_shared>> -> memref<10240x128xf32, #tpu.memory_space<vmem_shared>>
      tpu.wait_indirect_dma semaphore(%arg14 : memref<!tpu.dma_semaphore, #tpu.memory_space<semaphore_mem>>) src(%dma_wait3A_893 : memref<128x128xf32, #tpu.memory_space<vmem>>) dst(%dma_wait3A_899 : memref<10240x128xf32, #tpu.memory_space<vmem_shared>>)
      %dma_start3A_900 = arith.constant 10 : i32
      %dma_start3A_901 = arith.constant 0 : i32
      %dma_start3A_902 = arith.constant 0 : i32
      %dma_start3A_903 = arith.constant 0 : i32
      %dma_start3A_904 = tpu.memref_slice %arg10[%dma_start3A_901, %dma_start3A_902, %dma_start3A_903] : memref<2x128x128xf32, #tpu.memory_space<vmem>> -> memref<1x128x128xf32, #tpu.memory_space<vmem>>
      %dma_start3A_905 = tpu.memref_squeeze %dma_start3A_904 : memref<1x128x128xf32, #tpu.memory_space<vmem>> -> memref<128x128xf32, #tpu.memory_space<vmem>>
      %dma_start3A_906 = arith.constant 0 : i32
      %dma_start3A_907 = tpu.memref_slice %arg8[%rem3A_456, %dma_start3A_900, %dma_start3A_906] : memref<2x16x128xi32, #tpu.memory_space<vmem>> -> memref<1x1x128xi32, #tpu.memory_space<vmem>>
      %dma_start3A_908 = tpu.memref_squeeze %dma_start3A_907 : memref<1x1x128xi32, #tpu.memory_space<vmem>> -> memref<128xi32, #tpu.memory_space<vmem>>
      %dma_start3A_909 = arith.constant 0 : i32
      %dma_start3A_910 = arith.constant 0 : i32
      %dma_start3A_911 = tpu.memref_slice %arg2[%dma_start3A_909, %dma_start3A_910] : memref<10000x128xf32, #tpu.memory_space<hbm>> -> memref<10000x128xf32, #tpu.memory_space<hbm>>
      tpu.enqueue_indirect_dma source(%dma_start3A_911 : memref<10000x128xf32, #tpu.memory_space<hbm>>) target(%dma_start3A_905 : memref<128x128xf32, #tpu.memory_space<vmem>>) offsets(%dma_start3A_908 : memref<128xi32, #tpu.memory_space<vmem>>) semaphore(%arg12 : memref<!tpu.dma_semaphore, #tpu.memory_space<semaphore_mem>>)
      %dma_wait3A_912 = arith.constant 9 : i32
      %dma_wait3A_913 = arith.constant 1 : i32
      %dma_wait3A_914 = arith.constant 0 : i32
      %dma_wait3A_915 = arith.constant 0 : i32
      %dma_wait3A_916 = tpu.memref_slice %arg10[%dma_wait3A_913, %dma_wait3A_914, %dma_wait3A_915] : memref<2x128x128xf32, #tpu.memory_space<vmem>> -> memref<1x128x128xf32, #tpu.memory_space<vmem>>
      %dma_wait3A_917 = tpu.memref_squeeze %dma_wait3A_916 : memref<1x128x128xf32, #tpu.memory_space<vmem>> -> memref<128x128xf32, #tpu.memory_space<vmem>>
      %dma_wait3A_918 = arith.constant 0 : i32
      %dma_wait3A_919 = tpu.memref_slice %arg8[%rem3A_456, %dma_wait3A_912, %dma_wait3A_918] : memref<2x16x128xi32, #tpu.memory_space<vmem>> -> memref<1x1x128xi32, #tpu.memory_space<vmem>>
      %dma_wait3A_920 = tpu.memref_squeeze %dma_wait3A_919 : memref<1x1x128xi32, #tpu.memory_space<vmem>> -> memref<128xi32, #tpu.memory_space<vmem>>
      %dma_wait3A_921 = arith.constant 0 : i32
      %dma_wait3A_922 = arith.constant 0 : i32
      %dma_wait3A_923 = tpu.memref_slice %arg2[%dma_wait3A_921, %dma_wait3A_922] : memref<10000x128xf32, #tpu.memory_space<hbm>> -> memref<10000x128xf32, #tpu.memory_space<hbm>>
      tpu.wait_indirect_dma semaphore(%arg13 : memref<!tpu.dma_semaphore, #tpu.memory_space<semaphore_mem>>) src(%dma_wait3A_923 : memref<10000x128xf32, #tpu.memory_space<hbm>>) dst(%dma_wait3A_917 : memref<128x128xf32, #tpu.memory_space<vmem>>)
      %dma_start3A_924 = arith.constant 1 : i32
      %dma_start3A_925 = arith.constant 9 : i32
      %dma_start3A_926 = arith.constant 0 : i32
      %dma_start3A_927 = arith.constant 0 : i32
      %dma_start3A_928 = tpu.memref_slice %arg10[%dma_start3A_924, %dma_start3A_926, %dma_start3A_927] : memref<2x128x128xf32, #tpu.memory_space<vmem>> -> memref<1x128x128xf32, #tpu.memory_space<vmem>>
      %dma_start3A_929 = tpu.memref_squeeze %dma_start3A_928 : memref<1x128x128xf32, #tpu.memory_space<vmem>> -> memref<128x128xf32, #tpu.memory_space<vmem>>
      %dma_start3A_930 = arith.constant 0 : i32
      %dma_start3A_931 = tpu.memref_slice %arg9[%rem3A_456, %dma_start3A_925, %dma_start3A_930] : memref<2x16x128xi32, #tpu.memory_space<vmem>> -> memref<1x1x128xi32, #tpu.memory_space<vmem>>
      %dma_start3A_932 = tpu.memref_squeeze %dma_start3A_931 : memref<1x1x128xi32, #tpu.memory_space<vmem>> -> memref<128xi32, #tpu.memory_space<vmem>>
      %dma_start3A_933 = arith.constant 0 : i32
      %dma_start3A_934 = arith.constant 0 : i32
      %dma_start3A_935 = tpu.memref_slice %arg11[%dma_start3A_933, %dma_start3A_934] : memref<10240x128xf32, #tpu.memory_space<vmem_shared>> -> memref<10240x128xf32, #tpu.memory_space<vmem_shared>>
      tpu.enqueue_indirect_dma source(%dma_start3A_929 : memref<128x128xf32, #tpu.memory_space<vmem>>) target(%dma_start3A_935 : memref<10240x128xf32, #tpu.memory_space<vmem_shared>>) offsets(%dma_start3A_932 : memref<128xi32, #tpu.memory_space<vmem>>) semaphore(%arg15 : memref<!tpu.dma_semaphore, #tpu.memory_space<semaphore_mem>>) {add = true}
      %dma_wait3A_936 = arith.constant 1 : i32
      %dma_wait3A_937 = arith.constant 9 : i32
      %dma_wait3A_938 = arith.constant 0 : i32
      %dma_wait3A_939 = arith.constant 0 : i32
      %dma_wait3A_940 = tpu.memref_slice %arg10[%dma_wait3A_936, %dma_wait3A_938, %dma_wait3A_939] : memref<2x128x128xf32, #tpu.memory_space<vmem>> -> memref<1x128x128xf32, #tpu.memory_space<vmem>>
      %dma_wait3A_941 = tpu.memref_squeeze %dma_wait3A_940 : memref<1x128x128xf32, #tpu.memory_space<vmem>> -> memref<128x128xf32, #tpu.memory_space<vmem>>
      %dma_wait3A_942 = arith.constant 0 : i32
      %dma_wait3A_943 = tpu.memref_slice %arg9[%rem3A_456, %dma_wait3A_937, %dma_wait3A_942] : memref<2x16x128xi32, #tpu.memory_space<vmem>> -> memref<1x1x128xi32, #tpu.memory_space<vmem>>
      %dma_wait3A_944 = tpu.memref_squeeze %dma_wait3A_943 : memref<1x1x128xi32, #tpu.memory_space<vmem>> -> memref<128xi32, #tpu.memory_space<vmem>>
      %dma_wait3A_945 = arith.constant 0 : i32
      %dma_wait3A_946 = arith.constant 0 : i32
      %dma_wait3A_947 = tpu.memref_slice %arg11[%dma_wait3A_945, %dma_wait3A_946] : memref<10240x128xf32, #tpu.memory_space<vmem_shared>> -> memref<10240x128xf32, #tpu.memory_space<vmem_shared>>
      tpu.wait_indirect_dma semaphore(%arg15 : memref<!tpu.dma_semaphore, #tpu.memory_space<semaphore_mem>>) src(%dma_wait3A_941 : memref<128x128xf32, #tpu.memory_space<vmem>>) dst(%dma_wait3A_947 : memref<10240x128xf32, #tpu.memory_space<vmem_shared>>)
      %dma_start3A_948 = arith.constant 11 : i32
      %dma_start3A_949 = arith.constant 1 : i32
      %dma_start3A_950 = arith.constant 0 : i32
      %dma_start3A_951 = arith.constant 0 : i32
      %dma_start3A_952 = tpu.memref_slice %arg10[%dma_start3A_949, %dma_start3A_950, %dma_start3A_951] : memref<2x128x128xf32, #tpu.memory_space<vmem>> -> memref<1x128x128xf32, #tpu.memory_space<vmem>>
      %dma_start3A_953 = tpu.memref_squeeze %dma_start3A_952 : memref<1x128x128xf32, #tpu.memory_space<vmem>> -> memref<128x128xf32, #tpu.memory_space<vmem>>
      %dma_start3A_954 = arith.constant 0 : i32
      %dma_start3A_955 = tpu.memref_slice %arg8[%rem3A_456, %dma_start3A_948, %dma_start3A_954] : memref<2x16x128xi32, #tpu.memory_space<vmem>> -> memref<1x1x128xi32, #tpu.memory_space<vmem>>
      %dma_start3A_956 = tpu.memref_squeeze %dma_start3A_955 : memref<1x1x128xi32, #tpu.memory_space<vmem>> -> memref<128xi32, #tpu.memory_space<vmem>>
      %dma_start3A_957 = arith.constant 0 : i32
      %dma_start3A_958 = arith.constant 0 : i32
      %dma_start3A_959 = tpu.memref_slice %arg2[%dma_start3A_957, %dma_start3A_958] : memref<10000x128xf32, #tpu.memory_space<hbm>> -> memref<10000x128xf32, #tpu.memory_space<hbm>>
      tpu.enqueue_indirect_dma source(%dma_start3A_959 : memref<10000x128xf32, #tpu.memory_space<hbm>>) target(%dma_start3A_953 : memref<128x128xf32, #tpu.memory_space<vmem>>) offsets(%dma_start3A_956 : memref<128xi32, #tpu.memory_space<vmem>>) semaphore(%arg13 : memref<!tpu.dma_semaphore, #tpu.memory_space<semaphore_mem>>)
      %dma_wait3A_960 = arith.constant 10 : i32
      %dma_wait3A_961 = arith.constant 0 : i32
      %dma_wait3A_962 = arith.constant 0 : i32
      %dma_wait3A_963 = arith.constant 0 : i32
      %dma_wait3A_964 = tpu.memref_slice %arg10[%dma_wait3A_961, %dma_wait3A_962, %dma_wait3A_963] : memref<2x128x128xf32, #tpu.memory_space<vmem>> -> memref<1x128x128xf32, #tpu.memory_space<vmem>>
      %dma_wait3A_965 = tpu.memref_squeeze %dma_wait3A_964 : memref<1x128x128xf32, #tpu.memory_space<vmem>> -> memref<128x128xf32, #tpu.memory_space<vmem>>
      %dma_wait3A_966 = arith.constant 0 : i32
      %dma_wait3A_967 = tpu.memref_slice %arg8[%rem3A_456, %dma_wait3A_960, %dma_wait3A_966] : memref<2x16x128xi32, #tpu.memory_space<vmem>> -> memref<1x1x128xi32, #tpu.memory_space<vmem>>
      %dma_wait3A_968 = tpu.memref_squeeze %dma_wait3A_967 : memref<1x1x128xi32, #tpu.memory_space<vmem>> -> memref<128xi32, #tpu.memory_space<vmem>>
      %dma_wait3A_969 = arith.constant 0 : i32
      %dma_wait3A_970 = arith.constant 0 : i32
      %dma_wait3A_971 = tpu.memref_slice %arg2[%dma_wait3A_969, %dma_wait3A_970] : memref<10000x128xf32, #tpu.memory_space<hbm>> -> memref<10000x128xf32, #tpu.memory_space<hbm>>
      tpu.wait_indirect_dma semaphore(%arg12 : memref<!tpu.dma_semaphore, #tpu.memory_space<semaphore_mem>>) src(%dma_wait3A_971 : memref<10000x128xf32, #tpu.memory_space<hbm>>) dst(%dma_wait3A_965 : memref<128x128xf32, #tpu.memory_space<vmem>>)
      %dma_start3A_972 = arith.constant 0 : i32
      %dma_start3A_973 = arith.constant 10 : i32
      %dma_start3A_974 = arith.constant 0 : i32
      %dma_start3A_975 = arith.constant 0 : i32
      %dma_start3A_976 = tpu.memref_slice %arg10[%dma_start3A_972, %dma_start3A_974, %dma_start3A_975] : memref<2x128x128xf32, #tpu.memory_space<vmem>> -> memref<1x128x128xf32, #tpu.memory_space<vmem>>
      %dma_start3A_977 = tpu.memref_squeeze %dma_start3A_976 : memref<1x128x128xf32, #tpu.memory_space<vmem>> -> memref<128x128xf32, #tpu.memory_space<vmem>>
      %dma_start3A_978 = arith.constant 0 : i32
      %dma_start3A_979 = tpu.memref_slice %arg9[%rem3A_456, %dma_start3A_973, %dma_start3A_978] : memref<2x16x128xi32, #tpu.memory_space<vmem>> -> memref<1x1x128xi32, #tpu.memory_space<vmem>>
      %dma_start3A_980 = tpu.memref_squeeze %dma_start3A_979 : memref<1x1x128xi32, #tpu.memory_space<vmem>> -> memref<128xi32, #tpu.memory_space<vmem>>
      %dma_start3A_981 = arith.constant 0 : i32
      %dma_start3A_982 = arith.constant 0 : i32
      %dma_start3A_983 = tpu.memref_slice %arg11[%dma_start3A_981, %dma_start3A_982] : memref<10240x128xf32, #tpu.memory_space<vmem_shared>> -> memref<10240x128xf32, #tpu.memory_space<vmem_shared>>
      tpu.enqueue_indirect_dma source(%dma_start3A_977 : memref<128x128xf32, #tpu.memory_space<vmem>>) target(%dma_start3A_983 : memref<10240x128xf32, #tpu.memory_space<vmem_shared>>) offsets(%dma_start3A_980 : memref<128xi32, #tpu.memory_space<vmem>>) semaphore(%arg14 : memref<!tpu.dma_semaphore, #tpu.memory_space<semaphore_mem>>) {add = true}
      %dma_wait3A_984 = arith.constant 0 : i32
      %dma_wait3A_985 = arith.constant 10 : i32
      %dma_wait3A_986 = arith.constant 0 : i32
      %dma_wait3A_987 = arith.constant 0 : i32
      %dma_wait3A_988 = tpu.memref_slice %arg10[%dma_wait3A_984, %dma_wait3A_986, %dma_wait3A_987] : memref<2x128x128xf32, #tpu.memory_space<vmem>> -> memref<1x128x128xf32, #tpu.memory_space<vmem>>
      %dma_wait3A_989 = tpu.memref_squeeze %dma_wait3A_988 : memref<1x128x128xf32, #tpu.memory_space<vmem>> -> memref<128x128xf32, #tpu.memory_space<vmem>>
      %dma_wait3A_990 = arith.constant 0 : i32
      %dma_wait3A_991 = tpu.memref_slice %arg9[%rem3A_456, %dma_wait3A_985, %dma_wait3A_990] : memref<2x16x128xi32, #tpu.memory_space<vmem>> -> memref<1x1x128xi32, #tpu.memory_space<vmem>>
      %dma_wait3A_992 = tpu.memref_squeeze %dma_wait3A_991 : memref<1x1x128xi32, #tpu.memory_space<vmem>> -> memref<128xi32, #tpu.memory_space<vmem>>
      %dma_wait3A_993 = arith.constant 0 : i32
      %dma_wait3A_994 = arith.constant 0 : i32
      %dma_wait3A_995 = tpu.memref_slice %arg11[%dma_wait3A_993, %dma_wait3A_994] : memref<10240x128xf32, #tpu.memory_space<vmem_shared>> -> memref<10240x128xf32, #tpu.memory_space<vmem_shared>>
      tpu.wait_indirect_dma semaphore(%arg14 : memref<!tpu.dma_semaphore, #tpu.memory_space<semaphore_mem>>) src(%dma_wait3A_989 : memref<128x128xf32, #tpu.memory_space<vmem>>) dst(%dma_wait3A_995 : memref<10240x128xf32, #tpu.memory_space<vmem_shared>>)
      %dma_start3A_996 = arith.constant 12 : i32
      %dma_start3A_997 = arith.constant 0 : i32
      %dma_start3A_998 = arith.constant 0 : i32
      %dma_start3A_999 = arith.constant 0 : i32
      %dma_start3A_1000 = tpu.memref_slice %arg10[%dma_start3A_997, %dma_start3A_998, %dma_start3A_999] : memref<2x128x128xf32, #tpu.memory_space<vmem>> -> memref<1x128x128xf32, #tpu.memory_space<vmem>>
      %dma_start3A_1001 = tpu.memref_squeeze %dma_start3A_1000 : memref<1x128x128xf32, #tpu.memory_space<vmem>> -> memref<128x128xf32, #tpu.memory_space<vmem>>
      %dma_start3A_1002 = arith.constant 0 : i32
      %dma_start3A_1003 = tpu.memref_slice %arg8[%rem3A_456, %dma_start3A_996, %dma_start3A_1002] : memref<2x16x128xi32, #tpu.memory_space<vmem>> -> memref<1x1x128xi32, #tpu.memory_space<vmem>>
      %dma_start3A_1004 = tpu.memref_squeeze %dma_start3A_1003 : memref<1x1x128xi32, #tpu.memory_space<vmem>> -> memref<128xi32, #tpu.memory_space<vmem>>
      %dma_start3A_1005 = arith.constant 0 : i32
      %dma_start3A_1006 = arith.constant 0 : i32
      %dma_start3A_1007 = tpu.memref_slice %arg2[%dma_start3A_1005, %dma_start3A_1006] : memref<10000x128xf32, #tpu.memory_space<hbm>> -> memref<10000x128xf32, #tpu.memory_space<hbm>>
      tpu.enqueue_indirect_dma source(%dma_start3A_1007 : memref<10000x128xf32, #tpu.memory_space<hbm>>) target(%dma_start3A_1001 : memref<128x128xf32, #tpu.memory_space<vmem>>) offsets(%dma_start3A_1004 : memref<128xi32, #tpu.memory_space<vmem>>) semaphore(%arg12 : memref<!tpu.dma_semaphore, #tpu.memory_space<semaphore_mem>>)
      %dma_wait3A_1008 = arith.constant 11 : i32
      %dma_wait3A_1009 = arith.constant 1 : i32
      %dma_wait3A_1010 = arith.constant 0 : i32
      %dma_wait3A_1011 = arith.constant 0 : i32
      %dma_wait3A_1012 = tpu.memref_slice %arg10[%dma_wait3A_1009, %dma_wait3A_1010, %dma_wait3A_1011] : memref<2x128x128xf32, #tpu.memory_space<vmem>> -> memref<1x128x128xf32, #tpu.memory_space<vmem>>
      %dma_wait3A_1013 = tpu.memref_squeeze %dma_wait3A_1012 : memref<1x128x128xf32, #tpu.memory_space<vmem>> -> memref<128x128xf32, #tpu.memory_space<vmem>>
      %dma_wait3A_1014 = arith.constant 0 : i32
      %dma_wait3A_1015 = tpu.memref_slice %arg8[%rem3A_456, %dma_wait3A_1008, %dma_wait3A_1014] : memref<2x16x128xi32, #tpu.memory_space<vmem>> -> memref<1x1x128xi32, #tpu.memory_space<vmem>>
      %dma_wait3A_1016 = tpu.memref_squeeze %dma_wait3A_1015 : memref<1x1x128xi32, #tpu.memory_space<vmem>> -> memref<128xi32, #tpu.memory_space<vmem>>
      %dma_wait3A_1017 = arith.constant 0 : i32
      %dma_wait3A_1018 = arith.constant 0 : i32
      %dma_wait3A_1019 = tpu.memref_slice %arg2[%dma_wait3A_1017, %dma_wait3A_1018] : memref<10000x128xf32, #tpu.memory_space<hbm>> -> memref<10000x128xf32, #tpu.memory_space<hbm>>
      tpu.wait_indirect_dma semaphore(%arg13 : memref<!tpu.dma_semaphore, #tpu.memory_space<semaphore_mem>>) src(%dma_wait3A_1019 : memref<10000x128xf32, #tpu.memory_space<hbm>>) dst(%dma_wait3A_1013 : memref<128x128xf32, #tpu.memory_space<vmem>>)
      %dma_start3A_1020 = arith.constant 1 : i32
      %dma_start3A_1021 = arith.constant 11 : i32
      %dma_start3A_1022 = arith.constant 0 : i32
      %dma_start3A_1023 = arith.constant 0 : i32
      %dma_start3A_1024 = tpu.memref_slice %arg10[%dma_start3A_1020, %dma_start3A_1022, %dma_start3A_1023] : memref<2x128x128xf32, #tpu.memory_space<vmem>> -> memref<1x128x128xf32, #tpu.memory_space<vmem>>
      %dma_start3A_1025 = tpu.memref_squeeze %dma_start3A_1024 : memref<1x128x128xf32, #tpu.memory_space<vmem>> -> memref<128x128xf32, #tpu.memory_space<vmem>>
      %dma_start3A_1026 = arith.constant 0 : i32
      %dma_start3A_1027 = tpu.memref_slice %arg9[%rem3A_456, %dma_start3A_1021, %dma_start3A_1026] : memref<2x16x128xi32, #tpu.memory_space<vmem>> -> memref<1x1x128xi32, #tpu.memory_space<vmem>>
      %dma_start3A_1028 = tpu.memref_squeeze %dma_start3A_1027 : memref<1x1x128xi32, #tpu.memory_space<vmem>> -> memref<128xi32, #tpu.memory_space<vmem>>
      %dma_start3A_1029 = arith.constant 0 : i32
      %dma_start3A_1030 = arith.constant 0 : i32
      %dma_start3A_1031 = tpu.memref_slice %arg11[%dma_start3A_1029, %dma_start3A_1030] : memref<10240x128xf32, #tpu.memory_space<vmem_shared>> -> memref<10240x128xf32, #tpu.memory_space<vmem_shared>>
      tpu.enqueue_indirect_dma source(%dma_start3A_1025 : memref<128x128xf32, #tpu.memory_space<vmem>>) target(%dma_start3A_1031 : memref<10240x128xf32, #tpu.memory_space<vmem_shared>>) offsets(%dma_start3A_1028 : memref<128xi32, #tpu.memory_space<vmem>>) semaphore(%arg15 : memref<!tpu.dma_semaphore, #tpu.memory_space<semaphore_mem>>) {add = true}
      %dma_wait3A_1032 = arith.constant 1 : i32
      %dma_wait3A_1033 = arith.constant 11 : i32
      %dma_wait3A_1034 = arith.constant 0 : i32
      %dma_wait3A_1035 = arith.constant 0 : i32
      %dma_wait3A_1036 = tpu.memref_slice %arg10[%dma_wait3A_1032, %dma_wait3A_1034, %dma_wait3A_1035] : memref<2x128x128xf32, #tpu.memory_space<vmem>> -> memref<1x128x128xf32, #tpu.memory_space<vmem>>
      %dma_wait3A_1037 = tpu.memref_squeeze %dma_wait3A_1036 : memref<1x128x128xf32, #tpu.memory_space<vmem>> -> memref<128x128xf32, #tpu.memory_space<vmem>>
      %dma_wait3A_1038 = arith.constant 0 : i32
      %dma_wait3A_1039 = tpu.memref_slice %arg9[%rem3A_456, %dma_wait3A_1033, %dma_wait3A_1038] : memref<2x16x128xi32, #tpu.memory_space<vmem>> -> memref<1x1x128xi32, #tpu.memory_space<vmem>>
      %dma_wait3A_1040 = tpu.memref_squeeze %dma_wait3A_1039 : memref<1x1x128xi32, #tpu.memory_space<vmem>> -> memref<128xi32, #tpu.memory_space<vmem>>
      %dma_wait3A_1041 = arith.constant 0 : i32
      %dma_wait3A_1042 = arith.constant 0 : i32
      %dma_wait3A_1043 = tpu.memref_slice %arg11[%dma_wait3A_1041, %dma_wait3A_1042] : memref<10240x128xf32, #tpu.memory_space<vmem_shared>> -> memref<10240x128xf32, #tpu.memory_space<vmem_shared>>
      tpu.wait_indirect_dma semaphore(%arg15 : memref<!tpu.dma_semaphore, #tpu.memory_space<semaphore_mem>>) src(%dma_wait3A_1037 : memref<128x128xf32, #tpu.memory_space<vmem>>) dst(%dma_wait3A_1043 : memref<10240x128xf32, #tpu.memory_space<vmem_shared>>)
      %dma_start3A_1044 = arith.constant 13 : i32
      %dma_start3A_1045 = arith.constant 1 : i32
      %dma_start3A_1046 = arith.constant 0 : i32
      %dma_start3A_1047 = arith.constant 0 : i32
      %dma_start3A_1048 = tpu.memref_slice %arg10[%dma_start3A_1045, %dma_start3A_1046, %dma_start3A_1047] : memref<2x128x128xf32, #tpu.memory_space<vmem>> -> memref<1x128x128xf32, #tpu.memory_space<vmem>>
      %dma_start3A_1049 = tpu.memref_squeeze %dma_start3A_1048 : memref<1x128x128xf32, #tpu.memory_space<vmem>> -> memref<128x128xf32, #tpu.memory_space<vmem>>
      %dma_start3A_1050 = arith.constant 0 : i32
      %dma_start3A_1051 = tpu.memref_slice %arg8[%rem3A_456, %dma_start3A_1044, %dma_start3A_1050] : memref<2x16x128xi32, #tpu.memory_space<vmem>> -> memref<1x1x128xi32, #tpu.memory_space<vmem>>
      %dma_start3A_1052 = tpu.memref_squeeze %dma_start3A_1051 : memref<1x1x128xi32, #tpu.memory_space<vmem>> -> memref<128xi32, #tpu.memory_space<vmem>>
      %dma_start3A_1053 = arith.constant 0 : i32
      %dma_start3A_1054 = arith.constant 0 : i32
      %dma_start3A_1055 = tpu.memref_slice %arg2[%dma_start3A_1053, %dma_start3A_1054] : memref<10000x128xf32, #tpu.memory_space<hbm>> -> memref<10000x128xf32, #tpu.memory_space<hbm>>
      tpu.enqueue_indirect_dma source(%dma_start3A_1055 : memref<10000x128xf32, #tpu.memory_space<hbm>>) target(%dma_start3A_1049 : memref<128x128xf32, #tpu.memory_space<vmem>>) offsets(%dma_start3A_1052 : memref<128xi32, #tpu.memory_space<vmem>>) semaphore(%arg13 : memref<!tpu.dma_semaphore, #tpu.memory_space<semaphore_mem>>)
      %dma_wait3A_1056 = arith.constant 12 : i32
      %dma_wait3A_1057 = arith.constant 0 : i32
      %dma_wait3A_1058 = arith.constant 0 : i32
      %dma_wait3A_1059 = arith.constant 0 : i32
      %dma_wait3A_1060 = tpu.memref_slice %arg10[%dma_wait3A_1057, %dma_wait3A_1058, %dma_wait3A_1059] : memref<2x128x128xf32, #tpu.memory_space<vmem>> -> memref<1x128x128xf32, #tpu.memory_space<vmem>>
      %dma_wait3A_1061 = tpu.memref_squeeze %dma_wait3A_1060 : memref<1x128x128xf32, #tpu.memory_space<vmem>> -> memref<128x128xf32, #tpu.memory_space<vmem>>
      %dma_wait3A_1062 = arith.constant 0 : i32
      %dma_wait3A_1063 = tpu.memref_slice %arg8[%rem3A_456, %dma_wait3A_1056, %dma_wait3A_1062] : memref<2x16x128xi32, #tpu.memory_space<vmem>> -> memref<1x1x128xi32, #tpu.memory_space<vmem>>
      %dma_wait3A_1064 = tpu.memref_squeeze %dma_wait3A_1063 : memref<1x1x128xi32, #tpu.memory_space<vmem>> -> memref<128xi32, #tpu.memory_space<vmem>>
      %dma_wait3A_1065 = arith.constant 0 : i32
      %dma_wait3A_1066 = arith.constant 0 : i32
      %dma_wait3A_1067 = tpu.memref_slice %arg2[%dma_wait3A_1065, %dma_wait3A_1066] : memref<10000x128xf32, #tpu.memory_space<hbm>> -> memref<10000x128xf32, #tpu.memory_space<hbm>>
      tpu.wait_indirect_dma semaphore(%arg12 : memref<!tpu.dma_semaphore, #tpu.memory_space<semaphore_mem>>) src(%dma_wait3A_1067 : memref<10000x128xf32, #tpu.memory_space<hbm>>) dst(%dma_wait3A_1061 : memref<128x128xf32, #tpu.memory_space<vmem>>)
      %dma_start3A_1068 = arith.constant 0 : i32
      %dma_start3A_1069 = arith.constant 12 : i32
      %dma_start3A_1070 = arith.constant 0 : i32
      %dma_start3A_1071 = arith.constant 0 : i32
      %dma_start3A_1072 = tpu.memref_slice %arg10[%dma_start3A_1068, %dma_start3A_1070, %dma_start3A_1071] : memref<2x128x128xf32, #tpu.memory_space<vmem>> -> memref<1x128x128xf32, #tpu.memory_space<vmem>>
      %dma_start3A_1073 = tpu.memref_squeeze %dma_start3A_1072 : memref<1x128x128xf32, #tpu.memory_space<vmem>> -> memref<128x128xf32, #tpu.memory_space<vmem>>
      %dma_start3A_1074 = arith.constant 0 : i32
      %dma_start3A_1075 = tpu.memref_slice %arg9[%rem3A_456, %dma_start3A_1069, %dma_start3A_1074] : memref<2x16x128xi32, #tpu.memory_space<vmem>> -> memref<1x1x128xi32, #tpu.memory_space<vmem>>
      %dma_start3A_1076 = tpu.memref_squeeze %dma_start3A_1075 : memref<1x1x128xi32, #tpu.memory_space<vmem>> -> memref<128xi32, #tpu.memory_space<vmem>>
      %dma_start3A_1077 = arith.constant 0 : i32
      %dma_start3A_1078 = arith.constant 0 : i32
      %dma_start3A_1079 = tpu.memref_slice %arg11[%dma_start3A_1077, %dma_start3A_1078] : memref<10240x128xf32, #tpu.memory_space<vmem_shared>> -> memref<10240x128xf32, #tpu.memory_space<vmem_shared>>
      tpu.enqueue_indirect_dma source(%dma_start3A_1073 : memref<128x128xf32, #tpu.memory_space<vmem>>) target(%dma_start3A_1079 : memref<10240x128xf32, #tpu.memory_space<vmem_shared>>) offsets(%dma_start3A_1076 : memref<128xi32, #tpu.memory_space<vmem>>) semaphore(%arg14 : memref<!tpu.dma_semaphore, #tpu.memory_space<semaphore_mem>>) {add = true}
      %dma_wait3A_1080 = arith.constant 0 : i32
      %dma_wait3A_1081 = arith.constant 12 : i32
      %dma_wait3A_1082 = arith.constant 0 : i32
      %dma_wait3A_1083 = arith.constant 0 : i32
      %dma_wait3A_1084 = tpu.memref_slice %arg10[%dma_wait3A_1080, %dma_wait3A_1082, %dma_wait3A_1083] : memref<2x128x128xf32, #tpu.memory_space<vmem>> -> memref<1x128x128xf32, #tpu.memory_space<vmem>>
      %dma_wait3A_1085 = tpu.memref_squeeze %dma_wait3A_1084 : memref<1x128x128xf32, #tpu.memory_space<vmem>> -> memref<128x128xf32, #tpu.memory_space<vmem>>
      %dma_wait3A_1086 = arith.constant 0 : i32
      %dma_wait3A_1087 = tpu.memref_slice %arg9[%rem3A_456, %dma_wait3A_1081, %dma_wait3A_1086] : memref<2x16x128xi32, #tpu.memory_space<vmem>> -> memref<1x1x128xi32, #tpu.memory_space<vmem>>
      %dma_wait3A_1088 = tpu.memref_squeeze %dma_wait3A_1087 : memref<1x1x128xi32, #tpu.memory_space<vmem>> -> memref<128xi32, #tpu.memory_space<vmem>>
      %dma_wait3A_1089 = arith.constant 0 : i32
      %dma_wait3A_1090 = arith.constant 0 : i32
      %dma_wait3A_1091 = tpu.memref_slice %arg11[%dma_wait3A_1089, %dma_wait3A_1090] : memref<10240x128xf32, #tpu.memory_space<vmem_shared>> -> memref<10240x128xf32, #tpu.memory_space<vmem_shared>>
      tpu.wait_indirect_dma semaphore(%arg14 : memref<!tpu.dma_semaphore, #tpu.memory_space<semaphore_mem>>) src(%dma_wait3A_1085 : memref<128x128xf32, #tpu.memory_space<vmem>>) dst(%dma_wait3A_1091 : memref<10240x128xf32, #tpu.memory_space<vmem_shared>>)
      %dma_start3A_1092 = arith.constant 14 : i32
      %dma_start3A_1093 = arith.constant 0 : i32
      %dma_start3A_1094 = arith.constant 0 : i32
      %dma_start3A_1095 = arith.constant 0 : i32
      %dma_start3A_1096 = tpu.memref_slice %arg10[%dma_start3A_1093, %dma_start3A_1094, %dma_start3A_1095] : memref<2x128x128xf32, #tpu.memory_space<vmem>> -> memref<1x128x128xf32, #tpu.memory_space<vmem>>
      %dma_start3A_1097 = tpu.memref_squeeze %dma_start3A_1096 : memref<1x128x128xf32, #tpu.memory_space<vmem>> -> memref<128x128xf32, #tpu.memory_space<vmem>>
      %dma_start3A_1098 = arith.constant 0 : i32
      %dma_start3A_1099 = tpu.memref_slice %arg8[%rem3A_456, %dma_start3A_1092, %dma_start3A_1098] : memref<2x16x128xi32, #tpu.memory_space<vmem>> -> memref<1x1x128xi32, #tpu.memory_space<vmem>>
      %dma_start3A_1100 = tpu.memref_squeeze %dma_start3A_1099 : memref<1x1x128xi32, #tpu.memory_space<vmem>> -> memref<128xi32, #tpu.memory_space<vmem>>
      %dma_start3A_1101 = arith.constant 0 : i32
      %dma_start3A_1102 = arith.constant 0 : i32
      %dma_start3A_1103 = tpu.memref_slice %arg2[%dma_start3A_1101, %dma_start3A_1102] : memref<10000x128xf32, #tpu.memory_space<hbm>> -> memref<10000x128xf32, #tpu.memory_space<hbm>>
      tpu.enqueue_indirect_dma source(%dma_start3A_1103 : memref<10000x128xf32, #tpu.memory_space<hbm>>) target(%dma_start3A_1097 : memref<128x128xf32, #tpu.memory_space<vmem>>) offsets(%dma_start3A_1100 : memref<128xi32, #tpu.memory_space<vmem>>) semaphore(%arg12 : memref<!tpu.dma_semaphore, #tpu.memory_space<semaphore_mem>>)
      %dma_wait3A_1104 = arith.constant 13 : i32
      %dma_wait3A_1105 = arith.constant 1 : i32
      %dma_wait3A_1106 = arith.constant 0 : i32
      %dma_wait3A_1107 = arith.constant 0 : i32
      %dma_wait3A_1108 = tpu.memref_slice %arg10[%dma_wait3A_1105, %dma_wait3A_1106, %dma_wait3A_1107] : memref<2x128x128xf32, #tpu.memory_space<vmem>> -> memref<1x128x128xf32, #tpu.memory_space<vmem>>
      %dma_wait3A_1109 = tpu.memref_squeeze %dma_wait3A_1108 : memref<1x128x128xf32, #tpu.memory_space<vmem>> -> memref<128x128xf32, #tpu.memory_space<vmem>>
      %dma_wait3A_1110 = arith.constant 0 : i32
      %dma_wait3A_1111 = tpu.memref_slice %arg8[%rem3A_456, %dma_wait3A_1104, %dma_wait3A_1110] : memref<2x16x128xi32, #tpu.memory_space<vmem>> -> memref<1x1x128xi32, #tpu.memory_space<vmem>>
      %dma_wait3A_1112 = tpu.memref_squeeze %dma_wait3A_1111 : memref<1x1x128xi32, #tpu.memory_space<vmem>> -> memref<128xi32, #tpu.memory_space<vmem>>
      %dma_wait3A_1113 = arith.constant 0 : i32
      %dma_wait3A_1114 = arith.constant 0 : i32
      %dma_wait3A_1115 = tpu.memref_slice %arg2[%dma_wait3A_1113, %dma_wait3A_1114] : memref<10000x128xf32, #tpu.memory_space<hbm>> -> memref<10000x128xf32, #tpu.memory_space<hbm>>
      tpu.wait_indirect_dma semaphore(%arg13 : memref<!tpu.dma_semaphore, #tpu.memory_space<semaphore_mem>>) src(%dma_wait3A_1115 : memref<10000x128xf32, #tpu.memory_space<hbm>>) dst(%dma_wait3A_1109 : memref<128x128xf32, #tpu.memory_space<vmem>>)
      %dma_start3A_1116 = arith.constant 1 : i32
      %dma_start3A_1117 = arith.constant 13 : i32
      %dma_start3A_1118 = arith.constant 0 : i32
      %dma_start3A_1119 = arith.constant 0 : i32
      %dma_start3A_1120 = tpu.memref_slice %arg10[%dma_start3A_1116, %dma_start3A_1118, %dma_start3A_1119] : memref<2x128x128xf32, #tpu.memory_space<vmem>> -> memref<1x128x128xf32, #tpu.memory_space<vmem>>
      %dma_start3A_1121 = tpu.memref_squeeze %dma_start3A_1120 : memref<1x128x128xf32, #tpu.memory_space<vmem>> -> memref<128x128xf32, #tpu.memory_space<vmem>>
      %dma_start3A_1122 = arith.constant 0 : i32
      %dma_start3A_1123 = tpu.memref_slice %arg9[%rem3A_456, %dma_start3A_1117, %dma_start3A_1122] : memref<2x16x128xi32, #tpu.memory_space<vmem>> -> memref<1x1x128xi32, #tpu.memory_space<vmem>>
      %dma_start3A_1124 = tpu.memref_squeeze %dma_start3A_1123 : memref<1x1x128xi32, #tpu.memory_space<vmem>> -> memref<128xi32, #tpu.memory_space<vmem>>
      %dma_start3A_1125 = arith.constant 0 : i32
      %dma_start3A_1126 = arith.constant 0 : i32
      %dma_start3A_1127 = tpu.memref_slice %arg11[%dma_start3A_1125, %dma_start3A_1126] : memref<10240x128xf32, #tpu.memory_space<vmem_shared>> -> memref<10240x128xf32, #tpu.memory_space<vmem_shared>>
      tpu.enqueue_indirect_dma source(%dma_start3A_1121 : memref<128x128xf32, #tpu.memory_space<vmem>>) target(%dma_start3A_1127 : memref<10240x128xf32, #tpu.memory_space<vmem_shared>>) offsets(%dma_start3A_1124 : memref<128xi32, #tpu.memory_space<vmem>>) semaphore(%arg15 : memref<!tpu.dma_semaphore, #tpu.memory_space<semaphore_mem>>) {add = true}
      %dma_wait3A_1128 = arith.constant 1 : i32
      %dma_wait3A_1129 = arith.constant 13 : i32
      %dma_wait3A_1130 = arith.constant 0 : i32
      %dma_wait3A_1131 = arith.constant 0 : i32
      %dma_wait3A_1132 = tpu.memref_slice %arg10[%dma_wait3A_1128, %dma_wait3A_1130, %dma_wait3A_1131] : memref<2x128x128xf32, #tpu.memory_space<vmem>> -> memref<1x128x128xf32, #tpu.memory_space<vmem>>
      %dma_wait3A_1133 = tpu.memref_squeeze %dma_wait3A_1132 : memref<1x128x128xf32, #tpu.memory_space<vmem>> -> memref<128x128xf32, #tpu.memory_space<vmem>>
      %dma_wait3A_1134 = arith.constant 0 : i32
      %dma_wait3A_1135 = tpu.memref_slice %arg9[%rem3A_456, %dma_wait3A_1129, %dma_wait3A_1134] : memref<2x16x128xi32, #tpu.memory_space<vmem>> -> memref<1x1x128xi32, #tpu.memory_space<vmem>>
      %dma_wait3A_1136 = tpu.memref_squeeze %dma_wait3A_1135 : memref<1x1x128xi32, #tpu.memory_space<vmem>> -> memref<128xi32, #tpu.memory_space<vmem>>
      %dma_wait3A_1137 = arith.constant 0 : i32
      %dma_wait3A_1138 = arith.constant 0 : i32
      %dma_wait3A_1139 = tpu.memref_slice %arg11[%dma_wait3A_1137, %dma_wait3A_1138] : memref<10240x128xf32, #tpu.memory_space<vmem_shared>> -> memref<10240x128xf32, #tpu.memory_space<vmem_shared>>
      tpu.wait_indirect_dma semaphore(%arg15 : memref<!tpu.dma_semaphore, #tpu.memory_space<semaphore_mem>>) src(%dma_wait3A_1133 : memref<128x128xf32, #tpu.memory_space<vmem>>) dst(%dma_wait3A_1139 : memref<10240x128xf32, #tpu.memory_space<vmem_shared>>)
      %dma_start3A_1140 = arith.constant 15 : i32
      %dma_start3A_1141 = arith.constant 1 : i32
      %dma_start3A_1142 = arith.constant 0 : i32
      %dma_start3A_1143 = arith.constant 0 : i32
      %dma_start3A_1144 = tpu.memref_slice %arg10[%dma_start3A_1141, %dma_start3A_1142, %dma_start3A_1143] : memref<2x128x128xf32, #tpu.memory_space<vmem>> -> memref<1x128x128xf32, #tpu.memory_space<vmem>>
      %dma_start3A_1145 = tpu.memref_squeeze %dma_start3A_1144 : memref<1x128x128xf32, #tpu.memory_space<vmem>> -> memref<128x128xf32, #tpu.memory_space<vmem>>
      %dma_start3A_1146 = arith.constant 0 : i32
      %dma_start3A_1147 = tpu.memref_slice %arg8[%rem3A_456, %dma_start3A_1140, %dma_start3A_1146] : memref<2x16x128xi32, #tpu.memory_space<vmem>> -> memref<1x1x128xi32, #tpu.memory_space<vmem>>
      %dma_start3A_1148 = tpu.memref_squeeze %dma_start3A_1147 : memref<1x1x128xi32, #tpu.memory_space<vmem>> -> memref<128xi32, #tpu.memory_space<vmem>>
      %dma_start3A_1149 = arith.constant 0 : i32
      %dma_start3A_1150 = arith.constant 0 : i32
      %dma_start3A_1151 = tpu.memref_slice %arg2[%dma_start3A_1149, %dma_start3A_1150] : memref<10000x128xf32, #tpu.memory_space<hbm>> -> memref<10000x128xf32, #tpu.memory_space<hbm>>
      tpu.enqueue_indirect_dma source(%dma_start3A_1151 : memref<10000x128xf32, #tpu.memory_space<hbm>>) target(%dma_start3A_1145 : memref<128x128xf32, #tpu.memory_space<vmem>>) offsets(%dma_start3A_1148 : memref<128xi32, #tpu.memory_space<vmem>>) semaphore(%arg13 : memref<!tpu.dma_semaphore, #tpu.memory_space<semaphore_mem>>)
      %dma_wait3A_1152 = arith.constant 14 : i32
      %dma_wait3A_1153 = arith.constant 0 : i32
      %dma_wait3A_1154 = arith.constant 0 : i32
      %dma_wait3A_1155 = arith.constant 0 : i32
      %dma_wait3A_1156 = tpu.memref_slice %arg10[%dma_wait3A_1153, %dma_wait3A_1154, %dma_wait3A_1155] : memref<2x128x128xf32, #tpu.memory_space<vmem>> -> memref<1x128x128xf32, #tpu.memory_space<vmem>>
      %dma_wait3A_1157 = tpu.memref_squeeze %dma_wait3A_1156 : memref<1x128x128xf32, #tpu.memory_space<vmem>> -> memref<128x128xf32, #tpu.memory_space<vmem>>
      %dma_wait3A_1158 = arith.constant 0 : i32
      %dma_wait3A_1159 = tpu.memref_slice %arg8[%rem3A_456, %dma_wait3A_1152, %dma_wait3A_1158] : memref<2x16x128xi32, #tpu.memory_space<vmem>> -> memref<1x1x128xi32, #tpu.memory_space<vmem>>
      %dma_wait3A_1160 = tpu.memref_squeeze %dma_wait3A_1159 : memref<1x1x128xi32, #tpu.memory_space<vmem>> -> memref<128xi32, #tpu.memory_space<vmem>>
      %dma_wait3A_1161 = arith.constant 0 : i32
      %dma_wait3A_1162 = arith.constant 0 : i32
      %dma_wait3A_1163 = tpu.memref_slice %arg2[%dma_wait3A_1161, %dma_wait3A_1162] : memref<10000x128xf32, #tpu.memory_space<hbm>> -> memref<10000x128xf32, #tpu.memory_space<hbm>>
      tpu.wait_indirect_dma semaphore(%arg12 : memref<!tpu.dma_semaphore, #tpu.memory_space<semaphore_mem>>) src(%dma_wait3A_1163 : memref<10000x128xf32, #tpu.memory_space<hbm>>) dst(%dma_wait3A_1157 : memref<128x128xf32, #tpu.memory_space<vmem>>)
      %dma_start3A_1164 = arith.constant 0 : i32
      %dma_start3A_1165 = arith.constant 14 : i32
      %dma_start3A_1166 = arith.constant 0 : i32
      %dma_start3A_1167 = arith.constant 0 : i32
      %dma_start3A_1168 = tpu.memref_slice %arg10[%dma_start3A_1164, %dma_start3A_1166, %dma_start3A_1167] : memref<2x128x128xf32, #tpu.memory_space<vmem>> -> memref<1x128x128xf32, #tpu.memory_space<vmem>>
      %dma_start3A_1169 = tpu.memref_squeeze %dma_start3A_1168 : memref<1x128x128xf32, #tpu.memory_space<vmem>> -> memref<128x128xf32, #tpu.memory_space<vmem>>
      %dma_start3A_1170 = arith.constant 0 : i32
      %dma_start3A_1171 = tpu.memref_slice %arg9[%rem3A_456, %dma_start3A_1165, %dma_start3A_1170] : memref<2x16x128xi32, #tpu.memory_space<vmem>> -> memref<1x1x128xi32, #tpu.memory_space<vmem>>
      %dma_start3A_1172 = tpu.memref_squeeze %dma_start3A_1171 : memref<1x1x128xi32, #tpu.memory_space<vmem>> -> memref<128xi32, #tpu.memory_space<vmem>>
      %dma_start3A_1173 = arith.constant 0 : i32
      %dma_start3A_1174 = arith.constant 0 : i32
      %dma_start3A_1175 = tpu.memref_slice %arg11[%dma_start3A_1173, %dma_start3A_1174] : memref<10240x128xf32, #tpu.memory_space<vmem_shared>> -> memref<10240x128xf32, #tpu.memory_space<vmem_shared>>
      tpu.enqueue_indirect_dma source(%dma_start3A_1169 : memref<128x128xf32, #tpu.memory_space<vmem>>) target(%dma_start3A_1175 : memref<10240x128xf32, #tpu.memory_space<vmem_shared>>) offsets(%dma_start3A_1172 : memref<128xi32, #tpu.memory_space<vmem>>) semaphore(%arg14 : memref<!tpu.dma_semaphore, #tpu.memory_space<semaphore_mem>>) {add = true}
      %dma_wait3A_1176 = arith.constant 0 : i32
      %dma_wait3A_1177 = arith.constant 14 : i32
      %dma_wait3A_1178 = arith.constant 0 : i32
      %dma_wait3A_1179 = arith.constant 0 : i32
      %dma_wait3A_1180 = tpu.memref_slice %arg10[%dma_wait3A_1176, %dma_wait3A_1178, %dma_wait3A_1179] : memref<2x128x128xf32, #tpu.memory_space<vmem>> -> memref<1x128x128xf32, #tpu.memory_space<vmem>>
      %dma_wait3A_1181 = tpu.memref_squeeze %dma_wait3A_1180 : memref<1x128x128xf32, #tpu.memory_space<vmem>> -> memref<128x128xf32, #tpu.memory_space<vmem>>
      %dma_wait3A_1182 = arith.constant 0 : i32
      %dma_wait3A_1183 = tpu.memref_slice %arg9[%rem3A_456, %dma_wait3A_1177, %dma_wait3A_1182] : memref<2x16x128xi32, #tpu.memory_space<vmem>> -> memref<1x1x128xi32, #tpu.memory_space<vmem>>
      %dma_wait3A_1184 = tpu.memref_squeeze %dma_wait3A_1183 : memref<1x1x128xi32, #tpu.memory_space<vmem>> -> memref<128xi32, #tpu.memory_space<vmem>>
      %dma_wait3A_1185 = arith.constant 0 : i32
      %dma_wait3A_1186 = arith.constant 0 : i32
      %dma_wait3A_1187 = tpu.memref_slice %arg11[%dma_wait3A_1185, %dma_wait3A_1186] : memref<10240x128xf32, #tpu.memory_space<vmem_shared>> -> memref<10240x128xf32, #tpu.memory_space<vmem_shared>>
      tpu.wait_indirect_dma semaphore(%arg14 : memref<!tpu.dma_semaphore, #tpu.memory_space<semaphore_mem>>) src(%dma_wait3A_1181 : memref<128x128xf32, #tpu.memory_space<vmem>>) dst(%dma_wait3A_1187 : memref<10240x128xf32, #tpu.memory_space<vmem_shared>>)
      %add3A_1188 = arith.constant 1 : i32
      %add3A_1189 = arith.addi %scan3A_454, %add3A_1188 : i32
      %lt3A_1190 = arith.constant 5 : i32
      %lt3A_1191 = arith.cmpi slt, %add3A_1189, %lt3A_1190 : i32
      %convert_element_type3A_1192 = arith.extui %lt3A_1191 : i1 to i32
      %cond3A_1193 = arith.constant 0 : i32
      %cond3A_1194 = arith.cmpi ne, %convert_element_type3A_1192, %cond3A_1193 : i32
      scf.if %cond3A_1194 {
        %add3A_1219 = arith.constant 1 : i32
        %add3A_1220 = arith.addi %scan3A_454, %add3A_1219 : i32
        %mul3A_1221 = arith.constant 16 : i32
        %mul3A_1222 = arith.muli %add3A_1220, %mul3A_1221 : i32
        %add3A_1223 = arith.addi %mul3A_4, %mul3A_1222 : i32
        %dma_wait3A_1224 = arith.constant 0 : i32
        %dma_wait3A_1225 = arith.constant 0 : i32
        %dma_wait3A_1226 = tpu.memref_slice %arg8[%sub3A_457, %dma_wait3A_1224, %dma_wait3A_1225] : memref<2x16x128xi32, #tpu.memory_space<vmem>> -> memref<1x16x128xi32, #tpu.memory_space<vmem>>
        %dma_wait3A_1227 = tpu.memref_squeeze %dma_wait3A_1226 : memref<1x16x128xi32, #tpu.memory_space<vmem>> -> memref<16x128xi32, #tpu.memory_space<vmem>>
        %dma_wait3A_1228 = arith.constant 0 : i32
        %dma_wait3A_1229 = tpu.memref_slice %arg3[%add3A_1223, %dma_wait3A_1228] : memref<2560x128xi32, #tpu.memory_space<hbm>> -> memref<16x128xi32, #tpu.memory_space<hbm>>
        %dma_wait3A_1230 = arith.constant 0 : i32
        %dma_wait3A_1231 = arith.constant 0 : i32
        %dma_wait3A_1232 = tpu.memref_slice %arg8[%sub3A_457, %dma_wait3A_1230, %dma_wait3A_1231] : memref<2x16x128xi32, #tpu.memory_space<vmem>> -> memref<1x16x128xi32, #tpu.memory_space<vmem>>
        %dma_wait3A_1233 = tpu.memref_squeeze %dma_wait3A_1232 : memref<1x16x128xi32, #tpu.memory_space<vmem>> -> memref<16x128xi32, #tpu.memory_space<vmem>>
        %dma_wait3A_1234 = arith.constant 0 : i32
        %dma_wait3A_1235 = tpu.memref_slice %arg3[%add3A_1223, %dma_wait3A_1234] : memref<2560x128xi32, #tpu.memory_space<hbm>> -> memref<16x128xi32, #tpu.memory_space<hbm>>
        tpu.wait_dma2 semaphore(%arg16 : memref<!tpu.dma_semaphore, #tpu.memory_space<semaphore_mem>>) src(%dma_wait3A_1235 : memref<16x128xi32, #tpu.memory_space<hbm>>) dst(%dma_wait3A_1233 : memref<16x128xi32, #tpu.memory_space<vmem>>)
        %dma_wait3A_1236 = arith.constant 0 : i32
        %dma_wait3A_1237 = arith.constant 0 : i32
        %dma_wait3A_1238 = tpu.memref_slice %arg9[%sub3A_457, %dma_wait3A_1236, %dma_wait3A_1237] : memref<2x16x128xi32, #tpu.memory_space<vmem>> -> memref<1x16x128xi32, #tpu.memory_space<vmem>>
        %dma_wait3A_1239 = tpu.memref_squeeze %dma_wait3A_1238 : memref<1x16x128xi32, #tpu.memory_space<vmem>> -> memref<16x128xi32, #tpu.memory_space<vmem>>
        %dma_wait3A_1240 = arith.constant 0 : i32
        %dma_wait3A_1241 = tpu.memref_slice %arg4[%add3A_1223, %dma_wait3A_1240] : memref<2560x128xi32, #tpu.memory_space<hbm>> -> memref<16x128xi32, #tpu.memory_space<hbm>>
        %dma_wait3A_1242 = arith.constant 0 : i32
        %dma_wait3A_1243 = arith.constant 0 : i32
        %dma_wait3A_1244 = tpu.memref_slice %arg9[%sub3A_457, %dma_wait3A_1242, %dma_wait3A_1243] : memref<2x16x128xi32, #tpu.memory_space<vmem>> -> memref<1x16x128xi32, #tpu.memory_space<vmem>>
        %dma_wait3A_1245 = tpu.memref_squeeze %dma_wait3A_1244 : memref<1x16x128xi32, #tpu.memory_space<vmem>> -> memref<16x128xi32, #tpu.memory_space<vmem>>
        %dma_wait3A_1246 = arith.constant 0 : i32
        %dma_wait3A_1247 = tpu.memref_slice %arg4[%add3A_1223, %dma_wait3A_1246] : memref<2560x128xi32, #tpu.memory_space<hbm>> -> memref<16x128xi32, #tpu.memory_space<hbm>>
        tpu.wait_dma2 semaphore(%arg16 : memref<!tpu.dma_semaphore, #tpu.memory_space<semaphore_mem>>) src(%dma_wait3A_1247 : memref<16x128xi32, #tpu.memory_space<hbm>>) dst(%dma_wait3A_1245 : memref<16x128xi32, #tpu.memory_space<vmem>>)
        %dma_start3A_1248 = arith.constant 0 : i32
        %dma_start3A_1249 = arith.constant 0 : i32
        %dma_start3A_1250 = arith.constant 0 : i32
        %dma_start3A_1251 = arith.constant 0 : i32
        %dma_start3A_1252 = tpu.memref_slice %arg10[%dma_start3A_1249, %dma_start3A_1250, %dma_start3A_1251] : memref<2x128x128xf32, #tpu.memory_space<vmem>> -> memref<1x128x128xf32, #tpu.memory_space<vmem>>
        %dma_start3A_1253 = tpu.memref_squeeze %dma_start3A_1252 : memref<1x128x128xf32, #tpu.memory_space<vmem>> -> memref<128x128xf32, #tpu.memory_space<vmem>>
        %dma_start3A_1254 = arith.constant 0 : i32
        %dma_start3A_1255 = tpu.memref_slice %arg8[%sub3A_457, %dma_start3A_1248, %dma_start3A_1254] : memref<2x16x128xi32, #tpu.memory_space<vmem>> -> memref<1x1x128xi32, #tpu.memory_space<vmem>>
        %dma_start3A_1256 = tpu.memref_squeeze %dma_start3A_1255 : memref<1x1x128xi32, #tpu.memory_space<vmem>> -> memref<128xi32, #tpu.memory_space<vmem>>
        %dma_start3A_1257 = arith.constant 0 : i32
        %dma_start3A_1258 = arith.constant 0 : i32
        %dma_start3A_1259 = tpu.memref_slice %arg2[%dma_start3A_1257, %dma_start3A_1258] : memref<10000x128xf32, #tpu.memory_space<hbm>> -> memref<10000x128xf32, #tpu.memory_space<hbm>>
        tpu.enqueue_indirect_dma source(%dma_start3A_1259 : memref<10000x128xf32, #tpu.memory_space<hbm>>) target(%dma_start3A_1253 : memref<128x128xf32, #tpu.memory_space<vmem>>) offsets(%dma_start3A_1256 : memref<128xi32, #tpu.memory_space<vmem>>) semaphore(%arg12 : memref<!tpu.dma_semaphore, #tpu.memory_space<semaphore_mem>>)
      } else {
      }
      %dma_wait3A_1195 = arith.constant 15 : i32
      %dma_wait3A_1196 = arith.constant 1 : i32
      %dma_wait3A_1197 = arith.constant 0 : i32
      %dma_wait3A_1198 = arith.constant 0 : i32
      %dma_wait3A_1199 = tpu.memref_slice %arg10[%dma_wait3A_1196, %dma_wait3A_1197, %dma_wait3A_1198] : memref<2x128x128xf32, #tpu.memory_space<vmem>> -> memref<1x128x128xf32, #tpu.memory_space<vmem>>
      %dma_wait3A_1200 = tpu.memref_squeeze %dma_wait3A_1199 : memref<1x128x128xf32, #tpu.memory_space<vmem>> -> memref<128x128xf32, #tpu.memory_space<vmem>>
      %dma_wait3A_1201 = arith.constant 0 : i32
      %dma_wait3A_1202 = tpu.memref_slice %arg8[%rem3A_456, %dma_wait3A_1195, %dma_wait3A_1201] : memref<2x16x128xi32, #tpu.memory_space<vmem>> -> memref<1x1x128xi32, #tpu.memory_space<vmem>>
      %dma_wait3A_1203 = tpu.memref_squeeze %dma_wait3A_1202 : memref<1x1x128xi32, #tpu.memory_space<vmem>> -> memref<128xi32, #tpu.memory_space<vmem>>
      %dma_wait3A_1204 = arith.constant 0 : i32
      %dma_wait3A_1205 = arith.constant 0 : i32
      %dma_wait3A_1206 = tpu.memref_slice %arg2[%dma_wait3A_1204, %dma_wait3A_1205] : memref<10000x128xf32, #tpu.memory_space<hbm>> -> memref<10000x128xf32, #tpu.memory_space<hbm>>
      tpu.wait_indirect_dma semaphore(%arg13 : memref<!tpu.dma_semaphore, #tpu.memory_space<semaphore_mem>>) src(%dma_wait3A_1206 : memref<10000x128xf32, #tpu.memory_space<hbm>>) dst(%dma_wait3A_1200 : memref<128x128xf32, #tpu.memory_space<vmem>>)
      %dma_start3A_1207 = arith.constant 1 : i32
      %dma_start3A_1208 = arith.constant 15 : i32
      %dma_start3A_1209 = arith.constant 0 : i32
      %dma_start3A_1210 = arith.constant 0 : i32
      %dma_start3A_1211 = tpu.memref_slice %arg10[%dma_start3A_1207, %dma_start3A_1209, %dma_start3A_1210] : memref<2x128x128xf32, #tpu.memory_space<vmem>> -> memref<1x128x128xf32, #tpu.memory_space<vmem>>
      %dma_start3A_1212 = tpu.memref_squeeze %dma_start3A_1211 : memref<1x128x128xf32, #tpu.memory_space<vmem>> -> memref<128x128xf32, #tpu.memory_space<vmem>>
      %dma_start3A_1213 = arith.constant 0 : i32
      %dma_start3A_1214 = tpu.memref_slice %arg9[%rem3A_456, %dma_start3A_1208, %dma_start3A_1213] : memref<2x16x128xi32, #tpu.memory_space<vmem>> -> memref<1x1x128xi32, #tpu.memory_space<vmem>>
      %dma_start3A_1215 = tpu.memref_squeeze %dma_start3A_1214 : memref<1x1x128xi32, #tpu.memory_space<vmem>> -> memref<128xi32, #tpu.memory_space<vmem>>
      %dma_start3A_1216 = arith.constant 0 : i32
      %dma_start3A_1217 = arith.constant 0 : i32
      %dma_start3A_1218 = tpu.memref_slice %arg11[%dma_start3A_1216, %dma_start3A_1217] : memref<10240x128xf32, #tpu.memory_space<vmem_shared>> -> memref<10240x128xf32, #tpu.memory_space<vmem_shared>>
      tpu.enqueue_indirect_dma source(%dma_start3A_1212 : memref<128x128xf32, #tpu.memory_space<vmem>>) target(%dma_start3A_1218 : memref<10240x128xf32, #tpu.memory_space<vmem_shared>>) offsets(%dma_start3A_1215 : memref<128xi32, #tpu.memory_space<vmem>>) semaphore(%arg15 : memref<!tpu.dma_semaphore, #tpu.memory_space<semaphore_mem>>) {add = true}
    }
    %scan3A_172 = arith.constant 5 : i32
    %rem3A = arith.constant 4 : i32
    %rem3A_173 = arith.constant 2 : i32
    %rem3A_174 = arith.remsi %rem3A, %rem3A_173 : i32
    %dma_wait3A_175 = arith.constant 1 : i32
    %dma_wait3A_176 = arith.constant 15 : i32
    %dma_wait3A_177 = arith.constant 0 : i32
    %dma_wait3A_178 = arith.constant 0 : i32
    %dma_wait3A_179 = tpu.memref_slice %arg10[%dma_wait3A_175, %dma_wait3A_177, %dma_wait3A_178] : memref<2x128x128xf32, #tpu.memory_space<vmem>> -> memref<1x128x128xf32, #tpu.memory_space<vmem>>
    %dma_wait3A_180 = tpu.memref_squeeze %dma_wait3A_179 : memref<1x128x128xf32, #tpu.memory_space<vmem>> -> memref<128x128xf32, #tpu.memory_space<vmem>>
    %dma_wait3A_181 = arith.constant 0 : i32
    %dma_wait3A_182 = tpu.memref_slice %arg9[%rem3A_174, %dma_wait3A_176, %dma_wait3A_181] : memref<2x16x128xi32, #tpu.memory_space<vmem>> -> memref<1x1x128xi32, #tpu.memory_space<vmem>>
    %dma_wait3A_183 = tpu.memref_squeeze %dma_wait3A_182 : memref<1x1x128xi32, #tpu.memory_space<vmem>> -> memref<128xi32, #tpu.memory_space<vmem>>
    %dma_wait3A_184 = arith.constant 0 : i32
    %dma_wait3A_185 = arith.constant 0 : i32
    %dma_wait3A_186 = tpu.memref_slice %arg11[%dma_wait3A_184, %dma_wait3A_185] : memref<10240x128xf32, #tpu.memory_space<vmem_shared>> -> memref<10240x128xf32, #tpu.memory_space<vmem_shared>>
    tpu.wait_indirect_dma semaphore(%arg15 : memref<!tpu.dma_semaphore, #tpu.memory_space<semaphore_mem>>) src(%dma_wait3A_180 : memref<128x128xf32, #tpu.memory_space<vmem>>) dst(%dma_wait3A_186 : memref<10240x128xf32, #tpu.memory_space<vmem_shared>>)
    %barrier3A_187 = arith.constant 0 : index
    tpu.barrier barrier_id(%barrier3A_187)
    %add3A_188 = arith.constant 0 : i32
    %add3A_189 = arith.addi %mul3A_2, %add3A_188 : i32
    %dma_start3A_190 = arith.constant 0 : i32
    %dma_start3A_191 = arith.constant 0 : i32
    %dma_start3A_192 = arith.constant 0 : i32
    %dma_start3A_193 = tpu.memref_slice %arg10[%dma_start3A_190, %dma_start3A_191, %dma_start3A_192] : memref<2x128x128xf32, #tpu.memory_space<vmem>> -> memref<1x128x128xf32, #tpu.memory_space<vmem>>
    %dma_start3A_194 = tpu.memref_squeeze %dma_start3A_193 : memref<1x128x128xf32, #tpu.memory_space<vmem>> -> memref<128x128xf32, #tpu.memory_space<vmem>>
    %dma_start3A_195 = arith.constant 0 : i32
    %dma_start3A_196 = tpu.memref_slice %arg11[%add3A_189, %dma_start3A_195] : memref<10240x128xf32, #tpu.memory_space<vmem_shared>> -> memref<128x128xf32, #tpu.memory_space<vmem_shared>>
    %dma_start3A_197 = arith.constant 0 : i32
    %dma_start3A_198 = arith.constant 0 : i32
    %dma_start3A_199 = tpu.memref_slice %arg10[%dma_start3A_190, %dma_start3A_197, %dma_start3A_198] : memref<2x128x128xf32, #tpu.memory_space<vmem>> -> memref<1x128x128xf32, #tpu.memory_space<vmem>>
    %dma_start3A_200 = tpu.memref_squeeze %dma_start3A_199 : memref<1x128x128xf32, #tpu.memory_space<vmem>> -> memref<128x128xf32, #tpu.memory_space<vmem>>
    %dma_start3A_201 = arith.constant 0 : i32
    %dma_start3A_202 = tpu.memref_slice %arg11[%add3A_189, %dma_start3A_201] : memref<10240x128xf32, #tpu.memory_space<vmem_shared>> -> memref<128x128xf32, #tpu.memory_space<vmem_shared>>
    tpu.enqueue_dma source(%dma_start3A_202 : memref<128x128xf32, #tpu.memory_space<vmem_shared>>) target(%dma_start3A_200 : memref<128x128xf32, #tpu.memory_space<vmem>>) target_semaphore(%arg12 : memref<!tpu.dma_semaphore, #tpu.memory_space<semaphore_mem>>)
    %add3A_203 = arith.constant 0 : i32
    %add3A_204 = arith.addi %mul3A_2, %add3A_203 : i32
    %dma_wait3A_205 = arith.constant 0 : i32
    %dma_wait3A_206 = arith.constant 0 : i32
    %dma_wait3A_207 = arith.constant 0 : i32
    %dma_wait3A_208 = tpu.memref_slice %arg10[%dma_wait3A_205, %dma_wait3A_206, %dma_wait3A_207] : memref<2x128x128xf32, #tpu.memory_space<vmem>> -> memref<1x128x128xf32, #tpu.memory_space<vmem>>
    %dma_wait3A_209 = tpu.memref_squeeze %dma_wait3A_208 : memref<1x128x128xf32, #tpu.memory_space<vmem>> -> memref<128x128xf32, #tpu.memory_space<vmem>>
    %dma_wait3A_210 = arith.constant 0 : i32
    %dma_wait3A_211 = tpu.memref_slice %arg11[%add3A_204, %dma_wait3A_210] : memref<10240x128xf32, #tpu.memory_space<vmem_shared>> -> memref<128x128xf32, #tpu.memory_space<vmem_shared>>
    %dma_wait3A_212 = arith.constant 0 : i32
    %dma_wait3A_213 = arith.constant 0 : i32
    %dma_wait3A_214 = tpu.memref_slice %arg10[%dma_wait3A_205, %dma_wait3A_212, %dma_wait3A_213] : memref<2x128x128xf32, #tpu.memory_space<vmem>> -> memref<1x128x128xf32, #tpu.memory_space<vmem>>
    %dma_wait3A_215 = tpu.memref_squeeze %dma_wait3A_214 : memref<1x128x128xf32, #tpu.memory_space<vmem>> -> memref<128x128xf32, #tpu.memory_space<vmem>>
    %dma_wait3A_216 = arith.constant 0 : i32
    %dma_wait3A_217 = tpu.memref_slice %arg11[%add3A_204, %dma_wait3A_216] : memref<10240x128xf32, #tpu.memory_space<vmem_shared>> -> memref<128x128xf32, #tpu.memory_space<vmem_shared>>
    tpu.wait_dma2 semaphore(%arg12 : memref<!tpu.dma_semaphore, #tpu.memory_space<semaphore_mem>>) src(%dma_wait3A_217 : memref<128x128xf32, #tpu.memory_space<vmem_shared>>) dst(%dma_wait3A_215 : memref<128x128xf32, #tpu.memory_space<vmem>>)
    %add3A_218 = arith.constant 0 : i32
    %add3A_219 = arith.addi %mul3A_2, %add3A_218 : i32
    %eq3A = arith.constant 0 : i32
    %eq3A_220 = arith.cmpi eq, %arg0, %eq3A : i32
    %convert_element_type3A = arith.extui %eq3A_220 : i1 to i32
    %cond3A = arith.constant 0 : i32
    %cond3A_221 = arith.cmpi ne, %convert_element_type3A, %cond3A : i32
    scf.if %cond3A_221 {
      %dma_start3A_454 = arith.constant 0 : i32
      %dma_start3A_455 = arith.constant 0 : i32
      %dma_start3A_456 = arith.constant 0 : i32
      %dma_start3A_457 = tpu.memref_slice %arg10[%dma_start3A_454, %dma_start3A_455, %dma_start3A_456] : memref<2x128x128xf32, #tpu.memory_space<vmem>> -> memref<1x128x128xf32, #tpu.memory_space<vmem>>
      %dma_start3A_458 = tpu.memref_squeeze %dma_start3A_457 : memref<1x128x128xf32, #tpu.memory_space<vmem>> -> memref<128x128xf32, #tpu.memory_space<vmem>>
      %dma_start3A_459 = arith.constant 0 : i32
      %dma_start3A_460 = tpu.memref_slice %arg6[%add3A_219, %dma_start3A_459] : memref<10240x128xf32, #tpu.memory_space<hbm>> -> memref<128x128xf32, #tpu.memory_space<hbm>>
      %dma_start3A_461 = arith.constant 0 : i32
      %dma_start3A_462 = tpu.memref_slice %arg6[%add3A_219, %dma_start3A_461] : memref<10240x128xf32, #tpu.memory_space<hbm>> -> memref<128x128xf32, #tpu.memory_space<hbm>>
      %dma_start3A_463 = arith.constant 0 : i32
      %dma_start3A_464 = arith.constant 0 : i32
      %dma_start3A_465 = tpu.memref_slice %arg10[%dma_start3A_454, %dma_start3A_463, %dma_start3A_464] : memref<2x128x128xf32, #tpu.memory_space<vmem>> -> memref<1x128x128xf32, #tpu.memory_space<vmem>>
      %dma_start3A_466 = tpu.memref_squeeze %dma_start3A_465 : memref<1x128x128xf32, #tpu.memory_space<vmem>> -> memref<128x128xf32, #tpu.memory_space<vmem>>
      tpu.enqueue_dma source(%dma_start3A_466 : memref<128x128xf32, #tpu.memory_space<vmem>>) target(%dma_start3A_462 : memref<128x128xf32, #tpu.memory_space<hbm>>) target_semaphore(%arg14 : memref<!tpu.dma_semaphore, #tpu.memory_space<semaphore_mem>>)
    } else {
    }
    %ne3A = arith.constant 0 : i32
    %ne3A_222 = arith.cmpi ne, %arg0, %ne3A : i32
    %convert_element_type3A_223 = arith.extui %ne3A_222 : i1 to i32
    %cond3A_224 = arith.constant 0 : i32
    %cond3A_225 = arith.cmpi ne, %convert_element_type3A_223, %cond3A_224 : i32
    scf.if %cond3A_225 {
      %dma_start3A_454 = arith.constant 0 : i32
      %dma_start3A_455 = arith.constant 0 : i32
      %dma_start3A_456 = arith.constant 0 : i32
      %dma_start3A_457 = tpu.memref_slice %arg10[%dma_start3A_454, %dma_start3A_455, %dma_start3A_456] : memref<2x128x128xf32, #tpu.memory_space<vmem>> -> memref<1x128x128xf32, #tpu.memory_space<vmem>>
      %dma_start3A_458 = tpu.memref_squeeze %dma_start3A_457 : memref<1x128x128xf32, #tpu.memory_space<vmem>> -> memref<128x128xf32, #tpu.memory_space<vmem>>
      %dma_start3A_459 = arith.constant 0 : i32
      %dma_start3A_460 = tpu.memref_slice %arg7[%add3A_219, %dma_start3A_459] : memref<10240x128xf32, #tpu.memory_space<hbm>> -> memref<128x128xf32, #tpu.memory_space<hbm>>
      %dma_start3A_461 = arith.constant 0 : i32
      %dma_start3A_462 = tpu.memref_slice %arg7[%add3A_219, %dma_start3A_461] : memref<10240x128xf32, #tpu.memory_space<hbm>> -> memref<128x128xf32, #tpu.memory_space<hbm>>
      %dma_start3A_463 = arith.constant 0 : i32
      %dma_start3A_464 = arith.constant 0 : i32
      %dma_start3A_465 = tpu.memref_slice %arg10[%dma_start3A_454, %dma_start3A_463, %dma_start3A_464] : memref<2x128x128xf32, #tpu.memory_space<vmem>> -> memref<1x128x128xf32, #tpu.memory_space<vmem>>
      %dma_start3A_466 = tpu.memref_squeeze %dma_start3A_465 : memref<1x128x128xf32, #tpu.memory_space<vmem>> -> memref<128x128xf32, #tpu.memory_space<vmem>>
      tpu.enqueue_dma source(%dma_start3A_466 : memref<128x128xf32, #tpu.memory_space<vmem>>) target(%dma_start3A_462 : memref<128x128xf32, #tpu.memory_space<hbm>>) target_semaphore(%arg14 : memref<!tpu.dma_semaphore, #tpu.memory_space<semaphore_mem>>)
    } else {
    }
    %add3A_226 = arith.constant 128 : i32
    %add3A_227 = arith.addi %mul3A_2, %add3A_226 : i32
    %dma_start3A_228 = arith.constant 1 : i32
    %dma_start3A_229 = arith.constant 0 : i32
    %dma_start3A_230 = arith.constant 0 : i32
    %dma_start3A_231 = tpu.memref_slice %arg10[%dma_start3A_228, %dma_start3A_229, %dma_start3A_230] : memref<2x128x128xf32, #tpu.memory_space<vmem>> -> memref<1x128x128xf32, #tpu.memory_space<vmem>>
    %dma_start3A_232 = tpu.memref_squeeze %dma_start3A_231 : memref<1x128x128xf32, #tpu.memory_space<vmem>> -> memref<128x128xf32, #tpu.memory_space<vmem>>
    %dma_start3A_233 = arith.constant 0 : i32
    %dma_start3A_234 = tpu.memref_slice %arg11[%add3A_227, %dma_start3A_233] : memref<10240x128xf32, #tpu.memory_space<vmem_shared>> -> memref<128x128xf32, #tpu.memory_space<vmem_shared>>
    %dma_start3A_235 = arith.constant 0 : i32
    %dma_start3A_236 = arith.constant 0 : i32
    %dma_start3A_237 = tpu.memref_slice %arg10[%dma_start3A_228, %dma_start3A_235, %dma_start3A_236] : memref<2x128x128xf32, #tpu.memory_space<vmem>> -> memref<1x128x128xf32, #tpu.memory_space<vmem>>
    %dma_start3A_238 = tpu.memref_squeeze %dma_start3A_237 : memref<1x128x128xf32, #tpu.memory_space<vmem>> -> memref<128x128xf32, #tpu.memory_space<vmem>>
    %dma_start3A_239 = arith.constant 0 : i32
    %dma_start3A_240 = tpu.memref_slice %arg11[%add3A_227, %dma_start3A_239] : memref<10240x128xf32, #tpu.memory_space<vmem_shared>> -> memref<128x128xf32, #tpu.memory_space<vmem_shared>>
    tpu.enqueue_dma source(%dma_start3A_240 : memref<128x128xf32, #tpu.memory_space<vmem_shared>>) target(%dma_start3A_238 : memref<128x128xf32, #tpu.memory_space<vmem>>) target_semaphore(%arg13 : memref<!tpu.dma_semaphore, #tpu.memory_space<semaphore_mem>>)
    %add3A_241 = arith.constant 128 : i32
    %add3A_242 = arith.addi %mul3A_2, %add3A_241 : i32
    %dma_wait3A_243 = arith.constant 1 : i32
    %dma_wait3A_244 = arith.constant 0 : i32
    %dma_wait3A_245 = arith.constant 0 : i32
    %dma_wait3A_246 = tpu.memref_slice %arg10[%dma_wait3A_243, %dma_wait3A_244, %dma_wait3A_245] : memref<2x128x128xf32, #tpu.memory_space<vmem>> -> memref<1x128x128xf32, #tpu.memory_space<vmem>>
    %dma_wait3A_247 = tpu.memref_squeeze %dma_wait3A_246 : memref<1x128x128xf32, #tpu.memory_space<vmem>> -> memref<128x128xf32, #tpu.memory_space<vmem>>
    %dma_wait3A_248 = arith.constant 0 : i32
    %dma_wait3A_249 = tpu.memref_slice %arg11[%add3A_242, %dma_wait3A_248] : memref<10240x128xf32, #tpu.memory_space<vmem_shared>> -> memref<128x128xf32, #tpu.memory_space<vmem_shared>>
    %dma_wait3A_250 = arith.constant 0 : i32
    %dma_wait3A_251 = arith.constant 0 : i32
    %dma_wait3A_252 = tpu.memref_slice %arg10[%dma_wait3A_243, %dma_wait3A_250, %dma_wait3A_251] : memref<2x128x128xf32, #tpu.memory_space<vmem>> -> memref<1x128x128xf32, #tpu.memory_space<vmem>>
    %dma_wait3A_253 = tpu.memref_squeeze %dma_wait3A_252 : memref<1x128x128xf32, #tpu.memory_space<vmem>> -> memref<128x128xf32, #tpu.memory_space<vmem>>
    %dma_wait3A_254 = arith.constant 0 : i32
    %dma_wait3A_255 = tpu.memref_slice %arg11[%add3A_242, %dma_wait3A_254] : memref<10240x128xf32, #tpu.memory_space<vmem_shared>> -> memref<128x128xf32, #tpu.memory_space<vmem_shared>>
    tpu.wait_dma2 semaphore(%arg13 : memref<!tpu.dma_semaphore, #tpu.memory_space<semaphore_mem>>) src(%dma_wait3A_255 : memref<128x128xf32, #tpu.memory_space<vmem_shared>>) dst(%dma_wait3A_253 : memref<128x128xf32, #tpu.memory_space<vmem>>)
    %add3A_256 = arith.constant 128 : i32
    %add3A_257 = arith.addi %mul3A_2, %add3A_256 : i32
    %eq3A_258 = arith.constant 0 : i32
    %eq3A_259 = arith.cmpi eq, %arg0, %eq3A_258 : i32
    %convert_element_type3A_260 = arith.extui %eq3A_259 : i1 to i32
    %cond3A_261 = arith.constant 0 : i32
    %cond3A_262 = arith.cmpi ne, %convert_element_type3A_260, %cond3A_261 : i32
    scf.if %cond3A_262 {
      %dma_start3A_454 = arith.constant 1 : i32
      %dma_start3A_455 = arith.constant 0 : i32
      %dma_start3A_456 = arith.constant 0 : i32
      %dma_start3A_457 = tpu.memref_slice %arg10[%dma_start3A_454, %dma_start3A_455, %dma_start3A_456] : memref<2x128x128xf32, #tpu.memory_space<vmem>> -> memref<1x128x128xf32, #tpu.memory_space<vmem>>
      %dma_start3A_458 = tpu.memref_squeeze %dma_start3A_457 : memref<1x128x128xf32, #tpu.memory_space<vmem>> -> memref<128x128xf32, #tpu.memory_space<vmem>>
      %dma_start3A_459 = arith.constant 0 : i32
      %dma_start3A_460 = tpu.memref_slice %arg6[%add3A_257, %dma_start3A_459] : memref<10240x128xf32, #tpu.memory_space<hbm>> -> memref<128x128xf32, #tpu.memory_space<hbm>>
      %dma_start3A_461 = arith.constant 0 : i32
      %dma_start3A_462 = tpu.memref_slice %arg6[%add3A_257, %dma_start3A_461] : memref<10240x128xf32, #tpu.memory_space<hbm>> -> memref<128x128xf32, #tpu.memory_space<hbm>>
      %dma_start3A_463 = arith.constant 0 : i32
      %dma_start3A_464 = arith.constant 0 : i32
      %dma_start3A_465 = tpu.memref_slice %arg10[%dma_start3A_454, %dma_start3A_463, %dma_start3A_464] : memref<2x128x128xf32, #tpu.memory_space<vmem>> -> memref<1x128x128xf32, #tpu.memory_space<vmem>>
      %dma_start3A_466 = tpu.memref_squeeze %dma_start3A_465 : memref<1x128x128xf32, #tpu.memory_space<vmem>> -> memref<128x128xf32, #tpu.memory_space<vmem>>
      tpu.enqueue_dma source(%dma_start3A_466 : memref<128x128xf32, #tpu.memory_space<vmem>>) target(%dma_start3A_462 : memref<128x128xf32, #tpu.memory_space<hbm>>) target_semaphore(%arg15 : memref<!tpu.dma_semaphore, #tpu.memory_space<semaphore_mem>>)
    } else {
    }
    %ne3A_263 = arith.constant 0 : i32
    %ne3A_264 = arith.cmpi ne, %arg0, %ne3A_263 : i32
    %convert_element_type3A_265 = arith.extui %ne3A_264 : i1 to i32
    %cond3A_266 = arith.constant 0 : i32
    %cond3A_267 = arith.cmpi ne, %convert_element_type3A_265, %cond3A_266 : i32
    scf.if %cond3A_267 {
      %dma_start3A_454 = arith.constant 1 : i32
      %dma_start3A_455 = arith.constant 0 : i32
      %dma_start3A_456 = arith.constant 0 : i32
      %dma_start3A_457 = tpu.memref_slice %arg10[%dma_start3A_454, %dma_start3A_455, %dma_start3A_456] : memref<2x128x128xf32, #tpu.memory_space<vmem>> -> memref<1x128x128xf32, #tpu.memory_space<vmem>>
      %dma_start3A_458 = tpu.memref_squeeze %dma_start3A_457 : memref<1x128x128xf32, #tpu.memory_space<vmem>> -> memref<128x128xf32, #tpu.memory_space<vmem>>
      %dma_start3A_459 = arith.constant 0 : i32
      %dma_start3A_460 = tpu.memref_slice %arg7[%add3A_257, %dma_start3A_459] : memref<10240x128xf32, #tpu.memory_space<hbm>> -> memref<128x128xf32, #tpu.memory_space<hbm>>
      %dma_start3A_461 = arith.constant 0 : i32
      %dma_start3A_462 = tpu.memref_slice %arg7[%add3A_257, %dma_start3A_461] : memref<10240x128xf32, #tpu.memory_space<hbm>> -> memref<128x128xf32, #tpu.memory_space<hbm>>
      %dma_start3A_463 = arith.constant 0 : i32
      %dma_start3A_464 = arith.constant 0 : i32
      %dma_start3A_465 = tpu.memref_slice %arg10[%dma_start3A_454, %dma_start3A_463, %dma_start3A_464] : memref<2x128x128xf32, #tpu.memory_space<vmem>> -> memref<1x128x128xf32, #tpu.memory_space<vmem>>
      %dma_start3A_466 = tpu.memref_squeeze %dma_start3A_465 : memref<1x128x128xf32, #tpu.memory_space<vmem>> -> memref<128x128xf32, #tpu.memory_space<vmem>>
      tpu.enqueue_dma source(%dma_start3A_466 : memref<128x128xf32, #tpu.memory_space<vmem>>) target(%dma_start3A_462 : memref<128x128xf32, #tpu.memory_space<hbm>>) target_semaphore(%arg15 : memref<!tpu.dma_semaphore, #tpu.memory_space<semaphore_mem>>)
    } else {
    }
    %add3A_268 = arith.constant 0 : i32
    %add3A_269 = arith.addi %mul3A_2, %add3A_268 : i32
    %eq3A_270 = arith.constant 0 : i32
    %eq3A_271 = arith.cmpi eq, %arg0, %eq3A_270 : i32
    %convert_element_type3A_272 = arith.extui %eq3A_271 : i1 to i32
    %cond3A_273 = arith.constant 0 : i32
    %cond3A_274 = arith.cmpi ne, %convert_element_type3A_272, %cond3A_273 : i32
    scf.if %cond3A_274 {
      %dma_wait3A_454 = arith.constant 0 : i32
      %dma_wait3A_455 = arith.constant 0 : i32
      %dma_wait3A_456 = arith.constant 0 : i32
      %dma_wait3A_457 = tpu.memref_slice %arg10[%dma_wait3A_454, %dma_wait3A_455, %dma_wait3A_456] : memref<2x128x128xf32, #tpu.memory_space<vmem>> -> memref<1x128x128xf32, #tpu.memory_space<vmem>>
      %dma_wait3A_458 = tpu.memref_squeeze %dma_wait3A_457 : memref<1x128x128xf32, #tpu.memory_space<vmem>> -> memref<128x128xf32, #tpu.memory_space<vmem>>
      %dma_wait3A_459 = arith.constant 0 : i32
      %dma_wait3A_460 = tpu.memref_slice %arg6[%add3A_269, %dma_wait3A_459] : memref<10240x128xf32, #tpu.memory_space<hbm>> -> memref<128x128xf32, #tpu.memory_space<hbm>>
      %dma_wait3A_461 = arith.constant 0 : i32
      %dma_wait3A_462 = tpu.memref_slice %arg6[%add3A_269, %dma_wait3A_461] : memref<10240x128xf32, #tpu.memory_space<hbm>> -> memref<128x128xf32, #tpu.memory_space<hbm>>
      %dma_wait3A_463 = arith.constant 0 : i32
      %dma_wait3A_464 = arith.constant 0 : i32
      %dma_wait3A_465 = tpu.memref_slice %arg10[%dma_wait3A_454, %dma_wait3A_463, %dma_wait3A_464] : memref<2x128x128xf32, #tpu.memory_space<vmem>> -> memref<1x128x128xf32, #tpu.memory_space<vmem>>
      %dma_wait3A_466 = tpu.memref_squeeze %dma_wait3A_465 : memref<1x128x128xf32, #tpu.memory_space<vmem>> -> memref<128x128xf32, #tpu.memory_space<vmem>>
      tpu.wait_dma2 semaphore(%arg14 : memref<!tpu.dma_semaphore, #tpu.memory_space<semaphore_mem>>) src(%dma_wait3A_466 : memref<128x128xf32, #tpu.memory_space<vmem>>) dst(%dma_wait3A_462 : memref<128x128xf32, #tpu.memory_space<hbm>>)
    } else {
    }
    %ne3A_275 = arith.constant 0 : i32
    %ne3A_276 = arith.cmpi ne, %arg0, %ne3A_275 : i32
    %convert_element_type3A_277 = arith.extui %ne3A_276 : i1 to i32
    %cond3A_278 = arith.constant 0 : i32
    %cond3A_279 = arith.cmpi ne, %convert_element_type3A_277, %cond3A_278 : i32
    scf.if %cond3A_279 {
      %dma_wait3A_454 = arith.constant 0 : i32
      %dma_wait3A_455 = arith.constant 0 : i32
      %dma_wait3A_456 = arith.constant 0 : i32
      %dma_wait3A_457 = tpu.memref_slice %arg10[%dma_wait3A_454, %dma_wait3A_455, %dma_wait3A_456] : memref<2x128x128xf32, #tpu.memory_space<vmem>> -> memref<1x128x128xf32, #tpu.memory_space<vmem>>
      %dma_wait3A_458 = tpu.memref_squeeze %dma_wait3A_457 : memref<1x128x128xf32, #tpu.memory_space<vmem>> -> memref<128x128xf32, #tpu.memory_space<vmem>>
      %dma_wait3A_459 = arith.constant 0 : i32
      %dma_wait3A_460 = tpu.memref_slice %arg7[%add3A_269, %dma_wait3A_459] : memref<10240x128xf32, #tpu.memory_space<hbm>> -> memref<128x128xf32, #tpu.memory_space<hbm>>
      %dma_wait3A_461 = arith.constant 0 : i32
      %dma_wait3A_462 = tpu.memref_slice %arg7[%add3A_269, %dma_wait3A_461] : memref<10240x128xf32, #tpu.memory_space<hbm>> -> memref<128x128xf32, #tpu.memory_space<hbm>>
      %dma_wait3A_463 = arith.constant 0 : i32
      %dma_wait3A_464 = arith.constant 0 : i32
      %dma_wait3A_465 = tpu.memref_slice %arg10[%dma_wait3A_454, %dma_wait3A_463, %dma_wait3A_464] : memref<2x128x128xf32, #tpu.memory_space<vmem>> -> memref<1x128x128xf32, #tpu.memory_space<vmem>>
      %dma_wait3A_466 = tpu.memref_squeeze %dma_wait3A_465 : memref<1x128x128xf32, #tpu.memory_space<vmem>> -> memref<128x128xf32, #tpu.memory_space<vmem>>
      tpu.wait_dma2 semaphore(%arg14 : memref<!tpu.dma_semaphore, #tpu.memory_space<semaphore_mem>>) src(%dma_wait3A_466 : memref<128x128xf32, #tpu.memory_space<vmem>>) dst(%dma_wait3A_462 : memref<128x128xf32, #tpu.memory_space<hbm>>)
    } else {
    }
    %add3A_280 = arith.constant 256 : i32
    %add3A_281 = arith.addi %mul3A_2, %add3A_280 : i32
    %dma_start3A_282 = arith.constant 0 : i32
    %dma_start3A_283 = arith.constant 0 : i32
    %dma_start3A_284 = arith.constant 0 : i32
    %dma_start3A_285 = tpu.memref_slice %arg10[%dma_start3A_282, %dma_start3A_283, %dma_start3A_284] : memref<2x128x128xf32, #tpu.memory_space<vmem>> -> memref<1x128x128xf32, #tpu.memory_space<vmem>>
    %dma_start3A_286 = tpu.memref_squeeze %dma_start3A_285 : memref<1x128x128xf32, #tpu.memory_space<vmem>> -> memref<128x128xf32, #tpu.memory_space<vmem>>
    %dma_start3A_287 = arith.constant 0 : i32
    %dma_start3A_288 = tpu.memref_slice %arg11[%add3A_281, %dma_start3A_287] : memref<10240x128xf32, #tpu.memory_space<vmem_shared>> -> memref<128x128xf32, #tpu.memory_space<vmem_shared>>
    %dma_start3A_289 = arith.constant 0 : i32
    %dma_start3A_290 = arith.constant 0 : i32
    %dma_start3A_291 = tpu.memref_slice %arg10[%dma_start3A_282, %dma_start3A_289, %dma_start3A_290] : memref<2x128x128xf32, #tpu.memory_space<vmem>> -> memref<1x128x128xf32, #tpu.memory_space<vmem>>
    %dma_start3A_292 = tpu.memref_squeeze %dma_start3A_291 : memref<1x128x128xf32, #tpu.memory_space<vmem>> -> memref<128x128xf32, #tpu.memory_space<vmem>>
    %dma_start3A_293 = arith.constant 0 : i32
    %dma_start3A_294 = tpu.memref_slice %arg11[%add3A_281, %dma_start3A_293] : memref<10240x128xf32, #tpu.memory_space<vmem_shared>> -> memref<128x128xf32, #tpu.memory_space<vmem_shared>>
    tpu.enqueue_dma source(%dma_start3A_294 : memref<128x128xf32, #tpu.memory_space<vmem_shared>>) target(%dma_start3A_292 : memref<128x128xf32, #tpu.memory_space<vmem>>) target_semaphore(%arg12 : memref<!tpu.dma_semaphore, #tpu.memory_space<semaphore_mem>>)
    %add3A_295 = arith.constant 256 : i32
    %add3A_296 = arith.addi %mul3A_2, %add3A_295 : i32
    %dma_wait3A_297 = arith.constant 0 : i32
    %dma_wait3A_298 = arith.constant 0 : i32
    %dma_wait3A_299 = arith.constant 0 : i32
    %dma_wait3A_300 = tpu.memref_slice %arg10[%dma_wait3A_297, %dma_wait3A_298, %dma_wait3A_299] : memref<2x128x128xf32, #tpu.memory_space<vmem>> -> memref<1x128x128xf32, #tpu.memory_space<vmem>>
    %dma_wait3A_301 = tpu.memref_squeeze %dma_wait3A_300 : memref<1x128x128xf32, #tpu.memory_space<vmem>> -> memref<128x128xf32, #tpu.memory_space<vmem>>
    %dma_wait3A_302 = arith.constant 0 : i32
    %dma_wait3A_303 = tpu.memref_slice %arg11[%add3A_296, %dma_wait3A_302] : memref<10240x128xf32, #tpu.memory_space<vmem_shared>> -> memref<128x128xf32, #tpu.memory_space<vmem_shared>>
    %dma_wait3A_304 = arith.constant 0 : i32
    %dma_wait3A_305 = arith.constant 0 : i32
    %dma_wait3A_306 = tpu.memref_slice %arg10[%dma_wait3A_297, %dma_wait3A_304, %dma_wait3A_305] : memref<2x128x128xf32, #tpu.memory_space<vmem>> -> memref<1x128x128xf32, #tpu.memory_space<vmem>>
    %dma_wait3A_307 = tpu.memref_squeeze %dma_wait3A_306 : memref<1x128x128xf32, #tpu.memory_space<vmem>> -> memref<128x128xf32, #tpu.memory_space<vmem>>
    %dma_wait3A_308 = arith.constant 0 : i32
    %dma_wait3A_309 = tpu.memref_slice %arg11[%add3A_296, %dma_wait3A_308] : memref<10240x128xf32, #tpu.memory_space<vmem_shared>> -> memref<128x128xf32, #tpu.memory_space<vmem_shared>>
    tpu.wait_dma2 semaphore(%arg12 : memref<!tpu.dma_semaphore, #tpu.memory_space<semaphore_mem>>) src(%dma_wait3A_309 : memref<128x128xf32, #tpu.memory_space<vmem_shared>>) dst(%dma_wait3A_307 : memref<128x128xf32, #tpu.memory_space<vmem>>)
    %add3A_310 = arith.constant 256 : i32
    %add3A_311 = arith.addi %mul3A_2, %add3A_310 : i32
    %eq3A_312 = arith.constant 0 : i32
    %eq3A_313 = arith.cmpi eq, %arg0, %eq3A_312 : i32
    %convert_element_type3A_314 = arith.extui %eq3A_313 : i1 to i32
    %cond3A_315 = arith.constant 0 : i32
    %cond3A_316 = arith.cmpi ne, %convert_element_type3A_314, %cond3A_315 : i32
    scf.if %cond3A_316 {
      %dma_start3A_454 = arith.constant 0 : i32
      %dma_start3A_455 = arith.constant 0 : i32
      %dma_start3A_456 = arith.constant 0 : i32
      %dma_start3A_457 = tpu.memref_slice %arg10[%dma_start3A_454, %dma_start3A_455, %dma_start3A_456] : memref<2x128x128xf32, #tpu.memory_space<vmem>> -> memref<1x128x128xf32, #tpu.memory_space<vmem>>
      %dma_start3A_458 = tpu.memref_squeeze %dma_start3A_457 : memref<1x128x128xf32, #tpu.memory_space<vmem>> -> memref<128x128xf32, #tpu.memory_space<vmem>>
      %dma_start3A_459 = arith.constant 0 : i32
      %dma_start3A_460 = tpu.memref_slice %arg6[%add3A_311, %dma_start3A_459] : memref<10240x128xf32, #tpu.memory_space<hbm>> -> memref<128x128xf32, #tpu.memory_space<hbm>>
      %dma_start3A_461 = arith.constant 0 : i32
      %dma_start3A_462 = tpu.memref_slice %arg6[%add3A_311, %dma_start3A_461] : memref<10240x128xf32, #tpu.memory_space<hbm>> -> memref<128x128xf32, #tpu.memory_space<hbm>>
      %dma_start3A_463 = arith.constant 0 : i32
      %dma_start3A_464 = arith.constant 0 : i32
      %dma_start3A_465 = tpu.memref_slice %arg10[%dma_start3A_454, %dma_start3A_463, %dma_start3A_464] : memref<2x128x128xf32, #tpu.memory_space<vmem>> -> memref<1x128x128xf32, #tpu.memory_space<vmem>>
      %dma_start3A_466 = tpu.memref_squeeze %dma_start3A_465 : memref<1x128x128xf32, #tpu.memory_space<vmem>> -> memref<128x128xf32, #tpu.memory_space<vmem>>
      tpu.enqueue_dma source(%dma_start3A_466 : memref<128x128xf32, #tpu.memory_space<vmem>>) target(%dma_start3A_462 : memref<128x128xf32, #tpu.memory_space<hbm>>) target_semaphore(%arg14 : memref<!tpu.dma_semaphore, #tpu.memory_space<semaphore_mem>>)
    } else {
    }
    %ne3A_317 = arith.constant 0 : i32
    %ne3A_318 = arith.cmpi ne, %arg0, %ne3A_317 : i32
    %convert_element_type3A_319 = arith.extui %ne3A_318 : i1 to i32
    %cond3A_320 = arith.constant 0 : i32
    %cond3A_321 = arith.cmpi ne, %convert_element_type3A_319, %cond3A_320 : i32
    scf.if %cond3A_321 {
      %dma_start3A_454 = arith.constant 0 : i32
      %dma_start3A_455 = arith.constant 0 : i32
      %dma_start3A_456 = arith.constant 0 : i32
      %dma_start3A_457 = tpu.memref_slice %arg10[%dma_start3A_454, %dma_start3A_455, %dma_start3A_456] : memref<2x128x128xf32, #tpu.memory_space<vmem>> -> memref<1x128x128xf32, #tpu.memory_space<vmem>>
      %dma_start3A_458 = tpu.memref_squeeze %dma_start3A_457 : memref<1x128x128xf32, #tpu.memory_space<vmem>> -> memref<128x128xf32, #tpu.memory_space<vmem>>
      %dma_start3A_459 = arith.constant 0 : i32
      %dma_start3A_460 = tpu.memref_slice %arg7[%add3A_311, %dma_start3A_459] : memref<10240x128xf32, #tpu.memory_space<hbm>> -> memref<128x128xf32, #tpu.memory_space<hbm>>
      %dma_start3A_461 = arith.constant 0 : i32
      %dma_start3A_462 = tpu.memref_slice %arg7[%add3A_311, %dma_start3A_461] : memref<10240x128xf32, #tpu.memory_space<hbm>> -> memref<128x128xf32, #tpu.memory_space<hbm>>
      %dma_start3A_463 = arith.constant 0 : i32
      %dma_start3A_464 = arith.constant 0 : i32
      %dma_start3A_465 = tpu.memref_slice %arg10[%dma_start3A_454, %dma_start3A_463, %dma_start3A_464] : memref<2x128x128xf32, #tpu.memory_space<vmem>> -> memref<1x128x128xf32, #tpu.memory_space<vmem>>
      %dma_start3A_466 = tpu.memref_squeeze %dma_start3A_465 : memref<1x128x128xf32, #tpu.memory_space<vmem>> -> memref<128x128xf32, #tpu.memory_space<vmem>>
      tpu.enqueue_dma source(%dma_start3A_466 : memref<128x128xf32, #tpu.memory_space<vmem>>) target(%dma_start3A_462 : memref<128x128xf32, #tpu.memory_space<hbm>>) target_semaphore(%arg14 : memref<!tpu.dma_semaphore, #tpu.memory_space<semaphore_mem>>)
    } else {
    }
    %add3A_322 = arith.constant 128 : i32
    %add3A_323 = arith.addi %mul3A_2, %add3A_322 : i32
    %eq3A_324 = arith.constant 0 : i32
    %eq3A_325 = arith.cmpi eq, %arg0, %eq3A_324 : i32
    %convert_element_type3A_326 = arith.extui %eq3A_325 : i1 to i32
    %cond3A_327 = arith.constant 0 : i32
    %cond3A_328 = arith.cmpi ne, %convert_element_type3A_326, %cond3A_327 : i32
    scf.if %cond3A_328 {
      %dma_wait3A_454 = arith.constant 1 : i32
      %dma_wait3A_455 = arith.constant 0 : i32
      %dma_wait3A_456 = arith.constant 0 : i32
      %dma_wait3A_457 = tpu.memref_slice %arg10[%dma_wait3A_454, %dma_wait3A_455, %dma_wait3A_456] : memref<2x128x128xf32, #tpu.memory_space<vmem>> -> memref<1x128x128xf32, #tpu.memory_space<vmem>>
      %dma_wait3A_458 = tpu.memref_squeeze %dma_wait3A_457 : memref<1x128x128xf32, #tpu.memory_space<vmem>> -> memref<128x128xf32, #tpu.memory_space<vmem>>
      %dma_wait3A_459 = arith.constant 0 : i32
      %dma_wait3A_460 = tpu.memref_slice %arg6[%add3A_323, %dma_wait3A_459] : memref<10240x128xf32, #tpu.memory_space<hbm>> -> memref<128x128xf32, #tpu.memory_space<hbm>>
      %dma_wait3A_461 = arith.constant 0 : i32
      %dma_wait3A_462 = tpu.memref_slice %arg6[%add3A_323, %dma_wait3A_461] : memref<10240x128xf32, #tpu.memory_space<hbm>> -> memref<128x128xf32, #tpu.memory_space<hbm>>
      %dma_wait3A_463 = arith.constant 0 : i32
      %dma_wait3A_464 = arith.constant 0 : i32
      %dma_wait3A_465 = tpu.memref_slice %arg10[%dma_wait3A_454, %dma_wait3A_463, %dma_wait3A_464] : memref<2x128x128xf32, #tpu.memory_space<vmem>> -> memref<1x128x128xf32, #tpu.memory_space<vmem>>
      %dma_wait3A_466 = tpu.memref_squeeze %dma_wait3A_465 : memref<1x128x128xf32, #tpu.memory_space<vmem>> -> memref<128x128xf32, #tpu.memory_space<vmem>>
      tpu.wait_dma2 semaphore(%arg15 : memref<!tpu.dma_semaphore, #tpu.memory_space<semaphore_mem>>) src(%dma_wait3A_466 : memref<128x128xf32, #tpu.memory_space<vmem>>) dst(%dma_wait3A_462 : memref<128x128xf32, #tpu.memory_space<hbm>>)
    } else {
    }
    %ne3A_329 = arith.constant 0 : i32
    %ne3A_330 = arith.cmpi ne, %arg0, %ne3A_329 : i32
    %convert_element_type3A_331 = arith.extui %ne3A_330 : i1 to i32
    %cond3A_332 = arith.constant 0 : i32
    %cond3A_333 = arith.cmpi ne, %convert_element_type3A_331, %cond3A_332 : i32
    scf.if %cond3A_333 {
      %dma_wait3A_454 = arith.constant 1 : i32
      %dma_wait3A_455 = arith.constant 0 : i32
      %dma_wait3A_456 = arith.constant 0 : i32
      %dma_wait3A_457 = tpu.memref_slice %arg10[%dma_wait3A_454, %dma_wait3A_455, %dma_wait3A_456] : memref<2x128x128xf32, #tpu.memory_space<vmem>> -> memref<1x128x128xf32, #tpu.memory_space<vmem>>
      %dma_wait3A_458 = tpu.memref_squeeze %dma_wait3A_457 : memref<1x128x128xf32, #tpu.memory_space<vmem>> -> memref<128x128xf32, #tpu.memory_space<vmem>>
      %dma_wait3A_459 = arith.constant 0 : i32
      %dma_wait3A_460 = tpu.memref_slice %arg7[%add3A_323, %dma_wait3A_459] : memref<10240x128xf32, #tpu.memory_space<hbm>> -> memref<128x128xf32, #tpu.memory_space<hbm>>
      %dma_wait3A_461 = arith.constant 0 : i32
      %dma_wait3A_462 = tpu.memref_slice %arg7[%add3A_323, %dma_wait3A_461] : memref<10240x128xf32, #tpu.memory_space<hbm>> -> memref<128x128xf32, #tpu.memory_space<hbm>>
      %dma_wait3A_463 = arith.constant 0 : i32
      %dma_wait3A_464 = arith.constant 0 : i32
      %dma_wait3A_465 = tpu.memref_slice %arg10[%dma_wait3A_454, %dma_wait3A_463, %dma_wait3A_464] : memref<2x128x128xf32, #tpu.memory_space<vmem>> -> memref<1x128x128xf32, #tpu.memory_space<vmem>>
      %dma_wait3A_466 = tpu.memref_squeeze %dma_wait3A_465 : memref<1x128x128xf32, #tpu.memory_space<vmem>> -> memref<128x128xf32, #tpu.memory_space<vmem>>
      tpu.wait_dma2 semaphore(%arg15 : memref<!tpu.dma_semaphore, #tpu.memory_space<semaphore_mem>>) src(%dma_wait3A_466 : memref<128x128xf32, #tpu.memory_space<vmem>>) dst(%dma_wait3A_462 : memref<128x128xf32, #tpu.memory_space<hbm>>)
    } else {
    }
    %add3A_334 = arith.constant 384 : i32
    %add3A_335 = arith.addi %mul3A_2, %add3A_334 : i32
    %dma_start3A_336 = arith.constant 1 : i32
    %dma_start3A_337 = arith.constant 0 : i32
    %dma_start3A_338 = arith.constant 0 : i32
    %dma_start3A_339 = tpu.memref_slice %arg10[%dma_start3A_336, %dma_start3A_337, %dma_start3A_338] : memref<2x128x128xf32, #tpu.memory_space<vmem>> -> memref<1x128x128xf32, #tpu.memory_space<vmem>>
    %dma_start3A_340 = tpu.memref_squeeze %dma_start3A_339 : memref<1x128x128xf32, #tpu.memory_space<vmem>> -> memref<128x128xf32, #tpu.memory_space<vmem>>
    %dma_start3A_341 = arith.constant 0 : i32
    %dma_start3A_342 = tpu.memref_slice %arg11[%add3A_335, %dma_start3A_341] : memref<10240x128xf32, #tpu.memory_space<vmem_shared>> -> memref<128x128xf32, #tpu.memory_space<vmem_shared>>
    %dma_start3A_343 = arith.constant 0 : i32
    %dma_start3A_344 = arith.constant 0 : i32
    %dma_start3A_345 = tpu.memref_slice %arg10[%dma_start3A_336, %dma_start3A_343, %dma_start3A_344] : memref<2x128x128xf32, #tpu.memory_space<vmem>> -> memref<1x128x128xf32, #tpu.memory_space<vmem>>
    %dma_start3A_346 = tpu.memref_squeeze %dma_start3A_345 : memref<1x128x128xf32, #tpu.memory_space<vmem>> -> memref<128x128xf32, #tpu.memory_space<vmem>>
    %dma_start3A_347 = arith.constant 0 : i32
    %dma_start3A_348 = tpu.memref_slice %arg11[%add3A_335, %dma_start3A_347] : memref<10240x128xf32, #tpu.memory_space<vmem_shared>> -> memref<128x128xf32, #tpu.memory_space<vmem_shared>>
    tpu.enqueue_dma source(%dma_start3A_348 : memref<128x128xf32, #tpu.memory_space<vmem_shared>>) target(%dma_start3A_346 : memref<128x128xf32, #tpu.memory_space<vmem>>) target_semaphore(%arg13 : memref<!tpu.dma_semaphore, #tpu.memory_space<semaphore_mem>>)
    %add3A_349 = arith.constant 384 : i32
    %add3A_350 = arith.addi %mul3A_2, %add3A_349 : i32
    %dma_wait3A_351 = arith.constant 1 : i32
    %dma_wait3A_352 = arith.constant 0 : i32
    %dma_wait3A_353 = arith.constant 0 : i32
    %dma_wait3A_354 = tpu.memref_slice %arg10[%dma_wait3A_351, %dma_wait3A_352, %dma_wait3A_353] : memref<2x128x128xf32, #tpu.memory_space<vmem>> -> memref<1x128x128xf32, #tpu.memory_space<vmem>>
    %dma_wait3A_355 = tpu.memref_squeeze %dma_wait3A_354 : memref<1x128x128xf32, #tpu.memory_space<vmem>> -> memref<128x128xf32, #tpu.memory_space<vmem>>
    %dma_wait3A_356 = arith.constant 0 : i32
    %dma_wait3A_357 = tpu.memref_slice %arg11[%add3A_350, %dma_wait3A_356] : memref<10240x128xf32, #tpu.memory_space<vmem_shared>> -> memref<128x128xf32, #tpu.memory_space<vmem_shared>>
    %dma_wait3A_358 = arith.constant 0 : i32
    %dma_wait3A_359 = arith.constant 0 : i32
    %dma_wait3A_360 = tpu.memref_slice %arg10[%dma_wait3A_351, %dma_wait3A_358, %dma_wait3A_359] : memref<2x128x128xf32, #tpu.memory_space<vmem>> -> memref<1x128x128xf32, #tpu.memory_space<vmem>>
    %dma_wait3A_361 = tpu.memref_squeeze %dma_wait3A_360 : memref<1x128x128xf32, #tpu.memory_space<vmem>> -> memref<128x128xf32, #tpu.memory_space<vmem>>
    %dma_wait3A_362 = arith.constant 0 : i32
    %dma_wait3A_363 = tpu.memref_slice %arg11[%add3A_350, %dma_wait3A_362] : memref<10240x128xf32, #tpu.memory_space<vmem_shared>> -> memref<128x128xf32, #tpu.memory_space<vmem_shared>>
    tpu.wait_dma2 semaphore(%arg13 : memref<!tpu.dma_semaphore, #tpu.memory_space<semaphore_mem>>) src(%dma_wait3A_363 : memref<128x128xf32, #tpu.memory_space<vmem_shared>>) dst(%dma_wait3A_361 : memref<128x128xf32, #tpu.memory_space<vmem>>)
    %add3A_364 = arith.constant 384 : i32
    %add3A_365 = arith.addi %mul3A_2, %add3A_364 : i32
    %eq3A_366 = arith.constant 0 : i32
    %eq3A_367 = arith.cmpi eq, %arg0, %eq3A_366 : i32
    %convert_element_type3A_368 = arith.extui %eq3A_367 : i1 to i32
    %cond3A_369 = arith.constant 0 : i32
    %cond3A_370 = arith.cmpi ne, %convert_element_type3A_368, %cond3A_369 : i32
    scf.if %cond3A_370 {
      %dma_start3A_454 = arith.constant 1 : i32
      %dma_start3A_455 = arith.constant 0 : i32
      %dma_start3A_456 = arith.constant 0 : i32
      %dma_start3A_457 = tpu.memref_slice %arg10[%dma_start3A_454, %dma_start3A_455, %dma_start3A_456] : memref<2x128x128xf32, #tpu.memory_space<vmem>> -> memref<1x128x128xf32, #tpu.memory_space<vmem>>
      %dma_start3A_458 = tpu.memref_squeeze %dma_start3A_457 : memref<1x128x128xf32, #tpu.memory_space<vmem>> -> memref<128x128xf32, #tpu.memory_space<vmem>>
      %dma_start3A_459 = arith.constant 0 : i32
      %dma_start3A_460 = tpu.memref_slice %arg6[%add3A_365, %dma_start3A_459] : memref<10240x128xf32, #tpu.memory_space<hbm>> -> memref<128x128xf32, #tpu.memory_space<hbm>>
      %dma_start3A_461 = arith.constant 0 : i32
      %dma_start3A_462 = tpu.memref_slice %arg6[%add3A_365, %dma_start3A_461] : memref<10240x128xf32, #tpu.memory_space<hbm>> -> memref<128x128xf32, #tpu.memory_space<hbm>>
      %dma_start3A_463 = arith.constant 0 : i32
      %dma_start3A_464 = arith.constant 0 : i32
      %dma_start3A_465 = tpu.memref_slice %arg10[%dma_start3A_454, %dma_start3A_463, %dma_start3A_464] : memref<2x128x128xf32, #tpu.memory_space<vmem>> -> memref<1x128x128xf32, #tpu.memory_space<vmem>>
      %dma_start3A_466 = tpu.memref_squeeze %dma_start3A_465 : memref<1x128x128xf32, #tpu.memory_space<vmem>> -> memref<128x128xf32, #tpu.memory_space<vmem>>
      tpu.enqueue_dma source(%dma_start3A_466 : memref<128x128xf32, #tpu.memory_space<vmem>>) target(%dma_start3A_462 : memref<128x128xf32, #tpu.memory_space<hbm>>) target_semaphore(%arg15 : memref<!tpu.dma_semaphore, #tpu.memory_space<semaphore_mem>>)
    } else {
    }
    %ne3A_371 = arith.constant 0 : i32
    %ne3A_372 = arith.cmpi ne, %arg0, %ne3A_371 : i32
    %convert_element_type3A_373 = arith.extui %ne3A_372 : i1 to i32
    %cond3A_374 = arith.constant 0 : i32
    %cond3A_375 = arith.cmpi ne, %convert_element_type3A_373, %cond3A_374 : i32
    scf.if %cond3A_375 {
      %dma_start3A_454 = arith.constant 1 : i32
      %dma_start3A_455 = arith.constant 0 : i32
      %dma_start3A_456 = arith.constant 0 : i32
      %dma_start3A_457 = tpu.memref_slice %arg10[%dma_start3A_454, %dma_start3A_455, %dma_start3A_456] : memref<2x128x128xf32, #tpu.memory_space<vmem>> -> memref<1x128x128xf32, #tpu.memory_space<vmem>>
      %dma_start3A_458 = tpu.memref_squeeze %dma_start3A_457 : memref<1x128x128xf32, #tpu.memory_space<vmem>> -> memref<128x128xf32, #tpu.memory_space<vmem>>
      %dma_start3A_459 = arith.constant 0 : i32
      %dma_start3A_460 = tpu.memref_slice %arg7[%add3A_365, %dma_start3A_459] : memref<10240x128xf32, #tpu.memory_space<hbm>> -> memref<128x128xf32, #tpu.memory_space<hbm>>
      %dma_start3A_461 = arith.constant 0 : i32
      %dma_start3A_462 = tpu.memref_slice %arg7[%add3A_365, %dma_start3A_461] : memref<10240x128xf32, #tpu.memory_space<hbm>> -> memref<128x128xf32, #tpu.memory_space<hbm>>
      %dma_start3A_463 = arith.constant 0 : i32
      %dma_start3A_464 = arith.constant 0 : i32
      %dma_start3A_465 = tpu.memref_slice %arg10[%dma_start3A_454, %dma_start3A_463, %dma_start3A_464] : memref<2x128x128xf32, #tpu.memory_space<vmem>> -> memref<1x128x128xf32, #tpu.memory_space<vmem>>
      %dma_start3A_466 = tpu.memref_squeeze %dma_start3A_465 : memref<1x128x128xf32, #tpu.memory_space<vmem>> -> memref<128x128xf32, #tpu.memory_space<vmem>>
      tpu.enqueue_dma source(%dma_start3A_466 : memref<128x128xf32, #tpu.memory_space<vmem>>) target(%dma_start3A_462 : memref<128x128xf32, #tpu.memory_space<hbm>>) target_semaphore(%arg15 : memref<!tpu.dma_semaphore, #tpu.memory_space<semaphore_mem>>)
    } else {
    }
    %add3A_376 = arith.constant 256 : i32
    %add3A_377 = arith.addi %mul3A_2, %add3A_376 : i32
    %eq3A_378 = arith.constant 0 : i32
    %eq3A_379 = arith.cmpi eq, %arg0, %eq3A_378 : i32
    %convert_element_type3A_380 = arith.extui %eq3A_379 : i1 to i32
    %cond3A_381 = arith.constant 0 : i32
    %cond3A_382 = arith.cmpi ne, %convert_element_type3A_380, %cond3A_381 : i32
    scf.if %cond3A_382 {
      %dma_wait3A_454 = arith.constant 0 : i32
      %dma_wait3A_455 = arith.constant 0 : i32
      %dma_wait3A_456 = arith.constant 0 : i32
      %dma_wait3A_457 = tpu.memref_slice %arg10[%dma_wait3A_454, %dma_wait3A_455, %dma_wait3A_456] : memref<2x128x128xf32, #tpu.memory_space<vmem>> -> memref<1x128x128xf32, #tpu.memory_space<vmem>>
      %dma_wait3A_458 = tpu.memref_squeeze %dma_wait3A_457 : memref<1x128x128xf32, #tpu.memory_space<vmem>> -> memref<128x128xf32, #tpu.memory_space<vmem>>
      %dma_wait3A_459 = arith.constant 0 : i32
      %dma_wait3A_460 = tpu.memref_slice %arg6[%add3A_377, %dma_wait3A_459] : memref<10240x128xf32, #tpu.memory_space<hbm>> -> memref<128x128xf32, #tpu.memory_space<hbm>>
      %dma_wait3A_461 = arith.constant 0 : i32
      %dma_wait3A_462 = tpu.memref_slice %arg6[%add3A_377, %dma_wait3A_461] : memref<10240x128xf32, #tpu.memory_space<hbm>> -> memref<128x128xf32, #tpu.memory_space<hbm>>
      %dma_wait3A_463 = arith.constant 0 : i32
      %dma_wait3A_464 = arith.constant 0 : i32
      %dma_wait3A_465 = tpu.memref_slice %arg10[%dma_wait3A_454, %dma_wait3A_463, %dma_wait3A_464] : memref<2x128x128xf32, #tpu.memory_space<vmem>> -> memref<1x128x128xf32, #tpu.memory_space<vmem>>
      %dma_wait3A_466 = tpu.memref_squeeze %dma_wait3A_465 : memref<1x128x128xf32, #tpu.memory_space<vmem>> -> memref<128x128xf32, #tpu.memory_space<vmem>>
      tpu.wait_dma2 semaphore(%arg14 : memref<!tpu.dma_semaphore, #tpu.memory_space<semaphore_mem>>) src(%dma_wait3A_466 : memref<128x128xf32, #tpu.memory_space<vmem>>) dst(%dma_wait3A_462 : memref<128x128xf32, #tpu.memory_space<hbm>>)
    } else {
    }
    %ne3A_383 = arith.constant 0 : i32
    %ne3A_384 = arith.cmpi ne, %arg0, %ne3A_383 : i32
    %convert_element_type3A_385 = arith.extui %ne3A_384 : i1 to i32
    %cond3A_386 = arith.constant 0 : i32
    %cond3A_387 = arith.cmpi ne, %convert_element_type3A_385, %cond3A_386 : i32
    scf.if %cond3A_387 {
      %dma_wait3A_454 = arith.constant 0 : i32
      %dma_wait3A_455 = arith.constant 0 : i32
      %dma_wait3A_456 = arith.constant 0 : i32
      %dma_wait3A_457 = tpu.memref_slice %arg10[%dma_wait3A_454, %dma_wait3A_455, %dma_wait3A_456] : memref<2x128x128xf32, #tpu.memory_space<vmem>> -> memref<1x128x128xf32, #tpu.memory_space<vmem>>
      %dma_wait3A_458 = tpu.memref_squeeze %dma_wait3A_457 : memref<1x128x128xf32, #tpu.memory_space<vmem>> -> memref<128x128xf32, #tpu.memory_space<vmem>>
      %dma_wait3A_459 = arith.constant 0 : i32
      %dma_wait3A_460 = tpu.memref_slice %arg7[%add3A_377, %dma_wait3A_459] : memref<10240x128xf32, #tpu.memory_space<hbm>> -> memref<128x128xf32, #tpu.memory_space<hbm>>
      %dma_wait3A_461 = arith.constant 0 : i32
      %dma_wait3A_462 = tpu.memref_slice %arg7[%add3A_377, %dma_wait3A_461] : memref<10240x128xf32, #tpu.memory_space<hbm>> -> memref<128x128xf32, #tpu.memory_space<hbm>>
      %dma_wait3A_463 = arith.constant 0 : i32
      %dma_wait3A_464 = arith.constant 0 : i32
      %dma_wait3A_465 = tpu.memref_slice %arg10[%dma_wait3A_454, %dma_wait3A_463, %dma_wait3A_464] : memref<2x128x128xf32, #tpu.memory_space<vmem>> -> memref<1x128x128xf32, #tpu.memory_space<vmem>>
      %dma_wait3A_466 = tpu.memref_squeeze %dma_wait3A_465 : memref<1x128x128xf32, #tpu.memory_space<vmem>> -> memref<128x128xf32, #tpu.memory_space<vmem>>
      tpu.wait_dma2 semaphore(%arg14 : memref<!tpu.dma_semaphore, #tpu.memory_space<semaphore_mem>>) src(%dma_wait3A_466 : memref<128x128xf32, #tpu.memory_space<vmem>>) dst(%dma_wait3A_462 : memref<128x128xf32, #tpu.memory_space<hbm>>)
    } else {
    }
    %add3A_388 = arith.constant 512 : i32
    %add3A_389 = arith.addi %mul3A_2, %add3A_388 : i32
    %dma_start3A_390 = arith.constant 0 : i32
    %dma_start3A_391 = arith.constant 0 : i32
    %dma_start3A_392 = arith.constant 0 : i32
    %dma_start3A_393 = tpu.memref_slice %arg10[%dma_start3A_390, %dma_start3A_391, %dma_start3A_392] : memref<2x128x128xf32, #tpu.memory_space<vmem>> -> memref<1x128x128xf32, #tpu.memory_space<vmem>>
    %dma_start3A_394 = tpu.memref_squeeze %dma_start3A_393 : memref<1x128x128xf32, #tpu.memory_space<vmem>> -> memref<128x128xf32, #tpu.memory_space<vmem>>
    %dma_start3A_395 = arith.constant 0 : i32
    %dma_start3A_396 = tpu.memref_slice %arg11[%add3A_389, %dma_start3A_395] : memref<10240x128xf32, #tpu.memory_space<vmem_shared>> -> memref<128x128xf32, #tpu.memory_space<vmem_shared>>
    %dma_start3A_397 = arith.constant 0 : i32
    %dma_start3A_398 = arith.constant 0 : i32
    %dma_start3A_399 = tpu.memref_slice %arg10[%dma_start3A_390, %dma_start3A_397, %dma_start3A_398] : memref<2x128x128xf32, #tpu.memory_space<vmem>> -> memref<1x128x128xf32, #tpu.memory_space<vmem>>
    %dma_start3A_400 = tpu.memref_squeeze %dma_start3A_399 : memref<1x128x128xf32, #tpu.memory_space<vmem>> -> memref<128x128xf32, #tpu.memory_space<vmem>>
    %dma_start3A_401 = arith.constant 0 : i32
    %dma_start3A_402 = tpu.memref_slice %arg11[%add3A_389, %dma_start3A_401] : memref<10240x128xf32, #tpu.memory_space<vmem_shared>> -> memref<128x128xf32, #tpu.memory_space<vmem_shared>>
    tpu.enqueue_dma source(%dma_start3A_402 : memref<128x128xf32, #tpu.memory_space<vmem_shared>>) target(%dma_start3A_400 : memref<128x128xf32, #tpu.memory_space<vmem>>) target_semaphore(%arg12 : memref<!tpu.dma_semaphore, #tpu.memory_space<semaphore_mem>>)
    %add3A_403 = arith.constant 512 : i32
    %add3A_404 = arith.addi %mul3A_2, %add3A_403 : i32
    %dma_wait3A_405 = arith.constant 0 : i32
    %dma_wait3A_406 = arith.constant 0 : i32
    %dma_wait3A_407 = arith.constant 0 : i32
    %dma_wait3A_408 = tpu.memref_slice %arg10[%dma_wait3A_405, %dma_wait3A_406, %dma_wait3A_407] : memref<2x128x128xf32, #tpu.memory_space<vmem>> -> memref<1x128x128xf32, #tpu.memory_space<vmem>>
    %dma_wait3A_409 = tpu.memref_squeeze %dma_wait3A_408 : memref<1x128x128xf32, #tpu.memory_space<vmem>> -> memref<128x128xf32, #tpu.memory_space<vmem>>
    %dma_wait3A_410 = arith.constant 0 : i32
    %dma_wait3A_411 = tpu.memref_slice %arg11[%add3A_404, %dma_wait3A_410] : memref<10240x128xf32, #tpu.memory_space<vmem_shared>> -> memref<128x128xf32, #tpu.memory_space<vmem_shared>>
    %dma_wait3A_412 = arith.constant 0 : i32
    %dma_wait3A_413 = arith.constant 0 : i32
    %dma_wait3A_414 = tpu.memref_slice %arg10[%dma_wait3A_405, %dma_wait3A_412, %dma_wait3A_413] : memref<2x128x128xf32, #tpu.memory_space<vmem>> -> memref<1x128x128xf32, #tpu.memory_space<vmem>>
    %dma_wait3A_415 = tpu.memref_squeeze %dma_wait3A_414 : memref<1x128x128xf32, #tpu.memory_space<vmem>> -> memref<128x128xf32, #tpu.memory_space<vmem>>
    %dma_wait3A_416 = arith.constant 0 : i32
    %dma_wait3A_417 = tpu.memref_slice %arg11[%add3A_404, %dma_wait3A_416] : memref<10240x128xf32, #tpu.memory_space<vmem_shared>> -> memref<128x128xf32, #tpu.memory_space<vmem_shared>>
    tpu.wait_dma2 semaphore(%arg12 : memref<!tpu.dma_semaphore, #tpu.memory_space<semaphore_mem>>) src(%dma_wait3A_417 : memref<128x128xf32, #tpu.memory_space<vmem_shared>>) dst(%dma_wait3A_415 : memref<128x128xf32, #tpu.memory_space<vmem>>)
    %add3A_418 = arith.constant 512 : i32
    %add3A_419 = arith.addi %mul3A_2, %add3A_418 : i32
    %eq3A_420 = arith.constant 0 : i32
    %eq3A_421 = arith.cmpi eq, %arg0, %eq3A_420 : i32
    %convert_element_type3A_422 = arith.extui %eq3A_421 : i1 to i32
    %cond3A_423 = arith.constant 0 : i32
    %cond3A_424 = arith.cmpi ne, %convert_element_type3A_422, %cond3A_423 : i32
    scf.if %cond3A_424 {
      %dma_start3A_454 = arith.constant 0 : i32
      %dma_start3A_455 = arith.constant 0 : i32
      %dma_start3A_456 = arith.constant 0 : i32
      %dma_start3A_457 = tpu.memref_slice %arg10[%dma_start3A_454, %dma_start3A_455, %dma_start3A_456] : memref<2x128x128xf32, #tpu.memory_space<vmem>> -> memref<1x128x128xf32, #tpu.memory_space<vmem>>
      %dma_start3A_458 = tpu.memref_squeeze %dma_start3A_457 : memref<1x128x128xf32, #tpu.memory_space<vmem>> -> memref<128x128xf32, #tpu.memory_space<vmem>>
      %dma_start3A_459 = arith.constant 0 : i32
      %dma_start3A_460 = tpu.memref_slice %arg6[%add3A_419, %dma_start3A_459] : memref<10240x128xf32, #tpu.memory_space<hbm>> -> memref<128x128xf32, #tpu.memory_space<hbm>>
      %dma_start3A_461 = arith.constant 0 : i32
      %dma_start3A_462 = tpu.memref_slice %arg6[%add3A_419, %dma_start3A_461] : memref<10240x128xf32, #tpu.memory_space<hbm>> -> memref<128x128xf32, #tpu.memory_space<hbm>>
      %dma_start3A_463 = arith.constant 0 : i32
      %dma_start3A_464 = arith.constant 0 : i32
      %dma_start3A_465 = tpu.memref_slice %arg10[%dma_start3A_454, %dma_start3A_463, %dma_start3A_464] : memref<2x128x128xf32, #tpu.memory_space<vmem>> -> memref<1x128x128xf32, #tpu.memory_space<vmem>>
      %dma_start3A_466 = tpu.memref_squeeze %dma_start3A_465 : memref<1x128x128xf32, #tpu.memory_space<vmem>> -> memref<128x128xf32, #tpu.memory_space<vmem>>
      tpu.enqueue_dma source(%dma_start3A_466 : memref<128x128xf32, #tpu.memory_space<vmem>>) target(%dma_start3A_462 : memref<128x128xf32, #tpu.memory_space<hbm>>) target_semaphore(%arg14 : memref<!tpu.dma_semaphore, #tpu.memory_space<semaphore_mem>>)
    } else {
    }
    %ne3A_425 = arith.constant 0 : i32
    %ne3A_426 = arith.cmpi ne, %arg0, %ne3A_425 : i32
    %convert_element_type3A_427 = arith.extui %ne3A_426 : i1 to i32
    %cond3A_428 = arith.constant 0 : i32
    %cond3A_429 = arith.cmpi ne, %convert_element_type3A_427, %cond3A_428 : i32
    scf.if %cond3A_429 {
      %dma_start3A_454 = arith.constant 0 : i32
      %dma_start3A_455 = arith.constant 0 : i32
      %dma_start3A_456 = arith.constant 0 : i32
      %dma_start3A_457 = tpu.memref_slice %arg10[%dma_start3A_454, %dma_start3A_455, %dma_start3A_456] : memref<2x128x128xf32, #tpu.memory_space<vmem>> -> memref<1x128x128xf32, #tpu.memory_space<vmem>>
      %dma_start3A_458 = tpu.memref_squeeze %dma_start3A_457 : memref<1x128x128xf32, #tpu.memory_space<vmem>> -> memref<128x128xf32, #tpu.memory_space<vmem>>
      %dma_start3A_459 = arith.constant 0 : i32
      %dma_start3A_460 = tpu.memref_slice %arg7[%add3A_419, %dma_start3A_459] : memref<10240x128xf32, #tpu.memory_space<hbm>> -> memref<128x128xf32, #tpu.memory_space<hbm>>
      %dma_start3A_461 = arith.constant 0 : i32
      %dma_start3A_462 = tpu.memref_slice %arg7[%add3A_419, %dma_start3A_461] : memref<10240x128xf32, #tpu.memory_space<hbm>> -> memref<128x128xf32, #tpu.memory_space<hbm>>
      %dma_start3A_463 = arith.constant 0 : i32
      %dma_start3A_464 = arith.constant 0 : i32
      %dma_start3A_465 = tpu.memref_slice %arg10[%dma_start3A_454, %dma_start3A_463, %dma_start3A_464] : memref<2x128x128xf32, #tpu.memory_space<vmem>> -> memref<1x128x128xf32, #tpu.memory_space<vmem>>
      %dma_start3A_466 = tpu.memref_squeeze %dma_start3A_465 : memref<1x128x128xf32, #tpu.memory_space<vmem>> -> memref<128x128xf32, #tpu.memory_space<vmem>>
      tpu.enqueue_dma source(%dma_start3A_466 : memref<128x128xf32, #tpu.memory_space<vmem>>) target(%dma_start3A_462 : memref<128x128xf32, #tpu.memory_space<hbm>>) target_semaphore(%arg14 : memref<!tpu.dma_semaphore, #tpu.memory_space<semaphore_mem>>)
    } else {
    }
    %add3A_430 = arith.constant 384 : i32
    %add3A_431 = arith.addi %mul3A_2, %add3A_430 : i32
    %eq3A_432 = arith.constant 0 : i32
    %eq3A_433 = arith.cmpi eq, %arg0, %eq3A_432 : i32
    %convert_element_type3A_434 = arith.extui %eq3A_433 : i1 to i32
    %cond3A_435 = arith.constant 0 : i32
    %cond3A_436 = arith.cmpi ne, %convert_element_type3A_434, %cond3A_435 : i32
    scf.if %cond3A_436 {
      %dma_wait3A_454 = arith.constant 1 : i32
      %dma_wait3A_455 = arith.constant 0 : i32
      %dma_wait3A_456 = arith.constant 0 : i32
      %dma_wait3A_457 = tpu.memref_slice %arg10[%dma_wait3A_454, %dma_wait3A_455, %dma_wait3A_456] : memref<2x128x128xf32, #tpu.memory_space<vmem>> -> memref<1x128x128xf32, #tpu.memory_space<vmem>>
      %dma_wait3A_458 = tpu.memref_squeeze %dma_wait3A_457 : memref<1x128x128xf32, #tpu.memory_space<vmem>> -> memref<128x128xf32, #tpu.memory_space<vmem>>
      %dma_wait3A_459 = arith.constant 0 : i32
      %dma_wait3A_460 = tpu.memref_slice %arg6[%add3A_431, %dma_wait3A_459] : memref<10240x128xf32, #tpu.memory_space<hbm>> -> memref<128x128xf32, #tpu.memory_space<hbm>>
      %dma_wait3A_461 = arith.constant 0 : i32
      %dma_wait3A_462 = tpu.memref_slice %arg6[%add3A_431, %dma_wait3A_461] : memref<10240x128xf32, #tpu.memory_space<hbm>> -> memref<128x128xf32, #tpu.memory_space<hbm>>
      %dma_wait3A_463 = arith.constant 0 : i32
      %dma_wait3A_464 = arith.constant 0 : i32
      %dma_wait3A_465 = tpu.memref_slice %arg10[%dma_wait3A_454, %dma_wait3A_463, %dma_wait3A_464] : memref<2x128x128xf32, #tpu.memory_space<vmem>> -> memref<1x128x128xf32, #tpu.memory_space<vmem>>
      %dma_wait3A_466 = tpu.memref_squeeze %dma_wait3A_465 : memref<1x128x128xf32, #tpu.memory_space<vmem>> -> memref<128x128xf32, #tpu.memory_space<vmem>>
      tpu.wait_dma2 semaphore(%arg15 : memref<!tpu.dma_semaphore, #tpu.memory_space<semaphore_mem>>) src(%dma_wait3A_466 : memref<128x128xf32, #tpu.memory_space<vmem>>) dst(%dma_wait3A_462 : memref<128x128xf32, #tpu.memory_space<hbm>>)
    } else {
    }
    %ne3A_437 = arith.constant 0 : i32
    %ne3A_438 = arith.cmpi ne, %arg0, %ne3A_437 : i32
    %convert_element_type3A_439 = arith.extui %ne3A_438 : i1 to i32
    %cond3A_440 = arith.constant 0 : i32
    %cond3A_441 = arith.cmpi ne, %convert_element_type3A_439, %cond3A_440 : i32
    scf.if %cond3A_441 {
      %dma_wait3A_454 = arith.constant 1 : i32
      %dma_wait3A_455 = arith.constant 0 : i32
      %dma_wait3A_456 = arith.constant 0 : i32
      %dma_wait3A_457 = tpu.memref_slice %arg10[%dma_wait3A_454, %dma_wait3A_455, %dma_wait3A_456] : memref<2x128x128xf32, #tpu.memory_space<vmem>> -> memref<1x128x128xf32, #tpu.memory_space<vmem>>
      %dma_wait3A_458 = tpu.memref_squeeze %dma_wait3A_457 : memref<1x128x128xf32, #tpu.memory_space<vmem>> -> memref<128x128xf32, #tpu.memory_space<vmem>>
      %dma_wait3A_459 = arith.constant 0 : i32
      %dma_wait3A_460 = tpu.memref_slice %arg7[%add3A_431, %dma_wait3A_459] : memref<10240x128xf32, #tpu.memory_space<hbm>> -> memref<128x128xf32, #tpu.memory_space<hbm>>
      %dma_wait3A_461 = arith.constant 0 : i32
      %dma_wait3A_462 = tpu.memref_slice %arg7[%add3A_431, %dma_wait3A_461] : memref<10240x128xf32, #tpu.memory_space<hbm>> -> memref<128x128xf32, #tpu.memory_space<hbm>>
      %dma_wait3A_463 = arith.constant 0 : i32
      %dma_wait3A_464 = arith.constant 0 : i32
      %dma_wait3A_465 = tpu.memref_slice %arg10[%dma_wait3A_454, %dma_wait3A_463, %dma_wait3A_464] : memref<2x128x128xf32, #tpu.memory_space<vmem>> -> memref<1x128x128xf32, #tpu.memory_space<vmem>>
      %dma_wait3A_466 = tpu.memref_squeeze %dma_wait3A_465 : memref<1x128x128xf32, #tpu.memory_space<vmem>> -> memref<128x128xf32, #tpu.memory_space<vmem>>
      tpu.wait_dma2 semaphore(%arg15 : memref<!tpu.dma_semaphore, #tpu.memory_space<semaphore_mem>>) src(%dma_wait3A_466 : memref<128x128xf32, #tpu.memory_space<vmem>>) dst(%dma_wait3A_462 : memref<128x128xf32, #tpu.memory_space<hbm>>)
    } else {
    }
    %add3A_442 = arith.constant 512 : i32
    %add3A_443 = arith.addi %mul3A_2, %add3A_442 : i32
    %eq3A_444 = arith.constant 0 : i32
    %eq3A_445 = arith.cmpi eq, %arg0, %eq3A_444 : i32
    %convert_element_type3A_446 = arith.extui %eq3A_445 : i1 to i32
    %cond3A_447 = arith.constant 0 : i32
    %cond3A_448 = arith.cmpi ne, %convert_element_type3A_446, %cond3A_447 : i32
    scf.if %cond3A_448 {
      %dma_wait3A_454 = arith.constant 0 : i32
      %dma_wait3A_455 = arith.constant 0 : i32
      %dma_wait3A_456 = arith.constant 0 : i32
      %dma_wait3A_457 = tpu.memref_slice %arg10[%dma_wait3A_454, %dma_wait3A_455, %dma_wait3A_456] : memref<2x128x128xf32, #tpu.memory_space<vmem>> -> memref<1x128x128xf32, #tpu.memory_space<vmem>>
      %dma_wait3A_458 = tpu.memref_squeeze %dma_wait3A_457 : memref<1x128x128xf32, #tpu.memory_space<vmem>> -> memref<128x128xf32, #tpu.memory_space<vmem>>
      %dma_wait3A_459 = arith.constant 0 : i32
      %dma_wait3A_460 = tpu.memref_slice %arg6[%add3A_443, %dma_wait3A_459] : memref<10240x128xf32, #tpu.memory_space<hbm>> -> memref<128x128xf32, #tpu.memory_space<hbm>>
      %dma_wait3A_461 = arith.constant 0 : i32
      %dma_wait3A_462 = tpu.memref_slice %arg6[%add3A_443, %dma_wait3A_461] : memref<10240x128xf32, #tpu.memory_space<hbm>> -> memref<128x128xf32, #tpu.memory_space<hbm>>
      %dma_wait3A_463 = arith.constant 0 : i32
      %dma_wait3A_464 = arith.constant 0 : i32
      %dma_wait3A_465 = tpu.memref_slice %arg10[%dma_wait3A_454, %dma_wait3A_463, %dma_wait3A_464] : memref<2x128x128xf32, #tpu.memory_space<vmem>> -> memref<1x128x128xf32, #tpu.memory_space<vmem>>
      %dma_wait3A_466 = tpu.memref_squeeze %dma_wait3A_465 : memref<1x128x128xf32, #tpu.memory_space<vmem>> -> memref<128x128xf32, #tpu.memory_space<vmem>>
      tpu.wait_dma2 semaphore(%arg14 : memref<!tpu.dma_semaphore, #tpu.memory_space<semaphore_mem>>) src(%dma_wait3A_466 : memref<128x128xf32, #tpu.memory_space<vmem>>) dst(%dma_wait3A_462 : memref<128x128xf32, #tpu.memory_space<hbm>>)
    } else {
    }
    %ne3A_449 = arith.constant 0 : i32
    %ne3A_450 = arith.cmpi ne, %arg0, %ne3A_449 : i32
    %convert_element_type3A_451 = arith.extui %ne3A_450 : i1 to i32
    %cond3A_452 = arith.constant 0 : i32
    %cond3A_453 = arith.cmpi ne, %convert_element_type3A_451, %cond3A_452 : i32
    scf.if %cond3A_453 {
      %dma_wait3A_454 = arith.constant 0 : i32
      %dma_wait3A_455 = arith.constant 0 : i32
      %dma_wait3A_456 = arith.constant 0 : i32
      %dma_wait3A_457 = tpu.memref_slice %arg10[%dma_wait3A_454, %dma_wait3A_455, %dma_wait3A_456] : memref<2x128x128xf32, #tpu.memory_space<vmem>> -> memref<1x128x128xf32, #tpu.memory_space<vmem>>
      %dma_wait3A_458 = tpu.memref_squeeze %dma_wait3A_457 : memref<1x128x128xf32, #tpu.memory_space<vmem>> -> memref<128x128xf32, #tpu.memory_space<vmem>>
      %dma_wait3A_459 = arith.constant 0 : i32
      %dma_wait3A_460 = tpu.memref_slice %arg7[%add3A_443, %dma_wait3A_459] : memref<10240x128xf32, #tpu.memory_space<hbm>> -> memref<128x128xf32, #tpu.memory_space<hbm>>
      %dma_wait3A_461 = arith.constant 0 : i32
      %dma_wait3A_462 = tpu.memref_slice %arg7[%add3A_443, %dma_wait3A_461] : memref<10240x128xf32, #tpu.memory_space<hbm>> -> memref<128x128xf32, #tpu.memory_space<hbm>>
      %dma_wait3A_463 = arith.constant 0 : i32
      %dma_wait3A_464 = arith.constant 0 : i32
      %dma_wait3A_465 = tpu.memref_slice %arg10[%dma_wait3A_454, %dma_wait3A_463, %dma_wait3A_464] : memref<2x128x128xf32, #tpu.memory_space<vmem>> -> memref<1x128x128xf32, #tpu.memory_space<vmem>>
      %dma_wait3A_466 = tpu.memref_squeeze %dma_wait3A_465 : memref<1x128x128xf32, #tpu.memory_space<vmem>> -> memref<128x128xf32, #tpu.memory_space<vmem>>
      tpu.wait_dma2 semaphore(%arg14 : memref<!tpu.dma_semaphore, #tpu.memory_space<semaphore_mem>>) src(%dma_wait3A_466 : memref<128x128xf32, #tpu.memory_space<vmem>>) dst(%dma_wait3A_462 : memref<128x128xf32, #tpu.memory_space<hbm>>)
    } else {
    }
    return
  }
}

#map = affine_map<(d0, d1) -> (0, 0)>
module attributes {stable_mosaic.version = 14 : i64} {
  func.func @agg(%arg0: i32, %arg1: i32, %arg2: memref<10000x128xf32, #tpu.memory_space<hbm>>, %arg3: memref<2560x128xi32, #tpu.memory_space<hbm>>, %arg4: memref<2560x128xi32, #tpu.memory_space<hbm>>, %arg5: memref<128x128xf32, #tpu.memory_space<hbm>>, %arg6: memref<10240x128xf32, #tpu.memory_space<hbm>>, %arg7: memref<10240x128xf32, #tpu.memory_space<hbm>>, %arg8: memref<2x16x128xi32, #tpu.memory_space<vmem>>, %arg9: memref<2x16x128xi32, #tpu.memory_space<vmem>>, %arg10: memref<2x128x128xf32, #tpu.memory_space<vmem>>, %arg11: memref<10240x128xf32, #tpu.memory_space<vmem_shared>>, %arg12: memref<!tpu.dma_semaphore, #tpu.memory_space<semaphore_mem>>, %arg13: memref<!tpu.dma_semaphore, #tpu.memory_space<semaphore_mem>>, %arg14: memref<!tpu.dma_semaphore, #tpu.memory_space<semaphore_mem>>, %arg15: memref<!tpu.dma_semaphore, #tpu.memory_space<semaphore_mem>>, %arg16: memref<!tpu.dma_semaphore, #tpu.memory_space<semaphore_mem>>) attributes {dimension_semantics = [#tpu.dimension_semantics<core_parallel>, #tpu.dimension_semantics<subcore_parallel>], iteration_bounds = array<i64: 2, 16>, scalar_prefetch = 0 : i64, scratch_operands = 9 : i64, tpu.core_type = #tpu.core_type<sc_vector_subcore>, window_params = [{transform_indices = #map}, {transform_indices = #map}, {transform_indices = #map}, {transform_indices = #map}, {transform_indices = #map}, {transform_indices = #map}]} {
    %mul3A = arith.constant 2 : i32
    %mul3A_0 = arith.muli %arg1, %mul3A : i32
    %add3A = arith.addi %mul3A_0, %arg0 : i32
    %mul3A_1 = arith.constant 640 : i32
    %mul3A_2 = arith.muli %arg1, %mul3A_1 : i32
    %mul3A_3 = arith.constant 80 : i32
    %mul3A_4 = arith.muli %add3A, %mul3A_3 : i32
    %run_scoped3A = arith.constant 0 : i32
    "tpu.region"() ({
      %run_scoped3A_454 = tpu.sem_alloc : memref<!tpu.dma_semaphore, #tpu.memory_space<semaphore_mem>>
      %dma_start3A_455 = arith.constant 0 : i32
      %dma_start3A_456 = arith.constant 0 : i32
      %dma_start3A_457 = tpu.memref_slice %arg8[%run_scoped3A, %dma_start3A_455, %dma_start3A_456] : memref<2x16x128xi32, #tpu.memory_space<vmem>> -> memref<1x16x128xi32, #tpu.memory_space<vmem>>
      %dma_start3A_458 = tpu.memref_squeeze %dma_start3A_457 : memref<1x16x128xi32, #tpu.memory_space<vmem>> -> memref<16x128xi32, #tpu.memory_space<vmem>>
      %dma_start3A_459 = arith.constant 0 : i32
      %dma_start3A_460 = tpu.memref_slice %arg3[%mul3A_4, %dma_start3A_459] : memref<2560x128xi32, #tpu.memory_space<hbm>> -> memref<16x128xi32, #tpu.memory_space<hbm>>
      %dma_start3A_461 = arith.constant 0 : i32
      %dma_start3A_462 = arith.constant 0 : i32
      %dma_start3A_463 = tpu.memref_slice %arg8[%run_scoped3A, %dma_start3A_461, %dma_start3A_462] : memref<2x16x128xi32, #tpu.memory_space<vmem>> -> memref<1x16x128xi32, #tpu.memory_space<vmem>>
      %dma_start3A_464 = tpu.memref_squeeze %dma_start3A_463 : memref<1x16x128xi32, #tpu.memory_space<vmem>> -> memref<16x128xi32, #tpu.memory_space<vmem>>
      %dma_start3A_465 = arith.constant 0 : i32
      %dma_start3A_466 = tpu.memref_slice %arg3[%mul3A_4, %dma_start3A_465] : memref<2560x128xi32, #tpu.memory_space<hbm>> -> memref<16x128xi32, #tpu.memory_space<hbm>>
      tpu.enqueue_dma source(%dma_start3A_466 : memref<16x128xi32, #tpu.memory_space<hbm>>) target(%dma_start3A_464 : memref<16x128xi32, #tpu.memory_space<vmem>>) target_semaphore(%run_scoped3A_454 : memref<!tpu.dma_semaphore, #tpu.memory_space<semaphore_mem>>)
      %dma_wait3A_467 = arith.constant 0 : i32
      %dma_wait3A_468 = arith.constant 0 : i32
      %dma_wait3A_469 = tpu.memref_slice %arg8[%run_scoped3A, %dma_wait3A_467, %dma_wait3A_468] : memref<2x16x128xi32, #tpu.memory_space<vmem>> -> memref<1x16x128xi32, #tpu.memory_space<vmem>>
      %dma_wait3A_470 = tpu.memref_squeeze %dma_wait3A_469 : memref<1x16x128xi32, #tpu.memory_space<vmem>> -> memref<16x128xi32, #tpu.memory_space<vmem>>
      %dma_wait3A_471 = arith.constant 0 : i32
      %dma_wait3A_472 = tpu.memref_slice %arg3[%mul3A_4, %dma_wait3A_471] : memref<2560x128xi32, #tpu.memory_space<hbm>> -> memref<16x128xi32, #tpu.memory_space<hbm>>
      %dma_wait3A_473 = arith.constant 0 : i32
      %dma_wait3A_474 = arith.constant 0 : i32
      %dma_wait3A_475 = tpu.memref_slice %arg8[%run_scoped3A, %dma_wait3A_473, %dma_wait3A_474] : memref<2x16x128xi32, #tpu.memory_space<vmem>> -> memref<1x16x128xi32, #tpu.memory_space<vmem>>
      %dma_wait3A_476 = tpu.memref_squeeze %dma_wait3A_475 : memref<1x16x128xi32, #tpu.memory_space<vmem>> -> memref<16x128xi32, #tpu.memory_space<vmem>>
      %dma_wait3A_477 = arith.constant 0 : i32
      %dma_wait3A_478 = tpu.memref_slice %arg3[%mul3A_4, %dma_wait3A_477] : memref<2560x128xi32, #tpu.memory_space<hbm>> -> memref<16x128xi32, #tpu.memory_space<hbm>>
      tpu.wait_dma2 semaphore(%run_scoped3A_454 : memref<!tpu.dma_semaphore, #tpu.memory_space<semaphore_mem>>) src(%dma_wait3A_478 : memref<16x128xi32, #tpu.memory_space<hbm>>) dst(%dma_wait3A_476 : memref<16x128xi32, #tpu.memory_space<vmem>>)
      tpu.yield
    }) : () -> ()
    %dma_start3A = arith.constant 0 : i32
    %dma_start3A_5 = arith.constant 0 : i32
    %dma_start3A_6 = arith.constant 0 : i32
    %dma_start3A_7 = arith.constant 0 : i32
    %dma_start3A_8 = arith.constant 0 : i32
    %dma_start3A_9 = tpu.memref_slice %arg10[%dma_start3A_6, %dma_start3A_7, %dma_start3A_8] : memref<2x128x128xf32, #tpu.memory_space<vmem>> -> memref<1x128x128xf32, #tpu.memory_space<vmem>>
    %dma_start3A_10 = tpu.memref_squeeze %dma_start3A_9 : memref<1x128x128xf32, #tpu.memory_space<vmem>> -> memref<128x128xf32, #tpu.memory_space<vmem>>
    %dma_start3A_11 = arith.constant 0 : i32
    %dma_start3A_12 = tpu.memref_slice %arg8[%dma_start3A, %dma_start3A_5, %dma_start3A_11] : memref<2x16x128xi32, #tpu.memory_space<vmem>> -> memref<1x1x128xi32, #tpu.memory_space<vmem>>
    %dma_start3A_13 = tpu.memref_squeeze %dma_start3A_12 : memref<1x1x128xi32, #tpu.memory_space<vmem>> -> memref<128xi32, #tpu.memory_space<vmem>>
    %dma_start3A_14 = arith.constant 0 : i32
    %dma_start3A_15 = arith.constant 0 : i32
    %dma_start3A_16 = tpu.memref_slice %arg2[%dma_start3A_14, %dma_start3A_15] : memref<10000x128xf32, #tpu.memory_space<hbm>> -> memref<10000x128xf32, #tpu.memory_space<hbm>>
    tpu.enqueue_indirect_dma source(%dma_start3A_16 : memref<10000x128xf32, #tpu.memory_space<hbm>>) target(%dma_start3A_10 : memref<128x128xf32, #tpu.memory_space<vmem>>) offsets(%dma_start3A_13 : memref<128xi32, #tpu.memory_space<vmem>>) semaphore(%arg12 : memref<!tpu.dma_semaphore, #tpu.memory_space<semaphore_mem>>)
    %run_scoped3A_17 = arith.constant 1 : i32
    "tpu.region"() ({
      %run_scoped3A_454 = tpu.sem_alloc : memref<!tpu.dma_semaphore, #tpu.memory_space<semaphore_mem>>
      %dma_start3A_455 = arith.constant 0 : i32
      %dma_start3A_456 = arith.constant 0 : i32
      %dma_start3A_457 = tpu.memref_slice %arg10[%run_scoped3A_17, %dma_start3A_455, %dma_start3A_456] : memref<2x128x128xf32, #tpu.memory_space<vmem>> -> memref<1x128x128xf32, #tpu.memory_space<vmem>>
      %dma_start3A_458 = tpu.memref_squeeze %dma_start3A_457 : memref<1x128x128xf32, #tpu.memory_space<vmem>> -> memref<128x128xf32, #tpu.memory_space<vmem>>
      %dma_start3A_459 = arith.constant 0 : i32
      %dma_start3A_460 = arith.constant 0 : i32
      %dma_start3A_461 = tpu.memref_slice %arg10[%run_scoped3A_17, %dma_start3A_459, %dma_start3A_460] : memref<2x128x128xf32, #tpu.memory_space<vmem>> -> memref<1x128x128xf32, #tpu.memory_space<vmem>>
      %dma_start3A_462 = tpu.memref_squeeze %dma_start3A_461 : memref<1x128x128xf32, #tpu.memory_space<vmem>> -> memref<128x128xf32, #tpu.memory_space<vmem>>
      tpu.enqueue_dma source(%arg5 : memref<128x128xf32, #tpu.memory_space<hbm>>) target(%dma_start3A_462 : memref<128x128xf32, #tpu.memory_space<vmem>>) target_semaphore(%run_scoped3A_454 : memref<!tpu.dma_semaphore, #tpu.memory_space<semaphore_mem>>)
      %dma_wait3A_463 = arith.constant 0 : i32
      %dma_wait3A_464 = arith.constant 0 : i32
      %dma_wait3A_465 = tpu.memref_slice %arg10[%run_scoped3A_17, %dma_wait3A_463, %dma_wait3A_464] : memref<2x128x128xf32, #tpu.memory_space<vmem>> -> memref<1x128x128xf32, #tpu.memory_space<vmem>>
      %dma_wait3A_466 = tpu.memref_squeeze %dma_wait3A_465 : memref<1x128x128xf32, #tpu.memory_space<vmem>> -> memref<128x128xf32, #tpu.memory_space<vmem>>
      %dma_wait3A_467 = arith.constant 0 : i32
      %dma_wait3A_468 = arith.constant 0 : i32
      %dma_wait3A_469 = tpu.memref_slice %arg10[%run_scoped3A_17, %dma_wait3A_467, %dma_wait3A_468] : memref<2x128x128xf32, #tpu.memory_space<vmem>> -> memref<1x128x128xf32, #tpu.memory_space<vmem>>
      %dma_wait3A_470 = tpu.memref_squeeze %dma_wait3A_469 : memref<1x128x128xf32, #tpu.memory_space<vmem>> -> memref<128x128xf32, #tpu.memory_space<vmem>>
      tpu.wait_dma2 semaphore(%run_scoped3A_454 : memref<!tpu.dma_semaphore, #tpu.memory_space<semaphore_mem>>) src(%arg5 : memref<128x128xf32, #tpu.memory_space<hbm>>) dst(%dma_wait3A_470 : memref<128x128xf32, #tpu.memory_space<vmem>>)
      tpu.yield
    }) : () -> ()
    %add3A_18 = arith.constant 0 : i32
    %add3A_19 = arith.addi %mul3A_2, %add3A_18 : i32
    %dma_start3A_20 = arith.constant 1 : i32
    %dma_start3A_21 = arith.constant 0 : i32
    %dma_start3A_22 = arith.constant 0 : i32
    %dma_start3A_23 = tpu.memref_slice %arg10[%dma_start3A_20, %dma_start3A_21, %dma_start3A_22] : memref<2x128x128xf32, #tpu.memory_space<vmem>> -> memref<1x128x128xf32, #tpu.memory_space<vmem>>
    %dma_start3A_24 = tpu.memref_squeeze %dma_start3A_23 : memref<1x128x128xf32, #tpu.memory_space<vmem>> -> memref<128x128xf32, #tpu.memory_space<vmem>>
    %dma_start3A_25 = arith.constant 0 : i32
    %dma_start3A_26 = tpu.memref_slice %arg11[%add3A_19, %dma_start3A_25] : memref<10240x128xf32, #tpu.memory_space<vmem_shared>> -> memref<128x128xf32, #tpu.memory_space<vmem_shared>>
    %dma_start3A_27 = arith.constant 0 : i32
    %dma_start3A_28 = tpu.memref_slice %arg11[%add3A_19, %dma_start3A_27] : memref<10240x128xf32, #tpu.memory_space<vmem_shared>> -> memref<128x128xf32, #tpu.memory_space<vmem_shared>>
    %dma_start3A_29 = arith.constant 0 : i32
    %dma_start3A_30 = arith.constant 0 : i32
    %dma_start3A_31 = tpu.memref_slice %arg10[%dma_start3A_20, %dma_start3A_29, %dma_start3A_30] : memref<2x128x128xf32, #tpu.memory_space<vmem>> -> memref<1x128x128xf32, #tpu.memory_space<vmem>>
    %dma_start3A_32 = tpu.memref_squeeze %dma_start3A_31 : memref<1x128x128xf32, #tpu.memory_space<vmem>> -> memref<128x128xf32, #tpu.memory_space<vmem>>
    tpu.enqueue_dma source(%dma_start3A_32 : memref<128x128xf32, #tpu.memory_space<vmem>>) target(%dma_start3A_28 : memref<128x128xf32, #tpu.memory_space<vmem_shared>>) target_semaphore(%arg14 : memref<!tpu.dma_semaphore, #tpu.memory_space<semaphore_mem>>)
    %add3A_33 = arith.constant 128 : i32
    %add3A_34 = arith.addi %mul3A_2, %add3A_33 : i32
    %dma_start3A_35 = arith.constant 1 : i32
    %dma_start3A_36 = arith.constant 0 : i32
    %dma_start3A_37 = arith.constant 0 : i32
    %dma_start3A_38 = tpu.memref_slice %arg10[%dma_start3A_35, %dma_start3A_36, %dma_start3A_37] : memref<2x128x128xf32, #tpu.memory_space<vmem>> -> memref<1x128x128xf32, #tpu.memory_space<vmem>>
    %dma_start3A_39 = tpu.memref_squeeze %dma_start3A_38 : memref<1x128x128xf32, #tpu.memory_space<vmem>> -> memref<128x128xf32, #tpu.memory_space<vmem>>
    %dma_start3A_40 = arith.constant 0 : i32
    %dma_start3A_41 = tpu.memref_slice %arg11[%add3A_34, %dma_start3A_40] : memref<10240x128xf32, #tpu.memory_space<vmem_shared>> -> memref<128x128xf32, #tpu.memory_space<vmem_shared>>
    %dma_start3A_42 = arith.constant 0 : i32
    %dma_start3A_43 = tpu.memref_slice %arg11[%add3A_34, %dma_start3A_42] : memref<10240x128xf32, #tpu.memory_space<vmem_shared>> -> memref<128x128xf32, #tpu.memory_space<vmem_shared>>
    %dma_start3A_44 = arith.constant 0 : i32
    %dma_start3A_45 = arith.constant 0 : i32
    %dma_start3A_46 = tpu.memref_slice %arg10[%dma_start3A_35, %dma_start3A_44, %dma_start3A_45] : memref<2x128x128xf32, #tpu.memory_space<vmem>> -> memref<1x128x128xf32, #tpu.memory_space<vmem>>
    %dma_start3A_47 = tpu.memref_squeeze %dma_start3A_46 : memref<1x128x128xf32, #tpu.memory_space<vmem>> -> memref<128x128xf32, #tpu.memory_space<vmem>>
    tpu.enqueue_dma source(%dma_start3A_47 : memref<128x128xf32, #tpu.memory_space<vmem>>) target(%dma_start3A_43 : memref<128x128xf32, #tpu.memory_space<vmem_shared>>) target_semaphore(%arg14 : memref<!tpu.dma_semaphore, #tpu.memory_space<semaphore_mem>>)
    %add3A_48 = arith.constant 256 : i32
    %add3A_49 = arith.addi %mul3A_2, %add3A_48 : i32
    %dma_start3A_50 = arith.constant 1 : i32
    %dma_start3A_51 = arith.constant 0 : i32
    %dma_start3A_52 = arith.constant 0 : i32
    %dma_start3A_53 = tpu.memref_slice %arg10[%dma_start3A_50, %dma_start3A_51, %dma_start3A_52] : memref<2x128x128xf32, #tpu.memory_space<vmem>> -> memref<1x128x128xf32, #tpu.memory_space<vmem>>
    %dma_start3A_54 = tpu.memref_squeeze %dma_start3A_53 : memref<1x128x128xf32, #tpu.memory_space<vmem>> -> memref<128x128xf32, #tpu.memory_space<vmem>>
    %dma_start3A_55 = arith.constant 0 : i32
    %dma_start3A_56 = tpu.memref_slice %arg11[%add3A_49, %dma_start3A_55] : memref<10240x128xf32, #tpu.memory_space<vmem_shared>> -> memref<128x128xf32, #tpu.memory_space<vmem_shared>>
    %dma_start3A_57 = arith.constant 0 : i32
    %dma_start3A_58 = tpu.memref_slice %arg11[%add3A_49, %dma_start3A_57] : memref<10240x128xf32, #tpu.memory_space<vmem_shared>> -> memref<128x128xf32, #tpu.memory_space<vmem_shared>>
    %dma_start3A_59 = arith.constant 0 : i32
    %dma_start3A_60 = arith.constant 0 : i32
    %dma_start3A_61 = tpu.memref_slice %arg10[%dma_start3A_50, %dma_start3A_59, %dma_start3A_60] : memref<2x128x128xf32, #tpu.memory_space<vmem>> -> memref<1x128x128xf32, #tpu.memory_space<vmem>>
    %dma_start3A_62 = tpu.memref_squeeze %dma_start3A_61 : memref<1x128x128xf32, #tpu.memory_space<vmem>> -> memref<128x128xf32, #tpu.memory_space<vmem>>
    tpu.enqueue_dma source(%dma_start3A_62 : memref<128x128xf32, #tpu.memory_space<vmem>>) target(%dma_start3A_58 : memref<128x128xf32, #tpu.memory_space<vmem_shared>>) target_semaphore(%arg14 : memref<!tpu.dma_semaphore, #tpu.memory_space<semaphore_mem>>)
    %add3A_63 = arith.constant 384 : i32
    %add3A_64 = arith.addi %mul3A_2, %add3A_63 : i32
    %dma_start3A_65 = arith.constant 1 : i32
    %dma_start3A_66 = arith.constant 0 : i32
    %dma_start3A_67 = arith.constant 0 : i32
    %dma_start3A_68 = tpu.memref_slice %arg10[%dma_start3A_65, %dma_start3A_66, %dma_start3A_67] : memref<2x128x128xf32, #tpu.memory_space<vmem>> -> memref<1x128x128xf32, #tpu.memory_space<vmem>>
    %dma_start3A_69 = tpu.memref_squeeze %dma_start3A_68 : memref<1x128x128xf32, #tpu.memory_space<vmem>> -> memref<128x128xf32, #tpu.memory_space<vmem>>
    %dma_start3A_70 = arith.constant 0 : i32
    %dma_start3A_71 = tpu.memref_slice %arg11[%add3A_64, %dma_start3A_70] : memref<10240x128xf32, #tpu.memory_space<vmem_shared>> -> memref<128x128xf32, #tpu.memory_space<vmem_shared>>
    %dma_start3A_72 = arith.constant 0 : i32
    %dma_start3A_73 = tpu.memref_slice %arg11[%add3A_64, %dma_start3A_72] : memref<10240x128xf32, #tpu.memory_space<vmem_shared>> -> memref<128x128xf32, #tpu.memory_space<vmem_shared>>
    %dma_start3A_74 = arith.constant 0 : i32
    %dma_start3A_75 = arith.constant 0 : i32
    %dma_start3A_76 = tpu.memref_slice %arg10[%dma_start3A_65, %dma_start3A_74, %dma_start3A_75] : memref<2x128x128xf32, #tpu.memory_space<vmem>> -> memref<1x128x128xf32, #tpu.memory_space<vmem>>
    %dma_start3A_77 = tpu.memref_squeeze %dma_start3A_76 : memref<1x128x128xf32, #tpu.memory_space<vmem>> -> memref<128x128xf32, #tpu.memory_space<vmem>>
    tpu.enqueue_dma source(%dma_start3A_77 : memref<128x128xf32, #tpu.memory_space<vmem>>) target(%dma_start3A_73 : memref<128x128xf32, #tpu.memory_space<vmem_shared>>) target_semaphore(%arg14 : memref<!tpu.dma_semaphore, #tpu.memory_space<semaphore_mem>>)
    %add3A_78 = arith.constant 512 : i32
    %add3A_79 = arith.addi %mul3A_2, %add3A_78 : i32
    %dma_start3A_80 = arith.constant 1 : i32
    %dma_start3A_81 = arith.constant 0 : i32
    %dma_start3A_82 = arith.constant 0 : i32
    %dma_start3A_83 = tpu.memref_slice %arg10[%dma_start3A_80, %dma_start3A_81, %dma_start3A_82] : memref<2x128x128xf32, #tpu.memory_space<vmem>> -> memref<1x128x128xf32, #tpu.memory_space<vmem>>
    %dma_start3A_84 = tpu.memref_squeeze %dma_start3A_83 : memref<1x128x128xf32, #tpu.memory_space<vmem>> -> memref<128x128xf32, #tpu.memory_space<vmem>>
    %dma_start3A_85 = arith.constant 0 : i32
    %dma_start3A_86 = tpu.memref_slice %arg11[%add3A_79, %dma_start3A_85] : memref<10240x128xf32, #tpu.memory_space<vmem_shared>> -> memref<128x128xf32, #tpu.memory_space<vmem_shared>>
    %dma_start3A_87 = arith.constant 0 : i32
    %dma_start3A_88 = tpu.memref_slice %arg11[%add3A_79, %dma_start3A_87] : memref<10240x128xf32, #tpu.memory_space<vmem_shared>> -> memref<128x128xf32, #tpu.memory_space<vmem_shared>>
    %dma_start3A_89 = arith.constant 0 : i32
    %dma_start3A_90 = arith.constant 0 : i32
    %dma_start3A_91 = tpu.memref_slice %arg10[%dma_start3A_80, %dma_start3A_89, %dma_start3A_90] : memref<2x128x128xf32, #tpu.memory_space<vmem>> -> memref<1x128x128xf32, #tpu.memory_space<vmem>>
    %dma_start3A_92 = tpu.memref_squeeze %dma_start3A_91 : memref<1x128x128xf32, #tpu.memory_space<vmem>> -> memref<128x128xf32, #tpu.memory_space<vmem>>
    tpu.enqueue_dma source(%dma_start3A_92 : memref<128x128xf32, #tpu.memory_space<vmem>>) target(%dma_start3A_88 : memref<128x128xf32, #tpu.memory_space<vmem_shared>>) target_semaphore(%arg14 : memref<!tpu.dma_semaphore, #tpu.memory_space<semaphore_mem>>)
    %run_scoped3A_93 = arith.constant 0 : i32
    "tpu.region"() ({
      %run_scoped3A_454 = tpu.sem_alloc : memref<!tpu.dma_semaphore, #tpu.memory_space<semaphore_mem>>
      %dma_start3A_455 = arith.constant 0 : i32
      %dma_start3A_456 = arith.constant 0 : i32
      %dma_start3A_457 = tpu.memref_slice %arg9[%run_scoped3A_93, %dma_start3A_455, %dma_start3A_456] : memref<2x16x128xi32, #tpu.memory_space<vmem>> -> memref<1x16x128xi32, #tpu.memory_space<vmem>>
      %dma_start3A_458 = tpu.memref_squeeze %dma_start3A_457 : memref<1x16x128xi32, #tpu.memory_space<vmem>> -> memref<16x128xi32, #tpu.memory_space<vmem>>
      %dma_start3A_459 = arith.constant 0 : i32
      %dma_start3A_460 = tpu.memref_slice %arg4[%mul3A_4, %dma_start3A_459] : memref<2560x128xi32, #tpu.memory_space<hbm>> -> memref<16x128xi32, #tpu.memory_space<hbm>>
      %dma_start3A_461 = arith.constant 0 : i32
      %dma_start3A_462 = arith.constant 0 : i32
      %dma_start3A_463 = tpu.memref_slice %arg9[%run_scoped3A_93, %dma_start3A_461, %dma_start3A_462] : memref<2x16x128xi32, #tpu.memory_space<vmem>> -> memref<1x16x128xi32, #tpu.memory_space<vmem>>
      %dma_start3A_464 = tpu.memref_squeeze %dma_start3A_463 : memref<1x16x128xi32, #tpu.memory_space<vmem>> -> memref<16x128xi32, #tpu.memory_space<vmem>>
      %dma_start3A_465 = arith.constant 0 : i32
      %dma_start3A_466 = tpu.memref_slice %arg4[%mul3A_4, %dma_start3A_465] : memref<2560x128xi32, #tpu.memory_space<hbm>> -> memref<16x128xi32, #tpu.memory_space<hbm>>
      tpu.enqueue_dma source(%dma_start3A_466 : memref<16x128xi32, #tpu.memory_space<hbm>>) target(%dma_start3A_464 : memref<16x128xi32, #tpu.memory_space<vmem>>) target_semaphore(%run_scoped3A_454 : memref<!tpu.dma_semaphore, #tpu.memory_space<semaphore_mem>>)
      %dma_wait3A_467 = arith.constant 0 : i32
      %dma_wait3A_468 = arith.constant 0 : i32
      %dma_wait3A_469 = tpu.memref_slice %arg9[%run_scoped3A_93, %dma_wait3A_467, %dma_wait3A_468] : memref<2x16x128xi32, #tpu.memory_space<vmem>> -> memref<1x16x128xi32, #tpu.memory_space<vmem>>
      %dma_wait3A_470 = tpu.memref_squeeze %dma_wait3A_469 : memref<1x16x128xi32, #tpu.memory_space<vmem>> -> memref<16x128xi32, #tpu.memory_space<vmem>>
      %dma_wait3A_471 = arith.constant 0 : i32
      %dma_wait3A_472 = tpu.memref_slice %arg4[%mul3A_4, %dma_wait3A_471] : memref<2560x128xi32, #tpu.memory_space<hbm>> -> memref<16x128xi32, #tpu.memory_space<hbm>>
      %dma_wait3A_473 = arith.constant 0 : i32
      %dma_wait3A_474 = arith.constant 0 : i32
      %dma_wait3A_475 = tpu.memref_slice %arg9[%run_scoped3A_93, %dma_wait3A_473, %dma_wait3A_474] : memref<2x16x128xi32, #tpu.memory_space<vmem>> -> memref<1x16x128xi32, #tpu.memory_space<vmem>>
      %dma_wait3A_476 = tpu.memref_squeeze %dma_wait3A_475 : memref<1x16x128xi32, #tpu.memory_space<vmem>> -> memref<16x128xi32, #tpu.memory_space<vmem>>
      %dma_wait3A_477 = arith.constant 0 : i32
      %dma_wait3A_478 = tpu.memref_slice %arg4[%mul3A_4, %dma_wait3A_477] : memref<2560x128xi32, #tpu.memory_space<hbm>> -> memref<16x128xi32, #tpu.memory_space<hbm>>
      tpu.wait_dma2 semaphore(%run_scoped3A_454 : memref<!tpu.dma_semaphore, #tpu.memory_space<semaphore_mem>>) src(%dma_wait3A_478 : memref<16x128xi32, #tpu.memory_space<hbm>>) dst(%dma_wait3A_476 : memref<16x128xi32, #tpu.memory_space<vmem>>)
      tpu.yield
    }) : () -> ()
    %add3A_94 = arith.constant 0 : i32
    %add3A_95 = arith.addi %mul3A_2, %add3A_94 : i32
    %dma_wait3A = arith.constant 1 : i32
    %dma_wait3A_96 = arith.constant 0 : i32
    %dma_wait3A_97 = arith.constant 0 : i32
    %dma_wait3A_98 = tpu.memref_slice %arg10[%dma_wait3A, %dma_wait3A_96, %dma_wait3A_97] : memref<2x128x128xf32, #tpu.memory_space<vmem>> -> memref<1x128x128xf32, #tpu.memory_space<vmem>>
    %dma_wait3A_99 = tpu.memref_squeeze %dma_wait3A_98 : memref<1x128x128xf32, #tpu.memory_space<vmem>> -> memref<128x128xf32, #tpu.memory_space<vmem>>
    %dma_wait3A_100 = arith.constant 0 : i32
    %dma_wait3A_101 = tpu.memref_slice %arg11[%add3A_95, %dma_wait3A_100] : memref<10240x128xf32, #tpu.memory_space<vmem_shared>> -> memref<128x128xf32, #tpu.memory_space<vmem_shared>>
    %dma_wait3A_102 = arith.constant 0 : i32
    %dma_wait3A_103 = tpu.memref_slice %arg11[%add3A_95, %dma_wait3A_102] : memref<10240x128xf32, #tpu.memory_space<vmem_shared>> -> memref<128x128xf32, #tpu.memory_space<vmem_shared>>
    %dma_wait3A_104 = arith.constant 0 : i32
    %dma_wait3A_105 = arith.constant 0 : i32
    %dma_wait3A_106 = tpu.memref_slice %arg10[%dma_wait3A, %dma_wait3A_104, %dma_wait3A_105] : memref<2x128x128xf32, #tpu.memory_space<vmem>> -> memref<1x128x128xf32, #tpu.memory_space<vmem>>
    %dma_wait3A_107 = tpu.memref_squeeze %dma_wait3A_106 : memref<1x128x128xf32, #tpu.memory_space<vmem>> -> memref<128x128xf32, #tpu.memory_space<vmem>>
    tpu.wait_dma2 semaphore(%arg14 : memref<!tpu.dma_semaphore, #tpu.memory_space<semaphore_mem>>) src(%dma_wait3A_107 : memref<128x128xf32, #tpu.memory_space<vmem>>) dst(%dma_wait3A_103 : memref<128x128xf32, #tpu.memory_space<vmem_shared>>)
    %add3A_108 = arith.constant 128 : i32
    %add3A_109 = arith.addi %mul3A_2, %add3A_108 : i32
    %dma_wait3A_110 = arith.constant 1 : i32
    %dma_wait3A_111 = arith.constant 0 : i32
    %dma_wait3A_112 = arith.constant 0 : i32
    %dma_wait3A_113 = tpu.memref_slice %arg10[%dma_wait3A_110, %dma_wait3A_111, %dma_wait3A_112] : memref<2x128x128xf32, #tpu.memory_space<vmem>> -> memref<1x128x128xf32, #tpu.memory_space<vmem>>
    %dma_wait3A_114 = tpu.memref_squeeze %dma_wait3A_113 : memref<1x128x128xf32, #tpu.memory_space<vmem>> -> memref<128x128xf32, #tpu.memory_space<vmem>>
    %dma_wait3A_115 = arith.constant 0 : i32
    %dma_wait3A_116 = tpu.memref_slice %arg11[%add3A_109, %dma_wait3A_115] : memref<10240x128xf32, #tpu.memory_space<vmem_shared>> -> memref<128x128xf32, #tpu.memory_space<vmem_shared>>
    %dma_wait3A_117 = arith.constant 0 : i32
    %dma_wait3A_118 = tpu.memref_slice %arg11[%add3A_109, %dma_wait3A_117] : memref<10240x128xf32, #tpu.memory_space<vmem_shared>> -> memref<128x128xf32, #tpu.memory_space<vmem_shared>>
    %dma_wait3A_119 = arith.constant 0 : i32
    %dma_wait3A_120 = arith.constant 0 : i32
    %dma_wait3A_121 = tpu.memref_slice %arg10[%dma_wait3A_110, %dma_wait3A_119, %dma_wait3A_120] : memref<2x128x128xf32, #tpu.memory_space<vmem>> -> memref<1x128x128xf32, #tpu.memory_space<vmem>>
    %dma_wait3A_122 = tpu.memref_squeeze %dma_wait3A_121 : memref<1x128x128xf32, #tpu.memory_space<vmem>> -> memref<128x128xf32, #tpu.memory_space<vmem>>
    tpu.wait_dma2 semaphore(%arg14 : memref<!tpu.dma_semaphore, #tpu.memory_space<semaphore_mem>>) src(%dma_wait3A_122 : memref<128x128xf32, #tpu.memory_space<vmem>>) dst(%dma_wait3A_118 : memref<128x128xf32, #tpu.memory_space<vmem_shared>>)
    %add3A_123 = arith.constant 256 : i32
    %add3A_124 = arith.addi %mul3A_2, %add3A_123 : i32
    %dma_wait3A_125 = arith.constant 1 : i32
    %dma_wait3A_126 = arith.constant 0 : i32
    %dma_wait3A_127 = arith.constant 0 : i32
    %dma_wait3A_128 = tpu.memref_slice %arg10[%dma_wait3A_125, %dma_wait3A_126, %dma_wait3A_127] : memref<2x128x128xf32, #tpu.memory_space<vmem>> -> memref<1x128x128xf32, #tpu.memory_space<vmem>>
    %dma_wait3A_129 = tpu.memref_squeeze %dma_wait3A_128 : memref<1x128x128xf32, #tpu.memory_space<vmem>> -> memref<128x128xf32, #tpu.memory_space<vmem>>
    %dma_wait3A_130 = arith.constant 0 : i32
    %dma_wait3A_131 = tpu.memref_slice %arg11[%add3A_124, %dma_wait3A_130] : memref<10240x128xf32, #tpu.memory_space<vmem_shared>> -> memref<128x128xf32, #tpu.memory_space<vmem_shared>>
    %dma_wait3A_132 = arith.constant 0 : i32
    %dma_wait3A_133 = tpu.memref_slice %arg11[%add3A_124, %dma_wait3A_132] : memref<10240x128xf32, #tpu.memory_space<vmem_shared>> -> memref<128x128xf32, #tpu.memory_space<vmem_shared>>
    %dma_wait3A_134 = arith.constant 0 : i32
    %dma_wait3A_135 = arith.constant 0 : i32
    %dma_wait3A_136 = tpu.memref_slice %arg10[%dma_wait3A_125, %dma_wait3A_134, %dma_wait3A_135] : memref<2x128x128xf32, #tpu.memory_space<vmem>> -> memref<1x128x128xf32, #tpu.memory_space<vmem>>
    %dma_wait3A_137 = tpu.memref_squeeze %dma_wait3A_136 : memref<1x128x128xf32, #tpu.memory_space<vmem>> -> memref<128x128xf32, #tpu.memory_space<vmem>>
    tpu.wait_dma2 semaphore(%arg14 : memref<!tpu.dma_semaphore, #tpu.memory_space<semaphore_mem>>) src(%dma_wait3A_137 : memref<128x128xf32, #tpu.memory_space<vmem>>) dst(%dma_wait3A_133 : memref<128x128xf32, #tpu.memory_space<vmem_shared>>)
    %add3A_138 = arith.constant 384 : i32
    %add3A_139 = arith.addi %mul3A_2, %add3A_138 : i32
    %dma_wait3A_140 = arith.constant 1 : i32
    %dma_wait3A_141 = arith.constant 0 : i32
    %dma_wait3A_142 = arith.constant 0 : i32
    %dma_wait3A_143 = tpu.memref_slice %arg10[%dma_wait3A_140, %dma_wait3A_141, %dma_wait3A_142] : memref<2x128x128xf32, #tpu.memory_space<vmem>> -> memref<1x128x128xf32, #tpu.memory_space<vmem>>
    %dma_wait3A_144 = tpu.memref_squeeze %dma_wait3A_143 : memref<1x128x128xf32, #tpu.memory_space<vmem>> -> memref<128x128xf32, #tpu.memory_space<vmem>>
    %dma_wait3A_145 = arith.constant 0 : i32
    %dma_wait3A_146 = tpu.memref_slice %arg11[%add3A_139, %dma_wait3A_145] : memref<10240x128xf32, #tpu.memory_space<vmem_shared>> -> memref<128x128xf32, #tpu.memory_space<vmem_shared>>
    %dma_wait3A_147 = arith.constant 0 : i32
    %dma_wait3A_148 = tpu.memref_slice %arg11[%add3A_139, %dma_wait3A_147] : memref<10240x128xf32, #tpu.memory_space<vmem_shared>> -> memref<128x128xf32, #tpu.memory_space<vmem_shared>>
    %dma_wait3A_149 = arith.constant 0 : i32
    %dma_wait3A_150 = arith.constant 0 : i32
    %dma_wait3A_151 = tpu.memref_slice %arg10[%dma_wait3A_140, %dma_wait3A_149, %dma_wait3A_150] : memref<2x128x128xf32, #tpu.memory_space<vmem>> -> memref<1x128x128xf32, #tpu.memory_space<vmem>>
    %dma_wait3A_152 = tpu.memref_squeeze %dma_wait3A_151 : memref<1x128x128xf32, #tpu.memory_space<vmem>> -> memref<128x128xf32, #tpu.memory_space<vmem>>
    tpu.wait_dma2 semaphore(%arg14 : memref<!tpu.dma_semaphore, #tpu.memory_space<semaphore_mem>>) src(%dma_wait3A_152 : memref<128x128xf32, #tpu.memory_space<vmem>>) dst(%dma_wait3A_148 : memref<128x128xf32, #tpu.memory_space<vmem_shared>>)
    %add3A_153 = arith.constant 512 : i32
    %add3A_154 = arith.addi %mul3A_2, %add3A_153 : i32
    %dma_wait3A_155 = arith.constant 1 : i32
    %dma_wait3A_156 = arith.constant 0 : i32
    %dma_wait3A_157 = arith.constant 0 : i32
    %dma_wait3A_158 = tpu.memref_slice %arg10[%dma_wait3A_155, %dma_wait3A_156, %dma_wait3A_157] : memref<2x128x128xf32, #tpu.memory_space<vmem>> -> memref<1x128x128xf32, #tpu.memory_space<vmem>>
    %dma_wait3A_159 = tpu.memref_squeeze %dma_wait3A_158 : memref<1x128x128xf32, #tpu.memory_space<vmem>> -> memref<128x128xf32, #tpu.memory_space<vmem>>
    %dma_wait3A_160 = arith.constant 0 : i32
    %dma_wait3A_161 = tpu.memref_slice %arg11[%add3A_154, %dma_wait3A_160] : memref<10240x128xf32, #tpu.memory_space<vmem_shared>> -> memref<128x128xf32, #tpu.memory_space<vmem_shared>>
    %dma_wait3A_162 = arith.constant 0 : i32
    %dma_wait3A_163 = tpu.memref_slice %arg11[%add3A_154, %dma_wait3A_162] : memref<10240x128xf32, #tpu.memory_space<vmem_shared>> -> memref<128x128xf32, #tpu.memory_space<vmem_shared>>
    %dma_wait3A_164 = arith.constant 0 : i32
    %dma_wait3A_165 = arith.constant 0 : i32
    %dma_wait3A_166 = tpu.memref_slice %arg10[%dma_wait3A_155, %dma_wait3A_164, %dma_wait3A_165] : memref<2x128x128xf32, #tpu.memory_space<vmem>> -> memref<1x128x128xf32, #tpu.memory_space<vmem>>
    %dma_wait3A_167 = tpu.memref_squeeze %dma_wait3A_166 : memref<1x128x128xf32, #tpu.memory_space<vmem>> -> memref<128x128xf32, #tpu.memory_space<vmem>>
    tpu.wait_dma2 semaphore(%arg14 : memref<!tpu.dma_semaphore, #tpu.memory_space<semaphore_mem>>) src(%dma_wait3A_167 : memref<128x128xf32, #tpu.memory_space<vmem>>) dst(%dma_wait3A_163 : memref<128x128xf32, #tpu.memory_space<vmem_shared>>)
    %barrier3A = arith.constant 0 : index
    tpu.barrier barrier_id(%barrier3A)
    %scan3A = arith.constant 0 : i32
    %scan3A_168 = arith.constant 0 : i32
    %scan3A_169 = arith.constant 5 : i32
    %scan3A_170 = arith.addi %scan3A_168, %scan3A_169 : i32
    %scan3A_171 = arith.constant 1 : i32
    scf.for %scan3A_454 = %scan3A_168 to %scan3A_170 step %scan3A_171  : i32 {
      %rem3A_455 = arith.constant 2 : i32
      %rem3A_456 = arith.remsi %scan3A_454, %rem3A_455 : i32
      %sub3A = arith.constant 1 : i32
      %sub3A_457 = arith.subi %sub3A, %rem3A_456 : i32
      %ge3A = arith.constant 1 : i32
      %ge3A_458 = arith.cmpi sge, %scan3A_454, %ge3A : i32
      %convert_element_type3A_459 = arith.extui %ge3A_458 : i1 to i32
      %cond3A_460 = arith.constant 0 : i32
      %cond3A_461 = arith.cmpi ne, %convert_element_type3A_459, %cond3A_460 : i32
      scf.if %cond3A_461 {
        %dma_wait3A_1219 = arith.constant 1 : i32
        %dma_wait3A_1220 = arith.constant 15 : i32
        %dma_wait3A_1221 = arith.constant 0 : i32
        %dma_wait3A_1222 = arith.constant 0 : i32
        %dma_wait3A_1223 = tpu.memref_slice %arg10[%dma_wait3A_1219, %dma_wait3A_1221, %dma_wait3A_1222] : memref<2x128x128xf32, #tpu.memory_space<vmem>> -> memref<1x128x128xf32, #tpu.memory_space<vmem>>
        %dma_wait3A_1224 = tpu.memref_squeeze %dma_wait3A_1223 : memref<1x128x128xf32, #tpu.memory_space<vmem>> -> memref<128x128xf32, #tpu.memory_space<vmem>>
        %dma_wait3A_1225 = arith.constant 0 : i32
        %dma_wait3A_1226 = tpu.memref_slice %arg9[%sub3A_457, %dma_wait3A_1220, %dma_wait3A_1225] : memref<2x16x128xi32, #tpu.memory_space<vmem>> -> memref<1x1x128xi32, #tpu.memory_space<vmem>>
        %dma_wait3A_1227 = tpu.memref_squeeze %dma_wait3A_1226 : memref<1x1x128xi32, #tpu.memory_space<vmem>> -> memref<128xi32, #tpu.memory_space<vmem>>
        %dma_wait3A_1228 = arith.constant 0 : i32
        %dma_wait3A_1229 = arith.constant 0 : i32
        %dma_wait3A_1230 = tpu.memref_slice %arg11[%dma_wait3A_1228, %dma_wait3A_1229] : memref<10240x128xf32, #tpu.memory_space<vmem_shared>> -> memref<10240x128xf32, #tpu.memory_space<vmem_shared>>
        tpu.wait_indirect_dma semaphore(%arg15 : memref<!tpu.dma_semaphore, #tpu.memory_space<semaphore_mem>>) src(%dma_wait3A_1224 : memref<128x128xf32, #tpu.memory_space<vmem>>) dst(%dma_wait3A_1230 : memref<10240x128xf32, #tpu.memory_space<vmem_shared>>)
      } else {
      }
      %add3A_462 = arith.constant 1 : i32
      %add3A_463 = arith.addi %scan3A_454, %add3A_462 : i32
      %lt3A = arith.constant 5 : i32
      %lt3A_464 = arith.cmpi slt, %add3A_463, %lt3A : i32
      %convert_element_type3A_465 = arith.extui %lt3A_464 : i1 to i32
      %cond3A_466 = arith.constant 0 : i32
      %cond3A_467 = arith.cmpi ne, %convert_element_type3A_465, %cond3A_466 : i32
      scf.if %cond3A_467 {
        %add3A_1219 = arith.constant 1 : i32
        %add3A_1220 = arith.addi %scan3A_454, %add3A_1219 : i32
        %mul3A_1221 = arith.constant 16 : i32
        %mul3A_1222 = arith.muli %add3A_1220, %mul3A_1221 : i32
        %add3A_1223 = arith.addi %mul3A_4, %mul3A_1222 : i32
        %dma_start3A_1224 = arith.constant 0 : i32
        %dma_start3A_1225 = arith.constant 0 : i32
        %dma_start3A_1226 = tpu.memref_slice %arg8[%sub3A_457, %dma_start3A_1224, %dma_start3A_1225] : memref<2x16x128xi32, #tpu.memory_space<vmem>> -> memref<1x16x128xi32, #tpu.memory_space<vmem>>
        %dma_start3A_1227 = tpu.memref_squeeze %dma_start3A_1226 : memref<1x16x128xi32, #tpu.memory_space<vmem>> -> memref<16x128xi32, #tpu.memory_space<vmem>>
        %dma_start3A_1228 = arith.constant 0 : i32
        %dma_start3A_1229 = tpu.memref_slice %arg3[%add3A_1223, %dma_start3A_1228] : memref<2560x128xi32, #tpu.memory_space<hbm>> -> memref<16x128xi32, #tpu.memory_space<hbm>>
        %dma_start3A_1230 = arith.constant 0 : i32
        %dma_start3A_1231 = arith.constant 0 : i32
        %dma_start3A_1232 = tpu.memref_slice %arg8[%sub3A_457, %dma_start3A_1230, %dma_start3A_1231] : memref<2x16x128xi32, #tpu.memory_space<vmem>> -> memref<1x16x128xi32, #tpu.memory_space<vmem>>
        %dma_start3A_1233 = tpu.memref_squeeze %dma_start3A_1232 : memref<1x16x128xi32, #tpu.memory_space<vmem>> -> memref<16x128xi32, #tpu.memory_space<vmem>>
        %dma_start3A_1234 = arith.constant 0 : i32
        %dma_start3A_1235 = tpu.memref_slice %arg3[%add3A_1223, %dma_start3A_1234] : memref<2560x128xi32, #tpu.memory_space<hbm>> -> memref<16x128xi32, #tpu.memory_space<hbm>>
        tpu.enqueue_dma source(%dma_start3A_1235 : memref<16x128xi32, #tpu.memory_space<hbm>>) target(%dma_start3A_1233 : memref<16x128xi32, #tpu.memory_space<vmem>>) target_semaphore(%arg16 : memref<!tpu.dma_semaphore, #tpu.memory_space<semaphore_mem>>)
        %dma_start3A_1236 = arith.constant 0 : i32
        %dma_start3A_1237 = arith.constant 0 : i32
        %dma_start3A_1238 = tpu.memref_slice %arg9[%sub3A_457, %dma_start3A_1236, %dma_start3A_1237] : memref<2x16x128xi32, #tpu.memory_space<vmem>> -> memref<1x16x128xi32, #tpu.memory_space<vmem>>
        %dma_start3A_1239 = tpu.memref_squeeze %dma_start3A_1238 : memref<1x16x128xi32, #tpu.memory_space<vmem>> -> memref<16x128xi32, #tpu.memory_space<vmem>>
        %dma_start3A_1240 = arith.constant 0 : i32
        %dma_start3A_1241 = tpu.memref_slice %arg4[%add3A_1223, %dma_start3A_1240] : memref<2560x128xi32, #tpu.memory_space<hbm>> -> memref<16x128xi32, #tpu.memory_space<hbm>>
        %dma_start3A_1242 = arith.constant 0 : i32
        %dma_start3A_1243 = arith.constant 0 : i32
        %dma_start3A_1244 = tpu.memref_slice %arg9[%sub3A_457, %dma_start3A_1242, %dma_start3A_1243] : memref<2x16x128xi32, #tpu.memory_space<vmem>> -> memref<1x16x128xi32, #tpu.memory_space<vmem>>
        %dma_start3A_1245 = tpu.memref_squeeze %dma_start3A_1244 : memref<1x16x128xi32, #tpu.memory_space<vmem>> -> memref<16x128xi32, #tpu.memory_space<vmem>>
        %dma_start3A_1246 = arith.constant 0 : i32
        %dma_start3A_1247 = tpu.memref_slice %arg4[%add3A_1223, %dma_start3A_1246] : memref<2560x128xi32, #tpu.memory_space<hbm>> -> memref<16x128xi32, #tpu.memory_space<hbm>>
        tpu.enqueue_dma source(%dma_start3A_1247 : memref<16x128xi32, #tpu.memory_space<hbm>>) target(%dma_start3A_1245 : memref<16x128xi32, #tpu.memory_space<vmem>>) target_semaphore(%arg16 : memref<!tpu.dma_semaphore, #tpu.memory_space<semaphore_mem>>)
      } else {
      }
      %dma_start3A_468 = arith.constant 1 : i32
      %dma_start3A_469 = arith.constant 1 : i32
      %dma_start3A_470 = arith.constant 0 : i32
      %dma_start3A_471 = arith.constant 0 : i32
      %dma_start3A_472 = tpu.memref_slice %arg10[%dma_start3A_469, %dma_start3A_470, %dma_start3A_471] : memref<2x128x128xf32, #tpu.memory_space<vmem>> -> memref<1x128x128xf32, #tpu.memory_space<vmem>>
      %dma_start3A_473 = tpu.memref_squeeze %dma_start3A_472 : memref<1x128x128xf32, #tpu.memory_space<vmem>> -> memref<128x128xf32, #tpu.memory_space<vmem>>
      %dma_start3A_474 = arith.constant 0 : i32
      %dma_start3A_475 = tpu.memref_slice %arg8[%rem3A_456, %dma_start3A_468, %dma_start3A_474] : memref<2x16x128xi32, #tpu.memory_space<vmem>> -> memref<1x1x128xi32, #tpu.memory_space<vmem>>
      %dma_start3A_476 = tpu.memref_squeeze %dma_start3A_475 : memref<1x1x128xi32, #tpu.memory_space<vmem>> -> memref<128xi32, #tpu.memory_space<vmem>>
      %dma_start3A_477 = arith.constant 0 : i32
      %dma_start3A_478 = arith.constant 0 : i32
      %dma_start3A_479 = tpu.memref_slice %arg2[%dma_start3A_477, %dma_start3A_478] : memref<10000x128xf32, #tpu.memory_space<hbm>> -> memref<10000x128xf32, #tpu.memory_space<hbm>>
      tpu.enqueue_indirect_dma source(%dma_start3A_479 : memref<10000x128xf32, #tpu.memory_space<hbm>>) target(%dma_start3A_473 : memref<128x128xf32, #tpu.memory_space<vmem>>) offsets(%dma_start3A_476 : memref<128xi32, #tpu.memory_space<vmem>>) semaphore(%arg13 : memref<!tpu.dma_semaphore, #tpu.memory_space<semaphore_mem>>)
      %dma_wait3A_480 = arith.constant 0 : i32
      %dma_wait3A_481 = arith.constant 0 : i32
      %dma_wait3A_482 = arith.constant 0 : i32
      %dma_wait3A_483 = arith.constant 0 : i32
      %dma_wait3A_484 = tpu.memref_slice %arg10[%dma_wait3A_481, %dma_wait3A_482, %dma_wait3A_483] : memref<2x128x128xf32, #tpu.memory_space<vmem>> -> memref<1x128x128xf32, #tpu.memory_space<vmem>>
      %dma_wait3A_485 = tpu.memref_squeeze %dma_wait3A_484 : memref<1x128x128xf32, #tpu.memory_space<vmem>> -> memref<128x128xf32, #tpu.memory_space<vmem>>
      %dma_wait3A_486 = arith.constant 0 : i32
      %dma_wait3A_487 = tpu.memref_slice %arg8[%rem3A_456, %dma_wait3A_480, %dma_wait3A_486] : memref<2x16x128xi32, #tpu.memory_space<vmem>> -> memref<1x1x128xi32, #tpu.memory_space<vmem>>
      %dma_wait3A_488 = tpu.memref_squeeze %dma_wait3A_487 : memref<1x1x128xi32, #tpu.memory_space<vmem>> -> memref<128xi32, #tpu.memory_space<vmem>>
      %dma_wait3A_489 = arith.constant 0 : i32
      %dma_wait3A_490 = arith.constant 0 : i32
      %dma_wait3A_491 = tpu.memref_slice %arg2[%dma_wait3A_489, %dma_wait3A_490] : memref<10000x128xf32, #tpu.memory_space<hbm>> -> memref<10000x128xf32, #tpu.memory_space<hbm>>
      tpu.wait_indirect_dma semaphore(%arg12 : memref<!tpu.dma_semaphore, #tpu.memory_space<semaphore_mem>>) src(%dma_wait3A_491 : memref<10000x128xf32, #tpu.memory_space<hbm>>) dst(%dma_wait3A_485 : memref<128x128xf32, #tpu.memory_space<vmem>>)
      %dma_start3A_492 = arith.constant 0 : i32
      %dma_start3A_493 = arith.constant 0 : i32
      %dma_start3A_494 = arith.constant 0 : i32
      %dma_start3A_495 = arith.constant 0 : i32
      %dma_start3A_496 = tpu.memref_slice %arg10[%dma_start3A_492, %dma_start3A_494, %dma_start3A_495] : memref<2x128x128xf32, #tpu.memory_space<vmem>> -> memref<1x128x128xf32, #tpu.memory_space<vmem>>
      %dma_start3A_497 = tpu.memref_squeeze %dma_start3A_496 : memref<1x128x128xf32, #tpu.memory_space<vmem>> -> memref<128x128xf32, #tpu.memory_space<vmem>>
      %dma_start3A_498 = arith.constant 0 : i32
      %dma_start3A_499 = tpu.memref_slice %arg9[%rem3A_456, %dma_start3A_493, %dma_start3A_498] : memref<2x16x128xi32, #tpu.memory_space<vmem>> -> memref<1x1x128xi32, #tpu.memory_space<vmem>>
      %dma_start3A_500 = tpu.memref_squeeze %dma_start3A_499 : memref<1x1x128xi32, #tpu.memory_space<vmem>> -> memref<128xi32, #tpu.memory_space<vmem>>
      %dma_start3A_501 = arith.constant 0 : i32
      %dma_start3A_502 = arith.constant 0 : i32
      %dma_start3A_503 = tpu.memref_slice %arg11[%dma_start3A_501, %dma_start3A_502] : memref<10240x128xf32, #tpu.memory_space<vmem_shared>> -> memref<10240x128xf32, #tpu.memory_space<vmem_shared>>
      tpu.enqueue_indirect_dma source(%dma_start3A_497 : memref<128x128xf32, #tpu.memory_space<vmem>>) target(%dma_start3A_503 : memref<10240x128xf32, #tpu.memory_space<vmem_shared>>) offsets(%dma_start3A_500 : memref<128xi32, #tpu.memory_space<vmem>>) semaphore(%arg14 : memref<!tpu.dma_semaphore, #tpu.memory_space<semaphore_mem>>) {add = true}
      %dma_wait3A_504 = arith.constant 0 : i32
      %dma_wait3A_505 = arith.constant 0 : i32
      %dma_wait3A_506 = arith.constant 0 : i32
      %dma_wait3A_507 = arith.constant 0 : i32
      %dma_wait3A_508 = tpu.memref_slice %arg10[%dma_wait3A_504, %dma_wait3A_506, %dma_wait3A_507] : memref<2x128x128xf32, #tpu.memory_space<vmem>> -> memref<1x128x128xf32, #tpu.memory_space<vmem>>
      %dma_wait3A_509 = tpu.memref_squeeze %dma_wait3A_508 : memref<1x128x128xf32, #tpu.memory_space<vmem>> -> memref<128x128xf32, #tpu.memory_space<vmem>>
      %dma_wait3A_510 = arith.constant 0 : i32
      %dma_wait3A_511 = tpu.memref_slice %arg9[%rem3A_456, %dma_wait3A_505, %dma_wait3A_510] : memref<2x16x128xi32, #tpu.memory_space<vmem>> -> memref<1x1x128xi32, #tpu.memory_space<vmem>>
      %dma_wait3A_512 = tpu.memref_squeeze %dma_wait3A_511 : memref<1x1x128xi32, #tpu.memory_space<vmem>> -> memref<128xi32, #tpu.memory_space<vmem>>
      %dma_wait3A_513 = arith.constant 0 : i32
      %dma_wait3A_514 = arith.constant 0 : i32
      %dma_wait3A_515 = tpu.memref_slice %arg11[%dma_wait3A_513, %dma_wait3A_514] : memref<10240x128xf32, #tpu.memory_space<vmem_shared>> -> memref<10240x128xf32, #tpu.memory_space<vmem_shared>>
      tpu.wait_indirect_dma semaphore(%arg14 : memref<!tpu.dma_semaphore, #tpu.memory_space<semaphore_mem>>) src(%dma_wait3A_509 : memref<128x128xf32, #tpu.memory_space<vmem>>) dst(%dma_wait3A_515 : memref<10240x128xf32, #tpu.memory_space<vmem_shared>>)
      %dma_start3A_516 = arith.constant 2 : i32
      %dma_start3A_517 = arith.constant 0 : i32
      %dma_start3A_518 = arith.constant 0 : i32
      %dma_start3A_519 = arith.constant 0 : i32
      %dma_start3A_520 = tpu.memref_slice %arg10[%dma_start3A_517, %dma_start3A_518, %dma_start3A_519] : memref<2x128x128xf32, #tpu.memory_space<vmem>> -> memref<1x128x128xf32, #tpu.memory_space<vmem>>
      %dma_start3A_521 = tpu.memref_squeeze %dma_start3A_520 : memref<1x128x128xf32, #tpu.memory_space<vmem>> -> memref<128x128xf32, #tpu.memory_space<vmem>>
      %dma_start3A_522 = arith.constant 0 : i32
      %dma_start3A_523 = tpu.memref_slice %arg8[%rem3A_456, %dma_start3A_516, %dma_start3A_522] : memref<2x16x128xi32, #tpu.memory_space<vmem>> -> memref<1x1x128xi32, #tpu.memory_space<vmem>>
      %dma_start3A_524 = tpu.memref_squeeze %dma_start3A_523 : memref<1x1x128xi32, #tpu.memory_space<vmem>> -> memref<128xi32, #tpu.memory_space<vmem>>
      %dma_start3A_525 = arith.constant 0 : i32
      %dma_start3A_526 = arith.constant 0 : i32
      %dma_start3A_527 = tpu.memref_slice %arg2[%dma_start3A_525, %dma_start3A_526] : memref<10000x128xf32, #tpu.memory_space<hbm>> -> memref<10000x128xf32, #tpu.memory_space<hbm>>
      tpu.enqueue_indirect_dma source(%dma_start3A_527 : memref<10000x128xf32, #tpu.memory_space<hbm>>) target(%dma_start3A_521 : memref<128x128xf32, #tpu.memory_space<vmem>>) offsets(%dma_start3A_524 : memref<128xi32, #tpu.memory_space<vmem>>) semaphore(%arg12 : memref<!tpu.dma_semaphore, #tpu.memory_space<semaphore_mem>>)
      %dma_wait3A_528 = arith.constant 1 : i32
      %dma_wait3A_529 = arith.constant 1 : i32
      %dma_wait3A_530 = arith.constant 0 : i32
      %dma_wait3A_531 = arith.constant 0 : i32
      %dma_wait3A_532 = tpu.memref_slice %arg10[%dma_wait3A_529, %dma_wait3A_530, %dma_wait3A_531] : memref<2x128x128xf32, #tpu.memory_space<vmem>> -> memref<1x128x128xf32, #tpu.memory_space<vmem>>
      %dma_wait3A_533 = tpu.memref_squeeze %dma_wait3A_532 : memref<1x128x128xf32, #tpu.memory_space<vmem>> -> memref<128x128xf32, #tpu.memory_space<vmem>>
      %dma_wait3A_534 = arith.constant 0 : i32
      %dma_wait3A_535 = tpu.memref_slice %arg8[%rem3A_456, %dma_wait3A_528, %dma_wait3A_534] : memref<2x16x128xi32, #tpu.memory_space<vmem>> -> memref<1x1x128xi32, #tpu.memory_space<vmem>>
      %dma_wait3A_536 = tpu.memref_squeeze %dma_wait3A_535 : memref<1x1x128xi32, #tpu.memory_space<vmem>> -> memref<128xi32, #tpu.memory_space<vmem>>
      %dma_wait3A_537 = arith.constant 0 : i32
      %dma_wait3A_538 = arith.constant 0 : i32
      %dma_wait3A_539 = tpu.memref_slice %arg2[%dma_wait3A_537, %dma_wait3A_538] : memref<10000x128xf32, #tpu.memory_space<hbm>> -> memref<10000x128xf32, #tpu.memory_space<hbm>>
      tpu.wait_indirect_dma semaphore(%arg13 : memref<!tpu.dma_semaphore, #tpu.memory_space<semaphore_mem>>) src(%dma_wait3A_539 : memref<10000x128xf32, #tpu.memory_space<hbm>>) dst(%dma_wait3A_533 : memref<128x128xf32, #tpu.memory_space<vmem>>)
      %dma_start3A_540 = arith.constant 1 : i32
      %dma_start3A_541 = arith.constant 1 : i32
      %dma_start3A_542 = arith.constant 0 : i32
      %dma_start3A_543 = arith.constant 0 : i32
      %dma_start3A_544 = tpu.memref_slice %arg10[%dma_start3A_540, %dma_start3A_542, %dma_start3A_543] : memref<2x128x128xf32, #tpu.memory_space<vmem>> -> memref<1x128x128xf32, #tpu.memory_space<vmem>>
      %dma_start3A_545 = tpu.memref_squeeze %dma_start3A_544 : memref<1x128x128xf32, #tpu.memory_space<vmem>> -> memref<128x128xf32, #tpu.memory_space<vmem>>
      %dma_start3A_546 = arith.constant 0 : i32
      %dma_start3A_547 = tpu.memref_slice %arg9[%rem3A_456, %dma_start3A_541, %dma_start3A_546] : memref<2x16x128xi32, #tpu.memory_space<vmem>> -> memref<1x1x128xi32, #tpu.memory_space<vmem>>
      %dma_start3A_548 = tpu.memref_squeeze %dma_start3A_547 : memref<1x1x128xi32, #tpu.memory_space<vmem>> -> memref<128xi32, #tpu.memory_space<vmem>>
      %dma_start3A_549 = arith.constant 0 : i32
      %dma_start3A_550 = arith.constant 0 : i32
      %dma_start3A_551 = tpu.memref_slice %arg11[%dma_start3A_549, %dma_start3A_550] : memref<10240x128xf32, #tpu.memory_space<vmem_shared>> -> memref<10240x128xf32, #tpu.memory_space<vmem_shared>>
      tpu.enqueue_indirect_dma source(%dma_start3A_545 : memref<128x128xf32, #tpu.memory_space<vmem>>) target(%dma_start3A_551 : memref<10240x128xf32, #tpu.memory_space<vmem_shared>>) offsets(%dma_start3A_548 : memref<128xi32, #tpu.memory_space<vmem>>) semaphore(%arg15 : memref<!tpu.dma_semaphore, #tpu.memory_space<semaphore_mem>>) {add = true}
      %dma_wait3A_552 = arith.constant 1 : i32
      %dma_wait3A_553 = arith.constant 1 : i32
      %dma_wait3A_554 = arith.constant 0 : i32
      %dma_wait3A_555 = arith.constant 0 : i32
      %dma_wait3A_556 = tpu.memref_slice %arg10[%dma_wait3A_552, %dma_wait3A_554, %dma_wait3A_555] : memref<2x128x128xf32, #tpu.memory_space<vmem>> -> memref<1x128x128xf32, #tpu.memory_space<vmem>>
      %dma_wait3A_557 = tpu.memref_squeeze %dma_wait3A_556 : memref<1x128x128xf32, #tpu.memory_space<vmem>> -> memref<128x128xf32, #tpu.memory_space<vmem>>
      %dma_wait3A_558 = arith.constant 0 : i32
      %dma_wait3A_559 = tpu.memref_slice %arg9[%rem3A_456, %dma_wait3A_553, %dma_wait3A_558] : memref<2x16x128xi32, #tpu.memory_space<vmem>> -> memref<1x1x128xi32, #tpu.memory_space<vmem>>
      %dma_wait3A_560 = tpu.memref_squeeze %dma_wait3A_559 : memref<1x1x128xi32, #tpu.memory_space<vmem>> -> memref<128xi32, #tpu.memory_space<vmem>>
      %dma_wait3A_561 = arith.constant 0 : i32
      %dma_wait3A_562 = arith.constant 0 : i32
      %dma_wait3A_563 = tpu.memref_slice %arg11[%dma_wait3A_561, %dma_wait3A_562] : memref<10240x128xf32, #tpu.memory_space<vmem_shared>> -> memref<10240x128xf32, #tpu.memory_space<vmem_shared>>
      tpu.wait_indirect_dma semaphore(%arg15 : memref<!tpu.dma_semaphore, #tpu.memory_space<semaphore_mem>>) src(%dma_wait3A_557 : memref<128x128xf32, #tpu.memory_space<vmem>>) dst(%dma_wait3A_563 : memref<10240x128xf32, #tpu.memory_space<vmem_shared>>)
      %dma_start3A_564 = arith.constant 3 : i32
      %dma_start3A_565 = arith.constant 1 : i32
      %dma_start3A_566 = arith.constant 0 : i32
      %dma_start3A_567 = arith.constant 0 : i32
      %dma_start3A_568 = tpu.memref_slice %arg10[%dma_start3A_565, %dma_start3A_566, %dma_start3A_567] : memref<2x128x128xf32, #tpu.memory_space<vmem>> -> memref<1x128x128xf32, #tpu.memory_space<vmem>>
      %dma_start3A_569 = tpu.memref_squeeze %dma_start3A_568 : memref<1x128x128xf32, #tpu.memory_space<vmem>> -> memref<128x128xf32, #tpu.memory_space<vmem>>
      %dma_start3A_570 = arith.constant 0 : i32
      %dma_start3A_571 = tpu.memref_slice %arg8[%rem3A_456, %dma_start3A_564, %dma_start3A_570] : memref<2x16x128xi32, #tpu.memory_space<vmem>> -> memref<1x1x128xi32, #tpu.memory_space<vmem>>
      %dma_start3A_572 = tpu.memref_squeeze %dma_start3A_571 : memref<1x1x128xi32, #tpu.memory_space<vmem>> -> memref<128xi32, #tpu.memory_space<vmem>>
      %dma_start3A_573 = arith.constant 0 : i32
      %dma_start3A_574 = arith.constant 0 : i32
      %dma_start3A_575 = tpu.memref_slice %arg2[%dma_start3A_573, %dma_start3A_574] : memref<10000x128xf32, #tpu.memory_space<hbm>> -> memref<10000x128xf32, #tpu.memory_space<hbm>>
      tpu.enqueue_indirect_dma source(%dma_start3A_575 : memref<10000x128xf32, #tpu.memory_space<hbm>>) target(%dma_start3A_569 : memref<128x128xf32, #tpu.memory_space<vmem>>) offsets(%dma_start3A_572 : memref<128xi32, #tpu.memory_space<vmem>>) semaphore(%arg13 : memref<!tpu.dma_semaphore, #tpu.memory_space<semaphore_mem>>)
      %dma_wait3A_576 = arith.constant 2 : i32
      %dma_wait3A_577 = arith.constant 0 : i32
      %dma_wait3A_578 = arith.constant 0 : i32
      %dma_wait3A_579 = arith.constant 0 : i32
      %dma_wait3A_580 = tpu.memref_slice %arg10[%dma_wait3A_577, %dma_wait3A_578, %dma_wait3A_579] : memref<2x128x128xf32, #tpu.memory_space<vmem>> -> memref<1x128x128xf32, #tpu.memory_space<vmem>>
      %dma_wait3A_581 = tpu.memref_squeeze %dma_wait3A_580 : memref<1x128x128xf32, #tpu.memory_space<vmem>> -> memref<128x128xf32, #tpu.memory_space<vmem>>
      %dma_wait3A_582 = arith.constant 0 : i32
      %dma_wait3A_583 = tpu.memref_slice %arg8[%rem3A_456, %dma_wait3A_576, %dma_wait3A_582] : memref<2x16x128xi32, #tpu.memory_space<vmem>> -> memref<1x1x128xi32, #tpu.memory_space<vmem>>
      %dma_wait3A_584 = tpu.memref_squeeze %dma_wait3A_583 : memref<1x1x128xi32, #tpu.memory_space<vmem>> -> memref<128xi32, #tpu.memory_space<vmem>>
      %dma_wait3A_585 = arith.constant 0 : i32
      %dma_wait3A_586 = arith.constant 0 : i32
      %dma_wait3A_587 = tpu.memref_slice %arg2[%dma_wait3A_585, %dma_wait3A_586] : memref<10000x128xf32, #tpu.memory_space<hbm>> -> memref<10000x128xf32, #tpu.memory_space<hbm>>
      tpu.wait_indirect_dma semaphore(%arg12 : memref<!tpu.dma_semaphore, #tpu.memory_space<semaphore_mem>>) src(%dma_wait3A_587 : memref<10000x128xf32, #tpu.memory_space<hbm>>) dst(%dma_wait3A_581 : memref<128x128xf32, #tpu.memory_space<vmem>>)
      %dma_start3A_588 = arith.constant 0 : i32
      %dma_start3A_589 = arith.constant 2 : i32
      %dma_start3A_590 = arith.constant 0 : i32
      %dma_start3A_591 = arith.constant 0 : i32
      %dma_start3A_592 = tpu.memref_slice %arg10[%dma_start3A_588, %dma_start3A_590, %dma_start3A_591] : memref<2x128x128xf32, #tpu.memory_space<vmem>> -> memref<1x128x128xf32, #tpu.memory_space<vmem>>
      %dma_start3A_593 = tpu.memref_squeeze %dma_start3A_592 : memref<1x128x128xf32, #tpu.memory_space<vmem>> -> memref<128x128xf32, #tpu.memory_space<vmem>>
      %dma_start3A_594 = arith.constant 0 : i32
      %dma_start3A_595 = tpu.memref_slice %arg9[%rem3A_456, %dma_start3A_589, %dma_start3A_594] : memref<2x16x128xi32, #tpu.memory_space<vmem>> -> memref<1x1x128xi32, #tpu.memory_space<vmem>>
      %dma_start3A_596 = tpu.memref_squeeze %dma_start3A_595 : memref<1x1x128xi32, #tpu.memory_space<vmem>> -> memref<128xi32, #tpu.memory_space<vmem>>
      %dma_start3A_597 = arith.constant 0 : i32
      %dma_start3A_598 = arith.constant 0 : i32
      %dma_start3A_599 = tpu.memref_slice %arg11[%dma_start3A_597, %dma_start3A_598] : memref<10240x128xf32, #tpu.memory_space<vmem_shared>> -> memref<10240x128xf32, #tpu.memory_space<vmem_shared>>
      tpu.enqueue_indirect_dma source(%dma_start3A_593 : memref<128x128xf32, #tpu.memory_space<vmem>>) target(%dma_start3A_599 : memref<10240x128xf32, #tpu.memory_space<vmem_shared>>) offsets(%dma_start3A_596 : memref<128xi32, #tpu.memory_space<vmem>>) semaphore(%arg14 : memref<!tpu.dma_semaphore, #tpu.memory_space<semaphore_mem>>) {add = true}
      %dma_wait3A_600 = arith.constant 0 : i32
      %dma_wait3A_601 = arith.constant 2 : i32
      %dma_wait3A_602 = arith.constant 0 : i32
      %dma_wait3A_603 = arith.constant 0 : i32
      %dma_wait3A_604 = tpu.memref_slice %arg10[%dma_wait3A_600, %dma_wait3A_602, %dma_wait3A_603] : memref<2x128x128xf32, #tpu.memory_space<vmem>> -> memref<1x128x128xf32, #tpu.memory_space<vmem>>
      %dma_wait3A_605 = tpu.memref_squeeze %dma_wait3A_604 : memref<1x128x128xf32, #tpu.memory_space<vmem>> -> memref<128x128xf32, #tpu.memory_space<vmem>>
      %dma_wait3A_606 = arith.constant 0 : i32
      %dma_wait3A_607 = tpu.memref_slice %arg9[%rem3A_456, %dma_wait3A_601, %dma_wait3A_606] : memref<2x16x128xi32, #tpu.memory_space<vmem>> -> memref<1x1x128xi32, #tpu.memory_space<vmem>>
      %dma_wait3A_608 = tpu.memref_squeeze %dma_wait3A_607 : memref<1x1x128xi32, #tpu.memory_space<vmem>> -> memref<128xi32, #tpu.memory_space<vmem>>
      %dma_wait3A_609 = arith.constant 0 : i32
      %dma_wait3A_610 = arith.constant 0 : i32
      %dma_wait3A_611 = tpu.memref_slice %arg11[%dma_wait3A_609, %dma_wait3A_610] : memref<10240x128xf32, #tpu.memory_space<vmem_shared>> -> memref<10240x128xf32, #tpu.memory_space<vmem_shared>>
      tpu.wait_indirect_dma semaphore(%arg14 : memref<!tpu.dma_semaphore, #tpu.memory_space<semaphore_mem>>) src(%dma_wait3A_605 : memref<128x128xf32, #tpu.memory_space<vmem>>) dst(%dma_wait3A_611 : memref<10240x128xf32, #tpu.memory_space<vmem_shared>>)
      %dma_start3A_612 = arith.constant 4 : i32
      %dma_start3A_613 = arith.constant 0 : i32
      %dma_start3A_614 = arith.constant 0 : i32
      %dma_start3A_615 = arith.constant 0 : i32
      %dma_start3A_616 = tpu.memref_slice %arg10[%dma_start3A_613, %dma_start3A_614, %dma_start3A_615] : memref<2x128x128xf32, #tpu.memory_space<vmem>> -> memref<1x128x128xf32, #tpu.memory_space<vmem>>
      %dma_start3A_617 = tpu.memref_squeeze %dma_start3A_616 : memref<1x128x128xf32, #tpu.memory_space<vmem>> -> memref<128x128xf32, #tpu.memory_space<vmem>>
      %dma_start3A_618 = arith.constant 0 : i32
      %dma_start3A_619 = tpu.memref_slice %arg8[%rem3A_456, %dma_start3A_612, %dma_start3A_618] : memref<2x16x128xi32, #tpu.memory_space<vmem>> -> memref<1x1x128xi32, #tpu.memory_space<vmem>>
      %dma_start3A_620 = tpu.memref_squeeze %dma_start3A_619 : memref<1x1x128xi32, #tpu.memory_space<vmem>> -> memref<128xi32, #tpu.memory_space<vmem>>
      %dma_start3A_621 = arith.constant 0 : i32
      %dma_start3A_622 = arith.constant 0 : i32
      %dma_start3A_623 = tpu.memref_slice %arg2[%dma_start3A_621, %dma_start3A_622] : memref<10000x128xf32, #tpu.memory_space<hbm>> -> memref<10000x128xf32, #tpu.memory_space<hbm>>
      tpu.enqueue_indirect_dma source(%dma_start3A_623 : memref<10000x128xf32, #tpu.memory_space<hbm>>) target(%dma_start3A_617 : memref<128x128xf32, #tpu.memory_space<vmem>>) offsets(%dma_start3A_620 : memref<128xi32, #tpu.memory_space<vmem>>) semaphore(%arg12 : memref<!tpu.dma_semaphore, #tpu.memory_space<semaphore_mem>>)
      %dma_wait3A_624 = arith.constant 3 : i32
      %dma_wait3A_625 = arith.constant 1 : i32
      %dma_wait3A_626 = arith.constant 0 : i32
      %dma_wait3A_627 = arith.constant 0 : i32
      %dma_wait3A_628 = tpu.memref_slice %arg10[%dma_wait3A_625, %dma_wait3A_626, %dma_wait3A_627] : memref<2x128x128xf32, #tpu.memory_space<vmem>> -> memref<1x128x128xf32, #tpu.memory_space<vmem>>
      %dma_wait3A_629 = tpu.memref_squeeze %dma_wait3A_628 : memref<1x128x128xf32, #tpu.memory_space<vmem>> -> memref<128x128xf32, #tpu.memory_space<vmem>>
      %dma_wait3A_630 = arith.constant 0 : i32
      %dma_wait3A_631 = tpu.memref_slice %arg8[%rem3A_456, %dma_wait3A_624, %dma_wait3A_630] : memref<2x16x128xi32, #tpu.memory_space<vmem>> -> memref<1x1x128xi32, #tpu.memory_space<vmem>>
      %dma_wait3A_632 = tpu.memref_squeeze %dma_wait3A_631 : memref<1x1x128xi32, #tpu.memory_space<vmem>> -> memref<128xi32, #tpu.memory_space<vmem>>
      %dma_wait3A_633 = arith.constant 0 : i32
      %dma_wait3A_634 = arith.constant 0 : i32
      %dma_wait3A_635 = tpu.memref_slice %arg2[%dma_wait3A_633, %dma_wait3A_634] : memref<10000x128xf32, #tpu.memory_space<hbm>> -> memref<10000x128xf32, #tpu.memory_space<hbm>>
      tpu.wait_indirect_dma semaphore(%arg13 : memref<!tpu.dma_semaphore, #tpu.memory_space<semaphore_mem>>) src(%dma_wait3A_635 : memref<10000x128xf32, #tpu.memory_space<hbm>>) dst(%dma_wait3A_629 : memref<128x128xf32, #tpu.memory_space<vmem>>)
      %dma_start3A_636 = arith.constant 1 : i32
      %dma_start3A_637 = arith.constant 3 : i32
      %dma_start3A_638 = arith.constant 0 : i32
      %dma_start3A_639 = arith.constant 0 : i32
      %dma_start3A_640 = tpu.memref_slice %arg10[%dma_start3A_636, %dma_start3A_638, %dma_start3A_639] : memref<2x128x128xf32, #tpu.memory_space<vmem>> -> memref<1x128x128xf32, #tpu.memory_space<vmem>>
      %dma_start3A_641 = tpu.memref_squeeze %dma_start3A_640 : memref<1x128x128xf32, #tpu.memory_space<vmem>> -> memref<128x128xf32, #tpu.memory_space<vmem>>
      %dma_start3A_642 = arith.constant 0 : i32
      %dma_start3A_643 = tpu.memref_slice %arg9[%rem3A_456, %dma_start3A_637, %dma_start3A_642] : memref<2x16x128xi32, #tpu.memory_space<vmem>> -> memref<1x1x128xi32, #tpu.memory_space<vmem>>
      %dma_start3A_644 = tpu.memref_squeeze %dma_start3A_643 : memref<1x1x128xi32, #tpu.memory_space<vmem>> -> memref<128xi32, #tpu.memory_space<vmem>>
      %dma_start3A_645 = arith.constant 0 : i32
      %dma_start3A_646 = arith.constant 0 : i32
      %dma_start3A_647 = tpu.memref_slice %arg11[%dma_start3A_645, %dma_start3A_646] : memref<10240x128xf32, #tpu.memory_space<vmem_shared>> -> memref<10240x128xf32, #tpu.memory_space<vmem_shared>>
      tpu.enqueue_indirect_dma source(%dma_start3A_641 : memref<128x128xf32, #tpu.memory_space<vmem>>) target(%dma_start3A_647 : memref<10240x128xf32, #tpu.memory_space<vmem_shared>>) offsets(%dma_start3A_644 : memref<128xi32, #tpu.memory_space<vmem>>) semaphore(%arg15 : memref<!tpu.dma_semaphore, #tpu.memory_space<semaphore_mem>>) {add = true}
      %dma_wait3A_648 = arith.constant 1 : i32
      %dma_wait3A_649 = arith.constant 3 : i32
      %dma_wait3A_650 = arith.constant 0 : i32
      %dma_wait3A_651 = arith.constant 0 : i32
      %dma_wait3A_652 = tpu.memref_slice %arg10[%dma_wait3A_648, %dma_wait3A_650, %dma_wait3A_651] : memref<2x128x128xf32, #tpu.memory_space<vmem>> -> memref<1x128x128xf32, #tpu.memory_space<vmem>>
      %dma_wait3A_653 = tpu.memref_squeeze %dma_wait3A_652 : memref<1x128x128xf32, #tpu.memory_space<vmem>> -> memref<128x128xf32, #tpu.memory_space<vmem>>
      %dma_wait3A_654 = arith.constant 0 : i32
      %dma_wait3A_655 = tpu.memref_slice %arg9[%rem3A_456, %dma_wait3A_649, %dma_wait3A_654] : memref<2x16x128xi32, #tpu.memory_space<vmem>> -> memref<1x1x128xi32, #tpu.memory_space<vmem>>
      %dma_wait3A_656 = tpu.memref_squeeze %dma_wait3A_655 : memref<1x1x128xi32, #tpu.memory_space<vmem>> -> memref<128xi32, #tpu.memory_space<vmem>>
      %dma_wait3A_657 = arith.constant 0 : i32
      %dma_wait3A_658 = arith.constant 0 : i32
      %dma_wait3A_659 = tpu.memref_slice %arg11[%dma_wait3A_657, %dma_wait3A_658] : memref<10240x128xf32, #tpu.memory_space<vmem_shared>> -> memref<10240x128xf32, #tpu.memory_space<vmem_shared>>
      tpu.wait_indirect_dma semaphore(%arg15 : memref<!tpu.dma_semaphore, #tpu.memory_space<semaphore_mem>>) src(%dma_wait3A_653 : memref<128x128xf32, #tpu.memory_space<vmem>>) dst(%dma_wait3A_659 : memref<10240x128xf32, #tpu.memory_space<vmem_shared>>)
      %dma_start3A_660 = arith.constant 5 : i32
      %dma_start3A_661 = arith.constant 1 : i32
      %dma_start3A_662 = arith.constant 0 : i32
      %dma_start3A_663 = arith.constant 0 : i32
      %dma_start3A_664 = tpu.memref_slice %arg10[%dma_start3A_661, %dma_start3A_662, %dma_start3A_663] : memref<2x128x128xf32, #tpu.memory_space<vmem>> -> memref<1x128x128xf32, #tpu.memory_space<vmem>>
      %dma_start3A_665 = tpu.memref_squeeze %dma_start3A_664 : memref<1x128x128xf32, #tpu.memory_space<vmem>> -> memref<128x128xf32, #tpu.memory_space<vmem>>
      %dma_start3A_666 = arith.constant 0 : i32
      %dma_start3A_667 = tpu.memref_slice %arg8[%rem3A_456, %dma_start3A_660, %dma_start3A_666] : memref<2x16x128xi32, #tpu.memory_space<vmem>> -> memref<1x1x128xi32, #tpu.memory_space<vmem>>
      %dma_start3A_668 = tpu.memref_squeeze %dma_start3A_667 : memref<1x1x128xi32, #tpu.memory_space<vmem>> -> memref<128xi32, #tpu.memory_space<vmem>>
      %dma_start3A_669 = arith.constant 0 : i32
      %dma_start3A_670 = arith.constant 0 : i32
      %dma_start3A_671 = tpu.memref_slice %arg2[%dma_start3A_669, %dma_start3A_670] : memref<10000x128xf32, #tpu.memory_space<hbm>> -> memref<10000x128xf32, #tpu.memory_space<hbm>>
      tpu.enqueue_indirect_dma source(%dma_start3A_671 : memref<10000x128xf32, #tpu.memory_space<hbm>>) target(%dma_start3A_665 : memref<128x128xf32, #tpu.memory_space<vmem>>) offsets(%dma_start3A_668 : memref<128xi32, #tpu.memory_space<vmem>>) semaphore(%arg13 : memref<!tpu.dma_semaphore, #tpu.memory_space<semaphore_mem>>)
      %dma_wait3A_672 = arith.constant 4 : i32
      %dma_wait3A_673 = arith.constant 0 : i32
      %dma_wait3A_674 = arith.constant 0 : i32
      %dma_wait3A_675 = arith.constant 0 : i32
      %dma_wait3A_676 = tpu.memref_slice %arg10[%dma_wait3A_673, %dma_wait3A_674, %dma_wait3A_675] : memref<2x128x128xf32, #tpu.memory_space<vmem>> -> memref<1x128x128xf32, #tpu.memory_space<vmem>>
      %dma_wait3A_677 = tpu.memref_squeeze %dma_wait3A_676 : memref<1x128x128xf32, #tpu.memory_space<vmem>> -> memref<128x128xf32, #tpu.memory_space<vmem>>
      %dma_wait3A_678 = arith.constant 0 : i32
      %dma_wait3A_679 = tpu.memref_slice %arg8[%rem3A_456, %dma_wait3A_672, %dma_wait3A_678] : memref<2x16x128xi32, #tpu.memory_space<vmem>> -> memref<1x1x128xi32, #tpu.memory_space<vmem>>
      %dma_wait3A_680 = tpu.memref_squeeze %dma_wait3A_679 : memref<1x1x128xi32, #tpu.memory_space<vmem>> -> memref<128xi32, #tpu.memory_space<vmem>>
      %dma_wait3A_681 = arith.constant 0 : i32
      %dma_wait3A_682 = arith.constant 0 : i32
      %dma_wait3A_683 = tpu.memref_slice %arg2[%dma_wait3A_681, %dma_wait3A_682] : memref<10000x128xf32, #tpu.memory_space<hbm>> -> memref<10000x128xf32, #tpu.memory_space<hbm>>
      tpu.wait_indirect_dma semaphore(%arg12 : memref<!tpu.dma_semaphore, #tpu.memory_space<semaphore_mem>>) src(%dma_wait3A_683 : memref<10000x128xf32, #tpu.memory_space<hbm>>) dst(%dma_wait3A_677 : memref<128x128xf32, #tpu.memory_space<vmem>>)
      %dma_start3A_684 = arith.constant 0 : i32
      %dma_start3A_685 = arith.constant 4 : i32
      %dma_start3A_686 = arith.constant 0 : i32
      %dma_start3A_687 = arith.constant 0 : i32
      %dma_start3A_688 = tpu.memref_slice %arg10[%dma_start3A_684, %dma_start3A_686, %dma_start3A_687] : memref<2x128x128xf32, #tpu.memory_space<vmem>> -> memref<1x128x128xf32, #tpu.memory_space<vmem>>
      %dma_start3A_689 = tpu.memref_squeeze %dma_start3A_688 : memref<1x128x128xf32, #tpu.memory_space<vmem>> -> memref<128x128xf32, #tpu.memory_space<vmem>>
      %dma_start3A_690 = arith.constant 0 : i32
      %dma_start3A_691 = tpu.memref_slice %arg9[%rem3A_456, %dma_start3A_685, %dma_start3A_690] : memref<2x16x128xi32, #tpu.memory_space<vmem>> -> memref<1x1x128xi32, #tpu.memory_space<vmem>>
      %dma_start3A_692 = tpu.memref_squeeze %dma_start3A_691 : memref<1x1x128xi32, #tpu.memory_space<vmem>> -> memref<128xi32, #tpu.memory_space<vmem>>
      %dma_start3A_693 = arith.constant 0 : i32
      %dma_start3A_694 = arith.constant 0 : i32
      %dma_start3A_695 = tpu.memref_slice %arg11[%dma_start3A_693, %dma_start3A_694] : memref<10240x128xf32, #tpu.memory_space<vmem_shared>> -> memref<10240x128xf32, #tpu.memory_space<vmem_shared>>
      tpu.enqueue_indirect_dma source(%dma_start3A_689 : memref<128x128xf32, #tpu.memory_space<vmem>>) target(%dma_start3A_695 : memref<10240x128xf32, #tpu.memory_space<vmem_shared>>) offsets(%dma_start3A_692 : memref<128xi32, #tpu.memory_space<vmem>>) semaphore(%arg14 : memref<!tpu.dma_semaphore, #tpu.memory_space<semaphore_mem>>) {add = true}
      %dma_wait3A_696 = arith.constant 0 : i32
      %dma_wait3A_697 = arith.constant 4 : i32
      %dma_wait3A_698 = arith.constant 0 : i32
      %dma_wait3A_699 = arith.constant 0 : i32
      %dma_wait3A_700 = tpu.memref_slice %arg10[%dma_wait3A_696, %dma_wait3A_698, %dma_wait3A_699] : memref<2x128x128xf32, #tpu.memory_space<vmem>> -> memref<1x128x128xf32, #tpu.memory_space<vmem>>
      %dma_wait3A_701 = tpu.memref_squeeze %dma_wait3A_700 : memref<1x128x128xf32, #tpu.memory_space<vmem>> -> memref<128x128xf32, #tpu.memory_space<vmem>>
      %dma_wait3A_702 = arith.constant 0 : i32
      %dma_wait3A_703 = tpu.memref_slice %arg9[%rem3A_456, %dma_wait3A_697, %dma_wait3A_702] : memref<2x16x128xi32, #tpu.memory_space<vmem>> -> memref<1x1x128xi32, #tpu.memory_space<vmem>>
      %dma_wait3A_704 = tpu.memref_squeeze %dma_wait3A_703 : memref<1x1x128xi32, #tpu.memory_space<vmem>> -> memref<128xi32, #tpu.memory_space<vmem>>
      %dma_wait3A_705 = arith.constant 0 : i32
      %dma_wait3A_706 = arith.constant 0 : i32
      %dma_wait3A_707 = tpu.memref_slice %arg11[%dma_wait3A_705, %dma_wait3A_706] : memref<10240x128xf32, #tpu.memory_space<vmem_shared>> -> memref<10240x128xf32, #tpu.memory_space<vmem_shared>>
      tpu.wait_indirect_dma semaphore(%arg14 : memref<!tpu.dma_semaphore, #tpu.memory_space<semaphore_mem>>) src(%dma_wait3A_701 : memref<128x128xf32, #tpu.memory_space<vmem>>) dst(%dma_wait3A_707 : memref<10240x128xf32, #tpu.memory_space<vmem_shared>>)
      %dma_start3A_708 = arith.constant 6 : i32
      %dma_start3A_709 = arith.constant 0 : i32
      %dma_start3A_710 = arith.constant 0 : i32
      %dma_start3A_711 = arith.constant 0 : i32
      %dma_start3A_712 = tpu.memref_slice %arg10[%dma_start3A_709, %dma_start3A_710, %dma_start3A_711] : memref<2x128x128xf32, #tpu.memory_space<vmem>> -> memref<1x128x128xf32, #tpu.memory_space<vmem>>
      %dma_start3A_713 = tpu.memref_squeeze %dma_start3A_712 : memref<1x128x128xf32, #tpu.memory_space<vmem>> -> memref<128x128xf32, #tpu.memory_space<vmem>>
      %dma_start3A_714 = arith.constant 0 : i32
      %dma_start3A_715 = tpu.memref_slice %arg8[%rem3A_456, %dma_start3A_708, %dma_start3A_714] : memref<2x16x128xi32, #tpu.memory_space<vmem>> -> memref<1x1x128xi32, #tpu.memory_space<vmem>>
      %dma_start3A_716 = tpu.memref_squeeze %dma_start3A_715 : memref<1x1x128xi32, #tpu.memory_space<vmem>> -> memref<128xi32, #tpu.memory_space<vmem>>
      %dma_start3A_717 = arith.constant 0 : i32
      %dma_start3A_718 = arith.constant 0 : i32
      %dma_start3A_719 = tpu.memref_slice %arg2[%dma_start3A_717, %dma_start3A_718] : memref<10000x128xf32, #tpu.memory_space<hbm>> -> memref<10000x128xf32, #tpu.memory_space<hbm>>
      tpu.enqueue_indirect_dma source(%dma_start3A_719 : memref<10000x128xf32, #tpu.memory_space<hbm>>) target(%dma_start3A_713 : memref<128x128xf32, #tpu.memory_space<vmem>>) offsets(%dma_start3A_716 : memref<128xi32, #tpu.memory_space<vmem>>) semaphore(%arg12 : memref<!tpu.dma_semaphore, #tpu.memory_space<semaphore_mem>>)
      %dma_wait3A_720 = arith.constant 5 : i32
      %dma_wait3A_721 = arith.constant 1 : i32
      %dma_wait3A_722 = arith.constant 0 : i32
      %dma_wait3A_723 = arith.constant 0 : i32
      %dma_wait3A_724 = tpu.memref_slice %arg10[%dma_wait3A_721, %dma_wait3A_722, %dma_wait3A_723] : memref<2x128x128xf32, #tpu.memory_space<vmem>> -> memref<1x128x128xf32, #tpu.memory_space<vmem>>
      %dma_wait3A_725 = tpu.memref_squeeze %dma_wait3A_724 : memref<1x128x128xf32, #tpu.memory_space<vmem>> -> memref<128x128xf32, #tpu.memory_space<vmem>>
      %dma_wait3A_726 = arith.constant 0 : i32
      %dma_wait3A_727 = tpu.memref_slice %arg8[%rem3A_456, %dma_wait3A_720, %dma_wait3A_726] : memref<2x16x128xi32, #tpu.memory_space<vmem>> -> memref<1x1x128xi32, #tpu.memory_space<vmem>>
      %dma_wait3A_728 = tpu.memref_squeeze %dma_wait3A_727 : memref<1x1x128xi32, #tpu.memory_space<vmem>> -> memref<128xi32, #tpu.memory_space<vmem>>
      %dma_wait3A_729 = arith.constant 0 : i32
      %dma_wait3A_730 = arith.constant 0 : i32
      %dma_wait3A_731 = tpu.memref_slice %arg2[%dma_wait3A_729, %dma_wait3A_730] : memref<10000x128xf32, #tpu.memory_space<hbm>> -> memref<10000x128xf32, #tpu.memory_space<hbm>>
      tpu.wait_indirect_dma semaphore(%arg13 : memref<!tpu.dma_semaphore, #tpu.memory_space<semaphore_mem>>) src(%dma_wait3A_731 : memref<10000x128xf32, #tpu.memory_space<hbm>>) dst(%dma_wait3A_725 : memref<128x128xf32, #tpu.memory_space<vmem>>)
      %dma_start3A_732 = arith.constant 1 : i32
      %dma_start3A_733 = arith.constant 5 : i32
      %dma_start3A_734 = arith.constant 0 : i32
      %dma_start3A_735 = arith.constant 0 : i32
      %dma_start3A_736 = tpu.memref_slice %arg10[%dma_start3A_732, %dma_start3A_734, %dma_start3A_735] : memref<2x128x128xf32, #tpu.memory_space<vmem>> -> memref<1x128x128xf32, #tpu.memory_space<vmem>>
      %dma_start3A_737 = tpu.memref_squeeze %dma_start3A_736 : memref<1x128x128xf32, #tpu.memory_space<vmem>> -> memref<128x128xf32, #tpu.memory_space<vmem>>
      %dma_start3A_738 = arith.constant 0 : i32
      %dma_start3A_739 = tpu.memref_slice %arg9[%rem3A_456, %dma_start3A_733, %dma_start3A_738] : memref<2x16x128xi32, #tpu.memory_space<vmem>> -> memref<1x1x128xi32, #tpu.memory_space<vmem>>
      %dma_start3A_740 = tpu.memref_squeeze %dma_start3A_739 : memref<1x1x128xi32, #tpu.memory_space<vmem>> -> memref<128xi32, #tpu.memory_space<vmem>>
      %dma_start3A_741 = arith.constant 0 : i32
      %dma_start3A_742 = arith.constant 0 : i32
      %dma_start3A_743 = tpu.memref_slice %arg11[%dma_start3A_741, %dma_start3A_742] : memref<10240x128xf32, #tpu.memory_space<vmem_shared>> -> memref<10240x128xf32, #tpu.memory_space<vmem_shared>>
      tpu.enqueue_indirect_dma source(%dma_start3A_737 : memref<128x128xf32, #tpu.memory_space<vmem>>) target(%dma_start3A_743 : memref<10240x128xf32, #tpu.memory_space<vmem_shared>>) offsets(%dma_start3A_740 : memref<128xi32, #tpu.memory_space<vmem>>) semaphore(%arg15 : memref<!tpu.dma_semaphore, #tpu.memory_space<semaphore_mem>>) {add = true}
      %dma_wait3A_744 = arith.constant 1 : i32
      %dma_wait3A_745 = arith.constant 5 : i32
      %dma_wait3A_746 = arith.constant 0 : i32
      %dma_wait3A_747 = arith.constant 0 : i32
      %dma_wait3A_748 = tpu.memref_slice %arg10[%dma_wait3A_744, %dma_wait3A_746, %dma_wait3A_747] : memref<2x128x128xf32, #tpu.memory_space<vmem>> -> memref<1x128x128xf32, #tpu.memory_space<vmem>>
      %dma_wait3A_749 = tpu.memref_squeeze %dma_wait3A_748 : memref<1x128x128xf32, #tpu.memory_space<vmem>> -> memref<128x128xf32, #tpu.memory_space<vmem>>
      %dma_wait3A_750 = arith.constant 0 : i32
      %dma_wait3A_751 = tpu.memref_slice %arg9[%rem3A_456, %dma_wait3A_745, %dma_wait3A_750] : memref<2x16x128xi32, #tpu.memory_space<vmem>> -> memref<1x1x128xi32, #tpu.memory_space<vmem>>
      %dma_wait3A_752 = tpu.memref_squeeze %dma_wait3A_751 : memref<1x1x128xi32, #tpu.memory_space<vmem>> -> memref<128xi32, #tpu.memory_space<vmem>>
      %dma_wait3A_753 = arith.constant 0 : i32
      %dma_wait3A_754 = arith.constant 0 : i32
      %dma_wait3A_755 = tpu.memref_slice %arg11[%dma_wait3A_753, %dma_wait3A_754] : memref<10240x128xf32, #tpu.memory_space<vmem_shared>> -> memref<10240x128xf32, #tpu.memory_space<vmem_shared>>
      tpu.wait_indirect_dma semaphore(%arg15 : memref<!tpu.dma_semaphore, #tpu.memory_space<semaphore_mem>>) src(%dma_wait3A_749 : memref<128x128xf32, #tpu.memory_space<vmem>>) dst(%dma_wait3A_755 : memref<10240x128xf32, #tpu.memory_space<vmem_shared>>)
      %dma_start3A_756 = arith.constant 7 : i32
      %dma_start3A_757 = arith.constant 1 : i32
      %dma_start3A_758 = arith.constant 0 : i32
      %dma_start3A_759 = arith.constant 0 : i32
      %dma_start3A_760 = tpu.memref_slice %arg10[%dma_start3A_757, %dma_start3A_758, %dma_start3A_759] : memref<2x128x128xf32, #tpu.memory_space<vmem>> -> memref<1x128x128xf32, #tpu.memory_space<vmem>>
      %dma_start3A_761 = tpu.memref_squeeze %dma_start3A_760 : memref<1x128x128xf32, #tpu.memory_space<vmem>> -> memref<128x128xf32, #tpu.memory_space<vmem>>
      %dma_start3A_762 = arith.constant 0 : i32
      %dma_start3A_763 = tpu.memref_slice %arg8[%rem3A_456, %dma_start3A_756, %dma_start3A_762] : memref<2x16x128xi32, #tpu.memory_space<vmem>> -> memref<1x1x128xi32, #tpu.memory_space<vmem>>
      %dma_start3A_764 = tpu.memref_squeeze %dma_start3A_763 : memref<1x1x128xi32, #tpu.memory_space<vmem>> -> memref<128xi32, #tpu.memory_space<vmem>>
      %dma_start3A_765 = arith.constant 0 : i32
      %dma_start3A_766 = arith.constant 0 : i32
      %dma_start3A_767 = tpu.memref_slice %arg2[%dma_start3A_765, %dma_start3A_766] : memref<10000x128xf32, #tpu.memory_space<hbm>> -> memref<10000x128xf32, #tpu.memory_space<hbm>>
      tpu.enqueue_indirect_dma source(%dma_start3A_767 : memref<10000x128xf32, #tpu.memory_space<hbm>>) target(%dma_start3A_761 : memref<128x128xf32, #tpu.memory_space<vmem>>) offsets(%dma_start3A_764 : memref<128xi32, #tpu.memory_space<vmem>>) semaphore(%arg13 : memref<!tpu.dma_semaphore, #tpu.memory_space<semaphore_mem>>)
      %dma_wait3A_768 = arith.constant 6 : i32
      %dma_wait3A_769 = arith.constant 0 : i32
      %dma_wait3A_770 = arith.constant 0 : i32
      %dma_wait3A_771 = arith.constant 0 : i32
      %dma_wait3A_772 = tpu.memref_slice %arg10[%dma_wait3A_769, %dma_wait3A_770, %dma_wait3A_771] : memref<2x128x128xf32, #tpu.memory_space<vmem>> -> memref<1x128x128xf32, #tpu.memory_space<vmem>>
      %dma_wait3A_773 = tpu.memref_squeeze %dma_wait3A_772 : memref<1x128x128xf32, #tpu.memory_space<vmem>> -> memref<128x128xf32, #tpu.memory_space<vmem>>
      %dma_wait3A_774 = arith.constant 0 : i32
      %dma_wait3A_775 = tpu.memref_slice %arg8[%rem3A_456, %dma_wait3A_768, %dma_wait3A_774] : memref<2x16x128xi32, #tpu.memory_space<vmem>> -> memref<1x1x128xi32, #tpu.memory_space<vmem>>
      %dma_wait3A_776 = tpu.memref_squeeze %dma_wait3A_775 : memref<1x1x128xi32, #tpu.memory_space<vmem>> -> memref<128xi32, #tpu.memory_space<vmem>>
      %dma_wait3A_777 = arith.constant 0 : i32
      %dma_wait3A_778 = arith.constant 0 : i32
      %dma_wait3A_779 = tpu.memref_slice %arg2[%dma_wait3A_777, %dma_wait3A_778] : memref<10000x128xf32, #tpu.memory_space<hbm>> -> memref<10000x128xf32, #tpu.memory_space<hbm>>
      tpu.wait_indirect_dma semaphore(%arg12 : memref<!tpu.dma_semaphore, #tpu.memory_space<semaphore_mem>>) src(%dma_wait3A_779 : memref<10000x128xf32, #tpu.memory_space<hbm>>) dst(%dma_wait3A_773 : memref<128x128xf32, #tpu.memory_space<vmem>>)
      %dma_start3A_780 = arith.constant 0 : i32
      %dma_start3A_781 = arith.constant 6 : i32
      %dma_start3A_782 = arith.constant 0 : i32
      %dma_start3A_783 = arith.constant 0 : i32
      %dma_start3A_784 = tpu.memref_slice %arg10[%dma_start3A_780, %dma_start3A_782, %dma_start3A_783] : memref<2x128x128xf32, #tpu.memory_space<vmem>> -> memref<1x128x128xf32, #tpu.memory_space<vmem>>
      %dma_start3A_785 = tpu.memref_squeeze %dma_start3A_784 : memref<1x128x128xf32, #tpu.memory_space<vmem>> -> memref<128x128xf32, #tpu.memory_space<vmem>>
      %dma_start3A_786 = arith.constant 0 : i32
      %dma_start3A_787 = tpu.memref_slice %arg9[%rem3A_456, %dma_start3A_781, %dma_start3A_786] : memref<2x16x128xi32, #tpu.memory_space<vmem>> -> memref<1x1x128xi32, #tpu.memory_space<vmem>>
      %dma_start3A_788 = tpu.memref_squeeze %dma_start3A_787 : memref<1x1x128xi32, #tpu.memory_space<vmem>> -> memref<128xi32, #tpu.memory_space<vmem>>
      %dma_start3A_789 = arith.constant 0 : i32
      %dma_start3A_790 = arith.constant 0 : i32
      %dma_start3A_791 = tpu.memref_slice %arg11[%dma_start3A_789, %dma_start3A_790] : memref<10240x128xf32, #tpu.memory_space<vmem_shared>> -> memref<10240x128xf32, #tpu.memory_space<vmem_shared>>
      tpu.enqueue_indirect_dma source(%dma_start3A_785 : memref<128x128xf32, #tpu.memory_space<vmem>>) target(%dma_start3A_791 : memref<10240x128xf32, #tpu.memory_space<vmem_shared>>) offsets(%dma_start3A_788 : memref<128xi32, #tpu.memory_space<vmem>>) semaphore(%arg14 : memref<!tpu.dma_semaphore, #tpu.memory_space<semaphore_mem>>) {add = true}
      %dma_wait3A_792 = arith.constant 0 : i32
      %dma_wait3A_793 = arith.constant 6 : i32
      %dma_wait3A_794 = arith.constant 0 : i32
      %dma_wait3A_795 = arith.constant 0 : i32
      %dma_wait3A_796 = tpu.memref_slice %arg10[%dma_wait3A_792, %dma_wait3A_794, %dma_wait3A_795] : memref<2x128x128xf32, #tpu.memory_space<vmem>> -> memref<1x128x128xf32, #tpu.memory_space<vmem>>
      %dma_wait3A_797 = tpu.memref_squeeze %dma_wait3A_796 : memref<1x128x128xf32, #tpu.memory_space<vmem>> -> memref<128x128xf32, #tpu.memory_space<vmem>>
      %dma_wait3A_798 = arith.constant 0 : i32
      %dma_wait3A_799 = tpu.memref_slice %arg9[%rem3A_456, %dma_wait3A_793, %dma_wait3A_798] : memref<2x16x128xi32, #tpu.memory_space<vmem>> -> memref<1x1x128xi32, #tpu.memory_space<vmem>>
      %dma_wait3A_800 = tpu.memref_squeeze %dma_wait3A_799 : memref<1x1x128xi32, #tpu.memory_space<vmem>> -> memref<128xi32, #tpu.memory_space<vmem>>
      %dma_wait3A_801 = arith.constant 0 : i32
      %dma_wait3A_802 = arith.constant 0 : i32
      %dma_wait3A_803 = tpu.memref_slice %arg11[%dma_wait3A_801, %dma_wait3A_802] : memref<10240x128xf32, #tpu.memory_space<vmem_shared>> -> memref<10240x128xf32, #tpu.memory_space<vmem_shared>>
      tpu.wait_indirect_dma semaphore(%arg14 : memref<!tpu.dma_semaphore, #tpu.memory_space<semaphore_mem>>) src(%dma_wait3A_797 : memref<128x128xf32, #tpu.memory_space<vmem>>) dst(%dma_wait3A_803 : memref<10240x128xf32, #tpu.memory_space<vmem_shared>>)
      %dma_start3A_804 = arith.constant 8 : i32
      %dma_start3A_805 = arith.constant 0 : i32
      %dma_start3A_806 = arith.constant 0 : i32
      %dma_start3A_807 = arith.constant 0 : i32
      %dma_start3A_808 = tpu.memref_slice %arg10[%dma_start3A_805, %dma_start3A_806, %dma_start3A_807] : memref<2x128x128xf32, #tpu.memory_space<vmem>> -> memref<1x128x128xf32, #tpu.memory_space<vmem>>
      %dma_start3A_809 = tpu.memref_squeeze %dma_start3A_808 : memref<1x128x128xf32, #tpu.memory_space<vmem>> -> memref<128x128xf32, #tpu.memory_space<vmem>>
      %dma_start3A_810 = arith.constant 0 : i32
      %dma_start3A_811 = tpu.memref_slice %arg8[%rem3A_456, %dma_start3A_804, %dma_start3A_810] : memref<2x16x128xi32, #tpu.memory_space<vmem>> -> memref<1x1x128xi32, #tpu.memory_space<vmem>>
      %dma_start3A_812 = tpu.memref_squeeze %dma_start3A_811 : memref<1x1x128xi32, #tpu.memory_space<vmem>> -> memref<128xi32, #tpu.memory_space<vmem>>
      %dma_start3A_813 = arith.constant 0 : i32
      %dma_start3A_814 = arith.constant 0 : i32
      %dma_start3A_815 = tpu.memref_slice %arg2[%dma_start3A_813, %dma_start3A_814] : memref<10000x128xf32, #tpu.memory_space<hbm>> -> memref<10000x128xf32, #tpu.memory_space<hbm>>
      tpu.enqueue_indirect_dma source(%dma_start3A_815 : memref<10000x128xf32, #tpu.memory_space<hbm>>) target(%dma_start3A_809 : memref<128x128xf32, #tpu.memory_space<vmem>>) offsets(%dma_start3A_812 : memref<128xi32, #tpu.memory_space<vmem>>) semaphore(%arg12 : memref<!tpu.dma_semaphore, #tpu.memory_space<semaphore_mem>>)
      %dma_wait3A_816 = arith.constant 7 : i32
      %dma_wait3A_817 = arith.constant 1 : i32
      %dma_wait3A_818 = arith.constant 0 : i32
      %dma_wait3A_819 = arith.constant 0 : i32
      %dma_wait3A_820 = tpu.memref_slice %arg10[%dma_wait3A_817, %dma_wait3A_818, %dma_wait3A_819] : memref<2x128x128xf32, #tpu.memory_space<vmem>> -> memref<1x128x128xf32, #tpu.memory_space<vmem>>
      %dma_wait3A_821 = tpu.memref_squeeze %dma_wait3A_820 : memref<1x128x128xf32, #tpu.memory_space<vmem>> -> memref<128x128xf32, #tpu.memory_space<vmem>>
      %dma_wait3A_822 = arith.constant 0 : i32
      %dma_wait3A_823 = tpu.memref_slice %arg8[%rem3A_456, %dma_wait3A_816, %dma_wait3A_822] : memref<2x16x128xi32, #tpu.memory_space<vmem>> -> memref<1x1x128xi32, #tpu.memory_space<vmem>>
      %dma_wait3A_824 = tpu.memref_squeeze %dma_wait3A_823 : memref<1x1x128xi32, #tpu.memory_space<vmem>> -> memref<128xi32, #tpu.memory_space<vmem>>
      %dma_wait3A_825 = arith.constant 0 : i32
      %dma_wait3A_826 = arith.constant 0 : i32
      %dma_wait3A_827 = tpu.memref_slice %arg2[%dma_wait3A_825, %dma_wait3A_826] : memref<10000x128xf32, #tpu.memory_space<hbm>> -> memref<10000x128xf32, #tpu.memory_space<hbm>>
      tpu.wait_indirect_dma semaphore(%arg13 : memref<!tpu.dma_semaphore, #tpu.memory_space<semaphore_mem>>) src(%dma_wait3A_827 : memref<10000x128xf32, #tpu.memory_space<hbm>>) dst(%dma_wait3A_821 : memref<128x128xf32, #tpu.memory_space<vmem>>)
      %dma_start3A_828 = arith.constant 1 : i32
      %dma_start3A_829 = arith.constant 7 : i32
      %dma_start3A_830 = arith.constant 0 : i32
      %dma_start3A_831 = arith.constant 0 : i32
      %dma_start3A_832 = tpu.memref_slice %arg10[%dma_start3A_828, %dma_start3A_830, %dma_start3A_831] : memref<2x128x128xf32, #tpu.memory_space<vmem>> -> memref<1x128x128xf32, #tpu.memory_space<vmem>>
      %dma_start3A_833 = tpu.memref_squeeze %dma_start3A_832 : memref<1x128x128xf32, #tpu.memory_space<vmem>> -> memref<128x128xf32, #tpu.memory_space<vmem>>
      %dma_start3A_834 = arith.constant 0 : i32
      %dma_start3A_835 = tpu.memref_slice %arg9[%rem3A_456, %dma_start3A_829, %dma_start3A_834] : memref<2x16x128xi32, #tpu.memory_space<vmem>> -> memref<1x1x128xi32, #tpu.memory_space<vmem>>
      %dma_start3A_836 = tpu.memref_squeeze %dma_start3A_835 : memref<1x1x128xi32, #tpu.memory_space<vmem>> -> memref<128xi32, #tpu.memory_space<vmem>>
      %dma_start3A_837 = arith.constant 0 : i32
      %dma_start3A_838 = arith.constant 0 : i32
      %dma_start3A_839 = tpu.memref_slice %arg11[%dma_start3A_837, %dma_start3A_838] : memref<10240x128xf32, #tpu.memory_space<vmem_shared>> -> memref<10240x128xf32, #tpu.memory_space<vmem_shared>>
      tpu.enqueue_indirect_dma source(%dma_start3A_833 : memref<128x128xf32, #tpu.memory_space<vmem>>) target(%dma_start3A_839 : memref<10240x128xf32, #tpu.memory_space<vmem_shared>>) offsets(%dma_start3A_836 : memref<128xi32, #tpu.memory_space<vmem>>) semaphore(%arg15 : memref<!tpu.dma_semaphore, #tpu.memory_space<semaphore_mem>>) {add = true}
      %dma_wait3A_840 = arith.constant 1 : i32
      %dma_wait3A_841 = arith.constant 7 : i32
      %dma_wait3A_842 = arith.constant 0 : i32
      %dma_wait3A_843 = arith.constant 0 : i32
      %dma_wait3A_844 = tpu.memref_slice %arg10[%dma_wait3A_840, %dma_wait3A_842, %dma_wait3A_843] : memref<2x128x128xf32, #tpu.memory_space<vmem>> -> memref<1x128x128xf32, #tpu.memory_space<vmem>>
      %dma_wait3A_845 = tpu.memref_squeeze %dma_wait3A_844 : memref<1x128x128xf32, #tpu.memory_space<vmem>> -> memref<128x128xf32, #tpu.memory_space<vmem>>
      %dma_wait3A_846 = arith.constant 0 : i32
      %dma_wait3A_847 = tpu.memref_slice %arg9[%rem3A_456, %dma_wait3A_841, %dma_wait3A_846] : memref<2x16x128xi32, #tpu.memory_space<vmem>> -> memref<1x1x128xi32, #tpu.memory_space<vmem>>
      %dma_wait3A_848 = tpu.memref_squeeze %dma_wait3A_847 : memref<1x1x128xi32, #tpu.memory_space<vmem>> -> memref<128xi32, #tpu.memory_space<vmem>>
      %dma_wait3A_849 = arith.constant 0 : i32
      %dma_wait3A_850 = arith.constant 0 : i32
      %dma_wait3A_851 = tpu.memref_slice %arg11[%dma_wait3A_849, %dma_wait3A_850] : memref<10240x128xf32, #tpu.memory_space<vmem_shared>> -> memref<10240x128xf32, #tpu.memory_space<vmem_shared>>
      tpu.wait_indirect_dma semaphore(%arg15 : memref<!tpu.dma_semaphore, #tpu.memory_space<semaphore_mem>>) src(%dma_wait3A_845 : memref<128x128xf32, #tpu.memory_space<vmem>>) dst(%dma_wait3A_851 : memref<10240x128xf32, #tpu.memory_space<vmem_shared>>)
      %dma_start3A_852 = arith.constant 9 : i32
      %dma_start3A_853 = arith.constant 1 : i32
      %dma_start3A_854 = arith.constant 0 : i32
      %dma_start3A_855 = arith.constant 0 : i32
      %dma_start3A_856 = tpu.memref_slice %arg10[%dma_start3A_853, %dma_start3A_854, %dma_start3A_855] : memref<2x128x128xf32, #tpu.memory_space<vmem>> -> memref<1x128x128xf32, #tpu.memory_space<vmem>>
      %dma_start3A_857 = tpu.memref_squeeze %dma_start3A_856 : memref<1x128x128xf32, #tpu.memory_space<vmem>> -> memref<128x128xf32, #tpu.memory_space<vmem>>
      %dma_start3A_858 = arith.constant 0 : i32
      %dma_start3A_859 = tpu.memref_slice %arg8[%rem3A_456, %dma_start3A_852, %dma_start3A_858] : memref<2x16x128xi32, #tpu.memory_space<vmem>> -> memref<1x1x128xi32, #tpu.memory_space<vmem>>
      %dma_start3A_860 = tpu.memref_squeeze %dma_start3A_859 : memref<1x1x128xi32, #tpu.memory_space<vmem>> -> memref<128xi32, #tpu.memory_space<vmem>>
      %dma_start3A_861 = arith.constant 0 : i32
      %dma_start3A_862 = arith.constant 0 : i32
      %dma_start3A_863 = tpu.memref_slice %arg2[%dma_start3A_861, %dma_start3A_862] : memref<10000x128xf32, #tpu.memory_space<hbm>> -> memref<10000x128xf32, #tpu.memory_space<hbm>>
      tpu.enqueue_indirect_dma source(%dma_start3A_863 : memref<10000x128xf32, #tpu.memory_space<hbm>>) target(%dma_start3A_857 : memref<128x128xf32, #tpu.memory_space<vmem>>) offsets(%dma_start3A_860 : memref<128xi32, #tpu.memory_space<vmem>>) semaphore(%arg13 : memref<!tpu.dma_semaphore, #tpu.memory_space<semaphore_mem>>)
      %dma_wait3A_864 = arith.constant 8 : i32
      %dma_wait3A_865 = arith.constant 0 : i32
      %dma_wait3A_866 = arith.constant 0 : i32
      %dma_wait3A_867 = arith.constant 0 : i32
      %dma_wait3A_868 = tpu.memref_slice %arg10[%dma_wait3A_865, %dma_wait3A_866, %dma_wait3A_867] : memref<2x128x128xf32, #tpu.memory_space<vmem>> -> memref<1x128x128xf32, #tpu.memory_space<vmem>>
      %dma_wait3A_869 = tpu.memref_squeeze %dma_wait3A_868 : memref<1x128x128xf32, #tpu.memory_space<vmem>> -> memref<128x128xf32, #tpu.memory_space<vmem>>
      %dma_wait3A_870 = arith.constant 0 : i32
      %dma_wait3A_871 = tpu.memref_slice %arg8[%rem3A_456, %dma_wait3A_864, %dma_wait3A_870] : memref<2x16x128xi32, #tpu.memory_space<vmem>> -> memref<1x1x128xi32, #tpu.memory_space<vmem>>
      %dma_wait3A_872 = tpu.memref_squeeze %dma_wait3A_871 : memref<1x1x128xi32, #tpu.memory_space<vmem>> -> memref<128xi32, #tpu.memory_space<vmem>>
      %dma_wait3A_873 = arith.constant 0 : i32
      %dma_wait3A_874 = arith.constant 0 : i32
      %dma_wait3A_875 = tpu.memref_slice %arg2[%dma_wait3A_873, %dma_wait3A_874] : memref<10000x128xf32, #tpu.memory_space<hbm>> -> memref<10000x128xf32, #tpu.memory_space<hbm>>
      tpu.wait_indirect_dma semaphore(%arg12 : memref<!tpu.dma_semaphore, #tpu.memory_space<semaphore_mem>>) src(%dma_wait3A_875 : memref<10000x128xf32, #tpu.memory_space<hbm>>) dst(%dma_wait3A_869 : memref<128x128xf32, #tpu.memory_space<vmem>>)
      %dma_start3A_876 = arith.constant 0 : i32
      %dma_start3A_877 = arith.constant 8 : i32
      %dma_start3A_878 = arith.constant 0 : i32
      %dma_start3A_879 = arith.constant 0 : i32
      %dma_start3A_880 = tpu.memref_slice %arg10[%dma_start3A_876, %dma_start3A_878, %dma_start3A_879] : memref<2x128x128xf32, #tpu.memory_space<vmem>> -> memref<1x128x128xf32, #tpu.memory_space<vmem>>
      %dma_start3A_881 = tpu.memref_squeeze %dma_start3A_880 : memref<1x128x128xf32, #tpu.memory_space<vmem>> -> memref<128x128xf32, #tpu.memory_space<vmem>>
      %dma_start3A_882 = arith.constant 0 : i32
      %dma_start3A_883 = tpu.memref_slice %arg9[%rem3A_456, %dma_start3A_877, %dma_start3A_882] : memref<2x16x128xi32, #tpu.memory_space<vmem>> -> memref<1x1x128xi32, #tpu.memory_space<vmem>>
      %dma_start3A_884 = tpu.memref_squeeze %dma_start3A_883 : memref<1x1x128xi32, #tpu.memory_space<vmem>> -> memref<128xi32, #tpu.memory_space<vmem>>
      %dma_start3A_885 = arith.constant 0 : i32
      %dma_start3A_886 = arith.constant 0 : i32
      %dma_start3A_887 = tpu.memref_slice %arg11[%dma_start3A_885, %dma_start3A_886] : memref<10240x128xf32, #tpu.memory_space<vmem_shared>> -> memref<10240x128xf32, #tpu.memory_space<vmem_shared>>
      tpu.enqueue_indirect_dma source(%dma_start3A_881 : memref<128x128xf32, #tpu.memory_space<vmem>>) target(%dma_start3A_887 : memref<10240x128xf32, #tpu.memory_space<vmem_shared>>) offsets(%dma_start3A_884 : memref<128xi32, #tpu.memory_space<vmem>>) semaphore(%arg14 : memref<!tpu.dma_semaphore, #tpu.memory_space<semaphore_mem>>) {add = true}
      %dma_wait3A_888 = arith.constant 0 : i32
      %dma_wait3A_889 = arith.constant 8 : i32
      %dma_wait3A_890 = arith.constant 0 : i32
      %dma_wait3A_891 = arith.constant 0 : i32
      %dma_wait3A_892 = tpu.memref_slice %arg10[%dma_wait3A_888, %dma_wait3A_890, %dma_wait3A_891] : memref<2x128x128xf32, #tpu.memory_space<vmem>> -> memref<1x128x128xf32, #tpu.memory_space<vmem>>
      %dma_wait3A_893 = tpu.memref_squeeze %dma_wait3A_892 : memref<1x128x128xf32, #tpu.memory_space<vmem>> -> memref<128x128xf32, #tpu.memory_space<vmem>>
      %dma_wait3A_894 = arith.constant 0 : i32
      %dma_wait3A_895 = tpu.memref_slice %arg9[%rem3A_456, %dma_wait3A_889, %dma_wait3A_894] : memref<2x16x128xi32, #tpu.memory_space<vmem>> -> memref<1x1x128xi32, #tpu.memory_space<vmem>>
      %dma_wait3A_896 = tpu.memref_squeeze %dma_wait3A_895 : memref<1x1x128xi32, #tpu.memory_space<vmem>> -> memref<128xi32, #tpu.memory_space<vmem>>
      %dma_wait3A_897 = arith.constant 0 : i32
      %dma_wait3A_898 = arith.constant 0 : i32
      %dma_wait3A_899 = tpu.memref_slice %arg11[%dma_wait3A_897, %dma_wait3A_898] : memref<10240x128xf32, #tpu.memory_space<vmem_shared>> -> memref<10240x128xf32, #tpu.memory_space<vmem_shared>>
      tpu.wait_indirect_dma semaphore(%arg14 : memref<!tpu.dma_semaphore, #tpu.memory_space<semaphore_mem>>) src(%dma_wait3A_893 : memref<128x128xf32, #tpu.memory_space<vmem>>) dst(%dma_wait3A_899 : memref<10240x128xf32, #tpu.memory_space<vmem_shared>>)
      %dma_start3A_900 = arith.constant 10 : i32
      %dma_start3A_901 = arith.constant 0 : i32
      %dma_start3A_902 = arith.constant 0 : i32
      %dma_start3A_903 = arith.constant 0 : i32
      %dma_start3A_904 = tpu.memref_slice %arg10[%dma_start3A_901, %dma_start3A_902, %dma_start3A_903] : memref<2x128x128xf32, #tpu.memory_space<vmem>> -> memref<1x128x128xf32, #tpu.memory_space<vmem>>
      %dma_start3A_905 = tpu.memref_squeeze %dma_start3A_904 : memref<1x128x128xf32, #tpu.memory_space<vmem>> -> memref<128x128xf32, #tpu.memory_space<vmem>>
      %dma_start3A_906 = arith.constant 0 : i32
      %dma_start3A_907 = tpu.memref_slice %arg8[%rem3A_456, %dma_start3A_900, %dma_start3A_906] : memref<2x16x128xi32, #tpu.memory_space<vmem>> -> memref<1x1x128xi32, #tpu.memory_space<vmem>>
      %dma_start3A_908 = tpu.memref_squeeze %dma_start3A_907 : memref<1x1x128xi32, #tpu.memory_space<vmem>> -> memref<128xi32, #tpu.memory_space<vmem>>
      %dma_start3A_909 = arith.constant 0 : i32
      %dma_start3A_910 = arith.constant 0 : i32
      %dma_start3A_911 = tpu.memref_slice %arg2[%dma_start3A_909, %dma_start3A_910] : memref<10000x128xf32, #tpu.memory_space<hbm>> -> memref<10000x128xf32, #tpu.memory_space<hbm>>
      tpu.enqueue_indirect_dma source(%dma_start3A_911 : memref<10000x128xf32, #tpu.memory_space<hbm>>) target(%dma_start3A_905 : memref<128x128xf32, #tpu.memory_space<vmem>>) offsets(%dma_start3A_908 : memref<128xi32, #tpu.memory_space<vmem>>) semaphore(%arg12 : memref<!tpu.dma_semaphore, #tpu.memory_space<semaphore_mem>>)
      %dma_wait3A_912 = arith.constant 9 : i32
      %dma_wait3A_913 = arith.constant 1 : i32
      %dma_wait3A_914 = arith.constant 0 : i32
      %dma_wait3A_915 = arith.constant 0 : i32
      %dma_wait3A_916 = tpu.memref_slice %arg10[%dma_wait3A_913, %dma_wait3A_914, %dma_wait3A_915] : memref<2x128x128xf32, #tpu.memory_space<vmem>> -> memref<1x128x128xf32, #tpu.memory_space<vmem>>
      %dma_wait3A_917 = tpu.memref_squeeze %dma_wait3A_916 : memref<1x128x128xf32, #tpu.memory_space<vmem>> -> memref<128x128xf32, #tpu.memory_space<vmem>>
      %dma_wait3A_918 = arith.constant 0 : i32
      %dma_wait3A_919 = tpu.memref_slice %arg8[%rem3A_456, %dma_wait3A_912, %dma_wait3A_918] : memref<2x16x128xi32, #tpu.memory_space<vmem>> -> memref<1x1x128xi32, #tpu.memory_space<vmem>>
      %dma_wait3A_920 = tpu.memref_squeeze %dma_wait3A_919 : memref<1x1x128xi32, #tpu.memory_space<vmem>> -> memref<128xi32, #tpu.memory_space<vmem>>
      %dma_wait3A_921 = arith.constant 0 : i32
      %dma_wait3A_922 = arith.constant 0 : i32
      %dma_wait3A_923 = tpu.memref_slice %arg2[%dma_wait3A_921, %dma_wait3A_922] : memref<10000x128xf32, #tpu.memory_space<hbm>> -> memref<10000x128xf32, #tpu.memory_space<hbm>>
      tpu.wait_indirect_dma semaphore(%arg13 : memref<!tpu.dma_semaphore, #tpu.memory_space<semaphore_mem>>) src(%dma_wait3A_923 : memref<10000x128xf32, #tpu.memory_space<hbm>>) dst(%dma_wait3A_917 : memref<128x128xf32, #tpu.memory_space<vmem>>)
      %dma_start3A_924 = arith.constant 1 : i32
      %dma_start3A_925 = arith.constant 9 : i32
      %dma_start3A_926 = arith.constant 0 : i32
      %dma_start3A_927 = arith.constant 0 : i32
      %dma_start3A_928 = tpu.memref_slice %arg10[%dma_start3A_924, %dma_start3A_926, %dma_start3A_927] : memref<2x128x128xf32, #tpu.memory_space<vmem>> -> memref<1x128x128xf32, #tpu.memory_space<vmem>>
      %dma_start3A_929 = tpu.memref_squeeze %dma_start3A_928 : memref<1x128x128xf32, #tpu.memory_space<vmem>> -> memref<128x128xf32, #tpu.memory_space<vmem>>
      %dma_start3A_930 = arith.constant 0 : i32
      %dma_start3A_931 = tpu.memref_slice %arg9[%rem3A_456, %dma_start3A_925, %dma_start3A_930] : memref<2x16x128xi32, #tpu.memory_space<vmem>> -> memref<1x1x128xi32, #tpu.memory_space<vmem>>
      %dma_start3A_932 = tpu.memref_squeeze %dma_start3A_931 : memref<1x1x128xi32, #tpu.memory_space<vmem>> -> memref<128xi32, #tpu.memory_space<vmem>>
      %dma_start3A_933 = arith.constant 0 : i32
      %dma_start3A_934 = arith.constant 0 : i32
      %dma_start3A_935 = tpu.memref_slice %arg11[%dma_start3A_933, %dma_start3A_934] : memref<10240x128xf32, #tpu.memory_space<vmem_shared>> -> memref<10240x128xf32, #tpu.memory_space<vmem_shared>>
      tpu.enqueue_indirect_dma source(%dma_start3A_929 : memref<128x128xf32, #tpu.memory_space<vmem>>) target(%dma_start3A_935 : memref<10240x128xf32, #tpu.memory_space<vmem_shared>>) offsets(%dma_start3A_932 : memref<128xi32, #tpu.memory_space<vmem>>) semaphore(%arg15 : memref<!tpu.dma_semaphore, #tpu.memory_space<semaphore_mem>>) {add = true}
      %dma_wait3A_936 = arith.constant 1 : i32
      %dma_wait3A_937 = arith.constant 9 : i32
      %dma_wait3A_938 = arith.constant 0 : i32
      %dma_wait3A_939 = arith.constant 0 : i32
      %dma_wait3A_940 = tpu.memref_slice %arg10[%dma_wait3A_936, %dma_wait3A_938, %dma_wait3A_939] : memref<2x128x128xf32, #tpu.memory_space<vmem>> -> memref<1x128x128xf32, #tpu.memory_space<vmem>>
      %dma_wait3A_941 = tpu.memref_squeeze %dma_wait3A_940 : memref<1x128x128xf32, #tpu.memory_space<vmem>> -> memref<128x128xf32, #tpu.memory_space<vmem>>
      %dma_wait3A_942 = arith.constant 0 : i32
      %dma_wait3A_943 = tpu.memref_slice %arg9[%rem3A_456, %dma_wait3A_937, %dma_wait3A_942] : memref<2x16x128xi32, #tpu.memory_space<vmem>> -> memref<1x1x128xi32, #tpu.memory_space<vmem>>
      %dma_wait3A_944 = tpu.memref_squeeze %dma_wait3A_943 : memref<1x1x128xi32, #tpu.memory_space<vmem>> -> memref<128xi32, #tpu.memory_space<vmem>>
      %dma_wait3A_945 = arith.constant 0 : i32
      %dma_wait3A_946 = arith.constant 0 : i32
      %dma_wait3A_947 = tpu.memref_slice %arg11[%dma_wait3A_945, %dma_wait3A_946] : memref<10240x128xf32, #tpu.memory_space<vmem_shared>> -> memref<10240x128xf32, #tpu.memory_space<vmem_shared>>
      tpu.wait_indirect_dma semaphore(%arg15 : memref<!tpu.dma_semaphore, #tpu.memory_space<semaphore_mem>>) src(%dma_wait3A_941 : memref<128x128xf32, #tpu.memory_space<vmem>>) dst(%dma_wait3A_947 : memref<10240x128xf32, #tpu.memory_space<vmem_shared>>)
      %dma_start3A_948 = arith.constant 11 : i32
      %dma_start3A_949 = arith.constant 1 : i32
      %dma_start3A_950 = arith.constant 0 : i32
      %dma_start3A_951 = arith.constant 0 : i32
      %dma_start3A_952 = tpu.memref_slice %arg10[%dma_start3A_949, %dma_start3A_950, %dma_start3A_951] : memref<2x128x128xf32, #tpu.memory_space<vmem>> -> memref<1x128x128xf32, #tpu.memory_space<vmem>>
      %dma_start3A_953 = tpu.memref_squeeze %dma_start3A_952 : memref<1x128x128xf32, #tpu.memory_space<vmem>> -> memref<128x128xf32, #tpu.memory_space<vmem>>
      %dma_start3A_954 = arith.constant 0 : i32
      %dma_start3A_955 = tpu.memref_slice %arg8[%rem3A_456, %dma_start3A_948, %dma_start3A_954] : memref<2x16x128xi32, #tpu.memory_space<vmem>> -> memref<1x1x128xi32, #tpu.memory_space<vmem>>
      %dma_start3A_956 = tpu.memref_squeeze %dma_start3A_955 : memref<1x1x128xi32, #tpu.memory_space<vmem>> -> memref<128xi32, #tpu.memory_space<vmem>>
      %dma_start3A_957 = arith.constant 0 : i32
      %dma_start3A_958 = arith.constant 0 : i32
      %dma_start3A_959 = tpu.memref_slice %arg2[%dma_start3A_957, %dma_start3A_958] : memref<10000x128xf32, #tpu.memory_space<hbm>> -> memref<10000x128xf32, #tpu.memory_space<hbm>>
      tpu.enqueue_indirect_dma source(%dma_start3A_959 : memref<10000x128xf32, #tpu.memory_space<hbm>>) target(%dma_start3A_953 : memref<128x128xf32, #tpu.memory_space<vmem>>) offsets(%dma_start3A_956 : memref<128xi32, #tpu.memory_space<vmem>>) semaphore(%arg13 : memref<!tpu.dma_semaphore, #tpu.memory_space<semaphore_mem>>)
      %dma_wait3A_960 = arith.constant 10 : i32
      %dma_wait3A_961 = arith.constant 0 : i32
      %dma_wait3A_962 = arith.constant 0 : i32
      %dma_wait3A_963 = arith.constant 0 : i32
      %dma_wait3A_964 = tpu.memref_slice %arg10[%dma_wait3A_961, %dma_wait3A_962, %dma_wait3A_963] : memref<2x128x128xf32, #tpu.memory_space<vmem>> -> memref<1x128x128xf32, #tpu.memory_space<vmem>>
      %dma_wait3A_965 = tpu.memref_squeeze %dma_wait3A_964 : memref<1x128x128xf32, #tpu.memory_space<vmem>> -> memref<128x128xf32, #tpu.memory_space<vmem>>
      %dma_wait3A_966 = arith.constant 0 : i32
      %dma_wait3A_967 = tpu.memref_slice %arg8[%rem3A_456, %dma_wait3A_960, %dma_wait3A_966] : memref<2x16x128xi32, #tpu.memory_space<vmem>> -> memref<1x1x128xi32, #tpu.memory_space<vmem>>
      %dma_wait3A_968 = tpu.memref_squeeze %dma_wait3A_967 : memref<1x1x128xi32, #tpu.memory_space<vmem>> -> memref<128xi32, #tpu.memory_space<vmem>>
      %dma_wait3A_969 = arith.constant 0 : i32
      %dma_wait3A_970 = arith.constant 0 : i32
      %dma_wait3A_971 = tpu.memref_slice %arg2[%dma_wait3A_969, %dma_wait3A_970] : memref<10000x128xf32, #tpu.memory_space<hbm>> -> memref<10000x128xf32, #tpu.memory_space<hbm>>
      tpu.wait_indirect_dma semaphore(%arg12 : memref<!tpu.dma_semaphore, #tpu.memory_space<semaphore_mem>>) src(%dma_wait3A_971 : memref<10000x128xf32, #tpu.memory_space<hbm>>) dst(%dma_wait3A_965 : memref<128x128xf32, #tpu.memory_space<vmem>>)
      %dma_start3A_972 = arith.constant 0 : i32
      %dma_start3A_973 = arith.constant 10 : i32
      %dma_start3A_974 = arith.constant 0 : i32
      %dma_start3A_975 = arith.constant 0 : i32
      %dma_start3A_976 = tpu.memref_slice %arg10[%dma_start3A_972, %dma_start3A_974, %dma_start3A_975] : memref<2x128x128xf32, #tpu.memory_space<vmem>> -> memref<1x128x128xf32, #tpu.memory_space<vmem>>
      %dma_start3A_977 = tpu.memref_squeeze %dma_start3A_976 : memref<1x128x128xf32, #tpu.memory_space<vmem>> -> memref<128x128xf32, #tpu.memory_space<vmem>>
      %dma_start3A_978 = arith.constant 0 : i32
      %dma_start3A_979 = tpu.memref_slice %arg9[%rem3A_456, %dma_start3A_973, %dma_start3A_978] : memref<2x16x128xi32, #tpu.memory_space<vmem>> -> memref<1x1x128xi32, #tpu.memory_space<vmem>>
      %dma_start3A_980 = tpu.memref_squeeze %dma_start3A_979 : memref<1x1x128xi32, #tpu.memory_space<vmem>> -> memref<128xi32, #tpu.memory_space<vmem>>
      %dma_start3A_981 = arith.constant 0 : i32
      %dma_start3A_982 = arith.constant 0 : i32
      %dma_start3A_983 = tpu.memref_slice %arg11[%dma_start3A_981, %dma_start3A_982] : memref<10240x128xf32, #tpu.memory_space<vmem_shared>> -> memref<10240x128xf32, #tpu.memory_space<vmem_shared>>
      tpu.enqueue_indirect_dma source(%dma_start3A_977 : memref<128x128xf32, #tpu.memory_space<vmem>>) target(%dma_start3A_983 : memref<10240x128xf32, #tpu.memory_space<vmem_shared>>) offsets(%dma_start3A_980 : memref<128xi32, #tpu.memory_space<vmem>>) semaphore(%arg14 : memref<!tpu.dma_semaphore, #tpu.memory_space<semaphore_mem>>) {add = true}
      %dma_wait3A_984 = arith.constant 0 : i32
      %dma_wait3A_985 = arith.constant 10 : i32
      %dma_wait3A_986 = arith.constant 0 : i32
      %dma_wait3A_987 = arith.constant 0 : i32
      %dma_wait3A_988 = tpu.memref_slice %arg10[%dma_wait3A_984, %dma_wait3A_986, %dma_wait3A_987] : memref<2x128x128xf32, #tpu.memory_space<vmem>> -> memref<1x128x128xf32, #tpu.memory_space<vmem>>
      %dma_wait3A_989 = tpu.memref_squeeze %dma_wait3A_988 : memref<1x128x128xf32, #tpu.memory_space<vmem>> -> memref<128x128xf32, #tpu.memory_space<vmem>>
      %dma_wait3A_990 = arith.constant 0 : i32
      %dma_wait3A_991 = tpu.memref_slice %arg9[%rem3A_456, %dma_wait3A_985, %dma_wait3A_990] : memref<2x16x128xi32, #tpu.memory_space<vmem>> -> memref<1x1x128xi32, #tpu.memory_space<vmem>>
      %dma_wait3A_992 = tpu.memref_squeeze %dma_wait3A_991 : memref<1x1x128xi32, #tpu.memory_space<vmem>> -> memref<128xi32, #tpu.memory_space<vmem>>
      %dma_wait3A_993 = arith.constant 0 : i32
      %dma_wait3A_994 = arith.constant 0 : i32
      %dma_wait3A_995 = tpu.memref_slice %arg11[%dma_wait3A_993, %dma_wait3A_994] : memref<10240x128xf32, #tpu.memory_space<vmem_shared>> -> memref<10240x128xf32, #tpu.memory_space<vmem_shared>>
      tpu.wait_indirect_dma semaphore(%arg14 : memref<!tpu.dma_semaphore, #tpu.memory_space<semaphore_mem>>) src(%dma_wait3A_989 : memref<128x128xf32, #tpu.memory_space<vmem>>) dst(%dma_wait3A_995 : memref<10240x128xf32, #tpu.memory_space<vmem_shared>>)
      %dma_start3A_996 = arith.constant 12 : i32
      %dma_start3A_997 = arith.constant 0 : i32
      %dma_start3A_998 = arith.constant 0 : i32
      %dma_start3A_999 = arith.constant 0 : i32
      %dma_start3A_1000 = tpu.memref_slice %arg10[%dma_start3A_997, %dma_start3A_998, %dma_start3A_999] : memref<2x128x128xf32, #tpu.memory_space<vmem>> -> memref<1x128x128xf32, #tpu.memory_space<vmem>>
      %dma_start3A_1001 = tpu.memref_squeeze %dma_start3A_1000 : memref<1x128x128xf32, #tpu.memory_space<vmem>> -> memref<128x128xf32, #tpu.memory_space<vmem>>
      %dma_start3A_1002 = arith.constant 0 : i32
      %dma_start3A_1003 = tpu.memref_slice %arg8[%rem3A_456, %dma_start3A_996, %dma_start3A_1002] : memref<2x16x128xi32, #tpu.memory_space<vmem>> -> memref<1x1x128xi32, #tpu.memory_space<vmem>>
      %dma_start3A_1004 = tpu.memref_squeeze %dma_start3A_1003 : memref<1x1x128xi32, #tpu.memory_space<vmem>> -> memref<128xi32, #tpu.memory_space<vmem>>
      %dma_start3A_1005 = arith.constant 0 : i32
      %dma_start3A_1006 = arith.constant 0 : i32
      %dma_start3A_1007 = tpu.memref_slice %arg2[%dma_start3A_1005, %dma_start3A_1006] : memref<10000x128xf32, #tpu.memory_space<hbm>> -> memref<10000x128xf32, #tpu.memory_space<hbm>>
      tpu.enqueue_indirect_dma source(%dma_start3A_1007 : memref<10000x128xf32, #tpu.memory_space<hbm>>) target(%dma_start3A_1001 : memref<128x128xf32, #tpu.memory_space<vmem>>) offsets(%dma_start3A_1004 : memref<128xi32, #tpu.memory_space<vmem>>) semaphore(%arg12 : memref<!tpu.dma_semaphore, #tpu.memory_space<semaphore_mem>>)
      %dma_wait3A_1008 = arith.constant 11 : i32
      %dma_wait3A_1009 = arith.constant 1 : i32
      %dma_wait3A_1010 = arith.constant 0 : i32
      %dma_wait3A_1011 = arith.constant 0 : i32
      %dma_wait3A_1012 = tpu.memref_slice %arg10[%dma_wait3A_1009, %dma_wait3A_1010, %dma_wait3A_1011] : memref<2x128x128xf32, #tpu.memory_space<vmem>> -> memref<1x128x128xf32, #tpu.memory_space<vmem>>
      %dma_wait3A_1013 = tpu.memref_squeeze %dma_wait3A_1012 : memref<1x128x128xf32, #tpu.memory_space<vmem>> -> memref<128x128xf32, #tpu.memory_space<vmem>>
      %dma_wait3A_1014 = arith.constant 0 : i32
      %dma_wait3A_1015 = tpu.memref_slice %arg8[%rem3A_456, %dma_wait3A_1008, %dma_wait3A_1014] : memref<2x16x128xi32, #tpu.memory_space<vmem>> -> memref<1x1x128xi32, #tpu.memory_space<vmem>>
      %dma_wait3A_1016 = tpu.memref_squeeze %dma_wait3A_1015 : memref<1x1x128xi32, #tpu.memory_space<vmem>> -> memref<128xi32, #tpu.memory_space<vmem>>
      %dma_wait3A_1017 = arith.constant 0 : i32
      %dma_wait3A_1018 = arith.constant 0 : i32
      %dma_wait3A_1019 = tpu.memref_slice %arg2[%dma_wait3A_1017, %dma_wait3A_1018] : memref<10000x128xf32, #tpu.memory_space<hbm>> -> memref<10000x128xf32, #tpu.memory_space<hbm>>
      tpu.wait_indirect_dma semaphore(%arg13 : memref<!tpu.dma_semaphore, #tpu.memory_space<semaphore_mem>>) src(%dma_wait3A_1019 : memref<10000x128xf32, #tpu.memory_space<hbm>>) dst(%dma_wait3A_1013 : memref<128x128xf32, #tpu.memory_space<vmem>>)
      %dma_start3A_1020 = arith.constant 1 : i32
      %dma_start3A_1021 = arith.constant 11 : i32
      %dma_start3A_1022 = arith.constant 0 : i32
      %dma_start3A_1023 = arith.constant 0 : i32
      %dma_start3A_1024 = tpu.memref_slice %arg10[%dma_start3A_1020, %dma_start3A_1022, %dma_start3A_1023] : memref<2x128x128xf32, #tpu.memory_space<vmem>> -> memref<1x128x128xf32, #tpu.memory_space<vmem>>
      %dma_start3A_1025 = tpu.memref_squeeze %dma_start3A_1024 : memref<1x128x128xf32, #tpu.memory_space<vmem>> -> memref<128x128xf32, #tpu.memory_space<vmem>>
      %dma_start3A_1026 = arith.constant 0 : i32
      %dma_start3A_1027 = tpu.memref_slice %arg9[%rem3A_456, %dma_start3A_1021, %dma_start3A_1026] : memref<2x16x128xi32, #tpu.memory_space<vmem>> -> memref<1x1x128xi32, #tpu.memory_space<vmem>>
      %dma_start3A_1028 = tpu.memref_squeeze %dma_start3A_1027 : memref<1x1x128xi32, #tpu.memory_space<vmem>> -> memref<128xi32, #tpu.memory_space<vmem>>
      %dma_start3A_1029 = arith.constant 0 : i32
      %dma_start3A_1030 = arith.constant 0 : i32
      %dma_start3A_1031 = tpu.memref_slice %arg11[%dma_start3A_1029, %dma_start3A_1030] : memref<10240x128xf32, #tpu.memory_space<vmem_shared>> -> memref<10240x128xf32, #tpu.memory_space<vmem_shared>>
      tpu.enqueue_indirect_dma source(%dma_start3A_1025 : memref<128x128xf32, #tpu.memory_space<vmem>>) target(%dma_start3A_1031 : memref<10240x128xf32, #tpu.memory_space<vmem_shared>>) offsets(%dma_start3A_1028 : memref<128xi32, #tpu.memory_space<vmem>>) semaphore(%arg15 : memref<!tpu.dma_semaphore, #tpu.memory_space<semaphore_mem>>) {add = true}
      %dma_wait3A_1032 = arith.constant 1 : i32
      %dma_wait3A_1033 = arith.constant 11 : i32
      %dma_wait3A_1034 = arith.constant 0 : i32
      %dma_wait3A_1035 = arith.constant 0 : i32
      %dma_wait3A_1036 = tpu.memref_slice %arg10[%dma_wait3A_1032, %dma_wait3A_1034, %dma_wait3A_1035] : memref<2x128x128xf32, #tpu.memory_space<vmem>> -> memref<1x128x128xf32, #tpu.memory_space<vmem>>
      %dma_wait3A_1037 = tpu.memref_squeeze %dma_wait3A_1036 : memref<1x128x128xf32, #tpu.memory_space<vmem>> -> memref<128x128xf32, #tpu.memory_space<vmem>>
      %dma_wait3A_1038 = arith.constant 0 : i32
      %dma_wait3A_1039 = tpu.memref_slice %arg9[%rem3A_456, %dma_wait3A_1033, %dma_wait3A_1038] : memref<2x16x128xi32, #tpu.memory_space<vmem>> -> memref<1x1x128xi32, #tpu.memory_space<vmem>>
      %dma_wait3A_1040 = tpu.memref_squeeze %dma_wait3A_1039 : memref<1x1x128xi32, #tpu.memory_space<vmem>> -> memref<128xi32, #tpu.memory_space<vmem>>
      %dma_wait3A_1041 = arith.constant 0 : i32
      %dma_wait3A_1042 = arith.constant 0 : i32
      %dma_wait3A_1043 = tpu.memref_slice %arg11[%dma_wait3A_1041, %dma_wait3A_1042] : memref<10240x128xf32, #tpu.memory_space<vmem_shared>> -> memref<10240x128xf32, #tpu.memory_space<vmem_shared>>
      tpu.wait_indirect_dma semaphore(%arg15 : memref<!tpu.dma_semaphore, #tpu.memory_space<semaphore_mem>>) src(%dma_wait3A_1037 : memref<128x128xf32, #tpu.memory_space<vmem>>) dst(%dma_wait3A_1043 : memref<10240x128xf32, #tpu.memory_space<vmem_shared>>)
      %dma_start3A_1044 = arith.constant 13 : i32
      %dma_start3A_1045 = arith.constant 1 : i32
      %dma_start3A_1046 = arith.constant 0 : i32
      %dma_start3A_1047 = arith.constant 0 : i32
      %dma_start3A_1048 = tpu.memref_slice %arg10[%dma_start3A_1045, %dma_start3A_1046, %dma_start3A_1047] : memref<2x128x128xf32, #tpu.memory_space<vmem>> -> memref<1x128x128xf32, #tpu.memory_space<vmem>>
      %dma_start3A_1049 = tpu.memref_squeeze %dma_start3A_1048 : memref<1x128x128xf32, #tpu.memory_space<vmem>> -> memref<128x128xf32, #tpu.memory_space<vmem>>
      %dma_start3A_1050 = arith.constant 0 : i32
      %dma_start3A_1051 = tpu.memref_slice %arg8[%rem3A_456, %dma_start3A_1044, %dma_start3A_1050] : memref<2x16x128xi32, #tpu.memory_space<vmem>> -> memref<1x1x128xi32, #tpu.memory_space<vmem>>
      %dma_start3A_1052 = tpu.memref_squeeze %dma_start3A_1051 : memref<1x1x128xi32, #tpu.memory_space<vmem>> -> memref<128xi32, #tpu.memory_space<vmem>>
      %dma_start3A_1053 = arith.constant 0 : i32
      %dma_start3A_1054 = arith.constant 0 : i32
      %dma_start3A_1055 = tpu.memref_slice %arg2[%dma_start3A_1053, %dma_start3A_1054] : memref<10000x128xf32, #tpu.memory_space<hbm>> -> memref<10000x128xf32, #tpu.memory_space<hbm>>
      tpu.enqueue_indirect_dma source(%dma_start3A_1055 : memref<10000x128xf32, #tpu.memory_space<hbm>>) target(%dma_start3A_1049 : memref<128x128xf32, #tpu.memory_space<vmem>>) offsets(%dma_start3A_1052 : memref<128xi32, #tpu.memory_space<vmem>>) semaphore(%arg13 : memref<!tpu.dma_semaphore, #tpu.memory_space<semaphore_mem>>)
      %dma_wait3A_1056 = arith.constant 12 : i32
      %dma_wait3A_1057 = arith.constant 0 : i32
      %dma_wait3A_1058 = arith.constant 0 : i32
      %dma_wait3A_1059 = arith.constant 0 : i32
      %dma_wait3A_1060 = tpu.memref_slice %arg10[%dma_wait3A_1057, %dma_wait3A_1058, %dma_wait3A_1059] : memref<2x128x128xf32, #tpu.memory_space<vmem>> -> memref<1x128x128xf32, #tpu.memory_space<vmem>>
      %dma_wait3A_1061 = tpu.memref_squeeze %dma_wait3A_1060 : memref<1x128x128xf32, #tpu.memory_space<vmem>> -> memref<128x128xf32, #tpu.memory_space<vmem>>
      %dma_wait3A_1062 = arith.constant 0 : i32
      %dma_wait3A_1063 = tpu.memref_slice %arg8[%rem3A_456, %dma_wait3A_1056, %dma_wait3A_1062] : memref<2x16x128xi32, #tpu.memory_space<vmem>> -> memref<1x1x128xi32, #tpu.memory_space<vmem>>
      %dma_wait3A_1064 = tpu.memref_squeeze %dma_wait3A_1063 : memref<1x1x128xi32, #tpu.memory_space<vmem>> -> memref<128xi32, #tpu.memory_space<vmem>>
      %dma_wait3A_1065 = arith.constant 0 : i32
      %dma_wait3A_1066 = arith.constant 0 : i32
      %dma_wait3A_1067 = tpu.memref_slice %arg2[%dma_wait3A_1065, %dma_wait3A_1066] : memref<10000x128xf32, #tpu.memory_space<hbm>> -> memref<10000x128xf32, #tpu.memory_space<hbm>>
      tpu.wait_indirect_dma semaphore(%arg12 : memref<!tpu.dma_semaphore, #tpu.memory_space<semaphore_mem>>) src(%dma_wait3A_1067 : memref<10000x128xf32, #tpu.memory_space<hbm>>) dst(%dma_wait3A_1061 : memref<128x128xf32, #tpu.memory_space<vmem>>)
      %dma_start3A_1068 = arith.constant 0 : i32
      %dma_start3A_1069 = arith.constant 12 : i32
      %dma_start3A_1070 = arith.constant 0 : i32
      %dma_start3A_1071 = arith.constant 0 : i32
      %dma_start3A_1072 = tpu.memref_slice %arg10[%dma_start3A_1068, %dma_start3A_1070, %dma_start3A_1071] : memref<2x128x128xf32, #tpu.memory_space<vmem>> -> memref<1x128x128xf32, #tpu.memory_space<vmem>>
      %dma_start3A_1073 = tpu.memref_squeeze %dma_start3A_1072 : memref<1x128x128xf32, #tpu.memory_space<vmem>> -> memref<128x128xf32, #tpu.memory_space<vmem>>
      %dma_start3A_1074 = arith.constant 0 : i32
      %dma_start3A_1075 = tpu.memref_slice %arg9[%rem3A_456, %dma_start3A_1069, %dma_start3A_1074] : memref<2x16x128xi32, #tpu.memory_space<vmem>> -> memref<1x1x128xi32, #tpu.memory_space<vmem>>
      %dma_start3A_1076 = tpu.memref_squeeze %dma_start3A_1075 : memref<1x1x128xi32, #tpu.memory_space<vmem>> -> memref<128xi32, #tpu.memory_space<vmem>>
      %dma_start3A_1077 = arith.constant 0 : i32
      %dma_start3A_1078 = arith.constant 0 : i32
      %dma_start3A_1079 = tpu.memref_slice %arg11[%dma_start3A_1077, %dma_start3A_1078] : memref<10240x128xf32, #tpu.memory_space<vmem_shared>> -> memref<10240x128xf32, #tpu.memory_space<vmem_shared>>
      tpu.enqueue_indirect_dma source(%dma_start3A_1073 : memref<128x128xf32, #tpu.memory_space<vmem>>) target(%dma_start3A_1079 : memref<10240x128xf32, #tpu.memory_space<vmem_shared>>) offsets(%dma_start3A_1076 : memref<128xi32, #tpu.memory_space<vmem>>) semaphore(%arg14 : memref<!tpu.dma_semaphore, #tpu.memory_space<semaphore_mem>>) {add = true}
      %dma_wait3A_1080 = arith.constant 0 : i32
      %dma_wait3A_1081 = arith.constant 12 : i32
      %dma_wait3A_1082 = arith.constant 0 : i32
      %dma_wait3A_1083 = arith.constant 0 : i32
      %dma_wait3A_1084 = tpu.memref_slice %arg10[%dma_wait3A_1080, %dma_wait3A_1082, %dma_wait3A_1083] : memref<2x128x128xf32, #tpu.memory_space<vmem>> -> memref<1x128x128xf32, #tpu.memory_space<vmem>>
      %dma_wait3A_1085 = tpu.memref_squeeze %dma_wait3A_1084 : memref<1x128x128xf32, #tpu.memory_space<vmem>> -> memref<128x128xf32, #tpu.memory_space<vmem>>
      %dma_wait3A_1086 = arith.constant 0 : i32
      %dma_wait3A_1087 = tpu.memref_slice %arg9[%rem3A_456, %dma_wait3A_1081, %dma_wait3A_1086] : memref<2x16x128xi32, #tpu.memory_space<vmem>> -> memref<1x1x128xi32, #tpu.memory_space<vmem>>
      %dma_wait3A_1088 = tpu.memref_squeeze %dma_wait3A_1087 : memref<1x1x128xi32, #tpu.memory_space<vmem>> -> memref<128xi32, #tpu.memory_space<vmem>>
      %dma_wait3A_1089 = arith.constant 0 : i32
      %dma_wait3A_1090 = arith.constant 0 : i32
      %dma_wait3A_1091 = tpu.memref_slice %arg11[%dma_wait3A_1089, %dma_wait3A_1090] : memref<10240x128xf32, #tpu.memory_space<vmem_shared>> -> memref<10240x128xf32, #tpu.memory_space<vmem_shared>>
      tpu.wait_indirect_dma semaphore(%arg14 : memref<!tpu.dma_semaphore, #tpu.memory_space<semaphore_mem>>) src(%dma_wait3A_1085 : memref<128x128xf32, #tpu.memory_space<vmem>>) dst(%dma_wait3A_1091 : memref<10240x128xf32, #tpu.memory_space<vmem_shared>>)
      %dma_start3A_1092 = arith.constant 14 : i32
      %dma_start3A_1093 = arith.constant 0 : i32
      %dma_start3A_1094 = arith.constant 0 : i32
      %dma_start3A_1095 = arith.constant 0 : i32
      %dma_start3A_1096 = tpu.memref_slice %arg10[%dma_start3A_1093, %dma_start3A_1094, %dma_start3A_1095] : memref<2x128x128xf32, #tpu.memory_space<vmem>> -> memref<1x128x128xf32, #tpu.memory_space<vmem>>
      %dma_start3A_1097 = tpu.memref_squeeze %dma_start3A_1096 : memref<1x128x128xf32, #tpu.memory_space<vmem>> -> memref<128x128xf32, #tpu.memory_space<vmem>>
      %dma_start3A_1098 = arith.constant 0 : i32
      %dma_start3A_1099 = tpu.memref_slice %arg8[%rem3A_456, %dma_start3A_1092, %dma_start3A_1098] : memref<2x16x128xi32, #tpu.memory_space<vmem>> -> memref<1x1x128xi32, #tpu.memory_space<vmem>>
      %dma_start3A_1100 = tpu.memref_squeeze %dma_start3A_1099 : memref<1x1x128xi32, #tpu.memory_space<vmem>> -> memref<128xi32, #tpu.memory_space<vmem>>
      %dma_start3A_1101 = arith.constant 0 : i32
      %dma_start3A_1102 = arith.constant 0 : i32
      %dma_start3A_1103 = tpu.memref_slice %arg2[%dma_start3A_1101, %dma_start3A_1102] : memref<10000x128xf32, #tpu.memory_space<hbm>> -> memref<10000x128xf32, #tpu.memory_space<hbm>>
      tpu.enqueue_indirect_dma source(%dma_start3A_1103 : memref<10000x128xf32, #tpu.memory_space<hbm>>) target(%dma_start3A_1097 : memref<128x128xf32, #tpu.memory_space<vmem>>) offsets(%dma_start3A_1100 : memref<128xi32, #tpu.memory_space<vmem>>) semaphore(%arg12 : memref<!tpu.dma_semaphore, #tpu.memory_space<semaphore_mem>>)
      %dma_wait3A_1104 = arith.constant 13 : i32
      %dma_wait3A_1105 = arith.constant 1 : i32
      %dma_wait3A_1106 = arith.constant 0 : i32
      %dma_wait3A_1107 = arith.constant 0 : i32
      %dma_wait3A_1108 = tpu.memref_slice %arg10[%dma_wait3A_1105, %dma_wait3A_1106, %dma_wait3A_1107] : memref<2x128x128xf32, #tpu.memory_space<vmem>> -> memref<1x128x128xf32, #tpu.memory_space<vmem>>
      %dma_wait3A_1109 = tpu.memref_squeeze %dma_wait3A_1108 : memref<1x128x128xf32, #tpu.memory_space<vmem>> -> memref<128x128xf32, #tpu.memory_space<vmem>>
      %dma_wait3A_1110 = arith.constant 0 : i32
      %dma_wait3A_1111 = tpu.memref_slice %arg8[%rem3A_456, %dma_wait3A_1104, %dma_wait3A_1110] : memref<2x16x128xi32, #tpu.memory_space<vmem>> -> memref<1x1x128xi32, #tpu.memory_space<vmem>>
      %dma_wait3A_1112 = tpu.memref_squeeze %dma_wait3A_1111 : memref<1x1x128xi32, #tpu.memory_space<vmem>> -> memref<128xi32, #tpu.memory_space<vmem>>
      %dma_wait3A_1113 = arith.constant 0 : i32
      %dma_wait3A_1114 = arith.constant 0 : i32
      %dma_wait3A_1115 = tpu.memref_slice %arg2[%dma_wait3A_1113, %dma_wait3A_1114] : memref<10000x128xf32, #tpu.memory_space<hbm>> -> memref<10000x128xf32, #tpu.memory_space<hbm>>
      tpu.wait_indirect_dma semaphore(%arg13 : memref<!tpu.dma_semaphore, #tpu.memory_space<semaphore_mem>>) src(%dma_wait3A_1115 : memref<10000x128xf32, #tpu.memory_space<hbm>>) dst(%dma_wait3A_1109 : memref<128x128xf32, #tpu.memory_space<vmem>>)
      %dma_start3A_1116 = arith.constant 1 : i32
      %dma_start3A_1117 = arith.constant 13 : i32
      %dma_start3A_1118 = arith.constant 0 : i32
      %dma_start3A_1119 = arith.constant 0 : i32
      %dma_start3A_1120 = tpu.memref_slice %arg10[%dma_start3A_1116, %dma_start3A_1118, %dma_start3A_1119] : memref<2x128x128xf32, #tpu.memory_space<vmem>> -> memref<1x128x128xf32, #tpu.memory_space<vmem>>
      %dma_start3A_1121 = tpu.memref_squeeze %dma_start3A_1120 : memref<1x128x128xf32, #tpu.memory_space<vmem>> -> memref<128x128xf32, #tpu.memory_space<vmem>>
      %dma_start3A_1122 = arith.constant 0 : i32
      %dma_start3A_1123 = tpu.memref_slice %arg9[%rem3A_456, %dma_start3A_1117, %dma_start3A_1122] : memref<2x16x128xi32, #tpu.memory_space<vmem>> -> memref<1x1x128xi32, #tpu.memory_space<vmem>>
      %dma_start3A_1124 = tpu.memref_squeeze %dma_start3A_1123 : memref<1x1x128xi32, #tpu.memory_space<vmem>> -> memref<128xi32, #tpu.memory_space<vmem>>
      %dma_start3A_1125 = arith.constant 0 : i32
      %dma_start3A_1126 = arith.constant 0 : i32
      %dma_start3A_1127 = tpu.memref_slice %arg11[%dma_start3A_1125, %dma_start3A_1126] : memref<10240x128xf32, #tpu.memory_space<vmem_shared>> -> memref<10240x128xf32, #tpu.memory_space<vmem_shared>>
      tpu.enqueue_indirect_dma source(%dma_start3A_1121 : memref<128x128xf32, #tpu.memory_space<vmem>>) target(%dma_start3A_1127 : memref<10240x128xf32, #tpu.memory_space<vmem_shared>>) offsets(%dma_start3A_1124 : memref<128xi32, #tpu.memory_space<vmem>>) semaphore(%arg15 : memref<!tpu.dma_semaphore, #tpu.memory_space<semaphore_mem>>) {add = true}
      %dma_wait3A_1128 = arith.constant 1 : i32
      %dma_wait3A_1129 = arith.constant 13 : i32
      %dma_wait3A_1130 = arith.constant 0 : i32
      %dma_wait3A_1131 = arith.constant 0 : i32
      %dma_wait3A_1132 = tpu.memref_slice %arg10[%dma_wait3A_1128, %dma_wait3A_1130, %dma_wait3A_1131] : memref<2x128x128xf32, #tpu.memory_space<vmem>> -> memref<1x128x128xf32, #tpu.memory_space<vmem>>
      %dma_wait3A_1133 = tpu.memref_squeeze %dma_wait3A_1132 : memref<1x128x128xf32, #tpu.memory_space<vmem>> -> memref<128x128xf32, #tpu.memory_space<vmem>>
      %dma_wait3A_1134 = arith.constant 0 : i32
      %dma_wait3A_1135 = tpu.memref_slice %arg9[%rem3A_456, %dma_wait3A_1129, %dma_wait3A_1134] : memref<2x16x128xi32, #tpu.memory_space<vmem>> -> memref<1x1x128xi32, #tpu.memory_space<vmem>>
      %dma_wait3A_1136 = tpu.memref_squeeze %dma_wait3A_1135 : memref<1x1x128xi32, #tpu.memory_space<vmem>> -> memref<128xi32, #tpu.memory_space<vmem>>
      %dma_wait3A_1137 = arith.constant 0 : i32
      %dma_wait3A_1138 = arith.constant 0 : i32
      %dma_wait3A_1139 = tpu.memref_slice %arg11[%dma_wait3A_1137, %dma_wait3A_1138] : memref<10240x128xf32, #tpu.memory_space<vmem_shared>> -> memref<10240x128xf32, #tpu.memory_space<vmem_shared>>
      tpu.wait_indirect_dma semaphore(%arg15 : memref<!tpu.dma_semaphore, #tpu.memory_space<semaphore_mem>>) src(%dma_wait3A_1133 : memref<128x128xf32, #tpu.memory_space<vmem>>) dst(%dma_wait3A_1139 : memref<10240x128xf32, #tpu.memory_space<vmem_shared>>)
      %dma_start3A_1140 = arith.constant 15 : i32
      %dma_start3A_1141 = arith.constant 1 : i32
      %dma_start3A_1142 = arith.constant 0 : i32
      %dma_start3A_1143 = arith.constant 0 : i32
      %dma_start3A_1144 = tpu.memref_slice %arg10[%dma_start3A_1141, %dma_start3A_1142, %dma_start3A_1143] : memref<2x128x128xf32, #tpu.memory_space<vmem>> -> memref<1x128x128xf32, #tpu.memory_space<vmem>>
      %dma_start3A_1145 = tpu.memref_squeeze %dma_start3A_1144 : memref<1x128x128xf32, #tpu.memory_space<vmem>> -> memref<128x128xf32, #tpu.memory_space<vmem>>
      %dma_start3A_1146 = arith.constant 0 : i32
      %dma_start3A_1147 = tpu.memref_slice %arg8[%rem3A_456, %dma_start3A_1140, %dma_start3A_1146] : memref<2x16x128xi32, #tpu.memory_space<vmem>> -> memref<1x1x128xi32, #tpu.memory_space<vmem>>
      %dma_start3A_1148 = tpu.memref_squeeze %dma_start3A_1147 : memref<1x1x128xi32, #tpu.memory_space<vmem>> -> memref<128xi32, #tpu.memory_space<vmem>>
      %dma_start3A_1149 = arith.constant 0 : i32
      %dma_start3A_1150 = arith.constant 0 : i32
      %dma_start3A_1151 = tpu.memref_slice %arg2[%dma_start3A_1149, %dma_start3A_1150] : memref<10000x128xf32, #tpu.memory_space<hbm>> -> memref<10000x128xf32, #tpu.memory_space<hbm>>
      tpu.enqueue_indirect_dma source(%dma_start3A_1151 : memref<10000x128xf32, #tpu.memory_space<hbm>>) target(%dma_start3A_1145 : memref<128x128xf32, #tpu.memory_space<vmem>>) offsets(%dma_start3A_1148 : memref<128xi32, #tpu.memory_space<vmem>>) semaphore(%arg13 : memref<!tpu.dma_semaphore, #tpu.memory_space<semaphore_mem>>)
      %dma_wait3A_1152 = arith.constant 14 : i32
      %dma_wait3A_1153 = arith.constant 0 : i32
      %dma_wait3A_1154 = arith.constant 0 : i32
      %dma_wait3A_1155 = arith.constant 0 : i32
      %dma_wait3A_1156 = tpu.memref_slice %arg10[%dma_wait3A_1153, %dma_wait3A_1154, %dma_wait3A_1155] : memref<2x128x128xf32, #tpu.memory_space<vmem>> -> memref<1x128x128xf32, #tpu.memory_space<vmem>>
      %dma_wait3A_1157 = tpu.memref_squeeze %dma_wait3A_1156 : memref<1x128x128xf32, #tpu.memory_space<vmem>> -> memref<128x128xf32, #tpu.memory_space<vmem>>
      %dma_wait3A_1158 = arith.constant 0 : i32
      %dma_wait3A_1159 = tpu.memref_slice %arg8[%rem3A_456, %dma_wait3A_1152, %dma_wait3A_1158] : memref<2x16x128xi32, #tpu.memory_space<vmem>> -> memref<1x1x128xi32, #tpu.memory_space<vmem>>
      %dma_wait3A_1160 = tpu.memref_squeeze %dma_wait3A_1159 : memref<1x1x128xi32, #tpu.memory_space<vmem>> -> memref<128xi32, #tpu.memory_space<vmem>>
      %dma_wait3A_1161 = arith.constant 0 : i32
      %dma_wait3A_1162 = arith.constant 0 : i32
      %dma_wait3A_1163 = tpu.memref_slice %arg2[%dma_wait3A_1161, %dma_wait3A_1162] : memref<10000x128xf32, #tpu.memory_space<hbm>> -> memref<10000x128xf32, #tpu.memory_space<hbm>>
      tpu.wait_indirect_dma semaphore(%arg12 : memref<!tpu.dma_semaphore, #tpu.memory_space<semaphore_mem>>) src(%dma_wait3A_1163 : memref<10000x128xf32, #tpu.memory_space<hbm>>) dst(%dma_wait3A_1157 : memref<128x128xf32, #tpu.memory_space<vmem>>)
      %dma_start3A_1164 = arith.constant 0 : i32
      %dma_start3A_1165 = arith.constant 14 : i32
      %dma_start3A_1166 = arith.constant 0 : i32
      %dma_start3A_1167 = arith.constant 0 : i32
      %dma_start3A_1168 = tpu.memref_slice %arg10[%dma_start3A_1164, %dma_start3A_1166, %dma_start3A_1167] : memref<2x128x128xf32, #tpu.memory_space<vmem>> -> memref<1x128x128xf32, #tpu.memory_space<vmem>>
      %dma_start3A_1169 = tpu.memref_squeeze %dma_start3A_1168 : memref<1x128x128xf32, #tpu.memory_space<vmem>> -> memref<128x128xf32, #tpu.memory_space<vmem>>
      %dma_start3A_1170 = arith.constant 0 : i32
      %dma_start3A_1171 = tpu.memref_slice %arg9[%rem3A_456, %dma_start3A_1165, %dma_start3A_1170] : memref<2x16x128xi32, #tpu.memory_space<vmem>> -> memref<1x1x128xi32, #tpu.memory_space<vmem>>
      %dma_start3A_1172 = tpu.memref_squeeze %dma_start3A_1171 : memref<1x1x128xi32, #tpu.memory_space<vmem>> -> memref<128xi32, #tpu.memory_space<vmem>>
      %dma_start3A_1173 = arith.constant 0 : i32
      %dma_start3A_1174 = arith.constant 0 : i32
      %dma_start3A_1175 = tpu.memref_slice %arg11[%dma_start3A_1173, %dma_start3A_1174] : memref<10240x128xf32, #tpu.memory_space<vmem_shared>> -> memref<10240x128xf32, #tpu.memory_space<vmem_shared>>
      tpu.enqueue_indirect_dma source(%dma_start3A_1169 : memref<128x128xf32, #tpu.memory_space<vmem>>) target(%dma_start3A_1175 : memref<10240x128xf32, #tpu.memory_space<vmem_shared>>) offsets(%dma_start3A_1172 : memref<128xi32, #tpu.memory_space<vmem>>) semaphore(%arg14 : memref<!tpu.dma_semaphore, #tpu.memory_space<semaphore_mem>>) {add = true}
      %dma_wait3A_1176 = arith.constant 0 : i32
      %dma_wait3A_1177 = arith.constant 14 : i32
      %dma_wait3A_1178 = arith.constant 0 : i32
      %dma_wait3A_1179 = arith.constant 0 : i32
      %dma_wait3A_1180 = tpu.memref_slice %arg10[%dma_wait3A_1176, %dma_wait3A_1178, %dma_wait3A_1179] : memref<2x128x128xf32, #tpu.memory_space<vmem>> -> memref<1x128x128xf32, #tpu.memory_space<vmem>>
      %dma_wait3A_1181 = tpu.memref_squeeze %dma_wait3A_1180 : memref<1x128x128xf32, #tpu.memory_space<vmem>> -> memref<128x128xf32, #tpu.memory_space<vmem>>
      %dma_wait3A_1182 = arith.constant 0 : i32
      %dma_wait3A_1183 = tpu.memref_slice %arg9[%rem3A_456, %dma_wait3A_1177, %dma_wait3A_1182] : memref<2x16x128xi32, #tpu.memory_space<vmem>> -> memref<1x1x128xi32, #tpu.memory_space<vmem>>
      %dma_wait3A_1184 = tpu.memref_squeeze %dma_wait3A_1183 : memref<1x1x128xi32, #tpu.memory_space<vmem>> -> memref<128xi32, #tpu.memory_space<vmem>>
      %dma_wait3A_1185 = arith.constant 0 : i32
      %dma_wait3A_1186 = arith.constant 0 : i32
      %dma_wait3A_1187 = tpu.memref_slice %arg11[%dma_wait3A_1185, %dma_wait3A_1186] : memref<10240x128xf32, #tpu.memory_space<vmem_shared>> -> memref<10240x128xf32, #tpu.memory_space<vmem_shared>>
      tpu.wait_indirect_dma semaphore(%arg14 : memref<!tpu.dma_semaphore, #tpu.memory_space<semaphore_mem>>) src(%dma_wait3A_1181 : memref<128x128xf32, #tpu.memory_space<vmem>>) dst(%dma_wait3A_1187 : memref<10240x128xf32, #tpu.memory_space<vmem_shared>>)
      %add3A_1188 = arith.constant 1 : i32
      %add3A_1189 = arith.addi %scan3A_454, %add3A_1188 : i32
      %lt3A_1190 = arith.constant 5 : i32
      %lt3A_1191 = arith.cmpi slt, %add3A_1189, %lt3A_1190 : i32
      %convert_element_type3A_1192 = arith.extui %lt3A_1191 : i1 to i32
      %cond3A_1193 = arith.constant 0 : i32
      %cond3A_1194 = arith.cmpi ne, %convert_element_type3A_1192, %cond3A_1193 : i32
      scf.if %cond3A_1194 {
        %add3A_1219 = arith.constant 1 : i32
        %add3A_1220 = arith.addi %scan3A_454, %add3A_1219 : i32
        %mul3A_1221 = arith.constant 16 : i32
        %mul3A_1222 = arith.muli %add3A_1220, %mul3A_1221 : i32
        %add3A_1223 = arith.addi %mul3A_4, %mul3A_1222 : i32
        %dma_wait3A_1224 = arith.constant 0 : i32
        %dma_wait3A_1225 = arith.constant 0 : i32
        %dma_wait3A_1226 = tpu.memref_slice %arg8[%sub3A_457, %dma_wait3A_1224, %dma_wait3A_1225] : memref<2x16x128xi32, #tpu.memory_space<vmem>> -> memref<1x16x128xi32, #tpu.memory_space<vmem>>
        %dma_wait3A_1227 = tpu.memref_squeeze %dma_wait3A_1226 : memref<1x16x128xi32, #tpu.memory_space<vmem>> -> memref<16x128xi32, #tpu.memory_space<vmem>>
        %dma_wait3A_1228 = arith.constant 0 : i32
        %dma_wait3A_1229 = tpu.memref_slice %arg3[%add3A_1223, %dma_wait3A_1228] : memref<2560x128xi32, #tpu.memory_space<hbm>> -> memref<16x128xi32, #tpu.memory_space<hbm>>
        %dma_wait3A_1230 = arith.constant 0 : i32
        %dma_wait3A_1231 = arith.constant 0 : i32
        %dma_wait3A_1232 = tpu.memref_slice %arg8[%sub3A_457, %dma_wait3A_1230, %dma_wait3A_1231] : memref<2x16x128xi32, #tpu.memory_space<vmem>> -> memref<1x16x128xi32, #tpu.memory_space<vmem>>
        %dma_wait3A_1233 = tpu.memref_squeeze %dma_wait3A_1232 : memref<1x16x128xi32, #tpu.memory_space<vmem>> -> memref<16x128xi32, #tpu.memory_space<vmem>>
        %dma_wait3A_1234 = arith.constant 0 : i32
        %dma_wait3A_1235 = tpu.memref_slice %arg3[%add3A_1223, %dma_wait3A_1234] : memref<2560x128xi32, #tpu.memory_space<hbm>> -> memref<16x128xi32, #tpu.memory_space<hbm>>
        tpu.wait_dma2 semaphore(%arg16 : memref<!tpu.dma_semaphore, #tpu.memory_space<semaphore_mem>>) src(%dma_wait3A_1235 : memref<16x128xi32, #tpu.memory_space<hbm>>) dst(%dma_wait3A_1233 : memref<16x128xi32, #tpu.memory_space<vmem>>)
        %dma_wait3A_1236 = arith.constant 0 : i32
        %dma_wait3A_1237 = arith.constant 0 : i32
        %dma_wait3A_1238 = tpu.memref_slice %arg9[%sub3A_457, %dma_wait3A_1236, %dma_wait3A_1237] : memref<2x16x128xi32, #tpu.memory_space<vmem>> -> memref<1x16x128xi32, #tpu.memory_space<vmem>>
        %dma_wait3A_1239 = tpu.memref_squeeze %dma_wait3A_1238 : memref<1x16x128xi32, #tpu.memory_space<vmem>> -> memref<16x128xi32, #tpu.memory_space<vmem>>
        %dma_wait3A_1240 = arith.constant 0 : i32
        %dma_wait3A_1241 = tpu.memref_slice %arg4[%add3A_1223, %dma_wait3A_1240] : memref<2560x128xi32, #tpu.memory_space<hbm>> -> memref<16x128xi32, #tpu.memory_space<hbm>>
        %dma_wait3A_1242 = arith.constant 0 : i32
        %dma_wait3A_1243 = arith.constant 0 : i32
        %dma_wait3A_1244 = tpu.memref_slice %arg9[%sub3A_457, %dma_wait3A_1242, %dma_wait3A_1243] : memref<2x16x128xi32, #tpu.memory_space<vmem>> -> memref<1x16x128xi32, #tpu.memory_space<vmem>>
        %dma_wait3A_1245 = tpu.memref_squeeze %dma_wait3A_1244 : memref<1x16x128xi32, #tpu.memory_space<vmem>> -> memref<16x128xi32, #tpu.memory_space<vmem>>
        %dma_wait3A_1246 = arith.constant 0 : i32
        %dma_wait3A_1247 = tpu.memref_slice %arg4[%add3A_1223, %dma_wait3A_1246] : memref<2560x128xi32, #tpu.memory_space<hbm>> -> memref<16x128xi32, #tpu.memory_space<hbm>>
        tpu.wait_dma2 semaphore(%arg16 : memref<!tpu.dma_semaphore, #tpu.memory_space<semaphore_mem>>) src(%dma_wait3A_1247 : memref<16x128xi32, #tpu.memory_space<hbm>>) dst(%dma_wait3A_1245 : memref<16x128xi32, #tpu.memory_space<vmem>>)
        %dma_start3A_1248 = arith.constant 0 : i32
        %dma_start3A_1249 = arith.constant 0 : i32
        %dma_start3A_1250 = arith.constant 0 : i32
        %dma_start3A_1251 = arith.constant 0 : i32
        %dma_start3A_1252 = tpu.memref_slice %arg10[%dma_start3A_1249, %dma_start3A_1250, %dma_start3A_1251] : memref<2x128x128xf32, #tpu.memory_space<vmem>> -> memref<1x128x128xf32, #tpu.memory_space<vmem>>
        %dma_start3A_1253 = tpu.memref_squeeze %dma_start3A_1252 : memref<1x128x128xf32, #tpu.memory_space<vmem>> -> memref<128x128xf32, #tpu.memory_space<vmem>>
        %dma_start3A_1254 = arith.constant 0 : i32
        %dma_start3A_1255 = tpu.memref_slice %arg8[%sub3A_457, %dma_start3A_1248, %dma_start3A_1254] : memref<2x16x128xi32, #tpu.memory_space<vmem>> -> memref<1x1x128xi32, #tpu.memory_space<vmem>>
        %dma_start3A_1256 = tpu.memref_squeeze %dma_start3A_1255 : memref<1x1x128xi32, #tpu.memory_space<vmem>> -> memref<128xi32, #tpu.memory_space<vmem>>
        %dma_start3A_1257 = arith.constant 0 : i32
        %dma_start3A_1258 = arith.constant 0 : i32
        %dma_start3A_1259 = tpu.memref_slice %arg2[%dma_start3A_1257, %dma_start3A_1258] : memref<10000x128xf32, #tpu.memory_space<hbm>> -> memref<10000x128xf32, #tpu.memory_space<hbm>>
        tpu.enqueue_indirect_dma source(%dma_start3A_1259 : memref<10000x128xf32, #tpu.memory_space<hbm>>) target(%dma_start3A_1253 : memref<128x128xf32, #tpu.memory_space<vmem>>) offsets(%dma_start3A_1256 : memref<128xi32, #tpu.memory_space<vmem>>) semaphore(%arg12 : memref<!tpu.dma_semaphore, #tpu.memory_space<semaphore_mem>>)
      } else {
      }
      %dma_wait3A_1195 = arith.constant 15 : i32
      %dma_wait3A_1196 = arith.constant 1 : i32
      %dma_wait3A_1197 = arith.constant 0 : i32
      %dma_wait3A_1198 = arith.constant 0 : i32
      %dma_wait3A_1199 = tpu.memref_slice %arg10[%dma_wait3A_1196, %dma_wait3A_1197, %dma_wait3A_1198] : memref<2x128x128xf32, #tpu.memory_space<vmem>> -> memref<1x128x128xf32, #tpu.memory_space<vmem>>
      %dma_wait3A_1200 = tpu.memref_squeeze %dma_wait3A_1199 : memref<1x128x128xf32, #tpu.memory_space<vmem>> -> memref<128x128xf32, #tpu.memory_space<vmem>>
      %dma_wait3A_1201 = arith.constant 0 : i32
      %dma_wait3A_1202 = tpu.memref_slice %arg8[%rem3A_456, %dma_wait3A_1195, %dma_wait3A_1201] : memref<2x16x128xi32, #tpu.memory_space<vmem>> -> memref<1x1x128xi32, #tpu.memory_space<vmem>>
      %dma_wait3A_1203 = tpu.memref_squeeze %dma_wait3A_1202 : memref<1x1x128xi32, #tpu.memory_space<vmem>> -> memref<128xi32, #tpu.memory_space<vmem>>
      %dma_wait3A_1204 = arith.constant 0 : i32
      %dma_wait3A_1205 = arith.constant 0 : i32
      %dma_wait3A_1206 = tpu.memref_slice %arg2[%dma_wait3A_1204, %dma_wait3A_1205] : memref<10000x128xf32, #tpu.memory_space<hbm>> -> memref<10000x128xf32, #tpu.memory_space<hbm>>
      tpu.wait_indirect_dma semaphore(%arg13 : memref<!tpu.dma_semaphore, #tpu.memory_space<semaphore_mem>>) src(%dma_wait3A_1206 : memref<10000x128xf32, #tpu.memory_space<hbm>>) dst(%dma_wait3A_1200 : memref<128x128xf32, #tpu.memory_space<vmem>>)
      %dma_start3A_1207 = arith.constant 1 : i32
      %dma_start3A_1208 = arith.constant 15 : i32
      %dma_start3A_1209 = arith.constant 0 : i32
      %dma_start3A_1210 = arith.constant 0 : i32
      %dma_start3A_1211 = tpu.memref_slice %arg10[%dma_start3A_1207, %dma_start3A_1209, %dma_start3A_1210] : memref<2x128x128xf32, #tpu.memory_space<vmem>> -> memref<1x128x128xf32, #tpu.memory_space<vmem>>
      %dma_start3A_1212 = tpu.memref_squeeze %dma_start3A_1211 : memref<1x128x128xf32, #tpu.memory_space<vmem>> -> memref<128x128xf32, #tpu.memory_space<vmem>>
      %dma_start3A_1213 = arith.constant 0 : i32
      %dma_start3A_1214 = tpu.memref_slice %arg9[%rem3A_456, %dma_start3A_1208, %dma_start3A_1213] : memref<2x16x128xi32, #tpu.memory_space<vmem>> -> memref<1x1x128xi32, #tpu.memory_space<vmem>>
      %dma_start3A_1215 = tpu.memref_squeeze %dma_start3A_1214 : memref<1x1x128xi32, #tpu.memory_space<vmem>> -> memref<128xi32, #tpu.memory_space<vmem>>
      %dma_start3A_1216 = arith.constant 0 : i32
      %dma_start3A_1217 = arith.constant 0 : i32
      %dma_start3A_1218 = tpu.memref_slice %arg11[%dma_start3A_1216, %dma_start3A_1217] : memref<10240x128xf32, #tpu.memory_space<vmem_shared>> -> memref<10240x128xf32, #tpu.memory_space<vmem_shared>>
      tpu.enqueue_indirect_dma source(%dma_start3A_1212 : memref<128x128xf32, #tpu.memory_space<vmem>>) target(%dma_start3A_1218 : memref<10240x128xf32, #tpu.memory_space<vmem_shared>>) offsets(%dma_start3A_1215 : memref<128xi32, #tpu.memory_space<vmem>>) semaphore(%arg15 : memref<!tpu.dma_semaphore, #tpu.memory_space<semaphore_mem>>) {add = true}
    }
    %scan3A_172 = arith.constant 5 : i32
    %rem3A = arith.constant 4 : i32
    %rem3A_173 = arith.constant 2 : i32
    %rem3A_174 = arith.remsi %rem3A, %rem3A_173 : i32
    %dma_wait3A_175 = arith.constant 1 : i32
    %dma_wait3A_176 = arith.constant 15 : i32
    %dma_wait3A_177 = arith.constant 0 : i32
    %dma_wait3A_178 = arith.constant 0 : i32
    %dma_wait3A_179 = tpu.memref_slice %arg10[%dma_wait3A_175, %dma_wait3A_177, %dma_wait3A_178] : memref<2x128x128xf32, #tpu.memory_space<vmem>> -> memref<1x128x128xf32, #tpu.memory_space<vmem>>
    %dma_wait3A_180 = tpu.memref_squeeze %dma_wait3A_179 : memref<1x128x128xf32, #tpu.memory_space<vmem>> -> memref<128x128xf32, #tpu.memory_space<vmem>>
    %dma_wait3A_181 = arith.constant 0 : i32
    %dma_wait3A_182 = tpu.memref_slice %arg9[%rem3A_174, %dma_wait3A_176, %dma_wait3A_181] : memref<2x16x128xi32, #tpu.memory_space<vmem>> -> memref<1x1x128xi32, #tpu.memory_space<vmem>>
    %dma_wait3A_183 = tpu.memref_squeeze %dma_wait3A_182 : memref<1x1x128xi32, #tpu.memory_space<vmem>> -> memref<128xi32, #tpu.memory_space<vmem>>
    %dma_wait3A_184 = arith.constant 0 : i32
    %dma_wait3A_185 = arith.constant 0 : i32
    %dma_wait3A_186 = tpu.memref_slice %arg11[%dma_wait3A_184, %dma_wait3A_185] : memref<10240x128xf32, #tpu.memory_space<vmem_shared>> -> memref<10240x128xf32, #tpu.memory_space<vmem_shared>>
    tpu.wait_indirect_dma semaphore(%arg15 : memref<!tpu.dma_semaphore, #tpu.memory_space<semaphore_mem>>) src(%dma_wait3A_180 : memref<128x128xf32, #tpu.memory_space<vmem>>) dst(%dma_wait3A_186 : memref<10240x128xf32, #tpu.memory_space<vmem_shared>>)
    %barrier3A_187 = arith.constant 0 : index
    tpu.barrier barrier_id(%barrier3A_187)
    %add3A_188 = arith.constant 0 : i32
    %add3A_189 = arith.addi %mul3A_2, %add3A_188 : i32
    %dma_start3A_190 = arith.constant 0 : i32
    %dma_start3A_191 = arith.constant 0 : i32
    %dma_start3A_192 = arith.constant 0 : i32
    %dma_start3A_193 = tpu.memref_slice %arg10[%dma_start3A_190, %dma_start3A_191, %dma_start3A_192] : memref<2x128x128xf32, #tpu.memory_space<vmem>> -> memref<1x128x128xf32, #tpu.memory_space<vmem>>
    %dma_start3A_194 = tpu.memref_squeeze %dma_start3A_193 : memref<1x128x128xf32, #tpu.memory_space<vmem>> -> memref<128x128xf32, #tpu.memory_space<vmem>>
    %dma_start3A_195 = arith.constant 0 : i32
    %dma_start3A_196 = tpu.memref_slice %arg11[%add3A_189, %dma_start3A_195] : memref<10240x128xf32, #tpu.memory_space<vmem_shared>> -> memref<128x128xf32, #tpu.memory_space<vmem_shared>>
    %dma_start3A_197 = arith.constant 0 : i32
    %dma_start3A_198 = arith.constant 0 : i32
    %dma_start3A_199 = tpu.memref_slice %arg10[%dma_start3A_190, %dma_start3A_197, %dma_start3A_198] : memref<2x128x128xf32, #tpu.memory_space<vmem>> -> memref<1x128x128xf32, #tpu.memory_space<vmem>>
    %dma_start3A_200 = tpu.memref_squeeze %dma_start3A_199 : memref<1x128x128xf32, #tpu.memory_space<vmem>> -> memref<128x128xf32, #tpu.memory_space<vmem>>
    %dma_start3A_201 = arith.constant 0 : i32
    %dma_start3A_202 = tpu.memref_slice %arg11[%add3A_189, %dma_start3A_201] : memref<10240x128xf32, #tpu.memory_space<vmem_shared>> -> memref<128x128xf32, #tpu.memory_space<vmem_shared>>
    tpu.enqueue_dma source(%dma_start3A_202 : memref<128x128xf32, #tpu.memory_space<vmem_shared>>) target(%dma_start3A_200 : memref<128x128xf32, #tpu.memory_space<vmem>>) target_semaphore(%arg12 : memref<!tpu.dma_semaphore, #tpu.memory_space<semaphore_mem>>)
    %add3A_203 = arith.constant 0 : i32
    %add3A_204 = arith.addi %mul3A_2, %add3A_203 : i32
    %dma_wait3A_205 = arith.constant 0 : i32
    %dma_wait3A_206 = arith.constant 0 : i32
    %dma_wait3A_207 = arith.constant 0 : i32
    %dma_wait3A_208 = tpu.memref_slice %arg10[%dma_wait3A_205, %dma_wait3A_206, %dma_wait3A_207] : memref<2x128x128xf32, #tpu.memory_space<vmem>> -> memref<1x128x128xf32, #tpu.memory_space<vmem>>
    %dma_wait3A_209 = tpu.memref_squeeze %dma_wait3A_208 : memref<1x128x128xf32, #tpu.memory_space<vmem>> -> memref<128x128xf32, #tpu.memory_space<vmem>>
    %dma_wait3A_210 = arith.constant 0 : i32
    %dma_wait3A_211 = tpu.memref_slice %arg11[%add3A_204, %dma_wait3A_210] : memref<10240x128xf32, #tpu.memory_space<vmem_shared>> -> memref<128x128xf32, #tpu.memory_space<vmem_shared>>
    %dma_wait3A_212 = arith.constant 0 : i32
    %dma_wait3A_213 = arith.constant 0 : i32
    %dma_wait3A_214 = tpu.memref_slice %arg10[%dma_wait3A_205, %dma_wait3A_212, %dma_wait3A_213] : memref<2x128x128xf32, #tpu.memory_space<vmem>> -> memref<1x128x128xf32, #tpu.memory_space<vmem>>
    %dma_wait3A_215 = tpu.memref_squeeze %dma_wait3A_214 : memref<1x128x128xf32, #tpu.memory_space<vmem>> -> memref<128x128xf32, #tpu.memory_space<vmem>>
    %dma_wait3A_216 = arith.constant 0 : i32
    %dma_wait3A_217 = tpu.memref_slice %arg11[%add3A_204, %dma_wait3A_216] : memref<10240x128xf32, #tpu.memory_space<vmem_shared>> -> memref<128x128xf32, #tpu.memory_space<vmem_shared>>
    tpu.wait_dma2 semaphore(%arg12 : memref<!tpu.dma_semaphore, #tpu.memory_space<semaphore_mem>>) src(%dma_wait3A_217 : memref<128x128xf32, #tpu.memory_space<vmem_shared>>) dst(%dma_wait3A_215 : memref<128x128xf32, #tpu.memory_space<vmem>>)
    %add3A_218 = arith.constant 0 : i32
    %add3A_219 = arith.addi %mul3A_2, %add3A_218 : i32
    %eq3A = arith.constant 0 : i32
    %eq3A_220 = arith.cmpi eq, %arg0, %eq3A : i32
    %convert_element_type3A = arith.extui %eq3A_220 : i1 to i32
    %cond3A = arith.constant 0 : i32
    %cond3A_221 = arith.cmpi ne, %convert_element_type3A, %cond3A : i32
    scf.if %cond3A_221 {
      %dma_start3A_454 = arith.constant 0 : i32
      %dma_start3A_455 = arith.constant 0 : i32
      %dma_start3A_456 = arith.constant 0 : i32
      %dma_start3A_457 = tpu.memref_slice %arg10[%dma_start3A_454, %dma_start3A_455, %dma_start3A_456] : memref<2x128x128xf32, #tpu.memory_space<vmem>> -> memref<1x128x128xf32, #tpu.memory_space<vmem>>
      %dma_start3A_458 = tpu.memref_squeeze %dma_start3A_457 : memref<1x128x128xf32, #tpu.memory_space<vmem>> -> memref<128x128xf32, #tpu.memory_space<vmem>>
      %dma_start3A_459 = arith.constant 0 : i32
      %dma_start3A_460 = tpu.memref_slice %arg6[%add3A_219, %dma_start3A_459] : memref<10240x128xf32, #tpu.memory_space<hbm>> -> memref<128x128xf32, #tpu.memory_space<hbm>>
      %dma_start3A_461 = arith.constant 0 : i32
      %dma_start3A_462 = tpu.memref_slice %arg6[%add3A_219, %dma_start3A_461] : memref<10240x128xf32, #tpu.memory_space<hbm>> -> memref<128x128xf32, #tpu.memory_space<hbm>>
      %dma_start3A_463 = arith.constant 0 : i32
      %dma_start3A_464 = arith.constant 0 : i32
      %dma_start3A_465 = tpu.memref_slice %arg10[%dma_start3A_454, %dma_start3A_463, %dma_start3A_464] : memref<2x128x128xf32, #tpu.memory_space<vmem>> -> memref<1x128x128xf32, #tpu.memory_space<vmem>>
      %dma_start3A_466 = tpu.memref_squeeze %dma_start3A_465 : memref<1x128x128xf32, #tpu.memory_space<vmem>> -> memref<128x128xf32, #tpu.memory_space<vmem>>
      tpu.enqueue_dma source(%dma_start3A_466 : memref<128x128xf32, #tpu.memory_space<vmem>>) target(%dma_start3A_462 : memref<128x128xf32, #tpu.memory_space<hbm>>) target_semaphore(%arg14 : memref<!tpu.dma_semaphore, #tpu.memory_space<semaphore_mem>>)
    } else {
    }
    %ne3A = arith.constant 0 : i32
    %ne3A_222 = arith.cmpi ne, %arg0, %ne3A : i32
    %convert_element_type3A_223 = arith.extui %ne3A_222 : i1 to i32
    %cond3A_224 = arith.constant 0 : i32
    %cond3A_225 = arith.cmpi ne, %convert_element_type3A_223, %cond3A_224 : i32
    scf.if %cond3A_225 {
      %dma_start3A_454 = arith.constant 0 : i32
      %dma_start3A_455 = arith.constant 0 : i32
      %dma_start3A_456 = arith.constant 0 : i32
      %dma_start3A_457 = tpu.memref_slice %arg10[%dma_start3A_454, %dma_start3A_455, %dma_start3A_456] : memref<2x128x128xf32, #tpu.memory_space<vmem>> -> memref<1x128x128xf32, #tpu.memory_space<vmem>>
      %dma_start3A_458 = tpu.memref_squeeze %dma_start3A_457 : memref<1x128x128xf32, #tpu.memory_space<vmem>> -> memref<128x128xf32, #tpu.memory_space<vmem>>
      %dma_start3A_459 = arith.constant 0 : i32
      %dma_start3A_460 = tpu.memref_slice %arg7[%add3A_219, %dma_start3A_459] : memref<10240x128xf32, #tpu.memory_space<hbm>> -> memref<128x128xf32, #tpu.memory_space<hbm>>
      %dma_start3A_461 = arith.constant 0 : i32
      %dma_start3A_462 = tpu.memref_slice %arg7[%add3A_219, %dma_start3A_461] : memref<10240x128xf32, #tpu.memory_space<hbm>> -> memref<128x128xf32, #tpu.memory_space<hbm>>
      %dma_start3A_463 = arith.constant 0 : i32
      %dma_start3A_464 = arith.constant 0 : i32
      %dma_start3A_465 = tpu.memref_slice %arg10[%dma_start3A_454, %dma_start3A_463, %dma_start3A_464] : memref<2x128x128xf32, #tpu.memory_space<vmem>> -> memref<1x128x128xf32, #tpu.memory_space<vmem>>
      %dma_start3A_466 = tpu.memref_squeeze %dma_start3A_465 : memref<1x128x128xf32, #tpu.memory_space<vmem>> -> memref<128x128xf32, #tpu.memory_space<vmem>>
      tpu.enqueue_dma source(%dma_start3A_466 : memref<128x128xf32, #tpu.memory_space<vmem>>) target(%dma_start3A_462 : memref<128x128xf32, #tpu.memory_space<hbm>>) target_semaphore(%arg14 : memref<!tpu.dma_semaphore, #tpu.memory_space<semaphore_mem>>)
    } else {
    }
    %add3A_226 = arith.constant 128 : i32
    %add3A_227 = arith.addi %mul3A_2, %add3A_226 : i32
    %dma_start3A_228 = arith.constant 1 : i32
    %dma_start3A_229 = arith.constant 0 : i32
    %dma_start3A_230 = arith.constant 0 : i32
    %dma_start3A_231 = tpu.memref_slice %arg10[%dma_start3A_228, %dma_start3A_229, %dma_start3A_230] : memref<2x128x128xf32, #tpu.memory_space<vmem>> -> memref<1x128x128xf32, #tpu.memory_space<vmem>>
    %dma_start3A_232 = tpu.memref_squeeze %dma_start3A_231 : memref<1x128x128xf32, #tpu.memory_space<vmem>> -> memref<128x128xf32, #tpu.memory_space<vmem>>
    %dma_start3A_233 = arith.constant 0 : i32
    %dma_start3A_234 = tpu.memref_slice %arg11[%add3A_227, %dma_start3A_233] : memref<10240x128xf32, #tpu.memory_space<vmem_shared>> -> memref<128x128xf32, #tpu.memory_space<vmem_shared>>
    %dma_start3A_235 = arith.constant 0 : i32
    %dma_start3A_236 = arith.constant 0 : i32
    %dma_start3A_237 = tpu.memref_slice %arg10[%dma_start3A_228, %dma_start3A_235, %dma_start3A_236] : memref<2x128x128xf32, #tpu.memory_space<vmem>> -> memref<1x128x128xf32, #tpu.memory_space<vmem>>
    %dma_start3A_238 = tpu.memref_squeeze %dma_start3A_237 : memref<1x128x128xf32, #tpu.memory_space<vmem>> -> memref<128x128xf32, #tpu.memory_space<vmem>>
    %dma_start3A_239 = arith.constant 0 : i32
    %dma_start3A_240 = tpu.memref_slice %arg11[%add3A_227, %dma_start3A_239] : memref<10240x128xf32, #tpu.memory_space<vmem_shared>> -> memref<128x128xf32, #tpu.memory_space<vmem_shared>>
    tpu.enqueue_dma source(%dma_start3A_240 : memref<128x128xf32, #tpu.memory_space<vmem_shared>>) target(%dma_start3A_238 : memref<128x128xf32, #tpu.memory_space<vmem>>) target_semaphore(%arg13 : memref<!tpu.dma_semaphore, #tpu.memory_space<semaphore_mem>>)
    %add3A_241 = arith.constant 128 : i32
    %add3A_242 = arith.addi %mul3A_2, %add3A_241 : i32
    %dma_wait3A_243 = arith.constant 1 : i32
    %dma_wait3A_244 = arith.constant 0 : i32
    %dma_wait3A_245 = arith.constant 0 : i32
    %dma_wait3A_246 = tpu.memref_slice %arg10[%dma_wait3A_243, %dma_wait3A_244, %dma_wait3A_245] : memref<2x128x128xf32, #tpu.memory_space<vmem>> -> memref<1x128x128xf32, #tpu.memory_space<vmem>>
    %dma_wait3A_247 = tpu.memref_squeeze %dma_wait3A_246 : memref<1x128x128xf32, #tpu.memory_space<vmem>> -> memref<128x128xf32, #tpu.memory_space<vmem>>
    %dma_wait3A_248 = arith.constant 0 : i32
    %dma_wait3A_249 = tpu.memref_slice %arg11[%add3A_242, %dma_wait3A_248] : memref<10240x128xf32, #tpu.memory_space<vmem_shared>> -> memref<128x128xf32, #tpu.memory_space<vmem_shared>>
    %dma_wait3A_250 = arith.constant 0 : i32
    %dma_wait3A_251 = arith.constant 0 : i32
    %dma_wait3A_252 = tpu.memref_slice %arg10[%dma_wait3A_243, %dma_wait3A_250, %dma_wait3A_251] : memref<2x128x128xf32, #tpu.memory_space<vmem>> -> memref<1x128x128xf32, #tpu.memory_space<vmem>>
    %dma_wait3A_253 = tpu.memref_squeeze %dma_wait3A_252 : memref<1x128x128xf32, #tpu.memory_space<vmem>> -> memref<128x128xf32, #tpu.memory_space<vmem>>
    %dma_wait3A_254 = arith.constant 0 : i32
    %dma_wait3A_255 = tpu.memref_slice %arg11[%add3A_242, %dma_wait3A_254] : memref<10240x128xf32, #tpu.memory_space<vmem_shared>> -> memref<128x128xf32, #tpu.memory_space<vmem_shared>>
    tpu.wait_dma2 semaphore(%arg13 : memref<!tpu.dma_semaphore, #tpu.memory_space<semaphore_mem>>) src(%dma_wait3A_255 : memref<128x128xf32, #tpu.memory_space<vmem_shared>>) dst(%dma_wait3A_253 : memref<128x128xf32, #tpu.memory_space<vmem>>)
    %add3A_256 = arith.constant 128 : i32
    %add3A_257 = arith.addi %mul3A_2, %add3A_256 : i32
    %eq3A_258 = arith.constant 0 : i32
    %eq3A_259 = arith.cmpi eq, %arg0, %eq3A_258 : i32
    %convert_element_type3A_260 = arith.extui %eq3A_259 : i1 to i32
    %cond3A_261 = arith.constant 0 : i32
    %cond3A_262 = arith.cmpi ne, %convert_element_type3A_260, %cond3A_261 : i32
    scf.if %cond3A_262 {
      %dma_start3A_454 = arith.constant 1 : i32
      %dma_start3A_455 = arith.constant 0 : i32
      %dma_start3A_456 = arith.constant 0 : i32
      %dma_start3A_457 = tpu.memref_slice %arg10[%dma_start3A_454, %dma_start3A_455, %dma_start3A_456] : memref<2x128x128xf32, #tpu.memory_space<vmem>> -> memref<1x128x128xf32, #tpu.memory_space<vmem>>
      %dma_start3A_458 = tpu.memref_squeeze %dma_start3A_457 : memref<1x128x128xf32, #tpu.memory_space<vmem>> -> memref<128x128xf32, #tpu.memory_space<vmem>>
      %dma_start3A_459 = arith.constant 0 : i32
      %dma_start3A_460 = tpu.memref_slice %arg6[%add3A_257, %dma_start3A_459] : memref<10240x128xf32, #tpu.memory_space<hbm>> -> memref<128x128xf32, #tpu.memory_space<hbm>>
      %dma_start3A_461 = arith.constant 0 : i32
      %dma_start3A_462 = tpu.memref_slice %arg6[%add3A_257, %dma_start3A_461] : memref<10240x128xf32, #tpu.memory_space<hbm>> -> memref<128x128xf32, #tpu.memory_space<hbm>>
      %dma_start3A_463 = arith.constant 0 : i32
      %dma_start3A_464 = arith.constant 0 : i32
      %dma_start3A_465 = tpu.memref_slice %arg10[%dma_start3A_454, %dma_start3A_463, %dma_start3A_464] : memref<2x128x128xf32, #tpu.memory_space<vmem>> -> memref<1x128x128xf32, #tpu.memory_space<vmem>>
      %dma_start3A_466 = tpu.memref_squeeze %dma_start3A_465 : memref<1x128x128xf32, #tpu.memory_space<vmem>> -> memref<128x128xf32, #tpu.memory_space<vmem>>
      tpu.enqueue_dma source(%dma_start3A_466 : memref<128x128xf32, #tpu.memory_space<vmem>>) target(%dma_start3A_462 : memref<128x128xf32, #tpu.memory_space<hbm>>) target_semaphore(%arg15 : memref<!tpu.dma_semaphore, #tpu.memory_space<semaphore_mem>>)
    } else {
    }
    %ne3A_263 = arith.constant 0 : i32
    %ne3A_264 = arith.cmpi ne, %arg0, %ne3A_263 : i32
    %convert_element_type3A_265 = arith.extui %ne3A_264 : i1 to i32
    %cond3A_266 = arith.constant 0 : i32
    %cond3A_267 = arith.cmpi ne, %convert_element_type3A_265, %cond3A_266 : i32
    scf.if %cond3A_267 {
      %dma_start3A_454 = arith.constant 1 : i32
      %dma_start3A_455 = arith.constant 0 : i32
      %dma_start3A_456 = arith.constant 0 : i32
      %dma_start3A_457 = tpu.memref_slice %arg10[%dma_start3A_454, %dma_start3A_455, %dma_start3A_456] : memref<2x128x128xf32, #tpu.memory_space<vmem>> -> memref<1x128x128xf32, #tpu.memory_space<vmem>>
      %dma_start3A_458 = tpu.memref_squeeze %dma_start3A_457 : memref<1x128x128xf32, #tpu.memory_space<vmem>> -> memref<128x128xf32, #tpu.memory_space<vmem>>
      %dma_start3A_459 = arith.constant 0 : i32
      %dma_start3A_460 = tpu.memref_slice %arg7[%add3A_257, %dma_start3A_459] : memref<10240x128xf32, #tpu.memory_space<hbm>> -> memref<128x128xf32, #tpu.memory_space<hbm>>
      %dma_start3A_461 = arith.constant 0 : i32
      %dma_start3A_462 = tpu.memref_slice %arg7[%add3A_257, %dma_start3A_461] : memref<10240x128xf32, #tpu.memory_space<hbm>> -> memref<128x128xf32, #tpu.memory_space<hbm>>
      %dma_start3A_463 = arith.constant 0 : i32
      %dma_start3A_464 = arith.constant 0 : i32
      %dma_start3A_465 = tpu.memref_slice %arg10[%dma_start3A_454, %dma_start3A_463, %dma_start3A_464] : memref<2x128x128xf32, #tpu.memory_space<vmem>> -> memref<1x128x128xf32, #tpu.memory_space<vmem>>
      %dma_start3A_466 = tpu.memref_squeeze %dma_start3A_465 : memref<1x128x128xf32, #tpu.memory_space<vmem>> -> memref<128x128xf32, #tpu.memory_space<vmem>>
      tpu.enqueue_dma source(%dma_start3A_466 : memref<128x128xf32, #tpu.memory_space<vmem>>) target(%dma_start3A_462 : memref<128x128xf32, #tpu.memory_space<hbm>>) target_semaphore(%arg15 : memref<!tpu.dma_semaphore, #tpu.memory_space<semaphore_mem>>)
    } else {
    }
    %add3A_268 = arith.constant 0 : i32
    %add3A_269 = arith.addi %mul3A_2, %add3A_268 : i32
    %eq3A_270 = arith.constant 0 : i32
    %eq3A_271 = arith.cmpi eq, %arg0, %eq3A_270 : i32
    %convert_element_type3A_272 = arith.extui %eq3A_271 : i1 to i32
    %cond3A_273 = arith.constant 0 : i32
    %cond3A_274 = arith.cmpi ne, %convert_element_type3A_272, %cond3A_273 : i32
    scf.if %cond3A_274 {
      %dma_wait3A_454 = arith.constant 0 : i32
      %dma_wait3A_455 = arith.constant 0 : i32
      %dma_wait3A_456 = arith.constant 0 : i32
      %dma_wait3A_457 = tpu.memref_slice %arg10[%dma_wait3A_454, %dma_wait3A_455, %dma_wait3A_456] : memref<2x128x128xf32, #tpu.memory_space<vmem>> -> memref<1x128x128xf32, #tpu.memory_space<vmem>>
      %dma_wait3A_458 = tpu.memref_squeeze %dma_wait3A_457 : memref<1x128x128xf32, #tpu.memory_space<vmem>> -> memref<128x128xf32, #tpu.memory_space<vmem>>
      %dma_wait3A_459 = arith.constant 0 : i32
      %dma_wait3A_460 = tpu.memref_slice %arg6[%add3A_269, %dma_wait3A_459] : memref<10240x128xf32, #tpu.memory_space<hbm>> -> memref<128x128xf32, #tpu.memory_space<hbm>>
      %dma_wait3A_461 = arith.constant 0 : i32
      %dma_wait3A_462 = tpu.memref_slice %arg6[%add3A_269, %dma_wait3A_461] : memref<10240x128xf32, #tpu.memory_space<hbm>> -> memref<128x128xf32, #tpu.memory_space<hbm>>
      %dma_wait3A_463 = arith.constant 0 : i32
      %dma_wait3A_464 = arith.constant 0 : i32
      %dma_wait3A_465 = tpu.memref_slice %arg10[%dma_wait3A_454, %dma_wait3A_463, %dma_wait3A_464] : memref<2x128x128xf32, #tpu.memory_space<vmem>> -> memref<1x128x128xf32, #tpu.memory_space<vmem>>
      %dma_wait3A_466 = tpu.memref_squeeze %dma_wait3A_465 : memref<1x128x128xf32, #tpu.memory_space<vmem>> -> memref<128x128xf32, #tpu.memory_space<vmem>>
      tpu.wait_dma2 semaphore(%arg14 : memref<!tpu.dma_semaphore, #tpu.memory_space<semaphore_mem>>) src(%dma_wait3A_466 : memref<128x128xf32, #tpu.memory_space<vmem>>) dst(%dma_wait3A_462 : memref<128x128xf32, #tpu.memory_space<hbm>>)
    } else {
    }
    %ne3A_275 = arith.constant 0 : i32
    %ne3A_276 = arith.cmpi ne, %arg0, %ne3A_275 : i32
    %convert_element_type3A_277 = arith.extui %ne3A_276 : i1 to i32
    %cond3A_278 = arith.constant 0 : i32
    %cond3A_279 = arith.cmpi ne, %convert_element_type3A_277, %cond3A_278 : i32
    scf.if %cond3A_279 {
      %dma_wait3A_454 = arith.constant 0 : i32
      %dma_wait3A_455 = arith.constant 0 : i32
      %dma_wait3A_456 = arith.constant 0 : i32
      %dma_wait3A_457 = tpu.memref_slice %arg10[%dma_wait3A_454, %dma_wait3A_455, %dma_wait3A_456] : memref<2x128x128xf32, #tpu.memory_space<vmem>> -> memref<1x128x128xf32, #tpu.memory_space<vmem>>
      %dma_wait3A_458 = tpu.memref_squeeze %dma_wait3A_457 : memref<1x128x128xf32, #tpu.memory_space<vmem>> -> memref<128x128xf32, #tpu.memory_space<vmem>>
      %dma_wait3A_459 = arith.constant 0 : i32
      %dma_wait3A_460 = tpu.memref_slice %arg7[%add3A_269, %dma_wait3A_459] : memref<10240x128xf32, #tpu.memory_space<hbm>> -> memref<128x128xf32, #tpu.memory_space<hbm>>
      %dma_wait3A_461 = arith.constant 0 : i32
      %dma_wait3A_462 = tpu.memref_slice %arg7[%add3A_269, %dma_wait3A_461] : memref<10240x128xf32, #tpu.memory_space<hbm>> -> memref<128x128xf32, #tpu.memory_space<hbm>>
      %dma_wait3A_463 = arith.constant 0 : i32
      %dma_wait3A_464 = arith.constant 0 : i32
      %dma_wait3A_465 = tpu.memref_slice %arg10[%dma_wait3A_454, %dma_wait3A_463, %dma_wait3A_464] : memref<2x128x128xf32, #tpu.memory_space<vmem>> -> memref<1x128x128xf32, #tpu.memory_space<vmem>>
      %dma_wait3A_466 = tpu.memref_squeeze %dma_wait3A_465 : memref<1x128x128xf32, #tpu.memory_space<vmem>> -> memref<128x128xf32, #tpu.memory_space<vmem>>
      tpu.wait_dma2 semaphore(%arg14 : memref<!tpu.dma_semaphore, #tpu.memory_space<semaphore_mem>>) src(%dma_wait3A_466 : memref<128x128xf32, #tpu.memory_space<vmem>>) dst(%dma_wait3A_462 : memref<128x128xf32, #tpu.memory_space<hbm>>)
    } else {
    }
    %add3A_280 = arith.constant 256 : i32
    %add3A_281 = arith.addi %mul3A_2, %add3A_280 : i32
    %dma_start3A_282 = arith.constant 0 : i32
    %dma_start3A_283 = arith.constant 0 : i32
    %dma_start3A_284 = arith.constant 0 : i32
    %dma_start3A_285 = tpu.memref_slice %arg10[%dma_start3A_282, %dma_start3A_283, %dma_start3A_284] : memref<2x128x128xf32, #tpu.memory_space<vmem>> -> memref<1x128x128xf32, #tpu.memory_space<vmem>>
    %dma_start3A_286 = tpu.memref_squeeze %dma_start3A_285 : memref<1x128x128xf32, #tpu.memory_space<vmem>> -> memref<128x128xf32, #tpu.memory_space<vmem>>
    %dma_start3A_287 = arith.constant 0 : i32
    %dma_start3A_288 = tpu.memref_slice %arg11[%add3A_281, %dma_start3A_287] : memref<10240x128xf32, #tpu.memory_space<vmem_shared>> -> memref<128x128xf32, #tpu.memory_space<vmem_shared>>
    %dma_start3A_289 = arith.constant 0 : i32
    %dma_start3A_290 = arith.constant 0 : i32
    %dma_start3A_291 = tpu.memref_slice %arg10[%dma_start3A_282, %dma_start3A_289, %dma_start3A_290] : memref<2x128x128xf32, #tpu.memory_space<vmem>> -> memref<1x128x128xf32, #tpu.memory_space<vmem>>
    %dma_start3A_292 = tpu.memref_squeeze %dma_start3A_291 : memref<1x128x128xf32, #tpu.memory_space<vmem>> -> memref<128x128xf32, #tpu.memory_space<vmem>>
    %dma_start3A_293 = arith.constant 0 : i32
    %dma_start3A_294 = tpu.memref_slice %arg11[%add3A_281, %dma_start3A_293] : memref<10240x128xf32, #tpu.memory_space<vmem_shared>> -> memref<128x128xf32, #tpu.memory_space<vmem_shared>>
    tpu.enqueue_dma source(%dma_start3A_294 : memref<128x128xf32, #tpu.memory_space<vmem_shared>>) target(%dma_start3A_292 : memref<128x128xf32, #tpu.memory_space<vmem>>) target_semaphore(%arg12 : memref<!tpu.dma_semaphore, #tpu.memory_space<semaphore_mem>>)
    %add3A_295 = arith.constant 256 : i32
    %add3A_296 = arith.addi %mul3A_2, %add3A_295 : i32
    %dma_wait3A_297 = arith.constant 0 : i32
    %dma_wait3A_298 = arith.constant 0 : i32
    %dma_wait3A_299 = arith.constant 0 : i32
    %dma_wait3A_300 = tpu.memref_slice %arg10[%dma_wait3A_297, %dma_wait3A_298, %dma_wait3A_299] : memref<2x128x128xf32, #tpu.memory_space<vmem>> -> memref<1x128x128xf32, #tpu.memory_space<vmem>>
    %dma_wait3A_301 = tpu.memref_squeeze %dma_wait3A_300 : memref<1x128x128xf32, #tpu.memory_space<vmem>> -> memref<128x128xf32, #tpu.memory_space<vmem>>
    %dma_wait3A_302 = arith.constant 0 : i32
    %dma_wait3A_303 = tpu.memref_slice %arg11[%add3A_296, %dma_wait3A_302] : memref<10240x128xf32, #tpu.memory_space<vmem_shared>> -> memref<128x128xf32, #tpu.memory_space<vmem_shared>>
    %dma_wait3A_304 = arith.constant 0 : i32
    %dma_wait3A_305 = arith.constant 0 : i32
    %dma_wait3A_306 = tpu.memref_slice %arg10[%dma_wait3A_297, %dma_wait3A_304, %dma_wait3A_305] : memref<2x128x128xf32, #tpu.memory_space<vmem>> -> memref<1x128x128xf32, #tpu.memory_space<vmem>>
    %dma_wait3A_307 = tpu.memref_squeeze %dma_wait3A_306 : memref<1x128x128xf32, #tpu.memory_space<vmem>> -> memref<128x128xf32, #tpu.memory_space<vmem>>
    %dma_wait3A_308 = arith.constant 0 : i32
    %dma_wait3A_309 = tpu.memref_slice %arg11[%add3A_296, %dma_wait3A_308] : memref<10240x128xf32, #tpu.memory_space<vmem_shared>> -> memref<128x128xf32, #tpu.memory_space<vmem_shared>>
    tpu.wait_dma2 semaphore(%arg12 : memref<!tpu.dma_semaphore, #tpu.memory_space<semaphore_mem>>) src(%dma_wait3A_309 : memref<128x128xf32, #tpu.memory_space<vmem_shared>>) dst(%dma_wait3A_307 : memref<128x128xf32, #tpu.memory_space<vmem>>)
    %add3A_310 = arith.constant 256 : i32
    %add3A_311 = arith.addi %mul3A_2, %add3A_310 : i32
    %eq3A_312 = arith.constant 0 : i32
    %eq3A_313 = arith.cmpi eq, %arg0, %eq3A_312 : i32
    %convert_element_type3A_314 = arith.extui %eq3A_313 : i1 to i32
    %cond3A_315 = arith.constant 0 : i32
    %cond3A_316 = arith.cmpi ne, %convert_element_type3A_314, %cond3A_315 : i32
    scf.if %cond3A_316 {
      %dma_start3A_454 = arith.constant 0 : i32
      %dma_start3A_455 = arith.constant 0 : i32
      %dma_start3A_456 = arith.constant 0 : i32
      %dma_start3A_457 = tpu.memref_slice %arg10[%dma_start3A_454, %dma_start3A_455, %dma_start3A_456] : memref<2x128x128xf32, #tpu.memory_space<vmem>> -> memref<1x128x128xf32, #tpu.memory_space<vmem>>
      %dma_start3A_458 = tpu.memref_squeeze %dma_start3A_457 : memref<1x128x128xf32, #tpu.memory_space<vmem>> -> memref<128x128xf32, #tpu.memory_space<vmem>>
      %dma_start3A_459 = arith.constant 0 : i32
      %dma_start3A_460 = tpu.memref_slice %arg6[%add3A_311, %dma_start3A_459] : memref<10240x128xf32, #tpu.memory_space<hbm>> -> memref<128x128xf32, #tpu.memory_space<hbm>>
      %dma_start3A_461 = arith.constant 0 : i32
      %dma_start3A_462 = tpu.memref_slice %arg6[%add3A_311, %dma_start3A_461] : memref<10240x128xf32, #tpu.memory_space<hbm>> -> memref<128x128xf32, #tpu.memory_space<hbm>>
      %dma_start3A_463 = arith.constant 0 : i32
      %dma_start3A_464 = arith.constant 0 : i32
      %dma_start3A_465 = tpu.memref_slice %arg10[%dma_start3A_454, %dma_start3A_463, %dma_start3A_464] : memref<2x128x128xf32, #tpu.memory_space<vmem>> -> memref<1x128x128xf32, #tpu.memory_space<vmem>>
      %dma_start3A_466 = tpu.memref_squeeze %dma_start3A_465 : memref<1x128x128xf32, #tpu.memory_space<vmem>> -> memref<128x128xf32, #tpu.memory_space<vmem>>
      tpu.enqueue_dma source(%dma_start3A_466 : memref<128x128xf32, #tpu.memory_space<vmem>>) target(%dma_start3A_462 : memref<128x128xf32, #tpu.memory_space<hbm>>) target_semaphore(%arg14 : memref<!tpu.dma_semaphore, #tpu.memory_space<semaphore_mem>>)
    } else {
    }
    %ne3A_317 = arith.constant 0 : i32
    %ne3A_318 = arith.cmpi ne, %arg0, %ne3A_317 : i32
    %convert_element_type3A_319 = arith.extui %ne3A_318 : i1 to i32
    %cond3A_320 = arith.constant 0 : i32
    %cond3A_321 = arith.cmpi ne, %convert_element_type3A_319, %cond3A_320 : i32
    scf.if %cond3A_321 {
      %dma_start3A_454 = arith.constant 0 : i32
      %dma_start3A_455 = arith.constant 0 : i32
      %dma_start3A_456 = arith.constant 0 : i32
      %dma_start3A_457 = tpu.memref_slice %arg10[%dma_start3A_454, %dma_start3A_455, %dma_start3A_456] : memref<2x128x128xf32, #tpu.memory_space<vmem>> -> memref<1x128x128xf32, #tpu.memory_space<vmem>>
      %dma_start3A_458 = tpu.memref_squeeze %dma_start3A_457 : memref<1x128x128xf32, #tpu.memory_space<vmem>> -> memref<128x128xf32, #tpu.memory_space<vmem>>
      %dma_start3A_459 = arith.constant 0 : i32
      %dma_start3A_460 = tpu.memref_slice %arg7[%add3A_311, %dma_start3A_459] : memref<10240x128xf32, #tpu.memory_space<hbm>> -> memref<128x128xf32, #tpu.memory_space<hbm>>
      %dma_start3A_461 = arith.constant 0 : i32
      %dma_start3A_462 = tpu.memref_slice %arg7[%add3A_311, %dma_start3A_461] : memref<10240x128xf32, #tpu.memory_space<hbm>> -> memref<128x128xf32, #tpu.memory_space<hbm>>
      %dma_start3A_463 = arith.constant 0 : i32
      %dma_start3A_464 = arith.constant 0 : i32
      %dma_start3A_465 = tpu.memref_slice %arg10[%dma_start3A_454, %dma_start3A_463, %dma_start3A_464] : memref<2x128x128xf32, #tpu.memory_space<vmem>> -> memref<1x128x128xf32, #tpu.memory_space<vmem>>
      %dma_start3A_466 = tpu.memref_squeeze %dma_start3A_465 : memref<1x128x128xf32, #tpu.memory_space<vmem>> -> memref<128x128xf32, #tpu.memory_space<vmem>>
      tpu.enqueue_dma source(%dma_start3A_466 : memref<128x128xf32, #tpu.memory_space<vmem>>) target(%dma_start3A_462 : memref<128x128xf32, #tpu.memory_space<hbm>>) target_semaphore(%arg14 : memref<!tpu.dma_semaphore, #tpu.memory_space<semaphore_mem>>)
    } else {
    }
    %add3A_322 = arith.constant 128 : i32
    %add3A_323 = arith.addi %mul3A_2, %add3A_322 : i32
    %eq3A_324 = arith.constant 0 : i32
    %eq3A_325 = arith.cmpi eq, %arg0, %eq3A_324 : i32
    %convert_element_type3A_326 = arith.extui %eq3A_325 : i1 to i32
    %cond3A_327 = arith.constant 0 : i32
    %cond3A_328 = arith.cmpi ne, %convert_element_type3A_326, %cond3A_327 : i32
    scf.if %cond3A_328 {
      %dma_wait3A_454 = arith.constant 1 : i32
      %dma_wait3A_455 = arith.constant 0 : i32
      %dma_wait3A_456 = arith.constant 0 : i32
      %dma_wait3A_457 = tpu.memref_slice %arg10[%dma_wait3A_454, %dma_wait3A_455, %dma_wait3A_456] : memref<2x128x128xf32, #tpu.memory_space<vmem>> -> memref<1x128x128xf32, #tpu.memory_space<vmem>>
      %dma_wait3A_458 = tpu.memref_squeeze %dma_wait3A_457 : memref<1x128x128xf32, #tpu.memory_space<vmem>> -> memref<128x128xf32, #tpu.memory_space<vmem>>
      %dma_wait3A_459 = arith.constant 0 : i32
      %dma_wait3A_460 = tpu.memref_slice %arg6[%add3A_323, %dma_wait3A_459] : memref<10240x128xf32, #tpu.memory_space<hbm>> -> memref<128x128xf32, #tpu.memory_space<hbm>>
      %dma_wait3A_461 = arith.constant 0 : i32
      %dma_wait3A_462 = tpu.memref_slice %arg6[%add3A_323, %dma_wait3A_461] : memref<10240x128xf32, #tpu.memory_space<hbm>> -> memref<128x128xf32, #tpu.memory_space<hbm>>
      %dma_wait3A_463 = arith.constant 0 : i32
      %dma_wait3A_464 = arith.constant 0 : i32
      %dma_wait3A_465 = tpu.memref_slice %arg10[%dma_wait3A_454, %dma_wait3A_463, %dma_wait3A_464] : memref<2x128x128xf32, #tpu.memory_space<vmem>> -> memref<1x128x128xf32, #tpu.memory_space<vmem>>
      %dma_wait3A_466 = tpu.memref_squeeze %dma_wait3A_465 : memref<1x128x128xf32, #tpu.memory_space<vmem>> -> memref<128x128xf32, #tpu.memory_space<vmem>>
      tpu.wait_dma2 semaphore(%arg15 : memref<!tpu.dma_semaphore, #tpu.memory_space<semaphore_mem>>) src(%dma_wait3A_466 : memref<128x128xf32, #tpu.memory_space<vmem>>) dst(%dma_wait3A_462 : memref<128x128xf32, #tpu.memory_space<hbm>>)
    } else {
    }
    %ne3A_329 = arith.constant 0 : i32
    %ne3A_330 = arith.cmpi ne, %arg0, %ne3A_329 : i32
    %convert_element_type3A_331 = arith.extui %ne3A_330 : i1 to i32
    %cond3A_332 = arith.constant 0 : i32
    %cond3A_333 = arith.cmpi ne, %convert_element_type3A_331, %cond3A_332 : i32
    scf.if %cond3A_333 {
      %dma_wait3A_454 = arith.constant 1 : i32
      %dma_wait3A_455 = arith.constant 0 : i32
      %dma_wait3A_456 = arith.constant 0 : i32
      %dma_wait3A_457 = tpu.memref_slice %arg10[%dma_wait3A_454, %dma_wait3A_455, %dma_wait3A_456] : memref<2x128x128xf32, #tpu.memory_space<vmem>> -> memref<1x128x128xf32, #tpu.memory_space<vmem>>
      %dma_wait3A_458 = tpu.memref_squeeze %dma_wait3A_457 : memref<1x128x128xf32, #tpu.memory_space<vmem>> -> memref<128x128xf32, #tpu.memory_space<vmem>>
      %dma_wait3A_459 = arith.constant 0 : i32
      %dma_wait3A_460 = tpu.memref_slice %arg7[%add3A_323, %dma_wait3A_459] : memref<10240x128xf32, #tpu.memory_space<hbm>> -> memref<128x128xf32, #tpu.memory_space<hbm>>
      %dma_wait3A_461 = arith.constant 0 : i32
      %dma_wait3A_462 = tpu.memref_slice %arg7[%add3A_323, %dma_wait3A_461] : memref<10240x128xf32, #tpu.memory_space<hbm>> -> memref<128x128xf32, #tpu.memory_space<hbm>>
      %dma_wait3A_463 = arith.constant 0 : i32
      %dma_wait3A_464 = arith.constant 0 : i32
      %dma_wait3A_465 = tpu.memref_slice %arg10[%dma_wait3A_454, %dma_wait3A_463, %dma_wait3A_464] : memref<2x128x128xf32, #tpu.memory_space<vmem>> -> memref<1x128x128xf32, #tpu.memory_space<vmem>>
      %dma_wait3A_466 = tpu.memref_squeeze %dma_wait3A_465 : memref<1x128x128xf32, #tpu.memory_space<vmem>> -> memref<128x128xf32, #tpu.memory_space<vmem>>
      tpu.wait_dma2 semaphore(%arg15 : memref<!tpu.dma_semaphore, #tpu.memory_space<semaphore_mem>>) src(%dma_wait3A_466 : memref<128x128xf32, #tpu.memory_space<vmem>>) dst(%dma_wait3A_462 : memref<128x128xf32, #tpu.memory_space<hbm>>)
    } else {
    }
    %add3A_334 = arith.constant 384 : i32
    %add3A_335 = arith.addi %mul3A_2, %add3A_334 : i32
    %dma_start3A_336 = arith.constant 1 : i32
    %dma_start3A_337 = arith.constant 0 : i32
    %dma_start3A_338 = arith.constant 0 : i32
    %dma_start3A_339 = tpu.memref_slice %arg10[%dma_start3A_336, %dma_start3A_337, %dma_start3A_338] : memref<2x128x128xf32, #tpu.memory_space<vmem>> -> memref<1x128x128xf32, #tpu.memory_space<vmem>>
    %dma_start3A_340 = tpu.memref_squeeze %dma_start3A_339 : memref<1x128x128xf32, #tpu.memory_space<vmem>> -> memref<128x128xf32, #tpu.memory_space<vmem>>
    %dma_start3A_341 = arith.constant 0 : i32
    %dma_start3A_342 = tpu.memref_slice %arg11[%add3A_335, %dma_start3A_341] : memref<10240x128xf32, #tpu.memory_space<vmem_shared>> -> memref<128x128xf32, #tpu.memory_space<vmem_shared>>
    %dma_start3A_343 = arith.constant 0 : i32
    %dma_start3A_344 = arith.constant 0 : i32
    %dma_start3A_345 = tpu.memref_slice %arg10[%dma_start3A_336, %dma_start3A_343, %dma_start3A_344] : memref<2x128x128xf32, #tpu.memory_space<vmem>> -> memref<1x128x128xf32, #tpu.memory_space<vmem>>
    %dma_start3A_346 = tpu.memref_squeeze %dma_start3A_345 : memref<1x128x128xf32, #tpu.memory_space<vmem>> -> memref<128x128xf32, #tpu.memory_space<vmem>>
    %dma_start3A_347 = arith.constant 0 : i32
    %dma_start3A_348 = tpu.memref_slice %arg11[%add3A_335, %dma_start3A_347] : memref<10240x128xf32, #tpu.memory_space<vmem_shared>> -> memref<128x128xf32, #tpu.memory_space<vmem_shared>>
    tpu.enqueue_dma source(%dma_start3A_348 : memref<128x128xf32, #tpu.memory_space<vmem_shared>>) target(%dma_start3A_346 : memref<128x128xf32, #tpu.memory_space<vmem>>) target_semaphore(%arg13 : memref<!tpu.dma_semaphore, #tpu.memory_space<semaphore_mem>>)
    %add3A_349 = arith.constant 384 : i32
    %add3A_350 = arith.addi %mul3A_2, %add3A_349 : i32
    %dma_wait3A_351 = arith.constant 1 : i32
    %dma_wait3A_352 = arith.constant 0 : i32
    %dma_wait3A_353 = arith.constant 0 : i32
    %dma_wait3A_354 = tpu.memref_slice %arg10[%dma_wait3A_351, %dma_wait3A_352, %dma_wait3A_353] : memref<2x128x128xf32, #tpu.memory_space<vmem>> -> memref<1x128x128xf32, #tpu.memory_space<vmem>>
    %dma_wait3A_355 = tpu.memref_squeeze %dma_wait3A_354 : memref<1x128x128xf32, #tpu.memory_space<vmem>> -> memref<128x128xf32, #tpu.memory_space<vmem>>
    %dma_wait3A_356 = arith.constant 0 : i32
    %dma_wait3A_357 = tpu.memref_slice %arg11[%add3A_350, %dma_wait3A_356] : memref<10240x128xf32, #tpu.memory_space<vmem_shared>> -> memref<128x128xf32, #tpu.memory_space<vmem_shared>>
    %dma_wait3A_358 = arith.constant 0 : i32
    %dma_wait3A_359 = arith.constant 0 : i32
    %dma_wait3A_360 = tpu.memref_slice %arg10[%dma_wait3A_351, %dma_wait3A_358, %dma_wait3A_359] : memref<2x128x128xf32, #tpu.memory_space<vmem>> -> memref<1x128x128xf32, #tpu.memory_space<vmem>>
    %dma_wait3A_361 = tpu.memref_squeeze %dma_wait3A_360 : memref<1x128x128xf32, #tpu.memory_space<vmem>> -> memref<128x128xf32, #tpu.memory_space<vmem>>
    %dma_wait3A_362 = arith.constant 0 : i32
    %dma_wait3A_363 = tpu.memref_slice %arg11[%add3A_350, %dma_wait3A_362] : memref<10240x128xf32, #tpu.memory_space<vmem_shared>> -> memref<128x128xf32, #tpu.memory_space<vmem_shared>>
    tpu.wait_dma2 semaphore(%arg13 : memref<!tpu.dma_semaphore, #tpu.memory_space<semaphore_mem>>) src(%dma_wait3A_363 : memref<128x128xf32, #tpu.memory_space<vmem_shared>>) dst(%dma_wait3A_361 : memref<128x128xf32, #tpu.memory_space<vmem>>)
    %add3A_364 = arith.constant 384 : i32
    %add3A_365 = arith.addi %mul3A_2, %add3A_364 : i32
    %eq3A_366 = arith.constant 0 : i32
    %eq3A_367 = arith.cmpi eq, %arg0, %eq3A_366 : i32
    %convert_element_type3A_368 = arith.extui %eq3A_367 : i1 to i32
    %cond3A_369 = arith.constant 0 : i32
    %cond3A_370 = arith.cmpi ne, %convert_element_type3A_368, %cond3A_369 : i32
    scf.if %cond3A_370 {
      %dma_start3A_454 = arith.constant 1 : i32
      %dma_start3A_455 = arith.constant 0 : i32
      %dma_start3A_456 = arith.constant 0 : i32
      %dma_start3A_457 = tpu.memref_slice %arg10[%dma_start3A_454, %dma_start3A_455, %dma_start3A_456] : memref<2x128x128xf32, #tpu.memory_space<vmem>> -> memref<1x128x128xf32, #tpu.memory_space<vmem>>
      %dma_start3A_458 = tpu.memref_squeeze %dma_start3A_457 : memref<1x128x128xf32, #tpu.memory_space<vmem>> -> memref<128x128xf32, #tpu.memory_space<vmem>>
      %dma_start3A_459 = arith.constant 0 : i32
      %dma_start3A_460 = tpu.memref_slice %arg6[%add3A_365, %dma_start3A_459] : memref<10240x128xf32, #tpu.memory_space<hbm>> -> memref<128x128xf32, #tpu.memory_space<hbm>>
      %dma_start3A_461 = arith.constant 0 : i32
      %dma_start3A_462 = tpu.memref_slice %arg6[%add3A_365, %dma_start3A_461] : memref<10240x128xf32, #tpu.memory_space<hbm>> -> memref<128x128xf32, #tpu.memory_space<hbm>>
      %dma_start3A_463 = arith.constant 0 : i32
      %dma_start3A_464 = arith.constant 0 : i32
      %dma_start3A_465 = tpu.memref_slice %arg10[%dma_start3A_454, %dma_start3A_463, %dma_start3A_464] : memref<2x128x128xf32, #tpu.memory_space<vmem>> -> memref<1x128x128xf32, #tpu.memory_space<vmem>>
      %dma_start3A_466 = tpu.memref_squeeze %dma_start3A_465 : memref<1x128x128xf32, #tpu.memory_space<vmem>> -> memref<128x128xf32, #tpu.memory_space<vmem>>
      tpu.enqueue_dma source(%dma_start3A_466 : memref<128x128xf32, #tpu.memory_space<vmem>>) target(%dma_start3A_462 : memref<128x128xf32, #tpu.memory_space<hbm>>) target_semaphore(%arg15 : memref<!tpu.dma_semaphore, #tpu.memory_space<semaphore_mem>>)
    } else {
    }
    %ne3A_371 = arith.constant 0 : i32
    %ne3A_372 = arith.cmpi ne, %arg0, %ne3A_371 : i32
    %convert_element_type3A_373 = arith.extui %ne3A_372 : i1 to i32
    %cond3A_374 = arith.constant 0 : i32
    %cond3A_375 = arith.cmpi ne, %convert_element_type3A_373, %cond3A_374 : i32
    scf.if %cond3A_375 {
      %dma_start3A_454 = arith.constant 1 : i32
      %dma_start3A_455 = arith.constant 0 : i32
      %dma_start3A_456 = arith.constant 0 : i32
      %dma_start3A_457 = tpu.memref_slice %arg10[%dma_start3A_454, %dma_start3A_455, %dma_start3A_456] : memref<2x128x128xf32, #tpu.memory_space<vmem>> -> memref<1x128x128xf32, #tpu.memory_space<vmem>>
      %dma_start3A_458 = tpu.memref_squeeze %dma_start3A_457 : memref<1x128x128xf32, #tpu.memory_space<vmem>> -> memref<128x128xf32, #tpu.memory_space<vmem>>
      %dma_start3A_459 = arith.constant 0 : i32
      %dma_start3A_460 = tpu.memref_slice %arg7[%add3A_365, %dma_start3A_459] : memref<10240x128xf32, #tpu.memory_space<hbm>> -> memref<128x128xf32, #tpu.memory_space<hbm>>
      %dma_start3A_461 = arith.constant 0 : i32
      %dma_start3A_462 = tpu.memref_slice %arg7[%add3A_365, %dma_start3A_461] : memref<10240x128xf32, #tpu.memory_space<hbm>> -> memref<128x128xf32, #tpu.memory_space<hbm>>
      %dma_start3A_463 = arith.constant 0 : i32
      %dma_start3A_464 = arith.constant 0 : i32
      %dma_start3A_465 = tpu.memref_slice %arg10[%dma_start3A_454, %dma_start3A_463, %dma_start3A_464] : memref<2x128x128xf32, #tpu.memory_space<vmem>> -> memref<1x128x128xf32, #tpu.memory_space<vmem>>
      %dma_start3A_466 = tpu.memref_squeeze %dma_start3A_465 : memref<1x128x128xf32, #tpu.memory_space<vmem>> -> memref<128x128xf32, #tpu.memory_space<vmem>>
      tpu.enqueue_dma source(%dma_start3A_466 : memref<128x128xf32, #tpu.memory_space<vmem>>) target(%dma_start3A_462 : memref<128x128xf32, #tpu.memory_space<hbm>>) target_semaphore(%arg15 : memref<!tpu.dma_semaphore, #tpu.memory_space<semaphore_mem>>)
    } else {
    }
    %add3A_376 = arith.constant 256 : i32
    %add3A_377 = arith.addi %mul3A_2, %add3A_376 : i32
    %eq3A_378 = arith.constant 0 : i32
    %eq3A_379 = arith.cmpi eq, %arg0, %eq3A_378 : i32
    %convert_element_type3A_380 = arith.extui %eq3A_379 : i1 to i32
    %cond3A_381 = arith.constant 0 : i32
    %cond3A_382 = arith.cmpi ne, %convert_element_type3A_380, %cond3A_381 : i32
    scf.if %cond3A_382 {
      %dma_wait3A_454 = arith.constant 0 : i32
      %dma_wait3A_455 = arith.constant 0 : i32
      %dma_wait3A_456 = arith.constant 0 : i32
      %dma_wait3A_457 = tpu.memref_slice %arg10[%dma_wait3A_454, %dma_wait3A_455, %dma_wait3A_456] : memref<2x128x128xf32, #tpu.memory_space<vmem>> -> memref<1x128x128xf32, #tpu.memory_space<vmem>>
      %dma_wait3A_458 = tpu.memref_squeeze %dma_wait3A_457 : memref<1x128x128xf32, #tpu.memory_space<vmem>> -> memref<128x128xf32, #tpu.memory_space<vmem>>
      %dma_wait3A_459 = arith.constant 0 : i32
      %dma_wait3A_460 = tpu.memref_slice %arg6[%add3A_377, %dma_wait3A_459] : memref<10240x128xf32, #tpu.memory_space<hbm>> -> memref<128x128xf32, #tpu.memory_space<hbm>>
      %dma_wait3A_461 = arith.constant 0 : i32
      %dma_wait3A_462 = tpu.memref_slice %arg6[%add3A_377, %dma_wait3A_461] : memref<10240x128xf32, #tpu.memory_space<hbm>> -> memref<128x128xf32, #tpu.memory_space<hbm>>
      %dma_wait3A_463 = arith.constant 0 : i32
      %dma_wait3A_464 = arith.constant 0 : i32
      %dma_wait3A_465 = tpu.memref_slice %arg10[%dma_wait3A_454, %dma_wait3A_463, %dma_wait3A_464] : memref<2x128x128xf32, #tpu.memory_space<vmem>> -> memref<1x128x128xf32, #tpu.memory_space<vmem>>
      %dma_wait3A_466 = tpu.memref_squeeze %dma_wait3A_465 : memref<1x128x128xf32, #tpu.memory_space<vmem>> -> memref<128x128xf32, #tpu.memory_space<vmem>>
      tpu.wait_dma2 semaphore(%arg14 : memref<!tpu.dma_semaphore, #tpu.memory_space<semaphore_mem>>) src(%dma_wait3A_466 : memref<128x128xf32, #tpu.memory_space<vmem>>) dst(%dma_wait3A_462 : memref<128x128xf32, #tpu.memory_space<hbm>>)
    } else {
    }
    %ne3A_383 = arith.constant 0 : i32
    %ne3A_384 = arith.cmpi ne, %arg0, %ne3A_383 : i32
    %convert_element_type3A_385 = arith.extui %ne3A_384 : i1 to i32
    %cond3A_386 = arith.constant 0 : i32
    %cond3A_387 = arith.cmpi ne, %convert_element_type3A_385, %cond3A_386 : i32
    scf.if %cond3A_387 {
      %dma_wait3A_454 = arith.constant 0 : i32
      %dma_wait3A_455 = arith.constant 0 : i32
      %dma_wait3A_456 = arith.constant 0 : i32
      %dma_wait3A_457 = tpu.memref_slice %arg10[%dma_wait3A_454, %dma_wait3A_455, %dma_wait3A_456] : memref<2x128x128xf32, #tpu.memory_space<vmem>> -> memref<1x128x128xf32, #tpu.memory_space<vmem>>
      %dma_wait3A_458 = tpu.memref_squeeze %dma_wait3A_457 : memref<1x128x128xf32, #tpu.memory_space<vmem>> -> memref<128x128xf32, #tpu.memory_space<vmem>>
      %dma_wait3A_459 = arith.constant 0 : i32
      %dma_wait3A_460 = tpu.memref_slice %arg7[%add3A_377, %dma_wait3A_459] : memref<10240x128xf32, #tpu.memory_space<hbm>> -> memref<128x128xf32, #tpu.memory_space<hbm>>
      %dma_wait3A_461 = arith.constant 0 : i32
      %dma_wait3A_462 = tpu.memref_slice %arg7[%add3A_377, %dma_wait3A_461] : memref<10240x128xf32, #tpu.memory_space<hbm>> -> memref<128x128xf32, #tpu.memory_space<hbm>>
      %dma_wait3A_463 = arith.constant 0 : i32
      %dma_wait3A_464 = arith.constant 0 : i32
      %dma_wait3A_465 = tpu.memref_slice %arg10[%dma_wait3A_454, %dma_wait3A_463, %dma_wait3A_464] : memref<2x128x128xf32, #tpu.memory_space<vmem>> -> memref<1x128x128xf32, #tpu.memory_space<vmem>>
      %dma_wait3A_466 = tpu.memref_squeeze %dma_wait3A_465 : memref<1x128x128xf32, #tpu.memory_space<vmem>> -> memref<128x128xf32, #tpu.memory_space<vmem>>
      tpu.wait_dma2 semaphore(%arg14 : memref<!tpu.dma_semaphore, #tpu.memory_space<semaphore_mem>>) src(%dma_wait3A_466 : memref<128x128xf32, #tpu.memory_space<vmem>>) dst(%dma_wait3A_462 : memref<128x128xf32, #tpu.memory_space<hbm>>)
    } else {
    }
    %add3A_388 = arith.constant 512 : i32
    %add3A_389 = arith.addi %mul3A_2, %add3A_388 : i32
    %dma_start3A_390 = arith.constant 0 : i32
    %dma_start3A_391 = arith.constant 0 : i32
    %dma_start3A_392 = arith.constant 0 : i32
    %dma_start3A_393 = tpu.memref_slice %arg10[%dma_start3A_390, %dma_start3A_391, %dma_start3A_392] : memref<2x128x128xf32, #tpu.memory_space<vmem>> -> memref<1x128x128xf32, #tpu.memory_space<vmem>>
    %dma_start3A_394 = tpu.memref_squeeze %dma_start3A_393 : memref<1x128x128xf32, #tpu.memory_space<vmem>> -> memref<128x128xf32, #tpu.memory_space<vmem>>
    %dma_start3A_395 = arith.constant 0 : i32
    %dma_start3A_396 = tpu.memref_slice %arg11[%add3A_389, %dma_start3A_395] : memref<10240x128xf32, #tpu.memory_space<vmem_shared>> -> memref<128x128xf32, #tpu.memory_space<vmem_shared>>
    %dma_start3A_397 = arith.constant 0 : i32
    %dma_start3A_398 = arith.constant 0 : i32
    %dma_start3A_399 = tpu.memref_slice %arg10[%dma_start3A_390, %dma_start3A_397, %dma_start3A_398] : memref<2x128x128xf32, #tpu.memory_space<vmem>> -> memref<1x128x128xf32, #tpu.memory_space<vmem>>
    %dma_start3A_400 = tpu.memref_squeeze %dma_start3A_399 : memref<1x128x128xf32, #tpu.memory_space<vmem>> -> memref<128x128xf32, #tpu.memory_space<vmem>>
    %dma_start3A_401 = arith.constant 0 : i32
    %dma_start3A_402 = tpu.memref_slice %arg11[%add3A_389, %dma_start3A_401] : memref<10240x128xf32, #tpu.memory_space<vmem_shared>> -> memref<128x128xf32, #tpu.memory_space<vmem_shared>>
    tpu.enqueue_dma source(%dma_start3A_402 : memref<128x128xf32, #tpu.memory_space<vmem_shared>>) target(%dma_start3A_400 : memref<128x128xf32, #tpu.memory_space<vmem>>) target_semaphore(%arg12 : memref<!tpu.dma_semaphore, #tpu.memory_space<semaphore_mem>>)
    %add3A_403 = arith.constant 512 : i32
    %add3A_404 = arith.addi %mul3A_2, %add3A_403 : i32
    %dma_wait3A_405 = arith.constant 0 : i32
    %dma_wait3A_406 = arith.constant 0 : i32
    %dma_wait3A_407 = arith.constant 0 : i32
    %dma_wait3A_408 = tpu.memref_slice %arg10[%dma_wait3A_405, %dma_wait3A_406, %dma_wait3A_407] : memref<2x128x128xf32, #tpu.memory_space<vmem>> -> memref<1x128x128xf32, #tpu.memory_space<vmem>>
    %dma_wait3A_409 = tpu.memref_squeeze %dma_wait3A_408 : memref<1x128x128xf32, #tpu.memory_space<vmem>> -> memref<128x128xf32, #tpu.memory_space<vmem>>
    %dma_wait3A_410 = arith.constant 0 : i32
    %dma_wait3A_411 = tpu.memref_slice %arg11[%add3A_404, %dma_wait3A_410] : memref<10240x128xf32, #tpu.memory_space<vmem_shared>> -> memref<128x128xf32, #tpu.memory_space<vmem_shared>>
    %dma_wait3A_412 = arith.constant 0 : i32
    %dma_wait3A_413 = arith.constant 0 : i32
    %dma_wait3A_414 = tpu.memref_slice %arg10[%dma_wait3A_405, %dma_wait3A_412, %dma_wait3A_413] : memref<2x128x128xf32, #tpu.memory_space<vmem>> -> memref<1x128x128xf32, #tpu.memory_space<vmem>>
    %dma_wait3A_415 = tpu.memref_squeeze %dma_wait3A_414 : memref<1x128x128xf32, #tpu.memory_space<vmem>> -> memref<128x128xf32, #tpu.memory_space<vmem>>
    %dma_wait3A_416 = arith.constant 0 : i32
    %dma_wait3A_417 = tpu.memref_slice %arg11[%add3A_404, %dma_wait3A_416] : memref<10240x128xf32, #tpu.memory_space<vmem_shared>> -> memref<128x128xf32, #tpu.memory_space<vmem_shared>>
    tpu.wait_dma2 semaphore(%arg12 : memref<!tpu.dma_semaphore, #tpu.memory_space<semaphore_mem>>) src(%dma_wait3A_417 : memref<128x128xf32, #tpu.memory_space<vmem_shared>>) dst(%dma_wait3A_415 : memref<128x128xf32, #tpu.memory_space<vmem>>)
    %add3A_418 = arith.constant 512 : i32
    %add3A_419 = arith.addi %mul3A_2, %add3A_418 : i32
    %eq3A_420 = arith.constant 0 : i32
    %eq3A_421 = arith.cmpi eq, %arg0, %eq3A_420 : i32
    %convert_element_type3A_422 = arith.extui %eq3A_421 : i1 to i32
    %cond3A_423 = arith.constant 0 : i32
    %cond3A_424 = arith.cmpi ne, %convert_element_type3A_422, %cond3A_423 : i32
    scf.if %cond3A_424 {
      %dma_start3A_454 = arith.constant 0 : i32
      %dma_start3A_455 = arith.constant 0 : i32
      %dma_start3A_456 = arith.constant 0 : i32
      %dma_start3A_457 = tpu.memref_slice %arg10[%dma_start3A_454, %dma_start3A_455, %dma_start3A_456] : memref<2x128x128xf32, #tpu.memory_space<vmem>> -> memref<1x128x128xf32, #tpu.memory_space<vmem>>
      %dma_start3A_458 = tpu.memref_squeeze %dma_start3A_457 : memref<1x128x128xf32, #tpu.memory_space<vmem>> -> memref<128x128xf32, #tpu.memory_space<vmem>>
      %dma_start3A_459 = arith.constant 0 : i32
      %dma_start3A_460 = tpu.memref_slice %arg6[%add3A_419, %dma_start3A_459] : memref<10240x128xf32, #tpu.memory_space<hbm>> -> memref<128x128xf32, #tpu.memory_space<hbm>>
      %dma_start3A_461 = arith.constant 0 : i32
      %dma_start3A_462 = tpu.memref_slice %arg6[%add3A_419, %dma_start3A_461] : memref<10240x128xf32, #tpu.memory_space<hbm>> -> memref<128x128xf32, #tpu.memory_space<hbm>>
      %dma_start3A_463 = arith.constant 0 : i32
      %dma_start3A_464 = arith.constant 0 : i32
      %dma_start3A_465 = tpu.memref_slice %arg10[%dma_start3A_454, %dma_start3A_463, %dma_start3A_464] : memref<2x128x128xf32, #tpu.memory_space<vmem>> -> memref<1x128x128xf32, #tpu.memory_space<vmem>>
      %dma_start3A_466 = tpu.memref_squeeze %dma_start3A_465 : memref<1x128x128xf32, #tpu.memory_space<vmem>> -> memref<128x128xf32, #tpu.memory_space<vmem>>
      tpu.enqueue_dma source(%dma_start3A_466 : memref<128x128xf32, #tpu.memory_space<vmem>>) target(%dma_start3A_462 : memref<128x128xf32, #tpu.memory_space<hbm>>) target_semaphore(%arg14 : memref<!tpu.dma_semaphore, #tpu.memory_space<semaphore_mem>>)
    } else {
    }
    %ne3A_425 = arith.constant 0 : i32
    %ne3A_426 = arith.cmpi ne, %arg0, %ne3A_425 : i32
    %convert_element_type3A_427 = arith.extui %ne3A_426 : i1 to i32
    %cond3A_428 = arith.constant 0 : i32
    %cond3A_429 = arith.cmpi ne, %convert_element_type3A_427, %cond3A_428 : i32
    scf.if %cond3A_429 {
      %dma_start3A_454 = arith.constant 0 : i32
      %dma_start3A_455 = arith.constant 0 : i32
      %dma_start3A_456 = arith.constant 0 : i32
      %dma_start3A_457 = tpu.memref_slice %arg10[%dma_start3A_454, %dma_start3A_455, %dma_start3A_456] : memref<2x128x128xf32, #tpu.memory_space<vmem>> -> memref<1x128x128xf32, #tpu.memory_space<vmem>>
      %dma_start3A_458 = tpu.memref_squeeze %dma_start3A_457 : memref<1x128x128xf32, #tpu.memory_space<vmem>> -> memref<128x128xf32, #tpu.memory_space<vmem>>
      %dma_start3A_459 = arith.constant 0 : i32
      %dma_start3A_460 = tpu.memref_slice %arg7[%add3A_419, %dma_start3A_459] : memref<10240x128xf32, #tpu.memory_space<hbm>> -> memref<128x128xf32, #tpu.memory_space<hbm>>
      %dma_start3A_461 = arith.constant 0 : i32
      %dma_start3A_462 = tpu.memref_slice %arg7[%add3A_419, %dma_start3A_461] : memref<10240x128xf32, #tpu.memory_space<hbm>> -> memref<128x128xf32, #tpu.memory_space<hbm>>
      %dma_start3A_463 = arith.constant 0 : i32
      %dma_start3A_464 = arith.constant 0 : i32
      %dma_start3A_465 = tpu.memref_slice %arg10[%dma_start3A_454, %dma_start3A_463, %dma_start3A_464] : memref<2x128x128xf32, #tpu.memory_space<vmem>> -> memref<1x128x128xf32, #tpu.memory_space<vmem>>
      %dma_start3A_466 = tpu.memref_squeeze %dma_start3A_465 : memref<1x128x128xf32, #tpu.memory_space<vmem>> -> memref<128x128xf32, #tpu.memory_space<vmem>>
      tpu.enqueue_dma source(%dma_start3A_466 : memref<128x128xf32, #tpu.memory_space<vmem>>) target(%dma_start3A_462 : memref<128x128xf32, #tpu.memory_space<hbm>>) target_semaphore(%arg14 : memref<!tpu.dma_semaphore, #tpu.memory_space<semaphore_mem>>)
    } else {
    }
    %add3A_430 = arith.constant 384 : i32
    %add3A_431 = arith.addi %mul3A_2, %add3A_430 : i32
    %eq3A_432 = arith.constant 0 : i32
    %eq3A_433 = arith.cmpi eq, %arg0, %eq3A_432 : i32
    %convert_element_type3A_434 = arith.extui %eq3A_433 : i1 to i32
    %cond3A_435 = arith.constant 0 : i32
    %cond3A_436 = arith.cmpi ne, %convert_element_type3A_434, %cond3A_435 : i32
    scf.if %cond3A_436 {
      %dma_wait3A_454 = arith.constant 1 : i32
      %dma_wait3A_455 = arith.constant 0 : i32
      %dma_wait3A_456 = arith.constant 0 : i32
      %dma_wait3A_457 = tpu.memref_slice %arg10[%dma_wait3A_454, %dma_wait3A_455, %dma_wait3A_456] : memref<2x128x128xf32, #tpu.memory_space<vmem>> -> memref<1x128x128xf32, #tpu.memory_space<vmem>>
      %dma_wait3A_458 = tpu.memref_squeeze %dma_wait3A_457 : memref<1x128x128xf32, #tpu.memory_space<vmem>> -> memref<128x128xf32, #tpu.memory_space<vmem>>
      %dma_wait3A_459 = arith.constant 0 : i32
      %dma_wait3A_460 = tpu.memref_slice %arg6[%add3A_431, %dma_wait3A_459] : memref<10240x128xf32, #tpu.memory_space<hbm>> -> memref<128x128xf32, #tpu.memory_space<hbm>>
      %dma_wait3A_461 = arith.constant 0 : i32
      %dma_wait3A_462 = tpu.memref_slice %arg6[%add3A_431, %dma_wait3A_461] : memref<10240x128xf32, #tpu.memory_space<hbm>> -> memref<128x128xf32, #tpu.memory_space<hbm>>
      %dma_wait3A_463 = arith.constant 0 : i32
      %dma_wait3A_464 = arith.constant 0 : i32
      %dma_wait3A_465 = tpu.memref_slice %arg10[%dma_wait3A_454, %dma_wait3A_463, %dma_wait3A_464] : memref<2x128x128xf32, #tpu.memory_space<vmem>> -> memref<1x128x128xf32, #tpu.memory_space<vmem>>
      %dma_wait3A_466 = tpu.memref_squeeze %dma_wait3A_465 : memref<1x128x128xf32, #tpu.memory_space<vmem>> -> memref<128x128xf32, #tpu.memory_space<vmem>>
      tpu.wait_dma2 semaphore(%arg15 : memref<!tpu.dma_semaphore, #tpu.memory_space<semaphore_mem>>) src(%dma_wait3A_466 : memref<128x128xf32, #tpu.memory_space<vmem>>) dst(%dma_wait3A_462 : memref<128x128xf32, #tpu.memory_space<hbm>>)
    } else {
    }
    %ne3A_437 = arith.constant 0 : i32
    %ne3A_438 = arith.cmpi ne, %arg0, %ne3A_437 : i32
    %convert_element_type3A_439 = arith.extui %ne3A_438 : i1 to i32
    %cond3A_440 = arith.constant 0 : i32
    %cond3A_441 = arith.cmpi ne, %convert_element_type3A_439, %cond3A_440 : i32
    scf.if %cond3A_441 {
      %dma_wait3A_454 = arith.constant 1 : i32
      %dma_wait3A_455 = arith.constant 0 : i32
      %dma_wait3A_456 = arith.constant 0 : i32
      %dma_wait3A_457 = tpu.memref_slice %arg10[%dma_wait3A_454, %dma_wait3A_455, %dma_wait3A_456] : memref<2x128x128xf32, #tpu.memory_space<vmem>> -> memref<1x128x128xf32, #tpu.memory_space<vmem>>
      %dma_wait3A_458 = tpu.memref_squeeze %dma_wait3A_457 : memref<1x128x128xf32, #tpu.memory_space<vmem>> -> memref<128x128xf32, #tpu.memory_space<vmem>>
      %dma_wait3A_459 = arith.constant 0 : i32
      %dma_wait3A_460 = tpu.memref_slice %arg7[%add3A_431, %dma_wait3A_459] : memref<10240x128xf32, #tpu.memory_space<hbm>> -> memref<128x128xf32, #tpu.memory_space<hbm>>
      %dma_wait3A_461 = arith.constant 0 : i32
      %dma_wait3A_462 = tpu.memref_slice %arg7[%add3A_431, %dma_wait3A_461] : memref<10240x128xf32, #tpu.memory_space<hbm>> -> memref<128x128xf32, #tpu.memory_space<hbm>>
      %dma_wait3A_463 = arith.constant 0 : i32
      %dma_wait3A_464 = arith.constant 0 : i32
      %dma_wait3A_465 = tpu.memref_slice %arg10[%dma_wait3A_454, %dma_wait3A_463, %dma_wait3A_464] : memref<2x128x128xf32, #tpu.memory_space<vmem>> -> memref<1x128x128xf32, #tpu.memory_space<vmem>>
      %dma_wait3A_466 = tpu.memref_squeeze %dma_wait3A_465 : memref<1x128x128xf32, #tpu.memory_space<vmem>> -> memref<128x128xf32, #tpu.memory_space<vmem>>
      tpu.wait_dma2 semaphore(%arg15 : memref<!tpu.dma_semaphore, #tpu.memory_space<semaphore_mem>>) src(%dma_wait3A_466 : memref<128x128xf32, #tpu.memory_space<vmem>>) dst(%dma_wait3A_462 : memref<128x128xf32, #tpu.memory_space<hbm>>)
    } else {
    }
    %add3A_442 = arith.constant 512 : i32
    %add3A_443 = arith.addi %mul3A_2, %add3A_442 : i32
    %eq3A_444 = arith.constant 0 : i32
    %eq3A_445 = arith.cmpi eq, %arg0, %eq3A_444 : i32
    %convert_element_type3A_446 = arith.extui %eq3A_445 : i1 to i32
    %cond3A_447 = arith.constant 0 : i32
    %cond3A_448 = arith.cmpi ne, %convert_element_type3A_446, %cond3A_447 : i32
    scf.if %cond3A_448 {
      %dma_wait3A_454 = arith.constant 0 : i32
      %dma_wait3A_455 = arith.constant 0 : i32
      %dma_wait3A_456 = arith.constant 0 : i32
      %dma_wait3A_457 = tpu.memref_slice %arg10[%dma_wait3A_454, %dma_wait3A_455, %dma_wait3A_456] : memref<2x128x128xf32, #tpu.memory_space<vmem>> -> memref<1x128x128xf32, #tpu.memory_space<vmem>>
      %dma_wait3A_458 = tpu.memref_squeeze %dma_wait3A_457 : memref<1x128x128xf32, #tpu.memory_space<vmem>> -> memref<128x128xf32, #tpu.memory_space<vmem>>
      %dma_wait3A_459 = arith.constant 0 : i32
      %dma_wait3A_460 = tpu.memref_slice %arg6[%add3A_443, %dma_wait3A_459] : memref<10240x128xf32, #tpu.memory_space<hbm>> -> memref<128x128xf32, #tpu.memory_space<hbm>>
      %dma_wait3A_461 = arith.constant 0 : i32
      %dma_wait3A_462 = tpu.memref_slice %arg6[%add3A_443, %dma_wait3A_461] : memref<10240x128xf32, #tpu.memory_space<hbm>> -> memref<128x128xf32, #tpu.memory_space<hbm>>
      %dma_wait3A_463 = arith.constant 0 : i32
      %dma_wait3A_464 = arith.constant 0 : i32
      %dma_wait3A_465 = tpu.memref_slice %arg10[%dma_wait3A_454, %dma_wait3A_463, %dma_wait3A_464] : memref<2x128x128xf32, #tpu.memory_space<vmem>> -> memref<1x128x128xf32, #tpu.memory_space<vmem>>
      %dma_wait3A_466 = tpu.memref_squeeze %dma_wait3A_465 : memref<1x128x128xf32, #tpu.memory_space<vmem>> -> memref<128x128xf32, #tpu.memory_space<vmem>>
      tpu.wait_dma2 semaphore(%arg14 : memref<!tpu.dma_semaphore, #tpu.memory_space<semaphore_mem>>) src(%dma_wait3A_466 : memref<128x128xf32, #tpu.memory_space<vmem>>) dst(%dma_wait3A_462 : memref<128x128xf32, #tpu.memory_space<hbm>>)
    } else {
    }
    %ne3A_449 = arith.constant 0 : i32
    %ne3A_450 = arith.cmpi ne, %arg0, %ne3A_449 : i32
    %convert_element_type3A_451 = arith.extui %ne3A_450 : i1 to i32
    %cond3A_452 = arith.constant 0 : i32
    %cond3A_453 = arith.cmpi ne, %convert_element_type3A_451, %cond3A_452 : i32
    scf.if %cond3A_453 {
      %dma_wait3A_454 = arith.constant 0 : i32
      %dma_wait3A_455 = arith.constant 0 : i32
      %dma_wait3A_456 = arith.constant 0 : i32
      %dma_wait3A_457 = tpu.memref_slice %arg10[%dma_wait3A_454, %dma_wait3A_455, %dma_wait3A_456] : memref<2x128x128xf32, #tpu.memory_space<vmem>> -> memref<1x128x128xf32, #tpu.memory_space<vmem>>
      %dma_wait3A_458 = tpu.memref_squeeze %dma_wait3A_457 : memref<1x128x128xf32, #tpu.memory_space<vmem>> -> memref<128x128xf32, #tpu.memory_space<vmem>>
      %dma_wait3A_459 = arith.constant 0 : i32
      %dma_wait3A_460 = tpu.memref_slice %arg7[%add3A_443, %dma_wait3A_459] : memref<10240x128xf32, #tpu.memory_space<hbm>> -> memref<128x128xf32, #tpu.memory_space<hbm>>
      %dma_wait3A_461 = arith.constant 0 : i32
      %dma_wait3A_462 = tpu.memref_slice %arg7[%add3A_443, %dma_wait3A_461] : memref<10240x128xf32, #tpu.memory_space<hbm>> -> memref<128x128xf32, #tpu.memory_space<hbm>>
      %dma_wait3A_463 = arith.constant 0 : i32
      %dma_wait3A_464 = arith.constant 0 : i32
      %dma_wait3A_465 = tpu.memref_slice %arg10[%dma_wait3A_454, %dma_wait3A_463, %dma_wait3A_464] : memref<2x128x128xf32, #tpu.memory_space<vmem>> -> memref<1x128x128xf32, #tpu.memory_space<vmem>>
      %dma_wait3A_466 = tpu.memref_squeeze %dma_wait3A_465 : memref<1x128x128xf32, #tpu.memory_space<vmem>> -> memref<128x128xf32, #tpu.memory_space<vmem>>
      tpu.wait_dma2 semaphore(%arg14 : memref<!tpu.dma_semaphore, #tpu.memory_space<semaphore_mem>>) src(%dma_wait3A_466 : memref<128x128xf32, #tpu.memory_space<vmem>>) dst(%dma_wait3A_462 : memref<128x128xf32, #tpu.memory_space<hbm>>)
    } else {
    }
    return
  }
}

module attributes {stable_mosaic.version = 14 : i64} {
  func.func @body(%arg0: i32, %arg1: memref<2000x128xf32, #tpu.memory_space<vmem>>, %arg2: memref<2000x128xf32, #tpu.memory_space<vmem>>, %arg3: memref<2000x128xf32, #tpu.memory_space<vmem>>, %arg4: memref<128x128xf32, #tpu.memory_space<vmem>>, %arg5: memref<1x128xf32, #tpu.memory_space<vmem>>, %arg6: memref<2000x128xf32, #tpu.memory_space<vmem>>) attributes {dimension_semantics = [#tpu.dimension_semantics<arbitrary>], iteration_bounds = array<i64: 5>, scalar_prefetch = 0 : i64, scratch_operands = 0 : i64, tpu.core_type = #tpu.core_type<tc>, window_params = [{transform_indices = @transform_0, window_bounds = array<i64: 2000, 128>}, {transform_indices = @transform_1, window_bounds = array<i64: 2000, 128>}, {transform_indices = @transform_2, window_bounds = array<i64: 2000, 128>}, {pipeline_mode = #tpu.pipeline_mode<synchronous>, transform_indices = @transform_3, window_bounds = array<i64: 128, 128>}, {pipeline_mode = #tpu.pipeline_mode<synchronous>, transform_indices = @transform_4, window_bounds = array<i64: 1, 128>}, {transform_indices = @transform_5, window_bounds = array<i64: 2000, 128>}]} {
    %get3A = arith.constant 0 : index
    %get3A_0 = arith.constant 0 : index
    %get3A_1 = vector.load %arg1[%get3A, %get3A_0] : memref<2000x128xf32, #tpu.memory_space<vmem>>, vector<2000x128xf32>
    %get3A_2 = arith.constant 0 : index
    %get3A_3 = arith.constant 0 : index
    %get3A_4 = vector.load %arg2[%get3A_2, %get3A_3] : memref<2000x128xf32, #tpu.memory_space<vmem>>, vector<2000x128xf32>
    %add3A = arith.addf %get3A_1, %get3A_4 : vector<2000x128xf32>
    %get3A_5 = arith.constant 0 : index
    %get3A_6 = arith.constant 0 : index
    %get3A_7 = vector.load %arg3[%get3A_5, %get3A_6] : memref<2000x128xf32, #tpu.memory_space<vmem>>, vector<2000x128xf32>
    %add3A_8 = arith.addf %add3A, %get3A_7 : vector<2000x128xf32>
    %get3A_9 = arith.constant 0 : index
    %get3A_10 = arith.constant 0 : index
    %get3A_11 = vector.load %arg4[%get3A_9, %get3A_10] : memref<128x128xf32, #tpu.memory_space<vmem>>, vector<128x128xf32>
    %dot_general3A = arith.constant dense<0.000000e+00> : vector<2000x128xf32>
    %dot_general3A_12 = tpu.matmul %add3A_8, %get3A_11, %dot_general3A {dimension_numbers = #tpu.dot_dimension_numbers<[1], [0], [0], [1], [0, 0, 1, 1], [], []>, transpose_lhs_hint = false} : vector<2000x128xf32>, vector<128x128xf32>, vector<2000x128xf32> -> vector<2000x128xf32>
    %get3A_13 = arith.constant 0 : index
    %get3A_14 = arith.constant 0 : index
    %get3A_15 = vector.load %arg5[%get3A_13, %get3A_14] : memref<1x128xf32, #tpu.memory_space<vmem>>, vector<1x128xf32>
    %add3A_16 = vector.broadcast %get3A_15 : vector<1x128xf32> to vector<2000x128xf32>
    %add3A_17 = arith.addf %dot_general3A_12, %add3A_16 : vector<2000x128xf32>
    %gt3A = arith.constant 0.000000e+00 : f32
    %gt3A_18 = vector.broadcast %gt3A : f32 to vector<2000x128xf32>
    %gt3A_19 = arith.cmpf ogt, %add3A_17, %gt3A_18 : vector<2000x128xf32>
    %exp3A = math.exp %add3A_17 : vector<2000x128xf32>
    %sub3A = arith.constant 1.000000e+00 : f32
    %sub3A_20 = vector.broadcast %sub3A : f32 to vector<2000x128xf32>
    %sub3A_21 = arith.subf %exp3A, %sub3A_20 : vector<2000x128xf32>
    %select_n3A = arith.select %gt3A_19, %add3A_17, %sub3A_21 : vector<2000x128xi1>, vector<2000x128xf32>
    %swap3A = arith.constant 0 : index
    %swap3A_22 = arith.constant 0 : index
    %swap3A_23 = vector.load %arg6[%swap3A, %swap3A_22] : memref<2000x128xf32, #tpu.memory_space<vmem>>, vector<2000x128xf32>
    tpu.vector_store %arg6[%swap3A, %swap3A_22], %select_n3A {strides = array<i32>} : memref<2000x128xf32, #tpu.memory_space<vmem>>, vector<2000x128xf32>,
    return
  }
  func.func @transform_0(%arg0: i32) -> (i32, i32) {
    %c0_i32 = arith.constant 0 : i32
    %c0_i32_0 = arith.constant 0 : i32
    return %arg0, %c0_i32 : i32, i32
  }
  func.func @transform_1(%arg0: i32) -> (i32, i32) {
    %c0_i32 = arith.constant 0 : i32
    %c0_i32_0 = arith.constant 0 : i32
    return %arg0, %c0_i32 : i32, i32
  }
  func.func @transform_2(%arg0: i32) -> (i32, i32) {
    %c0_i32 = arith.constant 0 : i32
    %c0_i32_0 = arith.constant 0 : i32
    return %arg0, %c0_i32 : i32, i32
  }
  func.func @transform_3(%arg0: i32) -> (i32, i32) {
    %c0_i32 = arith.constant 0 : i32
    %c0_i32_0 = arith.constant 0 : i32
    %c0_i32_1 = arith.constant 0 : i32
    return %c0_i32, %c0_i32_0 : i32, i32
  }
  func.func @transform_4(%arg0: i32) -> (i32, i32) {
    %c0_i32 = arith.constant 0 : i32
    %c0_i32_0 = arith.constant 0 : i32
    %c0_i32_1 = arith.constant 0 : i32
    return %c0_i32, %c0_i32_0 : i32, i32
  }
  func.func @transform_5(%arg0: i32) -> (i32, i32) {
    %c0_i32 = arith.constant 0 : i32
    %c0_i32_0 = arith.constant 0 : i32
    return %arg0, %c0_i32 : i32, i32
  }
}

module attributes {stable_mosaic.version = 14 : i64} {
  func.func @body(%arg0: i32, %arg1: memref<2000x128xf32, #tpu.memory_space<vmem>>, %arg2: memref<2000x128xf32, #tpu.memory_space<vmem>>, %arg3: memref<2000x128xf32, #tpu.memory_space<vmem>>, %arg4: memref<128x64xf32, #tpu.memory_space<vmem>>, %arg5: memref<1x64xf32, #tpu.memory_space<vmem>>, %arg6: memref<2000x64xf32, #tpu.memory_space<vmem>>) attributes {dimension_semantics = [#tpu.dimension_semantics<arbitrary>], iteration_bounds = array<i64: 5>, scalar_prefetch = 0 : i64, scratch_operands = 0 : i64, tpu.core_type = #tpu.core_type<tc>, window_params = [{transform_indices = @transform_0, window_bounds = array<i64: 2000, 128>}, {transform_indices = @transform_1, window_bounds = array<i64: 2000, 128>}, {transform_indices = @transform_2, window_bounds = array<i64: 2000, 128>}, {pipeline_mode = #tpu.pipeline_mode<synchronous>, transform_indices = @transform_3, window_bounds = array<i64: 128, 64>}, {pipeline_mode = #tpu.pipeline_mode<synchronous>, transform_indices = @transform_4, window_bounds = array<i64: 1, 64>}, {transform_indices = @transform_5, window_bounds = array<i64: 2000, 64>}]} {
    %get3A = arith.constant 0 : index
    %get3A_0 = arith.constant 0 : index
    %get3A_1 = vector.load %arg1[%get3A, %get3A_0] : memref<2000x128xf32, #tpu.memory_space<vmem>>, vector<2000x128xf32>
    %get3A_2 = arith.constant 0 : index
    %get3A_3 = arith.constant 0 : index
    %get3A_4 = vector.load %arg2[%get3A_2, %get3A_3] : memref<2000x128xf32, #tpu.memory_space<vmem>>, vector<2000x128xf32>
    %add3A = arith.addf %get3A_1, %get3A_4 : vector<2000x128xf32>
    %get3A_5 = arith.constant 0 : index
    %get3A_6 = arith.constant 0 : index
    %get3A_7 = vector.load %arg3[%get3A_5, %get3A_6] : memref<2000x128xf32, #tpu.memory_space<vmem>>, vector<2000x128xf32>
    %add3A_8 = arith.addf %add3A, %get3A_7 : vector<2000x128xf32>
    %get3A_9 = arith.constant 0 : index
    %get3A_10 = arith.constant 0 : index
    %get3A_11 = vector.load %arg4[%get3A_9, %get3A_10] : memref<128x64xf32, #tpu.memory_space<vmem>>, vector<128x64xf32>
    %dot_general3A = arith.constant dense<0.000000e+00> : vector<2000x64xf32>
    %dot_general3A_12 = tpu.matmul %add3A_8, %get3A_11, %dot_general3A {dimension_numbers = #tpu.dot_dimension_numbers<[1], [0], [0], [1], [0, 0, 1, 1], [], []>, transpose_lhs_hint = false} : vector<2000x128xf32>, vector<128x64xf32>, vector<2000x64xf32> -> vector<2000x64xf32>
    %get3A_13 = arith.constant 0 : index
    %get3A_14 = arith.constant 0 : index
    %get3A_15 = vector.load %arg5[%get3A_13, %get3A_14] : memref<1x64xf32, #tpu.memory_space<vmem>>, vector<1x64xf32>
    %add3A_16 = vector.broadcast %get3A_15 : vector<1x64xf32> to vector<2000x64xf32>
    %add3A_17 = arith.addf %dot_general3A_12, %add3A_16 : vector<2000x64xf32>
    %gt3A = arith.constant 0.000000e+00 : f32
    %gt3A_18 = vector.broadcast %gt3A : f32 to vector<2000x64xf32>
    %gt3A_19 = arith.cmpf ogt, %add3A_17, %gt3A_18 : vector<2000x64xf32>
    %exp3A = math.exp %add3A_17 : vector<2000x64xf32>
    %sub3A = arith.constant 1.000000e+00 : f32
    %sub3A_20 = vector.broadcast %sub3A : f32 to vector<2000x64xf32>
    %sub3A_21 = arith.subf %exp3A, %sub3A_20 : vector<2000x64xf32>
    %select_n3A = arith.select %gt3A_19, %add3A_17, %sub3A_21 : vector<2000x64xi1>, vector<2000x64xf32>
    %swap3A = arith.constant 0 : index
    %swap3A_22 = arith.constant 0 : index
    %swap3A_23 = vector.load %arg6[%swap3A, %swap3A_22] : memref<2000x64xf32, #tpu.memory_space<vmem>>, vector<2000x64xf32>
    tpu.vector_store %arg6[%swap3A, %swap3A_22], %select_n3A {strides = array<i32>} : memref<2000x64xf32, #tpu.memory_space<vmem>>, vector<2000x64xf32>,
    return
  }
  func.func @transform_0(%arg0: i32) -> (i32, i32) {
    %c0_i32 = arith.constant 0 : i32
    %c0_i32_0 = arith.constant 0 : i32
    return %arg0, %c0_i32 : i32, i32
  }
  func.func @transform_1(%arg0: i32) -> (i32, i32) {
    %c0_i32 = arith.constant 0 : i32
    %c0_i32_0 = arith.constant 0 : i32
    return %arg0, %c0_i32 : i32, i32
  }
  func.func @transform_2(%arg0: i32) -> (i32, i32) {
    %c0_i32 = arith.constant 0 : i32
    %c0_i32_0 = arith.constant 0 : i32
    return %arg0, %c0_i32 : i32, i32
  }
  func.func @transform_3(%arg0: i32) -> (i32, i32) {
    %c0_i32 = arith.constant 0 : i32
    %c0_i32_0 = arith.constant 0 : i32
    %c0_i32_1 = arith.constant 0 : i32
    return %c0_i32, %c0_i32_0 : i32, i32
  }
  func.func @transform_4(%arg0: i32) -> (i32, i32) {
    %c0_i32 = arith.constant 0 : i32
    %c0_i32_0 = arith.constant 0 : i32
    %c0_i32_1 = arith.constant 0 : i32
    return %c0_i32, %c0_i32_0 : i32, i32
  }
  func.func @transform_5(%arg0: i32) -> (i32, i32) {
    %c0_i32 = arith.constant 0 : i32
    %c0_i32_0 = arith.constant 0 : i32
    return %arg0, %c0_i32 : i32, i32
  }
}

</mosaic_0001>

<sc_bundles>
// kernel: kernel.6.cloned.1.call-start
scs
__scs_entry_jumppad:
0x0: {  	(pc) =	sbr.rel $0x88, $3  }
0x1: {  	(tag) =	ssettag $0x0;
	lr =	simm.s32 $0x1  }
0x2: {  	[smem:$0x3F9B] =	sst lr;
	_ =	strace $0xD0000000  }
0x3: {  	_ = 	snop  }
0x4: {  	_ = 	snop  }
0x5: {  	_ = 	snop  }
0x6: {  	_ = 	snop  }
0x7: {  	_ = 	snop  }
__scs_overlays_trampoline_lowered:
0x8: {  	[smem:$0x3FAA] =	sst s0  }
0x9: {  	[smem:$0x3FAB] =	sst s1  }
0xa: {  	[smem:$0x3FAC] =	sst s2  }
0xb: {  	[smem:$0x3FAD] =	sst s3  }
0xc: {  	[smem:$0x3FAE] =	sst s4  }
0xd: {  	[smem:$0x3FAF] =	sst s5  }
0xe: {  	[smem:$0x3FB0] =	sst s6  }
0xf: {  	[smem:$0x3FB1] =	sst s7  }
0x10: {  	[smem:$0x3FB2] =	sst s8  }
0x11: {  	[smem:$0x3FB3] =	sst s9;
	s0 =	simm.s32 @!p0 $0x0  }
0x12: {  	s1 =	sld [smem:$0x3F99];
	s0 =	simm.s32 @p0 $0x1  }
0x13: {  	[smem:$0x3FB4] =	sst s0;
	s0 =	simm.s32 @!p1 $0x0  }
0x14: {  	s2 =	sld [smem:$0x3F98];
	s0 =	simm.s32 @p1 $0x1  }
0x15: {  	[smem:$0x3FB5] =	sst s0;
	s0 =	simm.s32 @!p2 $0x0  }
0x16: {  	s3 =	sld [smem:$0x3FDB];
	s0 =	simm.s32 @p2 $0x1  }
0x17: {  	s4 =	simm.s32 $0x1BF5;
	[smem:$0x3FB7] =	sst s0  }
0x18: {  	s0 =	sld [smem:$0x3F9A];
	_ =	swait.ge [sflag:s4], $0x0  }
0x19: {  	s7 =	sld [smem:$0x3F9B]  }
0x1a: {  	s8 =	sadd.s32 $0xFFFFE003, lr  }
0x1b: {  	s9 =	sadd.s32 $0xFFFFFEF7, lr;
	s5 =	simm.s32 $0xFFFFFFFF;
	p2 =	slt.u32 s8, $0xFFFFF086  }
0x1c: {  	p1 =	slt.u32 s9, $0xF7A;
	s5 =	simm.s32 @!p2 $0x0  }
0x1d: {  	s5 =	simm.s32 @p1 $0x1;
	p0 =	seq.s32 s7, s2  }
0x1e: {  	s7 =	smul.u32 @!p0 $0xF7A, s2;
	p2 =	seq.s32 @!p0 s5, $0x0  }
0x1f: {  	s9 =	smul.u32 $0xF7A, s1;
	s8 =	simm.s32 @!p0 $0x1BF5;
	p2 =	por !p2, p0  }
0x20: {  	[sflag:s8] =	ssyncset.s32 @!p0 $0xFFFFF086;
	s6 =	sadd.s32 @!p0 s3, s7;
	s7 =	simm.s32 @!p0 $0x108  }
0x21: {  	s3 =	sadd.s32 s3, s9;
	s6 =	sadd.s32 @!p0 $0x88, s6;
	s7 =	simm.s32 @p2 $0x1082  }
0x22: {  	[simem:s7], [sflag:s8] =	dma.local @!p0 [hbm:s6], $0xF7A  }
0x23: {  	s9 =	sor.u32 $0xD0000000, s2;
	s6 =	simm.s32 $0x108;
	_ =	swait.ge @!p0 [sflag:s8], $0x0  }
0x24: {  	s3 =	sadd.s32 $0x88, s3;
	s6 =	simm.s32 @!p1 $0x1082;
	[sflag:s4] =	ssyncset.s32 $0xFFFFF086  }
0x25: {  	[simem:s6], [sflag:s4] =	dma.local [hbm:s3], $0xF7A  }
0x26: {  	[smem:$0x3F9B] =	sst s1;
	(tag) =	ssettag s2;
	_ =	strace s9  }
0x27: {  	s1 =	sld [smem:$0x3FAB]  }
0x28: {  	s2 =	sld [smem:$0x3FAC]  }
0x29: {  	s4 =	sld [smem:$0x3FAE]  }
0x2a: {  	p0 =	seq.s32 s5, $0x0;
	s5 =	sld [smem:$0x3FAF]  }
0x2b: {  	s6 =	sld [smem:$0x3FB0]  }
0x2c: {  	s7 =	sld [smem:$0x3FB1]  }
0x2d: {  	s3 =	simm.s32 $0x108;
	s8 =	sld [smem:$0x3FB2]  }
0x2e: {  	s3 =	simm.s32 @!p0 $0x1082;
	s9 =	sld [smem:$0x3FB3]  }
0x2f: {  	lr =	sadd.s32 s0, s3;
	s0 =	sld [smem:$0x3FAA]  }
0x30: {  	s3 =	sld [smem:$0x3FAD]  }
0x31: {  	[smem:$0x3FB6] =	sst s10  }
0x32: {  	s10 =	sld [smem:$0x3FB4];
	_ =	sdelay $0x3  }
0x33: {  	p0 =	seq.s32 s10, $0x1;
	s10 =	sld [smem:$0x3FB6];
	_ =	sdelay $0x3  }
0x34: {  	[smem:$0x3FB6] =	sst s10  }
0x35: {  	s10 =	sld [smem:$0x3FB5];
	_ =	sdelay $0x3  }
0x36: {  	p1 =	seq.s32 s10, $0x1;
	s10 =	sld [smem:$0x3FB6];
	_ =	sdelay $0x3  }
0x37: {  	[smem:$0x3FB6] =	sst s10  }
0x38: {  	s10 =	sld [smem:$0x3FB7]  }
0x39: {  	_ = 	snop;
	(pc) =	sbr.ind lr, $3  }
0x3a: {  	_ = 	snop  }
0x3b: {  	_ = 	snop  }
0x3c: {  	p2 =	seq.s32 s10, $0x1;
	s10 =	sld [smem:$0x3FB6]  }
0x3d: {  	_ =	shalt  }
0x3e: {  	_ =	shalt  }
0x3f: {  	_ =	shalt  }
0x40: {  	_ =	shalt  }
0x41: {  	_ =	shalt  }
0x42: {  	_ =	shalt  }
0x43: {  	_ =	shalt  }
0x44: {  	_ =	shalt  }
0x45: {  	_ =	shalt  }
0x46: {  	_ =	shalt  }
0x47: {  	_ =	shalt  }
0x48: {  	_ =	shalt  }
0x49: {  	_ =	shalt  }
0x4a: {  	_ =	shalt  }
0x4b: {  	_ =	shalt  }
0x4c: {  	_ =	shalt  }
0x4d: {  	_ =	shalt  }
0x4e: {  	_ =	shalt  }
0x4f: {  	_ =	shalt  }
0x50: {  	_ =	shalt  }
0x51: {  	_ =	shalt  }
0x52: {  	_ =	shalt  }
0x53: {  	_ =	shalt  }
0x54: {  	_ =	shalt  }
0x55: {  	_ =	shalt  }
0x56: {  	_ =	shalt  }
0x57: {  	_ =	shalt  }
0x58: {  	_ =	shalt  }
0x59: {  	_ =	shalt  }
0x5a: {  	_ =	shalt  }
0x5b: {  	_ =	shalt  }
0x5c: {  	_ =	shalt  }
0x5d: {  	_ =	shalt  }
0x5e: {  	_ =	shalt  }
0x5f: {  	_ =	shalt  }
0x60: {  	_ =	shalt  }
0x61: {  	_ =	shalt  }
0x62: {  	_ =	shalt  }
0x63: {  	_ =	shalt  }
0x64: {  	_ =	shalt  }
0x65: {  	_ =	shalt  }
0x66: {  	_ =	shalt  }
0x67: {  	_ =	shalt  }
0x68: {  	_ =	shalt  }
0x69: {  	_ =	shalt  }
0x6a: {  	_ =	shalt  }
0x6b: {  	_ =	shalt  }
0x6c: {  	_ =	shalt  }
0x6d: {  	_ =	shalt  }
0x6e: {  	_ =	shalt  }
0x6f: {  	_ =	shalt  }
0x70: {  	_ =	shalt  }
0x71: {  	_ =	shalt  }
0x72: {  	_ =	shalt  }
0x73: {  	_ =	shalt  }
0x74: {  	_ =	shalt  }
0x75: {  	_ =	shalt  }
0x76: {  	_ =	shalt  }
0x77: {  	_ =	shalt  }
0x78: {  	_ =	shalt  }
0x79: {  	_ =	shalt  }
0x7a: {  	_ =	shalt  }
0x7b: {  	_ =	shalt  }
0x7c: {  	_ =	shalt  }
0x7d: {  	_ =	shalt  }
0x7e: {  	_ =	shalt  }
0x7f: {  	_ =	shalt  }
0x80: {  	_ =	shalt  }
0x81: {  	_ =	shalt  }
0x82: {  	_ =	shalt  }
0x83: {  	_ =	shalt  }
0x84: {  	_ =	shalt  }
0x85: {  	_ =	shalt  }
0x86: {  	_ =	shalt  }
0x87: {  	_ =	shalt  }
.Lfunc_end0:
.L_simem_size_0:
called_computation_lowered:
.L_overlay_start_0:
0x88: {  	s2 =	sld [smem:$0x3FD9]  }
0x89: {  	s3 =	sld [smem:$0x3FFE];
	_ =	sdelay $0x1  }
0x8a: {  	s1 =	srdreg.scid  }
0x8b: {  	s0 =	sand.u32 $0x1, s1  }
0x8c: {  	s17 =	sshll.u32 s0, $0xA;
	s2 =	sadd.s32 s3, s2  }
0x8d: {  	s2 =	sadd.s32 s2, s17  }
0x8e: {  	[smem:$0x3FC2] =	sst s2  }
0x8f: {  	_ = 	snop  }
0x90: {  	s2 =	sld [smem:$0x3FC9]  }
0x91: {  	s18 =	sld [smem:$0x3FD0];
	(tm) =	ssettm $0x1  }
0x92: {  	s4 =	sld [smem:$0x3FFB];
	_ =	sdelay $0x3  }
0x93: {  	_ =	strace s4  }
0x94: {  	s4 =	sld [smem:$0x3FFC];
	_ =	sdelay $0x3  }
0x95: {  	_ =	strace s4  }
0x96: {  	s4 =	sld [smem:$0x3FFD];
	_ =	sdelay $0x3  }
0x97: {  	_ =	strace s4  }
0x98: {  	_ =	strace $0x8FFFFFFF  }
0x99: {  	s19 =	sld [smem:$0x3FDB];
	_ =	sdelay $0x1  }
0x9a: {  	s5 =	simm.s32 $_scs_section_size  }
0x9b: {  	s6 =	simm.s32 $_size__tile_overlayer_lowered;
	s7 =	simm.s32 $_tile_overlayer_lowered  }
0x9c: {  	s22 =	simm.s32 $0x1BFF;
	s21 =	sshll.u32 s7, $0x1;
	s4 =	sadd.s32 s5, s19  }
0x9d: {  	s8 =	simm.s32 $0x0;
	s20 =	sshll.u32 s6, $0x1;
	s6 =	sadd.s32 s21, s4  }
0x9e: {  	[timem:s8], [sflag:s22] =	dma.local [hbm:s6], s20  }
0x9f: {  	_ =	swait.ge [sflag:s22], s20  }
0xa0: {  	s5 =	ssub.s32 $0x0, s20;
	[sflag:s22] =	ssyncset.done $0x0  }
0xa1: {  	[sflag:s22] =	ssyncadd.s32 s5;
	_ =	sdelay $0x1  }
0xa2: {  	s23 =	simm.s32 $0x1B8B  }
0xa3: {  	_ =	swait.ge [sflag:s23], $0x1  }
0xa4: {  	[sflag:s23] =	ssyncset.done $0x0  }
0xa5: {  	s25 =	simm.s32 $0x1B8E;
	s24 =	sld [smem:$0x3FFE];
	[sflag:s23] =	ssyncadd.s32 $0xFFFFFFFF  }
0xa6: {  	s26 =	simm.s32 $execute0_lowered;
	[smem:$0x3FD2] =	sst s25  }
0xa7: {  	s6 =	sshll.u32 s26, $0x1;
	_ =	strace $0x80000046;
	[dreg:$0x1] =	wrdreg $0xFFFFFFFF  }
0xa8: {  	s28 =	simm.s32 $_size_execute0_lowered;
	s4 =	sadd.s32 s4, s6;
	[dreg:$0x0] =	wrdreg $0x0  }
0xa9: {  	s6 =	sshll.u32 s28, $0x1;
	[dreg:$0x2] =	wrdreg s4  }
0xaa: {  	[dreg:$0x3] =	wrdreg s6  }
0xab: {  	[dreg:$0x4] =	wrdreg $0xC0  }
0xac: {  	_ =	task [dreg:s8], $0x5FFFF  }
0xad: {  	[dreg:$0x1] =	wrdreg $0xFFFFFFFF  }
0xae: {  	[dreg:$0x0] =	wrdreg $0x60  }
0xaf: {  	[dreg:$0x2] =	wrdreg s2  }
0xb0: {  	[dreg:$0x3] =	wrdreg s18  }
0xb1: {  	[dreg:$0x4] =	wrdreg s24  }
0xb2: {  	[dreg:$0x5] =	wrdreg $0xA0000  }
0xb3: {  	[dreg:$0x6] =	wrdreg $0x9  }
0xb4: {  	_ =	task.clear_ibuf [dreg:s8], $0x7FFFF;
	_ =	strace $0x90000046  }
0xb5: {  	s29 =	simm.s32 $0x9;
	_ =	strace $0x80000048  }
0xb6: {  	_ =	swait.ge [sflag:s29], $0x1  }
0xb7: {  	[sflag:s29] =	ssyncadd.s32 $0xFFFFFFFF  }
0xb8: {  	_ =	strace $0x90000048  }
0xb9: {  	_ =	sfence  }
0xba: {  	s30 =	sld [smem:$0x0];
	_ =	sdelay $0x2  }
0xbb: {  	s31 =	sshll.u32 s1, $0xD;
	s1 =	sshrl.u32 s1, $0x2  }
0xbc: {  	s3 =	sand.u32 $0x4000, s31;
	s1 =	sadd.s32 s1, s30  }
0xbd: {  	s0 =	sor.u32 s3, s0;
	s1 =	sshll.u32 s1, $0x11  }
0xbe: {  	s0 =	sor.u32 s1, s0  }
0xbf: {  	s0 =	sadd.s32 $0x8F2B, s0  }
0xc0: {  	[sflag:s0] =	ssyncadd.remote.s32 $0x1  }
0xc1: {  	_ =	sfence.sel $0xFFFF  }
0xc2: {  	[dreg:$0x0] =	wrdreg $0xFFFFFFFF;
	(pc) =	sbr.abs _section_cstart, $3  }
0xc3: {  	[dreg:$0x1] =	wrdreg $0xFFFFFFFF  }
0xc4: {  	_ =	task.clear_ibuf [dreg:s8], $0x2FFFF;
	_ =	strace $0x9FFFFFFF  }
0xc5: {  	(tm) =	ssettm $0x7FFFFFFF  }
tec
execute0_lowered:
.L_overlay_start_1:
0x0: {  	(tag) =	ssettag $0x1  }
0x1: {  	s1 =	rddreg [dreg:$0x0]  }
0x2: {  	s2 =	rddreg [dreg:$0x1]  }
0x3: {  	s0 =	rddreg [dreg:$0x2]  }
0x4: {  	s3 =	rddreg [dreg:$0x3];
	s4 =	simm.s32 $0x0;
	s22 =	srdreg.scid  }
0x5: {  	s21 =	stileid.u32;
	s28 =	simm.s32 $0x3;
	s29 =	simm.s32 $0x1  }
0x6: {  	s30 =	simm.s32 $0x2;
	s31 =	simm.s32 $0x4;
	s11 =	smul.u32 $0x280, s21  }
0x7: {  	[smem:$0x7FF] =	sst s4;
	s5 =	sadd.s32 $0xC400, s0;
	s9 =	smul.u32 $0x50000, s21  }
0x8: {  	_ =	strace $0x80000047;
	[dreg:$0x5] =	wrdreg s5;
	s5 =	sand.u32 $0x1, s22  }
0x9: {  	s6 =	sadd.s32 $0x2400, s0;
	s7 =	sshll.u32 s21, $0x1;
	s8 =	ssub.s32 $0x2, s5  }
0xa: {  	s7 =	sor.u32 s5, s7;
	s16 =	sadd.s32 $0x80, s11;
	s9 =	sshrl.u32 s9, $0x2  }
0xb: {  	s18 =	sadd.s32 $0x100, s11;
	s19 =	sadd.s32 $0x180, s11;
	s20 =	sadd.s32 $0x200, s11  }
0xc: {  	p0 =	seq.s32 s5, $0x0;
	s10 =	sshrl.u32 s8, $0x1;
	s14 =	smul.u32 $0x500, s7  }
0xd: {  	s23 =	sshll.u32 s16, $0x7;
	s9 =	sadd.s32 s9, s3;
	s25 =	sshll.u32 s18, $0x7  }
0xe: {  	s12 =	sshll.u32 s19, $0x7;
	s13 =	sshll.u32 s20, $0x7;
	s15 =	smul.u32 $0x2800, s7  }
0xf: {  	s22 =	sshll.u32 s18, $0x4;
	s17 =	ssub.s32 s8, s10;
	s10 =	sadd.s32 s23, s3  }
0x10: {  	s11 =	sadd.s32 s25, s3;
	s12 =	sadd.s32 s12, s3;
	s13 =	sadd.s32 s13, s3  }
0x11: {  	s25 =	sshll.u32 s16, $0x4;
	s24 =	sadd.s32 s2, s14;
	s26 =	sadd.s32 s6, s14  }
0x12: {  	s14 =	smul.u32 $0x2800, s21;
	s21 =	simm.s32 $0xCC00;
	[dreg:$0x6] =	wrdreg s24  }
0x13: {  	s23 =	sshll.u32 s19, $0x4;
	[dreg:$0x7] =	wrdreg s26;
	s21 =	simm.s32 @!p0 $0x34C00  }
.Ltmp0:
0x14: {  	s26 =	smax.u32 s17, $0x1;
	s0 =	sadd.s32 s21, s0;
	(pc) =	sbr.rel .LBB2_1-.Ltmp0, $4  }
0x15: {  	s24 =	sshll.u32 s20, $0x4;
	[dreg:$0x8] =	wrdreg s26;
	s17 =	sadd.s32 s0, s14  }
0x16: {  	s18 =	sadd.s32 s0, s25;
	s19 =	sadd.s32 s0, s22;
	s20 =	sadd.s32 s0, s23  }
0x17: {  	s21 =	sadd.s32 s0, s24;
	s22 =	simm.s32 $0x6;
	s23 =	simm.s32 $0x80  }
0x18: {  	s24 =	simm.s32 $0x2000;
	s25 =	simm.s32 $0x6000;
	s0 =	simm.s32 $0x0  }
.LBB2_6:
0x19: {  	_ =	swait.ge [sflag:s31], $0x4000  }
0x1a: {  	[sflag:s31] =	ssyncset.done $0x0  }
0x1b: {  	[sflag:s31] =	ssyncadd.s32 $0xFFFFC000  }
0x1c: {  	[bflag:$0x0] =	sbarrier.arrive $0xFFFF  }
0x1d: {  	[tilespmem:s24], [sflag:$0x1] =	stream.linear.gather [spmem:s9], $0x4000, $0x38;
	[tilespmem:$0x1E000] =	vst v63  }
0x1e: {  	_ =	swait.ge [sflag:s29], $0x4000  }
0x1f: {  	[sflag:s29] =	ssyncset.done $0x0  }
0x20: {  	[sflag:s29] =	ssyncadd.s32 $0xFFFFC000  }
0x21: {  	[hbm4b:s17+s4] =	stream.linear.scatter [tilespmem:s24], [sflag:$0x3], $0x4000, $0x38;
	[tilespmem:$0x1E000] =	vst v63  }
0x22: {  	_ = 	snop  }
0x23: {  	[tilespmem:s25], [sflag:$0x2] =	stream.linear.gather [spmem:s10], $0x4000, $0x38;
	[tilespmem:$0x1E000] =	vst v63  }
0x24: {  	_ =	swait.ge [sflag:s30], $0x4000  }
0x25: {  	[sflag:s30] =	ssyncset.done $0x0  }
0x26: {  	[sflag:s30] =	ssyncadd.s32 $0xFFFFC000  }
0x27: {  	[hbm4b:s18+s4] =	stream.linear.scatter [tilespmem:s25], [sflag:$0x4], $0x4000, $0x38;
	[tilespmem:$0x1E000] =	vst v63  }
0x28: {  	_ =	swait.ge [sflag:s28], $0x4000  }
0x29: {  	[sflag:s28] =	ssyncset.done $0x0  }
0x2a: {  	[sflag:s28] =	ssyncadd.s32 $0xFFFFC000  }
0x2b: {  	[tilespmem:s24], [sflag:$0x1] =	stream.linear.gather [spmem:s11], $0x4000, $0x38;
	[tilespmem:$0x1E000] =	vst v63  }
0x2c: {  	_ =	swait.ge [sflag:s29], $0x4000  }
0x2d: {  	[sflag:s29] =	ssyncset.done $0x0  }
0x2e: {  	[sflag:s29] =	ssyncadd.s32 $0xFFFFC000  }
0x2f: {  	[hbm4b:s19+s4] =	stream.linear.scatter [tilespmem:s24], [sflag:$0x3], $0x4000, $0x38;
	[tilespmem:$0x1E000] =	vst v63  }
0x30: {  	_ =	swait.ge [sflag:s31], $0x4000  }
0x31: {  	[sflag:s31] =	ssyncset.done $0x0  }
0x32: {  	[sflag:s31] =	ssyncadd.s32 $0xFFFFC000  }
0x33: {  	[tilespmem:s25], [sflag:$0x2] =	stream.linear.gather [spmem:s12], $0x4000, $0x38;
	[tilespmem:$0x1E000] =	vst v63  }
0x34: {  	_ =	swait.ge [sflag:s30], $0x4000  }
0x35: {  	[sflag:s30] =	ssyncset.done $0x0  }
0x36: {  	[sflag:s30] =	ssyncadd.s32 $0xFFFFC000  }
0x37: {  	[hbm4b:s20+s4] =	stream.linear.scatter [tilespmem:s25], [sflag:$0x4], $0x4000, $0x38;
	[tilespmem:$0x1E000] =	vst v63  }
0x38: {  	_ =	swait.ge [sflag:s28], $0x4000  }
0x39: {  	[sflag:s28] =	ssyncset.done $0x0  }
0x3a: {  	[sflag:s28] =	ssyncadd.s32 $0xFFFFC000  }
0x3b: {  	[tilespmem:s24], [sflag:$0x1] =	stream.linear.gather [spmem:s13], $0x4000, $0x38;
	[tilespmem:$0x1E000] =	vst v63  }
0x3c: {  	_ =	swait.ge [sflag:s29], $0x4000  }
0x3d: {  	[sflag:s29] =	ssyncset.done $0x0  }
0x3e: {  	[sflag:s29] =	ssyncadd.s32 $0xFFFFC000  }
0x3f: {  	[hbm4b:s21+s4] =	stream.linear.scatter [tilespmem:s24], [sflag:$0x3], $0x4000, $0x38;
	[tilespmem:$0x1E000] =	vst v63  }
0x40: {  	_ =	swait.ge [sflag:s31], $0x4000  }
0x41: {  	[sflag:s31] =	ssyncset.done $0x0  }
0x42: {  	[sflag:s31] =	ssyncadd.s32 $0xFFFFC000  }
0x43: {  	_ =	swait.ge [sflag:s28], $0x4000  }
0x44: {  	s0 =	sadd.s32 $0x1, s0;
	s5 =	rddreg [dreg:$0x8]  }
0x45: {  	p0 =	sne.s32 s0, s5  }
.Ltmp1:
0x46: {  	_ = 	snop;
	(pc) =	sbr.rel @!p0 .LBB2_7-.Ltmp1, $3  }
0x47: {  	_ =	sdelay $0x1  }
0x48: {  	[sflag:s28] =	ssyncset.done $0x0  }
0x49: {  	[sflag:s28] =	ssyncadd.s32 $0xFFFFC000  }
.LBB2_1:
0x4a: {  	s5 =	rddreg [dreg:$0x6]  }
0x4b: {  	[tilespmem:s4], [sflag:$0x6] =	stream.linear.gather [hbm4b:s5+s4], $0x800, $0x38;
	[tilespmem:$0x1E000] =	vst v63  }
0x4c: {  	_ =	swait.ge [sflag:s22], $0x800  }
0x4d: {  	[sflag:s22] =	ssyncset.done $0x0  }
0x4e: {  	[sflag:s22] =	ssyncadd.s32 $0xFFFFF800  }
0x4f: {  	[tilespmem:s24], [sflag:$0x1] =	stream.indirect.gather [hbm4b:s1+s23], $0x80, s4, s23, $0xb8;
	[tilespmem:$0x1E000] =	vst v63  }
0x50: {  	s16 =	rddreg [dreg:$0x5]  }
0x51: {  	[tilespmem:s25], [sflag:$0x6] =	stream.linear.gather [hbm4b:s16+s4], $0x4000, $0x38;
	[tilespmem:$0x1E000] =	vst v63  }
0x52: {  	_ =	swait.ge [sflag:s22], $0x4000  }
0x53: {  	[sflag:s22] =	ssyncset.done $0x0  }
0x54: {  	[sflag:s22] =	ssyncadd.s32 $0xFFFFC000  }
0x55: {  	[spmem:s9] =	stream.linear.scatter [tilespmem:s25], [sflag:$0x3], $0x4000, $0x38;
	[tilespmem:$0x1E000] =	vst v63  }
0x56: {  	_ = 	snop  }
0x57: {  	[spmem:s10] =	stream.linear.scatter [tilespmem:s25], [sflag:$0x3], $0x4000, $0x38;
	[tilespmem:$0x1E000] =	vst v63  }
0x58: {  	_ = 	snop  }
0x59: {  	[spmem:s11] =	stream.linear.scatter [tilespmem:s25], [sflag:$0x3], $0x4000, $0x38;
	[tilespmem:$0x1E000] =	vst v63  }
0x5a: {  	_ = 	snop  }
0x5b: {  	[spmem:s12] =	stream.linear.scatter [tilespmem:s25], [sflag:$0x3], $0x4000, $0x38;
	[tilespmem:$0x1E000] =	vst v63  }
0x5c: {  	_ = 	snop  }
0x5d: {  	[spmem:s13] =	stream.linear.scatter [tilespmem:s25], [sflag:$0x3], $0x4000, $0x38;
	[tilespmem:$0x1E000] =	vst v63  }
0x5e: {  	s7 =	simm.s32 $0x1000;
	s26 =	rddreg [dreg:$0x7]  }
0x5f: {  	[tilespmem:s7], [sflag:$0x6] =	stream.linear.gather [hbm4b:s26+s4], $0x800, $0x38;
	[tilespmem:$0x1E000] =	vst v63  }
0x60: {  	_ =	swait.ge [sflag:s22], $0x800  }
0x61: {  	[sflag:s22] =	ssyncset.done $0x0  }
0x62: {  	[sflag:s22] =	ssyncadd.s32 $0xFFFFF800  }
0x63: {  	_ =	swait.ge [sflag:s28], $0x4000  }
0x64: {  	[sflag:s28] =	ssyncset.done $0x0  }
0x65: {  	[sflag:s28] =	ssyncadd.s32 $0xFFFFC000  }
0x66: {  	_ =	swait.ge [sflag:s28], $0x4000  }
0x67: {  	[sflag:s28] =	ssyncset.done $0x0  }
0x68: {  	[sflag:s28] =	ssyncadd.s32 $0xFFFFC000  }
0x69: {  	_ =	swait.ge [sflag:s28], $0x4000  }
0x6a: {  	[sflag:s28] =	ssyncset.done $0x0  }
0x6b: {  	[sflag:s28] =	ssyncadd.s32 $0xFFFFC000  }
0x6c: {  	_ =	swait.ge [sflag:s28], $0x4000  }
0x6d: {  	[sflag:s28] =	ssyncset.done $0x0  }
0x6e: {  	[sflag:s28] =	ssyncadd.s32 $0xFFFFC000  }
.Ltmp2:
0x6f: {  	_ =	swait.ge [sflag:s28], $0x4000;
	(pc) =	sbr.rel .LBB2_2-.Ltmp2, $4  }
0x70: {  	[sflag:s28] =	ssyncset.done $0x0  }
0x71: {  	[sflag:s28] =	ssyncadd.s32 $0xFFFFC000  }
0x72: {  	[bflag:$0x0] =	sbarrier.arrive $0xFFFF  }
0x73: {  	s5 =	simm.s32 $0x0  }
.LBB2_4:
0x74: {  	s5 =	sadd.s32 @!p0 $0x1, s5  }
0x75: {  	s5 =	simm.s32 @p0 $0x1  }
0x76: {  	s8 =	sshll.u32 s5, $0xB  }
0x77: {  	s8 =	sadd.s32 s15, s8  }
0x78: {  	s8 =	sshrl.u32 s8, $0x3  }
0x79: {  	s14 =	sshll.u32 s26, $0xB;
	s16 =	sadd.s32 s2, s8  }
0x7a: {  	[tilespmem:s14], [sflag:$0x5] =	stream.linear.gather [hbm4b:s16+s4], $0x800, $0x38;
	[tilespmem:$0x1E000] =	vst v63  }
0x7b: {  	p0 =	por $0x0, $0x0;
	s8 =	sadd.s32 s6, s8;
	s14 =	sor.u32 $0x1000, s14  }
0x7c: {  	[tilespmem:s14], [sflag:$0x5] =	stream.linear.gather [hbm4b:s8+s4], $0x800, $0x38;
	[tilespmem:$0x1E000] =	vst v63  }
.LBB2_5:
0x7d: {  	s7 =	sshll.u32 s7, $0xB  }
0x7e: {  	s8 =	sor.u32 $0x80, s7  }
0x7f: {  	[tilespmem:s25], [sflag:$0x2] =	stream.indirect.gather [hbm4b:s1+s23], $0x80, s8, s23, $0xb8;
	[tilespmem:$0x1E000] =	vst v63  }
0x80: {  	_ =	swait.ge [sflag:s29], $0x4000  }
0x81: {  	[sflag:s29] =	ssyncset.done $0x0  }
0x82: {  	s16 =	sor.u32 $0x1000, s7;
	[sflag:s29] =	ssyncadd.s32 $0xFFFFC000  }
0x83: {  	[spmem:s3] =	stream.indirect.scatter.add.f32 [tilespmem:s24], [sflag:$0x3], $0x80, s16, s23, $0xb8;
	[tilespmem:$0x1E000] =	vst v63  }
0x84: {  	_ =	swait.ge [sflag:s28], $0x4000  }
0x85: {  	[sflag:s28] =	ssyncset.done $0x0  }
0x86: {  	s14 =	sor.u32 $0x100, s7;
	[sflag:s28] =	ssyncadd.s32 $0xFFFFC000  }
0x87: {  	[tilespmem:s24], [sflag:$0x1] =	stream.indirect.gather [hbm4b:s1+s23], $0x80, s14, s23, $0xb8;
	[tilespmem:$0x1E000] =	vst v63  }
0x88: {  	_ =	swait.ge [sflag:s30], $0x4000  }
0x89: {  	[sflag:s30] =	ssyncset.done $0x0  }
0x8a: {  	s16 =	sor.u32 $0x1080, s7;
	[sflag:s30] =	ssyncadd.s32 $0xFFFFC000  }
0x8b: {  	[spmem:s3] =	stream.indirect.scatter.add.f32 [tilespmem:s25], [sflag:$0x4], $0x80, s16, s23, $0xb8;
	[tilespmem:$0x1E000] =	vst v63  }
0x8c: {  	_ =	swait.ge [sflag:s31], $0x4000  }
0x8d: {  	[sflag:s31] =	ssyncset.done $0x0  }
0x8e: {  	s14 =	sor.u32 $0x180, s7;
	[sflag:s31] =	ssyncadd.s32 $0xFFFFC000  }
0x8f: {  	[tilespmem:s25], [sflag:$0x2] =	stream.indirect.gather [hbm4b:s1+s23], $0x80, s14, s23, $0xb8;
	[tilespmem:$0x1E000] =	vst v63  }
0x90: {  	_ =	swait.ge [sflag:s29], $0x4000  }
0x91: {  	[sflag:s29] =	ssyncset.done $0x0  }
0x92: {  	s16 =	sor.u32 $0x1100, s7;
	[sflag:s29] =	ssyncadd.s32 $0xFFFFC000  }
0x93: {  	[spmem:s3] =	stream.indirect.scatter.add.f32 [tilespmem:s24], [sflag:$0x3], $0x80, s16, s23, $0xb8;
	[tilespmem:$0x1E000] =	vst v63  }
0x94: {  	_ =	swait.ge [sflag:s28], $0x4000  }
0x95: {  	[sflag:s28] =	ssyncset.done $0x0  }
0x96: {  	s14 =	sor.u32 $0x200, s7;
	[sflag:s28] =	ssyncadd.s32 $0xFFFFC000  }
0x97: {  	[tilespmem:s24], [sflag:$0x1] =	stream.indirect.gather [hbm4b:s1+s23], $0x80, s14, s23, $0xb8;
	[tilespmem:$0x1E000] =	vst v63  }
0x98: {  	_ =	swait.ge [sflag:s30], $0x4000  }
0x99: {  	[sflag:s30] =	ssyncset.done $0x0  }
0x9a: {  	s16 =	sor.u32 $0x1180, s7;
	[sflag:s30] =	ssyncadd.s32 $0xFFFFC000  }
0x9b: {  	[spmem:s3] =	stream.indirect.scatter.add.f32 [tilespmem:s25], [sflag:$0x4], $0x80, s16, s23, $0xb8;
	[tilespmem:$0x1E000] =	vst v63  }
0x9c: {  	_ =	swait.ge [sflag:s31], $0x4000  }
0x9d: {  	[sflag:s31] =	ssyncset.done $0x0  }
0x9e: {  	s14 =	sor.u32 $0x280, s7;
	[sflag:s31] =	ssyncadd.s32 $0xFFFFC000  }
0x9f: {  	[tilespmem:s25], [sflag:$0x2] =	stream.indirect.gather [hbm4b:s1+s23], $0x80, s14, s23, $0xb8;
	[tilespmem:$0x1E000] =	vst v63  }
0xa0: {  	_ =	swait.ge [sflag:s29], $0x4000  }
0xa1: {  	[sflag:s29] =	ssyncset.done $0x0  }
0xa2: {  	s16 =	sor.u32 $0x1200, s7;
	[sflag:s29] =	ssyncadd.s32 $0xFFFFC000  }
0xa3: {  	[spmem:s3] =	stream.indirect.scatter.add.f32 [tilespmem:s24], [sflag:$0x3], $0x80, s16, s23, $0xb8;
	[tilespmem:$0x1E000] =	vst v63  }
0xa4: {  	_ =	swait.ge [sflag:s28], $0x4000  }
0xa5: {  	[sflag:s28] =	ssyncset.done $0x0  }
0xa6: {  	s14 =	sor.u32 $0x300, s7;
	[sflag:s28] =	ssyncadd.s32 $0xFFFFC000  }
0xa7: {  	[tilespmem:s24], [sflag:$0x1] =	stream.indirect.gather [hbm4b:s1+s23], $0x80, s14, s23, $0xb8;
	[tilespmem:$0x1E000] =	vst v63  }
0xa8: {  	_ =	swait.ge [sflag:s30], $0x4000  }
0xa9: {  	[sflag:s30] =	ssyncset.done $0x0  }
0xaa: {  	s16 =	sor.u32 $0x1280, s7;
	[sflag:s30] =	ssyncadd.s32 $0xFFFFC000  }
0xab: {  	[spmem:s3] =	stream.indirect.scatter.add.f32 [tilespmem:s25], [sflag:$0x4], $0x80, s16, s23, $0xb8;
	[tilespmem:$0x1E000] =	vst v63  }
0xac: {  	_ =	swait.ge [sflag:s31], $0x4000  }
0xad: {  	[sflag:s31] =	ssyncset.done $0x0  }
0xae: {  	s14 =	sor.u32 $0x380, s7;
	[sflag:s31] =	ssyncadd.s32 $0xFFFFC000  }
0xaf: {  	[tilespmem:s25], [sflag:$0x2] =	stream.indirect.gather [hbm4b:s1+s23], $0x80, s14, s23, $0xb8;
	[tilespmem:$0x1E000] =	vst v63  }
0xb0: {  	_ =	swait.ge [sflag:s29], $0x4000  }
0xb1: {  	[sflag:s29] =	ssyncset.done $0x0  }
0xb2: {  	s16 =	sor.u32 $0x1300, s7;
	[sflag:s29] =	ssyncadd.s32 $0xFFFFC000  }
0xb3: {  	[spmem:s3] =	stream.indirect.scatter.add.f32 [tilespmem:s24], [sflag:$0x3], $0x80, s16, s23, $0xb8;
	[tilespmem:$0x1E000] =	vst v63  }
0xb4: {  	_ =	swait.ge [sflag:s28], $0x4000  }
0xb5: {  	[sflag:s28] =	ssyncset.done $0x0  }
0xb6: {  	s14 =	sor.u32 $0x400, s7;
	[sflag:s28] =	ssyncadd.s32 $0xFFFFC000  }
0xb7: {  	[tilespmem:s24], [sflag:$0x1] =	stream.indirect.gather [hbm4b:s1+s23], $0x80, s14, s23, $0xb8;
	[tilespmem:$0x1E000] =	vst v63  }
0xb8: {  	_ =	swait.ge [sflag:s30], $0x4000  }
0xb9: {  	[sflag:s30] =	ssyncset.done $0x0  }
0xba: {  	s16 =	sor.u32 $0x1380, s7;
	[sflag:s30] =	ssyncadd.s32 $0xFFFFC000  }
0xbb: {  	[spmem:s3] =	stream.indirect.scatter.add.f32 [tilespmem:s25], [sflag:$0x4], $0x80, s16, s23, $0xb8;
	[tilespmem:$0x1E000] =	vst v63  }
0xbc: {  	_ =	swait.ge [sflag:s31], $0x4000  }
0xbd: {  	[sflag:s31] =	ssyncset.done $0x0  }
0xbe: {  	s14 =	sor.u32 $0x480, s7;
	[sflag:s31] =	ssyncadd.s32 $0xFFFFC000  }
0xbf: {  	[tilespmem:s25], [sflag:$0x2] =	stream.indirect.gather [hbm4b:s1+s23], $0x80, s14, s23, $0xb8;
	[tilespmem:$0x1E000] =	vst v63  }
0xc0: {  	_ =	swait.ge [sflag:s29], $0x4000  }
0xc1: {  	[sflag:s29] =	ssyncset.done $0x0  }
0xc2: {  	s16 =	sor.u32 $0x1400, s7;
	[sflag:s29] =	ssyncadd.s32 $0xFFFFC000  }
0xc3: {  	[spmem:s3] =	stream.indirect.scatter.add.f32 [tilespmem:s24], [sflag:$0x3], $0x80, s16, s23, $0xb8;
	[tilespmem:$0x1E000] =	vst v63  }
0xc4: {  	_ =	swait.ge [sflag:s28], $0x4000  }
0xc5: {  	[sflag:s28] =	ssyncset.done $0x0  }
0xc6: {  	s14 =	sor.u32 $0x500, s7;
	[sflag:s28] =	ssyncadd.s32 $0xFFFFC000  }
0xc7: {  	[tilespmem:s24], [sflag:$0x1] =	stream.indirect.gather [hbm4b:s1+s23], $0x80, s14, s23, $0xb8;
	[tilespmem:$0x1E000] =	vst v63  }
0xc8: {  	_ =	swait.ge [sflag:s30], $0x4000  }
0xc9: {  	[sflag:s30] =	ssyncset.done $0x0  }
0xca: {  	s16 =	sor.u32 $0x1480, s7;
	[sflag:s30] =	ssyncadd.s32 $0xFFFFC000  }
0xcb: {  	[spmem:s3] =	stream.indirect.scatter.add.f32 [tilespmem:s25], [sflag:$0x4], $0x80, s16, s23, $0xb8;
	[tilespmem:$0x1E000] =	vst v63  }
0xcc: {  	_ =	swait.ge [sflag:s31], $0x4000  }
0xcd: {  	[sflag:s31] =	ssyncset.done $0x0  }
0xce: {  	s14 =	sor.u32 $0x580, s7;
	[sflag:s31] =	ssyncadd.s32 $0xFFFFC000  }
0xcf: {  	[tilespmem:s25], [sflag:$0x2] =	stream.indirect.gather [hbm4b:s1+s23], $0x80, s14, s23, $0xb8;
	[tilespmem:$0x1E000] =	vst v63  }
0xd0: {  	_ =	swait.ge [sflag:s29], $0x4000  }
0xd1: {  	[sflag:s29] =	ssyncset.done $0x0  }
0xd2: {  	s16 =	sor.u32 $0x1500, s7;
	[sflag:s29] =	ssyncadd.s32 $0xFFFFC000  }
0xd3: {  	[spmem:s3] =	stream.indirect.scatter.add.f32 [tilespmem:s24], [sflag:$0x3], $0x80, s16, s23, $0xb8;
	[tilespmem:$0x1E000] =	vst v63  }
0xd4: {  	_ =	swait.ge [sflag:s28], $0x4000  }
0xd5: {  	[sflag:s28] =	ssyncset.done $0x0  }
0xd6: {  	s14 =	sor.u32 $0x600, s7;
	[sflag:s28] =	ssyncadd.s32 $0xFFFFC000  }
0xd7: {  	[tilespmem:s24], [sflag:$0x1] =	stream.indirect.gather [hbm4b:s1+s23], $0x80, s14, s23, $0xb8;
	[tilespmem:$0x1E000] =	vst v63  }
0xd8: {  	_ =	swait.ge [sflag:s30], $0x4000  }
0xd9: {  	[sflag:s30] =	ssyncset.done $0x0  }
0xda: {  	s16 =	sor.u32 $0x1580, s7;
	[sflag:s30] =	ssyncadd.s32 $0xFFFFC000  }
0xdb: {  	[spmem:s3] =	stream.indirect.scatter.add.f32 [tilespmem:s25], [sflag:$0x4], $0x80, s16, s23, $0xb8;
	[tilespmem:$0x1E000] =	vst v63  }
0xdc: {  	_ =	swait.ge [sflag:s31], $0x4000  }
0xdd: {  	[sflag:s31] =	ssyncset.done $0x0  }
0xde: {  	s14 =	sor.u32 $0x680, s7;
	[sflag:s31] =	ssyncadd.s32 $0xFFFFC000  }
0xdf: {  	[tilespmem:s25], [sflag:$0x2] =	stream.indirect.gather [hbm4b:s1+s23], $0x80, s14, s23, $0xb8;
	[tilespmem:$0x1E000] =	vst v63  }
0xe0: {  	_ =	swait.ge [sflag:s29], $0x4000  }
0xe1: {  	[sflag:s29] =	ssyncset.done $0x0  }
0xe2: {  	s16 =	sor.u32 $0x1600, s7;
	[sflag:s29] =	ssyncadd.s32 $0xFFFFC000  }
0xe3: {  	[spmem:s3] =	stream.indirect.scatter.add.f32 [tilespmem:s24], [sflag:$0x3], $0x80, s16, s23, $0xb8;
	[tilespmem:$0x1E000] =	vst v63  }
0xe4: {  	_ =	swait.ge [sflag:s28], $0x4000  }
0xe5: {  	[sflag:s28] =	ssyncset.done $0x0  }
0xe6: {  	s14 =	sor.u32 $0x700, s7;
	[sflag:s28] =	ssyncadd.s32 $0xFFFFC000  }
0xe7: {  	[tilespmem:s24], [sflag:$0x1] =	stream.indirect.gather [hbm4b:s1+s23], $0x80, s14, s23, $0xb8;
	[tilespmem:$0x1E000] =	vst v63  }
0xe8: {  	_ =	swait.ge [sflag:s30], $0x4000  }
0xe9: {  	[sflag:s30] =	ssyncset.done $0x0  }
0xea: {  	s16 =	sor.u32 $0x1680, s7;
	[sflag:s30] =	ssyncadd.s32 $0xFFFFC000  }
0xeb: {  	[spmem:s3] =	stream.indirect.scatter.add.f32 [tilespmem:s25], [sflag:$0x4], $0x80, s16, s23, $0xb8;
	[tilespmem:$0x1E000] =	vst v63  }
0xec: {  	_ =	swait.ge [sflag:s31], $0x4000  }
0xed: {  	[sflag:s31] =	ssyncset.done $0x0  }
0xee: {  	s8 =	sor.u32 $0x780, s7;
	[sflag:s31] =	ssyncadd.s32 $0xFFFFC000  }
0xef: {  	[tilespmem:s25], [sflag:$0x2] =	stream.indirect.gather [hbm4b:s1+s23], $0x80, s8, s23, $0xb8;
	[tilespmem:$0x1E000] =	vst v63  }
0xf0: {  	_ =	swait.ge [sflag:s29], $0x4000  }
0xf1: {  	[sflag:s29] =	ssyncset.done $0x0  }
0xf2: {  	s7 =	sor.u32 $0x1700, s7;
	[sflag:s29] =	ssyncadd.s32 $0xFFFFC000  }
0xf3: {  	[spmem:s3] =	stream.indirect.scatter.add.f32 [tilespmem:s24], [sflag:$0x3], $0x80, s7, s23, $0xb8;
	[tilespmem:$0x1E000] =	vst v63  }
0xf4: {  	_ =	swait.ge [sflag:s28], $0x4000  }
0xf5: {  	[sflag:s28] =	ssyncset.done $0x0  }
0xf6: {  	s7 =	simm.s32 @!p0 $0x5;
	[sflag:s28] =	ssyncadd.s32 $0xFFFFC000  }
0xf7: {  	_ =	swait.ge @!p0 [sflag:s7], $0x800  }
0xf8: {  	[sflag:s7] =	ssyncset.done @!p0 $0x0  }
0xf9: {  	[sflag:s7] =	ssyncadd.s32 @!p0 $0xFFFFF800  }
0xfa: {  	_ =	swait.ge @!p0 [sflag:s7], $0x800  }
0xfb: {  	s14 =	simm.s32 @!p0 $0x80;
	[sflag:s7] =	ssyncset.done @!p0 $0x0  }
0xfc: {  	s16 =	simm.s32 @!p0 $0x2000;
	[sflag:s7] =	ssyncadd.s32 @!p0 $0xFFFFF800;
	s7 =	sshll.u32 @!p0 s26, $0xB  }
0xfd: {  	[tilespmem:s16], [sflag:$0x1] =	stream.indirect.gather @!p0 [hbm4b:s1+s14], $0x80, s7, s14, $0xb8;
	[tilespmem:$0x1E000] =	vst v63  }
0xfe: {  	p0 =	slt.u32 s5, $0x5  }
.Ltmp3:
0xff: {  	_ = 	snop;
	(pc) =	sbr.rel @!p0 .LBB2_6-.Ltmp3, $4  }
0x100: {  	_ =	swait.ge [sflag:s30], $0x4000  }
0x101: {  	[sflag:s30] =	ssyncset.done $0x0  }
0x102: {  	s26 =	sor.u32 $0x1000, s8;
	[sflag:s30] =	ssyncadd.s32 $0xFFFFC000  }
0x103: {  	[spmem:s3] =	stream.indirect.scatter.add.f32 [tilespmem:s25], [sflag:$0x4], $0x80, s26, s23, $0xb8;
	[tilespmem:$0x1E000] =	vst v63  }
.LBB2_2:
0x104: {  	p0 =	seq.s32 s5, $0x0  }
0x105: {  	p1 =	seq.s32 @!p0 s5, $0x4  }
0x106: {  	p1 =	por p0, !p1  }
.Ltmp4:
0x107: {  	_ = 	snop;
	(pc) =	sbr.rel @p1 .LBB2_4-.Ltmp4, $4  }
0x108: {  	s8 =	simm.s32 @!p0 $0x4  }
0x109: {  	_ =	swait.ge @!p0 [sflag:s8], $0x4000  }
0x10a: {  	s7 =	sand.u32 $0x1, s5;
	[sflag:s8] =	ssyncset.done @!p0 $0x0  }
0x10b: {  	s26 =	sxor.u32 $0x1, s7;
	[sflag:s8] =	ssyncadd.s32 @!p0 $0xFFFFC000  }
.Ltmp5:
0x10c: {  	(pc) =	sbr.rel .LBB2_5-.Ltmp5, $2  }
0x10d: {  	_ =	sdelay $0x2  }
0x10e: {  	s5 =	simm.s32 @!p0 $0x5;
	p0 =	por @!p0 $0x1, $0x1  }
.LBB2_7:
0x10f: {  	_ =	sfence.sel $0x180000  }
0x110: {  	[bflag:$0x0] =	sbarrier.arrive $0xFFFF  }
0x111: {  	_ =	strace $0x90000047  }
0x112: {  	s0 =	stileid.u32;
	[bflag:$0x2] =	sbarrier.arrive $0xFFFF  }
0x113: {  	p0 =	sne.s32 s0, $0x0;
	s0 =	rddreg [dreg:$0x4]  }
0x114: {  	s0 =	sadd.s32 @!p0 $0x100000, s0  }
0x115: {  	[sflag:s0] =	ssyncadd.tile.s32 @!p0 $0x1;
	_ =	shalt  }
.Lfunc_end2:
_tile_overlayer_lowered:
.L_overlay_start_2:
0x116: {  	(tag) =	ssettag $0x2  }
0x117: {  	s0 =	rddreg [dreg:$0x0];
	s2 =	stileid.u32  }
0x118: {  	s1 =	rddreg [dreg:$0x1];
	p0 =	sne.s32 s2, $0x0  }
0x119: {  	s3 =	rddreg [dreg:$0x2];
	[bflag:$0x3] =	sbarrier.arrive $0xFFFF;
	s2 =	simm.s32 @!p0 $0x1C06  }
0x11a: {  	[timem:s3], [sflag:s2] =	dma.local @!p0 [hbm:s0], s1  }
0x11b: {  	s0 =	simm.s32 @!p0 $0x6  }
0x11c: {  	_ =	swait.ge @!p0 [sflag:s0], s1  }
0x11d: {  	s1 =	ssub.s32 @!p0 $0x0, s1;
	[sflag:s0] =	ssyncset.done @!p0 $0x0  }
0x11e: {  	[sflag:s0] =	ssyncadd.s32 @!p0 s1  }
0x11f: {  	[bflag:$0x3] =	sbarrier.arrive $0xFFFF  }
0x120: {  	_ =	shalt  }

// kernel: kernel.9.cloned.1.call-start
scs
__scs_entry_jumppad:
0x0: {  	(pc) =	sbr.rel $0x88, $3  }
0x1: {  	(tag) =	ssettag $0x0;
	lr =	simm.s32 $0x1  }
0x2: {  	[smem:$0x3F9B] =	sst lr;
	_ =	strace $0xD0000000  }
0x3: {  	_ = 	snop  }
0x4: {  	_ = 	snop  }
0x5: {  	_ = 	snop  }
0x6: {  	_ = 	snop  }
0x7: {  	_ = 	snop  }
__scs_overlays_trampoline_lowered:
0x8: {  	[smem:$0x3FAA] =	sst s0  }
0x9: {  	[smem:$0x3FAB] =	sst s1  }
0xa: {  	[smem:$0x3FAC] =	sst s2  }
0xb: {  	[smem:$0x3FAD] =	sst s3  }
0xc: {  	[smem:$0x3FAE] =	sst s4  }
0xd: {  	[smem:$0x3FAF] =	sst s5  }
0xe: {  	[smem:$0x3FB0] =	sst s6  }
0xf: {  	[smem:$0x3FB1] =	sst s7  }
0x10: {  	[smem:$0x3FB2] =	sst s8  }
0x11: {  	[smem:$0x3FB3] =	sst s9;
	s0 =	simm.s32 @!p0 $0x0  }
0x12: {  	s1 =	sld [smem:$0x3F99];
	s0 =	simm.s32 @p0 $0x1  }
0x13: {  	[smem:$0x3FB4] =	sst s0;
	s0 =	simm.s32 @!p1 $0x0  }
0x14: {  	s2 =	sld [smem:$0x3F98];
	s0 =	simm.s32 @p1 $0x1  }
0x15: {  	[smem:$0x3FB5] =	sst s0;
	s0 =	simm.s32 @!p2 $0x0  }
0x16: {  	s3 =	sld [smem:$0x3FDB];
	s0 =	simm.s32 @p2 $0x1  }
0x17: {  	s4 =	simm.s32 $0x1BF5;
	[smem:$0x3FB7] =	sst s0  }
0x18: {  	s0 =	sld [smem:$0x3F9A];
	_ =	swait.ge [sflag:s4], $0x0  }
0x19: {  	s7 =	sld [smem:$0x3F9B]  }
0x1a: {  	s8 =	sadd.s32 $0xFFFFE003, lr  }
0x1b: {  	s9 =	sadd.s32 $0xFFFFFEF7, lr;
	s5 =	simm.s32 $0xFFFFFFFF;
	p2 =	slt.u32 s8, $0xFFFFF086  }
0x1c: {  	p1 =	slt.u32 s9, $0xF7A;
	s5 =	simm.s32 @!p2 $0x0  }
0x1d: {  	s5 =	simm.s32 @p1 $0x1;
	p0 =	seq.s32 s7, s2  }
0x1e: {  	s7 =	smul.u32 @!p0 $0xF7A, s2;
	p2 =	seq.s32 @!p0 s5, $0x0  }
0x1f: {  	s9 =	smul.u32 $0xF7A, s1;
	s8 =	simm.s32 @!p0 $0x1BF5;
	p2 =	por !p2, p0  }
0x20: {  	[sflag:s8] =	ssyncset.s32 @!p0 $0xFFFFF086;
	s6 =	sadd.s32 @!p0 s3, s7;
	s7 =	simm.s32 @!p0 $0x108  }
0x21: {  	s3 =	sadd.s32 s3, s9;
	s6 =	sadd.s32 @!p0 $0x88, s6;
	s7 =	simm.s32 @p2 $0x1082  }
0x22: {  	[simem:s7], [sflag:s8] =	dma.local @!p0 [hbm:s6], $0xF7A  }
0x23: {  	s9 =	sor.u32 $0xD0000000, s2;
	s6 =	simm.s32 $0x108;
	_ =	swait.ge @!p0 [sflag:s8], $0x0  }
0x24: {  	s3 =	sadd.s32 $0x88, s3;
	s6 =	simm.s32 @!p1 $0x1082;
	[sflag:s4] =	ssyncset.s32 $0xFFFFF086  }
0x25: {  	[simem:s6], [sflag:s4] =	dma.local [hbm:s3], $0xF7A  }
0x26: {  	[smem:$0x3F9B] =	sst s1;
	(tag) =	ssettag s2;
	_ =	strace s9  }
0x27: {  	s1 =	sld [smem:$0x3FAB]  }
0x28: {  	s2 =	sld [smem:$0x3FAC]  }
0x29: {  	s4 =	sld [smem:$0x3FAE]  }
0x2a: {  	p0 =	seq.s32 s5, $0x0;
	s5 =	sld [smem:$0x3FAF]  }
0x2b: {  	s6 =	sld [smem:$0x3FB0]  }
0x2c: {  	s7 =	sld [smem:$0x3FB1]  }
0x2d: {  	s3 =	simm.s32 $0x108;
	s8 =	sld [smem:$0x3FB2]  }
0x2e: {  	s3 =	simm.s32 @!p0 $0x1082;
	s9 =	sld [smem:$0x3FB3]  }
0x2f: {  	lr =	sadd.s32 s0, s3;
	s0 =	sld [smem:$0x3FAA]  }
0x30: {  	s3 =	sld [smem:$0x3FAD]  }
0x31: {  	[smem:$0x3FB6] =	sst s10  }
0x32: {  	s10 =	sld [smem:$0x3FB4];
	_ =	sdelay $0x3  }
0x33: {  	p0 =	seq.s32 s10, $0x1;
	s10 =	sld [smem:$0x3FB6];
	_ =	sdelay $0x3  }
0x34: {  	[smem:$0x3FB6] =	sst s10  }
0x35: {  	s10 =	sld [smem:$0x3FB5];
	_ =	sdelay $0x3  }
0x36: {  	p1 =	seq.s32 s10, $0x1;
	s10 =	sld [smem:$0x3FB6];
	_ =	sdelay $0x3  }
0x37: {  	[smem:$0x3FB6] =	sst s10  }
0x38: {  	s10 =	sld [smem:$0x3FB7]  }
0x39: {  	_ = 	snop;
	(pc) =	sbr.ind lr, $3  }
0x3a: {  	_ = 	snop  }
0x3b: {  	_ = 	snop  }
0x3c: {  	p2 =	seq.s32 s10, $0x1;
	s10 =	sld [smem:$0x3FB6]  }
0x3d: {  	_ =	shalt  }
0x3e: {  	_ =	shalt  }
0x3f: {  	_ =	shalt  }
0x40: {  	_ =	shalt  }
0x41: {  	_ =	shalt  }
0x42: {  	_ =	shalt  }
0x43: {  	_ =	shalt  }
0x44: {  	_ =	shalt  }
0x45: {  	_ =	shalt  }
0x46: {  	_ =	shalt  }
0x47: {  	_ =	shalt  }
0x48: {  	_ =	shalt  }
0x49: {  	_ =	shalt  }
0x4a: {  	_ =	shalt  }
0x4b: {  	_ =	shalt  }
0x4c: {  	_ =	shalt  }
0x4d: {  	_ =	shalt  }
0x4e: {  	_ =	shalt  }
0x4f: {  	_ =	shalt  }
0x50: {  	_ =	shalt  }
0x51: {  	_ =	shalt  }
0x52: {  	_ =	shalt  }
0x53: {  	_ =	shalt  }
0x54: {  	_ =	shalt  }
0x55: {  	_ =	shalt  }
0x56: {  	_ =	shalt  }
0x57: {  	_ =	shalt  }
0x58: {  	_ =	shalt  }
0x59: {  	_ =	shalt  }
0x5a: {  	_ =	shalt  }
0x5b: {  	_ =	shalt  }
0x5c: {  	_ =	shalt  }
0x5d: {  	_ =	shalt  }
0x5e: {  	_ =	shalt  }
0x5f: {  	_ =	shalt  }
0x60: {  	_ =	shalt  }
0x61: {  	_ =	shalt  }
0x62: {  	_ =	shalt  }
0x63: {  	_ =	shalt  }
0x64: {  	_ =	shalt  }
0x65: {  	_ =	shalt  }
0x66: {  	_ =	shalt  }
0x67: {  	_ =	shalt  }
0x68: {  	_ =	shalt  }
0x69: {  	_ =	shalt  }
0x6a: {  	_ =	shalt  }
0x6b: {  	_ =	shalt  }
0x6c: {  	_ =	shalt  }
0x6d: {  	_ =	shalt  }
0x6e: {  	_ =	shalt  }
0x6f: {  	_ =	shalt  }
0x70: {  	_ =	shalt  }
0x71: {  	_ =	shalt  }
0x72: {  	_ =	shalt  }
0x73: {  	_ =	shalt  }
0x74: {  	_ =	shalt  }
0x75: {  	_ =	shalt  }
0x76: {  	_ =	shalt  }
0x77: {  	_ =	shalt  }
0x78: {  	_ =	shalt  }
0x79: {  	_ =	shalt  }
0x7a: {  	_ =	shalt  }
0x7b: {  	_ =	shalt  }
0x7c: {  	_ =	shalt  }
0x7d: {  	_ =	shalt  }
0x7e: {  	_ =	shalt  }
0x7f: {  	_ =	shalt  }
0x80: {  	_ =	shalt  }
0x81: {  	_ =	shalt  }
0x82: {  	_ =	shalt  }
0x83: {  	_ =	shalt  }
0x84: {  	_ =	shalt  }
0x85: {  	_ =	shalt  }
0x86: {  	_ =	shalt  }
0x87: {  	_ =	shalt  }
.Lfunc_end0:
.L_simem_size_0:
called_computation.1_lowered:
.L_overlay_start_0:
0x88: {  	s2 =	sld [smem:$0x3FD9]  }
0x89: {  	s3 =	sld [smem:$0x3FFE];
	_ =	sdelay $0x1  }
0x8a: {  	s1 =	srdreg.scid  }
0x8b: {  	s0 =	sand.u32 $0x1, s1  }
0x8c: {  	s17 =	sshll.u32 s0, $0xA;
	s2 =	sadd.s32 s3, s2  }
0x8d: {  	s2 =	sadd.s32 s2, s17  }
0x8e: {  	[smem:$0x3FC2] =	sst s2  }
0x8f: {  	_ = 	snop  }
0x90: {  	s2 =	sld [smem:$0x3FD0];
	(tm) =	ssettm $0x1  }
0x91: {  	s18 =	sld [smem:$0x3FFB];
	_ =	sdelay $0x3  }
0x92: {  	_ =	strace s18  }
0x93: {  	s3 =	sld [smem:$0x3FFC];
	_ =	sdelay $0x3  }
0x94: {  	_ =	strace s3  }
0x95: {  	s3 =	sld [smem:$0x3FFD];
	_ =	sdelay $0x3  }
0x96: {  	_ =	strace s3  }
0x97: {  	_ =	strace $0x8FFFFFFF  }
0x98: {  	s19 =	sld [smem:$0x3FDB];
	_ =	sdelay $0x1  }
0x99: {  	s4 =	simm.s32 $_scs_section_size  }
0x9a: {  	s5 =	simm.s32 $_size__tile_overlayer_lowered;
	s6 =	simm.s32 $_tile_overlayer_lowered  }
0x9b: {  	s22 =	simm.s32 $0x1BFF;
	s21 =	sshll.u32 s6, $0x1;
	s3 =	sadd.s32 s4, s19  }
0x9c: {  	s7 =	simm.s32 $0x0;
	s20 =	sshll.u32 s5, $0x1;
	s5 =	sadd.s32 s21, s3  }
0x9d: {  	[timem:s7], [sflag:s22] =	dma.local [hbm:s5], s20  }
0x9e: {  	_ =	swait.ge [sflag:s22], s20  }
0x9f: {  	s4 =	ssub.s32 $0x0, s20;
	[sflag:s22] =	ssyncset.done $0x0  }
0xa0: {  	[sflag:s22] =	ssyncadd.s32 s4;
	_ =	sdelay $0x1  }
0xa1: {  	s23 =	simm.s32 $0x1B8B  }
0xa2: {  	_ =	swait.ge [sflag:s23], $0x1  }
0xa3: {  	[sflag:s23] =	ssyncset.done $0x0  }
0xa4: {  	s25 =	simm.s32 $0x1B8E;
	s24 =	sld [smem:$0x3FFE];
	[sflag:s23] =	ssyncadd.s32 $0xFFFFFFFF  }
0xa5: {  	s26 =	simm.s32 $execute0_lowered;
	[smem:$0x3FD2] =	sst s25  }
0xa6: {  	s5 =	sshll.u32 s26, $0x1;
	_ =	strace $0x80000049;
	[dreg:$0x1] =	wrdreg $0xFFFFFFFF  }
0xa7: {  	s28 =	simm.s32 $_size_execute0_lowered;
	s3 =	sadd.s32 s3, s5;
	[dreg:$0x0] =	wrdreg $0x0  }
0xa8: {  	s5 =	sshll.u32 s28, $0x1;
	[dreg:$0x2] =	wrdreg s3  }
0xa9: {  	[dreg:$0x3] =	wrdreg s5  }
0xaa: {  	[dreg:$0x4] =	wrdreg $0xC0  }
0xab: {  	_ =	task [dreg:s7], $0x5FFFF  }
0xac: {  	[dreg:$0x1] =	wrdreg $0xFFFFFFFF  }
0xad: {  	[dreg:$0x0] =	wrdreg $0x60  }
0xae: {  	[dreg:$0x2] =	wrdreg s24  }
0xaf: {  	[dreg:$0x3] =	wrdreg s2  }
0xb0: {  	[dreg:$0x4] =	wrdreg $0xA0000  }
0xb1: {  	[dreg:$0x5] =	wrdreg $0x9  }
0xb2: {  	_ =	task.clear_ibuf [dreg:s7], $0x6FFFF;
	_ =	strace $0x90000049  }
0xb3: {  	s29 =	simm.s32 $0x9;
	_ =	strace $0x8000004B  }
0xb4: {  	_ =	swait.ge [sflag:s29], $0x1  }
0xb5: {  	[sflag:s29] =	ssyncadd.s32 $0xFFFFFFFF  }
0xb6: {  	_ =	strace $0x9000004B  }
0xb7: {  	_ =	sfence  }
0xb8: {  	s30 =	sld [smem:$0x0];
	_ =	sdelay $0x2  }
0xb9: {  	s31 =	sshll.u32 s1, $0xD;
	s1 =	sshrl.u32 s1, $0x2  }
0xba: {  	s3 =	sand.u32 $0x4000, s31;
	s1 =	sadd.s32 s1, s30  }
0xbb: {  	s0 =	sor.u32 s3, s0;
	s1 =	sshll.u32 s1, $0x11  }
0xbc: {  	s0 =	sor.u32 s1, s0  }
0xbd: {  	s0 =	sadd.s32 $0x8F2B, s0  }
0xbe: {  	[sflag:s0] =	ssyncadd.remote.s32 $0x1  }
0xbf: {  	_ =	sfence.sel $0xFFFF  }
0xc0: {  	[dreg:$0x0] =	wrdreg $0xFFFFFFFF;
	(pc) =	sbr.abs _section_cstart, $3  }
0xc1: {  	[dreg:$0x1] =	wrdreg $0xFFFFFFFF  }
0xc2: {  	_ =	task.clear_ibuf [dreg:s7], $0x2FFFF;
	_ =	strace $0x9FFFFFFF  }
0xc3: {  	(tm) =	ssettm $0x7FFFFFFF  }
tec
execute0_lowered:
.L_overlay_start_1:
0x0: {  	(tag) =	ssettag $0x1  }
0x1: {  	s0 =	rddreg [dreg:$0x0]  }
0x2: {  	s1 =	rddreg [dreg:$0x1]  }
0x3: {  	s2 =	rddreg [dreg:$0x2]  }
0x4: {  	s3 =	simm.s32 $0x0;
	s22 =	srdreg.scid;
	s21 =	stileid.u32  }
0x5: {  	s28 =	simm.s32 $0x3;
	s29 =	simm.s32 $0x1;
	s30 =	simm.s32 $0x2  }
0x6: {  	s31 =	simm.s32 $0x4;
	[smem:$0x7FF] =	sst s3;
	s11 =	smul.u32 $0x280, s21  }
0x7: {  	s5 =	sadd.s32 $0xCC00, s0;
	s4 =	sadd.s32 $0xC400, s0;
	s9 =	smul.u32 $0x50000, s21  }
0x8: {  	_ =	strace $0x8000004A;
	[dreg:$0x4] =	wrdreg s4;
	s4 =	sand.u32 $0x1, s22  }
0x9: {  	s6 =	sadd.s32 $0x2400, s0;
	s7 =	sshll.u32 s21, $0x1;
	s8 =	ssub.s32 $0x2, s4  }
0xa: {  	s7 =	sor.u32 s4, s7;
	s16 =	sadd.s32 $0x80, s11;
	s9 =	sshrl.u32 s9, $0x2  }
0xb: {  	s18 =	sadd.s32 $0x100, s11;
	s19 =	sadd.s32 $0x180, s11;
	s20 =	sadd.s32 $0x200, s11  }
0xc: {  	p0 =	seq.s32 s4, $0x0;
	s10 =	sshrl.u32 s8, $0x1;
	s14 =	smul.u32 $0x500, s7  }
0xd: {  	s23 =	sshll.u32 s16, $0x7;
	s9 =	sadd.s32 s9, s2;
	s25 =	sshll.u32 s18, $0x7  }
0xe: {  	s12 =	sshll.u32 s19, $0x7;
	s13 =	sshll.u32 s20, $0x7;
	s15 =	smul.u32 $0x2800, s7  }
0xf: {  	s22 =	sshll.u32 s18, $0x4;
	s17 =	ssub.s32 s8, s10;
	s10 =	sadd.s32 s23, s2  }
0x10: {  	s11 =	sadd.s32 s25, s2;
	s12 =	sadd.s32 s12, s2;
	s13 =	sadd.s32 s13, s2  }
0x11: {  	s25 =	sshll.u32 s16, $0x4;
	s24 =	sadd.s32 s1, s14;
	s26 =	sadd.s32 s6, s14  }
0x12: {  	s14 =	smul.u32 $0x2800, s21;
	s21 =	simm.s32 $0x33E00;
	[dreg:$0x5] =	wrdreg s24  }
0x13: {  	s23 =	sshll.u32 s19, $0x4;
	[dreg:$0x6] =	wrdreg s26;
	s21 =	simm.s32 @!p0 $0x5BE00  }
.Ltmp0:
0x14: {  	s26 =	smax.u32 s17, $0x1;
	s0 =	sadd.s32 s21, s0;
	(pc) =	sbr.rel .LBB2_1-.Ltmp0, $4  }
0x15: {  	s24 =	sshll.u32 s20, $0x4;
	[dreg:$0x7] =	wrdreg s26;
	s17 =	sadd.s32 s0, s14  }
0x16: {  	s18 =	sadd.s32 s0, s25;
	s19 =	sadd.s32 s0, s22;
	s20 =	sadd.s32 s0, s23  }
0x17: {  	s21 =	sadd.s32 s0, s24;
	s22 =	simm.s32 $0x6;
	s23 =	simm.s32 $0x80  }
0x18: {  	s24 =	simm.s32 $0x2000;
	s25 =	simm.s32 $0x6000;
	s0 =	simm.s32 $0x0  }
.LBB2_6:
0x19: {  	_ =	swait.ge [sflag:s31], $0x4000  }
0x1a: {  	[sflag:s31] =	ssyncset.done $0x0  }
0x1b: {  	[sflag:s31] =	ssyncadd.s32 $0xFFFFC000  }
0x1c: {  	[bflag:$0x0] =	sbarrier.arrive $0xFFFF  }
0x1d: {  	[tilespmem:s24], [sflag:$0x1] =	stream.linear.gather [spmem:s9], $0x4000, $0x38;
	[tilespmem:$0x1E000] =	vst v63  }
0x1e: {  	_ =	swait.ge [sflag:s29], $0x4000  }
0x1f: {  	[sflag:s29] =	ssyncset.done $0x0  }
0x20: {  	[sflag:s29] =	ssyncadd.s32 $0xFFFFC000  }
0x21: {  	[hbm4b:s17+s3] =	stream.linear.scatter [tilespmem:s24], [sflag:$0x3], $0x4000, $0x38;
	[tilespmem:$0x1E000] =	vst v63  }
0x22: {  	_ = 	snop  }
0x23: {  	[tilespmem:s25], [sflag:$0x2] =	stream.linear.gather [spmem:s10], $0x4000, $0x38;
	[tilespmem:$0x1E000] =	vst v63  }
0x24: {  	_ =	swait.ge [sflag:s30], $0x4000  }
0x25: {  	[sflag:s30] =	ssyncset.done $0x0  }
0x26: {  	[sflag:s30] =	ssyncadd.s32 $0xFFFFC000  }
0x27: {  	[hbm4b:s18+s3] =	stream.linear.scatter [tilespmem:s25], [sflag:$0x4], $0x4000, $0x38;
	[tilespmem:$0x1E000] =	vst v63  }
0x28: {  	_ =	swait.ge [sflag:s28], $0x4000  }
0x29: {  	[sflag:s28] =	ssyncset.done $0x0  }
0x2a: {  	[sflag:s28] =	ssyncadd.s32 $0xFFFFC000  }
0x2b: {  	[tilespmem:s24], [sflag:$0x1] =	stream.linear.gather [spmem:s11], $0x4000, $0x38;
	[tilespmem:$0x1E000] =	vst v63  }
0x2c: {  	_ =	swait.ge [sflag:s29], $0x4000  }
0x2d: {  	[sflag:s29] =	ssyncset.done $0x0  }
0x2e: {  	[sflag:s29] =	ssyncadd.s32 $0xFFFFC000  }
0x2f: {  	[hbm4b:s19+s3] =	stream.linear.scatter [tilespmem:s24], [sflag:$0x3], $0x4000, $0x38;
	[tilespmem:$0x1E000] =	vst v63  }
0x30: {  	_ =	swait.ge [sflag:s31], $0x4000  }
0x31: {  	[sflag:s31] =	ssyncset.done $0x0  }
0x32: {  	[sflag:s31] =	ssyncadd.s32 $0xFFFFC000  }
0x33: {  	[tilespmem:s25], [sflag:$0x2] =	stream.linear.gather [spmem:s12], $0x4000, $0x38;
	[tilespmem:$0x1E000] =	vst v63  }
0x34: {  	_ =	swait.ge [sflag:s30], $0x4000  }
0x35: {  	[sflag:s30] =	ssyncset.done $0x0  }
0x36: {  	[sflag:s30] =	ssyncadd.s32 $0xFFFFC000  }
0x37: {  	[hbm4b:s20+s3] =	stream.linear.scatter [tilespmem:s25], [sflag:$0x4], $0x4000, $0x38;
	[tilespmem:$0x1E000] =	vst v63  }
0x38: {  	_ =	swait.ge [sflag:s28], $0x4000  }
0x39: {  	[sflag:s28] =	ssyncset.done $0x0  }
0x3a: {  	[sflag:s28] =	ssyncadd.s32 $0xFFFFC000  }
0x3b: {  	[tilespmem:s24], [sflag:$0x1] =	stream.linear.gather [spmem:s13], $0x4000, $0x38;
	[tilespmem:$0x1E000] =	vst v63  }
0x3c: {  	_ =	swait.ge [sflag:s29], $0x4000  }
0x3d: {  	[sflag:s29] =	ssyncset.done $0x0  }
0x3e: {  	[sflag:s29] =	ssyncadd.s32 $0xFFFFC000  }
0x3f: {  	[hbm4b:s21+s3] =	stream.linear.scatter [tilespmem:s24], [sflag:$0x3], $0x4000, $0x38;
	[tilespmem:$0x1E000] =	vst v63  }
0x40: {  	_ =	swait.ge [sflag:s31], $0x4000  }
0x41: {  	[sflag:s31] =	ssyncset.done $0x0  }
0x42: {  	[sflag:s31] =	ssyncadd.s32 $0xFFFFC000  }
0x43: {  	_ =	swait.ge [sflag:s28], $0x4000  }
0x44: {  	s0 =	sadd.s32 $0x1, s0;
	s4 =	rddreg [dreg:$0x7]  }
0x45: {  	p0 =	sne.s32 s0, s4  }
.Ltmp1:
0x46: {  	_ = 	snop;
	(pc) =	sbr.rel @!p0 .LBB2_7-.Ltmp1, $3  }
0x47: {  	_ =	sdelay $0x1  }
0x48: {  	[sflag:s28] =	ssyncset.done $0x0  }
0x49: {  	[sflag:s28] =	ssyncadd.s32 $0xFFFFC000  }
.LBB2_1:
0x4a: {  	s4 =	rddreg [dreg:$0x5]  }
0x4b: {  	[tilespmem:s3], [sflag:$0x6] =	stream.linear.gather [hbm4b:s4+s3], $0x800, $0x38;
	[tilespmem:$0x1E000] =	vst v63  }
0x4c: {  	_ =	swait.ge [sflag:s22], $0x800  }
0x4d: {  	[sflag:s22] =	ssyncset.done $0x0  }
0x4e: {  	[sflag:s22] =	ssyncadd.s32 $0xFFFFF800  }
0x4f: {  	[tilespmem:s24], [sflag:$0x1] =	stream.indirect.gather [hbm4b:s5+s23], $0x80, s3, s23, $0xb8;
	[tilespmem:$0x1E000] =	vst v63  }
0x50: {  	s16 =	rddreg [dreg:$0x4]  }
0x51: {  	[tilespmem:s25], [sflag:$0x6] =	stream.linear.gather [hbm4b:s16+s3], $0x4000, $0x38;
	[tilespmem:$0x1E000] =	vst v63  }
0x52: {  	_ =	swait.ge [sflag:s22], $0x4000  }
0x53: {  	[sflag:s22] =	ssyncset.done $0x0  }
0x54: {  	[sflag:s22] =	ssyncadd.s32 $0xFFFFC000  }
0x55: {  	[spmem:s9] =	stream.linear.scatter [tilespmem:s25], [sflag:$0x3], $0x4000, $0x38;
	[tilespmem:$0x1E000] =	vst v63  }
0x56: {  	_ = 	snop  }
0x57: {  	[spmem:s10] =	stream.linear.scatter [tilespmem:s25], [sflag:$0x3], $0x4000, $0x38;
	[tilespmem:$0x1E000] =	vst v63  }
0x58: {  	_ = 	snop  }
0x59: {  	[spmem:s11] =	stream.linear.scatter [tilespmem:s25], [sflag:$0x3], $0x4000, $0x38;
	[tilespmem:$0x1E000] =	vst v63  }
0x5a: {  	_ = 	snop  }
0x5b: {  	[spmem:s12] =	stream.linear.scatter [tilespmem:s25], [sflag:$0x3], $0x4000, $0x38;
	[tilespmem:$0x1E000] =	vst v63  }
0x5c: {  	_ = 	snop  }
0x5d: {  	[spmem:s13] =	stream.linear.scatter [tilespmem:s25], [sflag:$0x3], $0x4000, $0x38;
	[tilespmem:$0x1E000] =	vst v63  }
0x5e: {  	s7 =	simm.s32 $0x1000;
	s26 =	rddreg [dreg:$0x6]  }
0x5f: {  	[tilespmem:s7], [sflag:$0x6] =	stream.linear.gather [hbm4b:s26+s3], $0x800, $0x38;
	[tilespmem:$0x1E000] =	vst v63  }
0x60: {  	_ =	swait.ge [sflag:s22], $0x800  }
0x61: {  	[sflag:s22] =	ssyncset.done $0x0  }
0x62: {  	[sflag:s22] =	ssyncadd.s32 $0xFFFFF800  }
0x63: {  	_ =	swait.ge [sflag:s28], $0x4000  }
0x64: {  	[sflag:s28] =	ssyncset.done $0x0  }
0x65: {  	[sflag:s28] =	ssyncadd.s32 $0xFFFFC000  }
0x66: {  	_ =	swait.ge [sflag:s28], $0x4000  }
0x67: {  	[sflag:s28] =	ssyncset.done $0x0  }
0x68: {  	[sflag:s28] =	ssyncadd.s32 $0xFFFFC000  }
0x69: {  	_ =	swait.ge [sflag:s28], $0x4000  }
0x6a: {  	[sflag:s28] =	ssyncset.done $0x0  }
0x6b: {  	[sflag:s28] =	ssyncadd.s32 $0xFFFFC000  }
0x6c: {  	_ =	swait.ge [sflag:s28], $0x4000  }
0x6d: {  	[sflag:s28] =	ssyncset.done $0x0  }
0x6e: {  	[sflag:s28] =	ssyncadd.s32 $0xFFFFC000  }
.Ltmp2:
0x6f: {  	_ =	swait.ge [sflag:s28], $0x4000;
	(pc) =	sbr.rel .LBB2_2-.Ltmp2, $4  }
0x70: {  	[sflag:s28] =	ssyncset.done $0x0  }
0x71: {  	[sflag:s28] =	ssyncadd.s32 $0xFFFFC000  }
0x72: {  	[bflag:$0x0] =	sbarrier.arrive $0xFFFF  }
0x73: {  	s4 =	simm.s32 $0x0  }
.LBB2_4:
0x74: {  	s4 =	sadd.s32 @!p0 $0x1, s4  }
0x75: {  	s4 =	simm.s32 @p0 $0x1  }
0x76: {  	s8 =	sshll.u32 s4, $0xB  }
0x77: {  	s8 =	sadd.s32 s15, s8  }
0x78: {  	s8 =	sshrl.u32 s8, $0x3  }
0x79: {  	s14 =	sshll.u32 s26, $0xB;
	s16 =	sadd.s32 s1, s8  }
0x7a: {  	[tilespmem:s14], [sflag:$0x5] =	stream.linear.gather [hbm4b:s16+s3], $0x800, $0x38;
	[tilespmem:$0x1E000] =	vst v63  }
0x7b: {  	p0 =	por $0x0, $0x0;
	s8 =	sadd.s32 s6, s8;
	s14 =	sor.u32 $0x1000, s14  }
0x7c: {  	[tilespmem:s14], [sflag:$0x5] =	stream.linear.gather [hbm4b:s8+s3], $0x800, $0x38;
	[tilespmem:$0x1E000] =	vst v63  }
.LBB2_5:
0x7d: {  	s7 =	sshll.u32 s7, $0xB  }
0x7e: {  	s8 =	sor.u32 $0x80, s7  }
0x7f: {  	[tilespmem:s25], [sflag:$0x2] =	stream.indirect.gather [hbm4b:s5+s23], $0x80, s8, s23, $0xb8;
	[tilespmem:$0x1E000] =	vst v63  }
0x80: {  	_ =	swait.ge [sflag:s29], $0x4000  }
0x81: {  	[sflag:s29] =	ssyncset.done $0x0  }
0x82: {  	s16 =	sor.u32 $0x1000, s7;
	[sflag:s29] =	ssyncadd.s32 $0xFFFFC000  }
0x83: {  	[spmem:s2] =	stream.indirect.scatter.add.f32 [tilespmem:s24], [sflag:$0x3], $0x80, s16, s23, $0xb8;
	[tilespmem:$0x1E000] =	vst v63  }
0x84: {  	_ =	swait.ge [sflag:s28], $0x4000  }
0x85: {  	[sflag:s28] =	ssyncset.done $0x0  }
0x86: {  	s14 =	sor.u32 $0x100, s7;
	[sflag:s28] =	ssyncadd.s32 $0xFFFFC000  }
0x87: {  	[tilespmem:s24], [sflag:$0x1] =	stream.indirect.gather [hbm4b:s5+s23], $0x80, s14, s23, $0xb8;
	[tilespmem:$0x1E000] =	vst v63  }
0x88: {  	_ =	swait.ge [sflag:s30], $0x4000  }
0x89: {  	[sflag:s30] =	ssyncset.done $0x0  }
0x8a: {  	s16 =	sor.u32 $0x1080, s7;
	[sflag:s30] =	ssyncadd.s32 $0xFFFFC000  }
0x8b: {  	[spmem:s2] =	stream.indirect.scatter.add.f32 [tilespmem:s25], [sflag:$0x4], $0x80, s16, s23, $0xb8;
	[tilespmem:$0x1E000] =	vst v63  }
0x8c: {  	_ =	swait.ge [sflag:s31], $0x4000  }
0x8d: {  	[sflag:s31] =	ssyncset.done $0x0  }
0x8e: {  	s14 =	sor.u32 $0x180, s7;
	[sflag:s31] =	ssyncadd.s32 $0xFFFFC000  }
0x8f: {  	[tilespmem:s25], [sflag:$0x2] =	stream.indirect.gather [hbm4b:s5+s23], $0x80, s14, s23, $0xb8;
	[tilespmem:$0x1E000] =	vst v63  }
0x90: {  	_ =	swait.ge [sflag:s29], $0x4000  }
0x91: {  	[sflag:s29] =	ssyncset.done $0x0  }
0x92: {  	s16 =	sor.u32 $0x1100, s7;
	[sflag:s29] =	ssyncadd.s32 $0xFFFFC000  }
0x93: {  	[spmem:s2] =	stream.indirect.scatter.add.f32 [tilespmem:s24], [sflag:$0x3], $0x80, s16, s23, $0xb8;
	[tilespmem:$0x1E000] =	vst v63  }
0x94: {  	_ =	swait.ge [sflag:s28], $0x4000  }
0x95: {  	[sflag:s28] =	ssyncset.done $0x0  }
0x96: {  	s14 =	sor.u32 $0x200, s7;
	[sflag:s28] =	ssyncadd.s32 $0xFFFFC000  }
0x97: {  	[tilespmem:s24], [sflag:$0x1] =	stream.indirect.gather [hbm4b:s5+s23], $0x80, s14, s23, $0xb8;
	[tilespmem:$0x1E000] =	vst v63  }
0x98: {  	_ =	swait.ge [sflag:s30], $0x4000  }
0x99: {  	[sflag:s30] =	ssyncset.done $0x0  }
0x9a: {  	s16 =	sor.u32 $0x1180, s7;
	[sflag:s30] =	ssyncadd.s32 $0xFFFFC000  }
0x9b: {  	[spmem:s2] =	stream.indirect.scatter.add.f32 [tilespmem:s25], [sflag:$0x4], $0x80, s16, s23, $0xb8;
	[tilespmem:$0x1E000] =	vst v63  }
0x9c: {  	_ =	swait.ge [sflag:s31], $0x4000  }
0x9d: {  	[sflag:s31] =	ssyncset.done $0x0  }
0x9e: {  	s14 =	sor.u32 $0x280, s7;
	[sflag:s31] =	ssyncadd.s32 $0xFFFFC000  }
0x9f: {  	[tilespmem:s25], [sflag:$0x2] =	stream.indirect.gather [hbm4b:s5+s23], $0x80, s14, s23, $0xb8;
	[tilespmem:$0x1E000] =	vst v63  }
0xa0: {  	_ =	swait.ge [sflag:s29], $0x4000  }
0xa1: {  	[sflag:s29] =	ssyncset.done $0x0  }
0xa2: {  	s16 =	sor.u32 $0x1200, s7;
	[sflag:s29] =	ssyncadd.s32 $0xFFFFC000  }
0xa3: {  	[spmem:s2] =	stream.indirect.scatter.add.f32 [tilespmem:s24], [sflag:$0x3], $0x80, s16, s23, $0xb8;
	[tilespmem:$0x1E000] =	vst v63  }
0xa4: {  	_ =	swait.ge [sflag:s28], $0x4000  }
0xa5: {  	[sflag:s28] =	ssyncset.done $0x0  }
0xa6: {  	s14 =	sor.u32 $0x300, s7;
	[sflag:s28] =	ssyncadd.s32 $0xFFFFC000  }
0xa7: {  	[tilespmem:s24], [sflag:$0x1] =	stream.indirect.gather [hbm4b:s5+s23], $0x80, s14, s23, $0xb8;
	[tilespmem:$0x1E000] =	vst v63  }
0xa8: {  	_ =	swait.ge [sflag:s30], $0x4000  }
0xa9: {  	[sflag:s30] =	ssyncset.done $0x0  }
0xaa: {  	s16 =	sor.u32 $0x1280, s7;
	[sflag:s30] =	ssyncadd.s32 $0xFFFFC000  }
0xab: {  	[spmem:s2] =	stream.indirect.scatter.add.f32 [tilespmem:s25], [sflag:$0x4], $0x80, s16, s23, $0xb8;
	[tilespmem:$0x1E000] =	vst v63  }
0xac: {  	_ =	swait.ge [sflag:s31], $0x4000  }
0xad: {  	[sflag:s31] =	ssyncset.done $0x0  }
0xae: {  	s14 =	sor.u32 $0x380, s7;
	[sflag:s31] =	ssyncadd.s32 $0xFFFFC000  }
0xaf: {  	[tilespmem:s25], [sflag:$0x2] =	stream.indirect.gather [hbm4b:s5+s23], $0x80, s14, s23, $0xb8;
	[tilespmem:$0x1E000] =	vst v63  }
0xb0: {  	_ =	swait.ge [sflag:s29], $0x4000  }
0xb1: {  	[sflag:s29] =	ssyncset.done $0x0  }
0xb2: {  	s16 =	sor.u32 $0x1300, s7;
	[sflag:s29] =	ssyncadd.s32 $0xFFFFC000  }
0xb3: {  	[spmem:s2] =	stream.indirect.scatter.add.f32 [tilespmem:s24], [sflag:$0x3], $0x80, s16, s23, $0xb8;
	[tilespmem:$0x1E000] =	vst v63  }
0xb4: {  	_ =	swait.ge [sflag:s28], $0x4000  }
0xb5: {  	[sflag:s28] =	ssyncset.done $0x0  }
0xb6: {  	s14 =	sor.u32 $0x400, s7;
	[sflag:s28] =	ssyncadd.s32 $0xFFFFC000  }
0xb7: {  	[tilespmem:s24], [sflag:$0x1] =	stream.indirect.gather [hbm4b:s5+s23], $0x80, s14, s23, $0xb8;
	[tilespmem:$0x1E000] =	vst v63  }
0xb8: {  	_ =	swait.ge [sflag:s30], $0x4000  }
0xb9: {  	[sflag:s30] =	ssyncset.done $0x0  }
0xba: {  	s16 =	sor.u32 $0x1380, s7;
	[sflag:s30] =	ssyncadd.s32 $0xFFFFC000  }
0xbb: {  	[spmem:s2] =	stream.indirect.scatter.add.f32 [tilespmem:s25], [sflag:$0x4], $0x80, s16, s23, $0xb8;
	[tilespmem:$0x1E000] =	vst v63  }
0xbc: {  	_ =	swait.ge [sflag:s31], $0x4000  }
0xbd: {  	[sflag:s31] =	ssyncset.done $0x0  }
0xbe: {  	s14 =	sor.u32 $0x480, s7;
	[sflag:s31] =	ssyncadd.s32 $0xFFFFC000  }
0xbf: {  	[tilespmem:s25], [sflag:$0x2] =	stream.indirect.gather [hbm4b:s5+s23], $0x80, s14, s23, $0xb8;
	[tilespmem:$0x1E000] =	vst v63  }
0xc0: {  	_ =	swait.ge [sflag:s29], $0x4000  }
0xc1: {  	[sflag:s29] =	ssyncset.done $0x0  }
0xc2: {  	s16 =	sor.u32 $0x1400, s7;
	[sflag:s29] =	ssyncadd.s32 $0xFFFFC000  }
0xc3: {  	[spmem:s2] =	stream.indirect.scatter.add.f32 [tilespmem:s24], [sflag:$0x3], $0x80, s16, s23, $0xb8;
	[tilespmem:$0x1E000] =	vst v63  }
0xc4: {  	_ =	swait.ge [sflag:s28], $0x4000  }
0xc5: {  	[sflag:s28] =	ssyncset.done $0x0  }
0xc6: {  	s14 =	sor.u32 $0x500, s7;
	[sflag:s28] =	ssyncadd.s32 $0xFFFFC000  }
0xc7: {  	[tilespmem:s24], [sflag:$0x1] =	stream.indirect.gather [hbm4b:s5+s23], $0x80, s14, s23, $0xb8;
	[tilespmem:$0x1E000] =	vst v63  }
0xc8: {  	_ =	swait.ge [sflag:s30], $0x4000  }
0xc9: {  	[sflag:s30] =	ssyncset.done $0x0  }
0xca: {  	s16 =	sor.u32 $0x1480, s7;
	[sflag:s30] =	ssyncadd.s32 $0xFFFFC000  }
0xcb: {  	[spmem:s2] =	stream.indirect.scatter.add.f32 [tilespmem:s25], [sflag:$0x4], $0x80, s16, s23, $0xb8;
	[tilespmem:$0x1E000] =	vst v63  }
0xcc: {  	_ =	swait.ge [sflag:s31], $0x4000  }
0xcd: {  	[sflag:s31] =	ssyncset.done $0x0  }
0xce: {  	s14 =	sor.u32 $0x580, s7;
	[sflag:s31] =	ssyncadd.s32 $0xFFFFC000  }
0xcf: {  	[tilespmem:s25], [sflag:$0x2] =	stream.indirect.gather [hbm4b:s5+s23], $0x80, s14, s23, $0xb8;
	[tilespmem:$0x1E000] =	vst v63  }
0xd0: {  	_ =	swait.ge [sflag:s29], $0x4000  }
0xd1: {  	[sflag:s29] =	ssyncset.done $0x0  }
0xd2: {  	s16 =	sor.u32 $0x1500, s7;
	[sflag:s29] =	ssyncadd.s32 $0xFFFFC000  }
0xd3: {  	[spmem:s2] =	stream.indirect.scatter.add.f32 [tilespmem:s24], [sflag:$0x3], $0x80, s16, s23, $0xb8;
	[tilespmem:$0x1E000] =	vst v63  }
0xd4: {  	_ =	swait.ge [sflag:s28], $0x4000  }
0xd5: {  	[sflag:s28] =	ssyncset.done $0x0  }
0xd6: {  	s14 =	sor.u32 $0x600, s7;
	[sflag:s28] =	ssyncadd.s32 $0xFFFFC000  }
0xd7: {  	[tilespmem:s24], [sflag:$0x1] =	stream.indirect.gather [hbm4b:s5+s23], $0x80, s14, s23, $0xb8;
	[tilespmem:$0x1E000] =	vst v63  }
0xd8: {  	_ =	swait.ge [sflag:s30], $0x4000  }
0xd9: {  	[sflag:s30] =	ssyncset.done $0x0  }
0xda: {  	s16 =	sor.u32 $0x1580, s7;
	[sflag:s30] =	ssyncadd.s32 $0xFFFFC000  }
0xdb: {  	[spmem:s2] =	stream.indirect.scatter.add.f32 [tilespmem:s25], [sflag:$0x4], $0x80, s16, s23, $0xb8;
	[tilespmem:$0x1E000] =	vst v63  }
0xdc: {  	_ =	swait.ge [sflag:s31], $0x4000  }
0xdd: {  	[sflag:s31] =	ssyncset.done $0x0  }
0xde: {  	s14 =	sor.u32 $0x680, s7;
	[sflag:s31] =	ssyncadd.s32 $0xFFFFC000  }
0xdf: {  	[tilespmem:s25], [sflag:$0x2] =	stream.indirect.gather [hbm4b:s5+s23], $0x80, s14, s23, $0xb8;
	[tilespmem:$0x1E000] =	vst v63  }
0xe0: {  	_ =	swait.ge [sflag:s29], $0x4000  }
0xe1: {  	[sflag:s29] =	ssyncset.done $0x0  }
0xe2: {  	s16 =	sor.u32 $0x1600, s7;
	[sflag:s29] =	ssyncadd.s32 $0xFFFFC000  }
0xe3: {  	[spmem:s2] =	stream.indirect.scatter.add.f32 [tilespmem:s24], [sflag:$0x3], $0x80, s16, s23, $0xb8;
	[tilespmem:$0x1E000] =	vst v63  }
0xe4: {  	_ =	swait.ge [sflag:s28], $0x4000  }
0xe5: {  	[sflag:s28] =	ssyncset.done $0x0  }
0xe6: {  	s14 =	sor.u32 $0x700, s7;
	[sflag:s28] =	ssyncadd.s32 $0xFFFFC000  }
0xe7: {  	[tilespmem:s24], [sflag:$0x1] =	stream.indirect.gather [hbm4b:s5+s23], $0x80, s14, s23, $0xb8;
	[tilespmem:$0x1E000] =	vst v63  }
0xe8: {  	_ =	swait.ge [sflag:s30], $0x4000  }
0xe9: {  	[sflag:s30] =	ssyncset.done $0x0  }
0xea: {  	s16 =	sor.u32 $0x1680, s7;
	[sflag:s30] =	ssyncadd.s32 $0xFFFFC000  }
0xeb: {  	[spmem:s2] =	stream.indirect.scatter.add.f32 [tilespmem:s25], [sflag:$0x4], $0x80, s16, s23, $0xb8;
	[tilespmem:$0x1E000] =	vst v63  }
0xec: {  	_ =	swait.ge [sflag:s31], $0x4000  }
0xed: {  	[sflag:s31] =	ssyncset.done $0x0  }
0xee: {  	s8 =	sor.u32 $0x780, s7;
	[sflag:s31] =	ssyncadd.s32 $0xFFFFC000  }
0xef: {  	[tilespmem:s25], [sflag:$0x2] =	stream.indirect.gather [hbm4b:s5+s23], $0x80, s8, s23, $0xb8;
	[tilespmem:$0x1E000] =	vst v63  }
0xf0: {  	_ =	swait.ge [sflag:s29], $0x4000  }
0xf1: {  	[sflag:s29] =	ssyncset.done $0x0  }
0xf2: {  	s7 =	sor.u32 $0x1700, s7;
	[sflag:s29] =	ssyncadd.s32 $0xFFFFC000  }
0xf3: {  	[spmem:s2] =	stream.indirect.scatter.add.f32 [tilespmem:s24], [sflag:$0x3], $0x80, s7, s23, $0xb8;
	[tilespmem:$0x1E000] =	vst v63  }
0xf4: {  	_ =	swait.ge [sflag:s28], $0x4000  }
0xf5: {  	[sflag:s28] =	ssyncset.done $0x0  }
0xf6: {  	s7 =	simm.s32 @!p0 $0x5;
	[sflag:s28] =	ssyncadd.s32 $0xFFFFC000  }
0xf7: {  	_ =	swait.ge @!p0 [sflag:s7], $0x800  }
0xf8: {  	[sflag:s7] =	ssyncset.done @!p0 $0x0  }
0xf9: {  	[sflag:s7] =	ssyncadd.s32 @!p0 $0xFFFFF800  }
0xfa: {  	_ =	swait.ge @!p0 [sflag:s7], $0x800  }
0xfb: {  	s14 =	simm.s32 @!p0 $0x80;
	[sflag:s7] =	ssyncset.done @!p0 $0x0  }
0xfc: {  	s16 =	simm.s32 @!p0 $0x2000;
	[sflag:s7] =	ssyncadd.s32 @!p0 $0xFFFFF800;
	s7 =	sshll.u32 @!p0 s26, $0xB  }
0xfd: {  	[tilespmem:s16], [sflag:$0x1] =	stream.indirect.gather @!p0 [hbm4b:s5+s14], $0x80, s7, s14, $0xb8;
	[tilespmem:$0x1E000] =	vst v63  }
0xfe: {  	p0 =	slt.u32 s4, $0x5  }
.Ltmp3:
0xff: {  	_ = 	snop;
	(pc) =	sbr.rel @!p0 .LBB2_6-.Ltmp3, $4  }
0x100: {  	_ =	swait.ge [sflag:s30], $0x4000  }
0x101: {  	[sflag:s30] =	ssyncset.done $0x0  }
0x102: {  	s26 =	sor.u32 $0x1000, s8;
	[sflag:s30] =	ssyncadd.s32 $0xFFFFC000  }
0x103: {  	[spmem:s2] =	stream.indirect.scatter.add.f32 [tilespmem:s25], [sflag:$0x4], $0x80, s26, s23, $0xb8;
	[tilespmem:$0x1E000] =	vst v63  }
.LBB2_2:
0x104: {  	p0 =	seq.s32 s4, $0x0  }
0x105: {  	p1 =	seq.s32 @!p0 s4, $0x4  }
0x106: {  	p1 =	por p0, !p1  }
.Ltmp4:
0x107: {  	_ = 	snop;
	(pc) =	sbr.rel @p1 .LBB2_4-.Ltmp4, $4  }
0x108: {  	s8 =	simm.s32 @!p0 $0x4  }
0x109: {  	_ =	swait.ge @!p0 [sflag:s8], $0x4000  }
0x10a: {  	s7 =	sand.u32 $0x1, s4;
	[sflag:s8] =	ssyncset.done @!p0 $0x0  }
0x10b: {  	s26 =	sxor.u32 $0x1, s7;
	[sflag:s8] =	ssyncadd.s32 @!p0 $0xFFFFC000  }
.Ltmp5:
0x10c: {  	(pc) =	sbr.rel .LBB2_5-.Ltmp5, $2  }
0x10d: {  	_ =	sdelay $0x2  }
0x10e: {  	s4 =	simm.s32 @!p0 $0x5;
	p0 =	por @!p0 $0x1, $0x1  }
.LBB2_7:
0x10f: {  	_ =	sfence.sel $0x180000  }
0x110: {  	[bflag:$0x0] =	sbarrier.arrive $0xFFFF  }
0x111: {  	_ =	strace $0x9000004A  }
0x112: {  	s0 =	stileid.u32;
	[bflag:$0x2] =	sbarrier.arrive $0xFFFF  }
0x113: {  	p0 =	sne.s32 s0, $0x0;
	s0 =	rddreg [dreg:$0x3]  }
0x114: {  	s0 =	sadd.s32 @!p0 $0x100000, s0  }
0x115: {  	[sflag:s0] =	ssyncadd.tile.s32 @!p0 $0x1;
	_ =	shalt  }
.Lfunc_end2:
_tile_overlayer_lowered:
.L_overlay_start_2:
0x116: {  	(tag) =	ssettag $0x2  }
0x117: {  	s0 =	rddreg [dreg:$0x0];
	s2 =	stileid.u32  }
0x118: {  	s1 =	rddreg [dreg:$0x1];
	p0 =	sne.s32 s2, $0x0  }
0x119: {  	s3 =	rddreg [dreg:$0x2];
	[bflag:$0x3] =	sbarrier.arrive $0xFFFF;
	s2 =	simm.s32 @!p0 $0x1C06  }
0x11a: {  	[timem:s3], [sflag:s2] =	dma.local @!p0 [hbm:s0], s1  }
0x11b: {  	s0 =	simm.s32 @!p0 $0x6  }
0x11c: {  	_ =	swait.ge @!p0 [sflag:s0], s1  }
0x11d: {  	s1 =	ssub.s32 @!p0 $0x0, s1;
	[sflag:s0] =	ssyncset.done @!p0 $0x0  }
0x11e: {  	[sflag:s0] =	ssyncadd.s32 @!p0 s1  }
0x11f: {  	[bflag:$0x3] =	sbarrier.arrive $0xFFFF  }
0x120: {  	_ =	shalt  }

</sc_bundles>
